<compile_context>
chip_gen: v7x
topology: tpu7x:2x2x1
jax: 0.10.2.dev20260603
libtpu: 0.0.44.dev20260713+nightly
codegen_flags: <defaults>
</compile_context>

<pallas_src>
import dataclasses
import functools

import jax
import jax.numpy as jnp
from jax import lax
from jax.experimental import pallas as pl
from jax.experimental.pallas import tpu as pltpu
from jax.experimental.pallas import tpu_sc as plsc

N = 10000
E = 320000
D = 128
NUM_DRUG = 216
NUM_RNA = N - NUM_DRUG

NC = 2
NS = 16
NW = NC * NS
CHUNK = 128
NCHUNKS = 2560
E_PAD = NCHUNKS * CHUNK
NCH_W = NCHUNKS // NW
NCH_S = NCHUNKS // NS
GROUP = 4
LANES = 16

RLEN = 2560
ACC2 = 3072
RPS = ACC2 // NS
BIN = 2900
HIST = 10112
PAD_DST = 10008

_DOT_T = (((1,), (1,)), ((), ()))
_DOT_TL = (((0,), (0,)), ((), ()))
_PREC = jax.lax.Precision.HIGHEST

_SC_PARAMS = pltpu.CompilerParams()
_TC_PARAMS = pltpu.CompilerParams(vmem_limit_bytes=60 * 1024 * 1024)
if "needs_layout_passes" in pltpu.CompilerParams.__dataclass_fields__:
    _SC_PARAMS = dataclasses.replace(_SC_PARAMS, needs_layout_passes=False)


def _dot(a, b, dn):
    return lax.dot_general(a, b, dn, precision=_PREC,
                           preferred_element_type=jnp.float32)


def _sc_segment_sum(table, src2d, dst2d, lo0):
    mesh = plsc.VectorSubcoreMesh(core_axis_name="c", subcore_axis_name="s")

    @functools.partial(
        pl.kernel,
        out_type=jax.ShapeDtypeStruct((NC * ACC2, D), jnp.float32),
        mesh=mesh,
        scratch_types=[
            pltpu.VMEM((NCH_S, CHUNK), jnp.int32),
            pltpu.VMEM((NCH_S, CHUNK), jnp.int32),
            pltpu.VMEM((CHUNK, D), jnp.float32),
            pltpu.VMEM((CHUNK, D), jnp.float32),
            pltpu.VMEM((CHUNK, D), jnp.float32),
            pltpu.VMEM((CHUNK, D), jnp.float32),
            pltpu.VMEM_SHARED((ACC2, D), jnp.float32),
            pltpu.SemaphoreType.DMA,
            pltpu.SemaphoreType.DMA,
            pltpu.SemaphoreType.DMA,
            pltpu.SemaphoreType.DMA,
            pltpu.SemaphoreType.DMA,
        ],
    )
    def k(table_hbm, src_hbm, dst_hbm, out_hbm,
          src_v, dst_v, buf0, buf1, buf2, buf3, acc,
          sem0, sem1, sem2, sem3, ssem):
        bufs = (buf0, buf1, buf2, buf3)
        sems = (sem0, sem1, sem2, sem3)
        cid = lax.axis_index("c")
        sid = lax.axis_index("s")

        pltpu.sync_copy(src_hbm.at[pl.ds(sid * NCH_S, NCH_S)], src_v)
        pltpu.sync_copy(dst_hbm.at[pl.ds(sid * NCH_S, NCH_S)], dst_v)
        lo = lo0 + cid * RLEN

        @pl.loop(0, NCH_S)
        def _(j):
            for c in range(CHUNK // LANES):
                d = dst_v[j, pl.ds(c * LANES, LANES)]
                rel = d - lo
                ok = (rel >= 0) & (rel < RLEN)
                dst_v[j, pl.ds(c * LANES, LANES)] = jnp.where(
                    ok, rel, RLEN + (d & (ACC2 - RLEN - 1)))

        zeros16 = jnp.zeros((LANES,), jnp.float32)

        @pl.loop(0, CHUNK)
        def _(i):
            for c in range(D // LANES):
                buf0[i, pl.ds(c * LANES, LANES)] = zeros16

        base = sid * RPS
        rem = RPS % CHUNK
        full = RPS - rem
        for r in range(RPS // CHUNK):
            pltpu.sync_copy(buf0, acc.at[pl.ds(base + r * CHUNK, CHUNK)])
        pltpu.sync_copy(buf0.at[pl.ds(0, rem)], acc.at[pl.ds(base + full, rem)])
        plsc.subcore_barrier()

        def start_gather(j, b):
            pltpu.async_copy(table_hbm.at[src_v.at[j]], bufs[b], sems[b])

        def wait_gather(j, b):
            pltpu.make_async_copy(table_hbm.at[src_v.at[j]], bufs[b],
                                  sems[b]).wait()

        def start_scatter(j, b):
            pltpu.async_copy(bufs[b], acc.at[dst_v.at[j]], ssem, add=True)

        def wait_scatter(j, b):
            pltpu.make_async_copy(bufs[b], acc.at[dst_v.at[j]], ssem).wait()

        for b in range(GROUP):
            start_gather(b, b)

        @pl.loop(0, NCH_S - GROUP, step=GROUP)
        def _(j):
            for b in range(GROUP):
                wait_gather(j + b, b)
                start_scatter(j + b, b)
            for b in range(GROUP):
                wait_scatter(j + b, b)
                start_gather(j + GROUP + b, b)

        for b in range(GROUP):
            wait_gather(NCH_S - GROUP + b, b)
            start_scatter(NCH_S - GROUP + b, b)
        for b in range(GROUP):
            wait_scatter(NCH_S - GROUP + b, b)

        plsc.subcore_barrier()
        out_base = cid * ACC2 + base
        for r in range(RPS // CHUNK):
            pltpu.sync_copy(acc.at[pl.ds(base + r * CHUNK, CHUNK)],
                            out_hbm.at[pl.ds(out_base + r * CHUNK, CHUNK)])
        pltpu.sync_copy(acc.at[pl.ds(base + full, rem)],
                        out_hbm.at[pl.ds(out_base + full, rem)])

    return k(table, src2d, dst2d)


def _sc_counts(dst2d):
    mesh = plsc.VectorSubcoreMesh(core_axis_name="c", subcore_axis_name="s")

    @functools.partial(
        pl.kernel,
        out_type=jax.ShapeDtypeStruct((NW, HIST), jnp.float32),
        mesh=mesh,
        scratch_types=[
            pltpu.VMEM((NCH_W, CHUNK), jnp.int32),
            pltpu.VMEM((HIST,), jnp.float32),
        ],
        compiler_params=_SC_PARAMS,
    )
    def k(dst_hbm, out_hbm, dst_v, hist):
        cid = lax.axis_index("c")
        sid = lax.axis_index("s")
        wid = sid * NC + cid
        pltpu.sync_copy(dst_hbm.at[pl.ds(wid * NCH_W, NCH_W)], dst_v)

        zeros16 = jnp.zeros((LANES,), jnp.float32)
        ones16 = jnp.ones((LANES,), jnp.float32)

        @pl.loop(0, HIST // LANES)
        def _(i):
            hist[pl.ds(i * LANES, LANES)] = zeros16

        @pl.loop(0, NCH_W)
        def _(j):
            for c in range(CHUNK // LANES):
                idx = dst_v[j, pl.ds(c * LANES, LANES)]
                plsc.addupdate_scatter(hist, [idx], ones16)

        pltpu.sync_copy(hist, out_hbm.at[wid])

    return k(dst2d)


def _tc_layer0(x, Wl1, Wr1):
    def body(x_ref, wl_ref, wr_ref, y_ref, z_ref):
        xx = x_ref[...]
        y_ref[...] = _dot(xx, wl_ref[...], _DOT_T)
        z_ref[...] = _dot(xx, wr_ref[...], _DOT_T)

    return pl.pallas_call(
        body,
        out_shape=(jax.ShapeDtypeStruct((N, D), jnp.float32),
                   jax.ShapeDtypeStruct((N, D), jnp.float32)),
        compiler_params=_TC_PARAMS,
    )(x, Wl1, Wr1)


def _mean_from(acca_ref, accb_ref, hist_ref):
    agg = jnp.concatenate(
        [acca_ref[0:RLEN], acca_ref[ACC2:ACC2 + RLEN],
         accb_ref[0:RLEN], accb_ref[ACC2:ACC2 + (N - 3 * RLEN)]], axis=0)
    ones = jnp.ones((NW, D), jnp.float32)
    cnt = _dot(hist_ref[...], ones, _DOT_TL)
    return agg / jnp.maximum(cnt[:N], 1.0)


def _tc_mid(acca, accb, hist, z1, b1, Wl2, Wr2):
    def body(acca_ref, accb_ref, hist_ref, z_ref, b_ref, wl_ref, wr_ref,
             y_ref, z2_ref):
        h = jnp.maximum(
            _mean_from(acca_ref, accb_ref, hist_ref) + z_ref[...] + b_ref[...],
            0.0)
        y_ref[...] = _dot(h, wl_ref[...], _DOT_T)
        z2_ref[...] = _dot(h, wr_ref[...], _DOT_T)

    return pl.pallas_call(
        body,
        out_shape=(jax.ShapeDtypeStruct((N, D), jnp.float32),
                   jax.ShapeDtypeStruct((N, D), jnp.float32)),
        compiler_params=_TC_PARAMS,
    )(acca, accb, hist, z1, b1, Wl2, Wr2)


def _tc_final(acca, accb, hist, z2, b2):
    def body(acca_ref, accb_ref, hist_ref, z_ref, b_ref, out_ref):
        h = _mean_from(acca_ref, accb_ref, hist_ref) + z_ref[...] + b_ref[...]
        out_ref[...] = _dot(h[:NUM_RNA], h[NUM_RNA:], _DOT_T)

    return pl.pallas_call(
        body,
        out_shape=jax.ShapeDtypeStruct((NUM_RNA, NUM_DRUG), jnp.float32),
        compiler_params=_TC_PARAMS,
    )(acca, accb, hist, z2, b2)


def kernel(x, edge_index, Wl1, Wr1, b1, Wl2, Wr2, b2):
    src = edge_index[0].astype(jnp.int32)
    dst = edge_index[1].astype(jnp.int32)
    src2d = jnp.concatenate(
        [src, jnp.zeros((E_PAD - E,), jnp.int32)]).reshape(NCHUNKS, CHUNK)
    dst2d = jnp.concatenate(
        [dst, jnp.full((E_PAD - E,), PAD_DST, jnp.int32)]).reshape(NCHUNKS, CHUNK)

    hist = _sc_counts(dst2d)
    y1, z1 = _tc_layer0(x, Wl1, Wr1)
    acc1a = _sc_segment_sum(y1, src2d, dst2d, 0)
    acc1b = _sc_segment_sum(y1, src2d, dst2d, 2 * RLEN)
    y2, z2 = _tc_mid(acc1a, acc1b, hist, z1, b1.reshape(1, D), Wl2, Wr2)
    acc2a = _sc_segment_sum(y2, src2d, dst2d, 0)
    acc2b = _sc_segment_sum(y2, src2d, dst2d, 2 * RLEN)
    return _tc_final(acc2a, acc2b, hist, z2, b2.reshape(1, D))

# --- scband reference (transcript-rebuilt; emitter-appended) ---
"""Pipeline reference for scband-gnndecoder-14482629722139 (READ-ONLY COPY).

The authoritative reference and input builder live on the scoring server;
editing this copy changes nothing except your own understanding.
"""

import jax, jax.numpy as jnp
import numpy as np

N_NODES = 10000
N_EDGES = 320000
D_IN = 128
D_HID = 128
D_OUT = 128


def setup_inputs(seed: int = 0) -> dict:
    key = jax.random.key(seed)
    ks = jax.random.split(key, 9)
    x = jax.random.normal(ks[0], (N_NODES, D_IN), dtype=jnp.float32)
    edge_index = jax.random.randint(ks[1], (2, N_EDGES), 0, N_NODES, dtype=jnp.int64 if jax.config.jax_enable_x64 else jnp.int32)
    edge_index = edge_index.astype(jnp.int32)
    s1 = 1.0 / np.sqrt(D_IN)
    s2 = 1.0 / np.sqrt(D_HID)
    Wl1 = jax.random.uniform(ks[2], (D_HID, D_IN), jnp.float32, -s1, s1)
    Wr1 = jax.random.uniform(ks[3], (D_HID, D_IN), jnp.float32, -s1, s1)
    b1 = jax.random.uniform(ks[4], (D_HID,), jnp.float32, -s1, s1)
    Wl2 = jax.random.uniform(ks[5], (D_OUT, D_HID), jnp.float32, -s2, s2)
    Wr2 = jax.random.uniform(ks[6], (D_OUT, D_HID), jnp.float32, -s2, s2)
    b2 = jax.random.uniform(ks[7], (D_OUT,), jnp.float32, -s2, s2)
    return {"x": x, "edge_index": edge_index, "Wl1": Wl1, "Wr1": Wr1, "b1": b1, "Wl2": Wl2, "Wr2": Wr2, "b2": b2}


def _sage_conv(x, edge_index, Wl, Wr, b, num_nodes):
    # PyG SAGEConv (mean aggr): out = lin_l(mean_j x_j) + lin_r(x_i) + bias
    src = edge_index[0]
    dst = edge_index[1]
    msgs = jnp.take(x, src, axis=0)
    agg = jax.ops.segment_sum(msgs, dst, num_segments=num_nodes)
    cnt = jax.ops.segment_sum(jnp.ones((src.shape[0],), dtype=x.dtype), dst, num_segments=num_nodes)
    mean = agg / jnp.clip(cnt, 1.0, None)[:, None]
    return mean @ Wl.T + x @ Wr.T + b


def reference(x, edge_index, Wl1, Wr1, b1, Wl2, Wr2, b2):
    n = x.shape[0]
    h = _sage_conv(x, edge_index, Wl1, Wr1, b1, n)
    h = jax.nn.relu(h)
    h = _sage_conv(h, edge_index, Wl2, Wr2, b2, n)
    num_RNA = h.shape[0] - 216
    RNA_emb = h[:num_RNA]
    drug_emb = h[num_RNA:]
    out = RNA_emb @ drug_emb.T
    return out

if __name__ == "__main__":
    import jax
    _d = setup_inputs()
    print(jax.jit(kernel)(*tuple(_d.values())))

</pallas_src>

<mosaic_0001>
#map = affine_map<(d0, d1) -> (0, 0)>
module attributes {stable_mosaic.version = 14 : i64} {
  func.func @k(%arg0: i32, %arg1: i32, %arg2: memref<10000x128xf32, #tpu.memory_space<hbm>>, %arg3: memref<2560x128xi32, #tpu.memory_space<hbm>>, %arg4: memref<2560x128xi32, #tpu.memory_space<hbm>>, %arg5: memref<6144x128xf32, #tpu.memory_space<hbm>>, %arg6: memref<160x128xi32, #tpu.memory_space<vmem>>, %arg7: memref<160x128xi32, #tpu.memory_space<vmem>>, %arg8: memref<128x128xf32, #tpu.memory_space<vmem>>, %arg9: memref<128x128xf32, #tpu.memory_space<vmem>>, %arg10: memref<128x128xf32, #tpu.memory_space<vmem>>, %arg11: memref<128x128xf32, #tpu.memory_space<vmem>>, %arg12: memref<3072x128xf32, #tpu.memory_space<vmem_shared>>, %arg13: memref<!tpu.dma_semaphore, #tpu.memory_space<semaphore_mem>>, %arg14: memref<!tpu.dma_semaphore, #tpu.memory_space<semaphore_mem>>, %arg15: memref<!tpu.dma_semaphore, #tpu.memory_space<semaphore_mem>>, %arg16: memref<!tpu.dma_semaphore, #tpu.memory_space<semaphore_mem>>, %arg17: memref<!tpu.dma_semaphore, #tpu.memory_space<semaphore_mem>>) attributes {dimension_semantics = [#tpu.dimension_semantics<core_parallel>, #tpu.dimension_semantics<subcore_parallel>], iteration_bounds = array<i64: 2, 16>, scalar_prefetch = 0 : i64, scratch_operands = 12 : i64, tpu.core_type = #tpu.core_type<sc_vector_subcore>, window_params = [{transform_indices = #map}, {transform_indices = #map}, {transform_indices = #map}, {transform_indices = #map}]} {
    %mul3A = arith.constant 160 : i32
    %mul3A_0 = arith.muli %arg1, %mul3A : i32
    "tpu.region"() ({
      %run_scoped3A = tpu.sem_alloc : memref<!tpu.dma_semaphore, #tpu.memory_space<semaphore_mem>>
      %dma_start3A_149 = arith.constant 0 : i32
      %dma_start3A_150 = tpu.memref_slice %arg3[%mul3A_0, %dma_start3A_149] : memref<2560x128xi32, #tpu.memory_space<hbm>> -> memref<160x128xi32, #tpu.memory_space<hbm>>
      %dma_start3A_151 = arith.constant 0 : i32
      %dma_start3A_152 = tpu.memref_slice %arg3[%mul3A_0, %dma_start3A_151] : memref<2560x128xi32, #tpu.memory_space<hbm>> -> memref<160x128xi32, #tpu.memory_space<hbm>>
      tpu.enqueue_dma source(%dma_start3A_152 : memref<160x128xi32, #tpu.memory_space<hbm>>) target(%arg6 : memref<160x128xi32, #tpu.memory_space<vmem>>) target_semaphore(%run_scoped3A : memref<!tpu.dma_semaphore, #tpu.memory_space<semaphore_mem>>)
      %dma_wait3A_153 = arith.constant 0 : i32
      %dma_wait3A_154 = tpu.memref_slice %arg3[%mul3A_0, %dma_wait3A_153] : memref<2560x128xi32, #tpu.memory_space<hbm>> -> memref<160x128xi32, #tpu.memory_space<hbm>>
      %dma_wait3A_155 = arith.constant 0 : i32
      %dma_wait3A_156 = tpu.memref_slice %arg3[%mul3A_0, %dma_wait3A_155] : memref<2560x128xi32, #tpu.memory_space<hbm>> -> memref<160x128xi32, #tpu.memory_space<hbm>>
      tpu.wait_dma2 semaphore(%run_scoped3A : memref<!tpu.dma_semaphore, #tpu.memory_space<semaphore_mem>>) src(%dma_wait3A_156 : memref<160x128xi32, #tpu.memory_space<hbm>>) dst(%arg6 : memref<160x128xi32, #tpu.memory_space<vmem>>)
      tpu.yield
    }) : () -> ()
    %mul3A_1 = arith.constant 160 : i32
    %mul3A_2 = arith.muli %arg1, %mul3A_1 : i32
    "tpu.region"() ({
      %run_scoped3A = tpu.sem_alloc : memref<!tpu.dma_semaphore, #tpu.memory_space<semaphore_mem>>
      %dma_start3A_149 = arith.constant 0 : i32
      %dma_start3A_150 = tpu.memref_slice %arg4[%mul3A_2, %dma_start3A_149] : memref<2560x128xi32, #tpu.memory_space<hbm>> -> memref<160x128xi32, #tpu.memory_space<hbm>>
      %dma_start3A_151 = arith.constant 0 : i32
      %dma_start3A_152 = tpu.memref_slice %arg4[%mul3A_2, %dma_start3A_151] : memref<2560x128xi32, #tpu.memory_space<hbm>> -> memref<160x128xi32, #tpu.memory_space<hbm>>
      tpu.enqueue_dma source(%dma_start3A_152 : memref<160x128xi32, #tpu.memory_space<hbm>>) target(%arg7 : memref<160x128xi32, #tpu.memory_space<vmem>>) target_semaphore(%run_scoped3A : memref<!tpu.dma_semaphore, #tpu.memory_space<semaphore_mem>>)
      %dma_wait3A_153 = arith.constant 0 : i32
      %dma_wait3A_154 = tpu.memref_slice %arg4[%mul3A_2, %dma_wait3A_153] : memref<2560x128xi32, #tpu.memory_space<hbm>> -> memref<160x128xi32, #tpu.memory_space<hbm>>
      %dma_wait3A_155 = arith.constant 0 : i32
      %dma_wait3A_156 = tpu.memref_slice %arg4[%mul3A_2, %dma_wait3A_155] : memref<2560x128xi32, #tpu.memory_space<hbm>> -> memref<160x128xi32, #tpu.memory_space<hbm>>
      tpu.wait_dma2 semaphore(%run_scoped3A : memref<!tpu.dma_semaphore, #tpu.memory_space<semaphore_mem>>) src(%dma_wait3A_156 : memref<160x128xi32, #tpu.memory_space<hbm>>) dst(%arg7 : memref<160x128xi32, #tpu.memory_space<vmem>>)
      tpu.yield
    }) : () -> ()
    %mul3A_3 = arith.constant 2560 : i32
    %mul3A_4 = arith.muli %arg0, %mul3A_3 : i32
    %add3A = arith.constant 5120 : i32
    %add3A_5 = arith.addi %add3A, %mul3A_4 : i32
    %scan3A = arith.constant 0 : i32
    %scan3A_6 = arith.constant 160 : i32
    %scan3A_7 = arith.addi %scan3A, %scan3A_6 : i32
    %scan3A_8 = arith.constant 1 : i32
    scf.for %scan3A_149 = %scan3A to %scan3A_7 step %scan3A_8  : i32 {
      %mul3A_150 = arith.constant 1 : i32
      %mul3A_151 = arith.muli %scan3A_149, %mul3A_150 : i32
      %add3A_152 = arith.constant 0 : i32
      %add3A_153 = arith.addi %add3A_152, %mul3A_151 : i32
      %get3A = arith.index_cast %add3A_153 : i32 to index
      %get3A_154 = arith.constant 0 : index
      %get3A_155 = tpu.vector_load %arg7[%get3A, %get3A_154] {strides = array<i32>} : memref<160x128xi32, #tpu.memory_space<vmem>>, vector<1x16xi32>,
      %get3A_156 = vector.shape_cast %get3A_155 : vector<1x16xi32> to vector<16xi32>
      %sub3A = vector.broadcast %add3A_5 : i32 to vector<16xi32>
      %sub3A_157 = arith.subi %get3A_156, %sub3A : vector<16xi32>
      %ge3A = arith.constant 0 : i32
      %ge3A_158 = vector.broadcast %ge3A : i32 to vector<16xi32>
      %ge3A_159 = arith.cmpi sge, %sub3A_157, %ge3A_158 : vector<16xi32>
      %lt3A = arith.constant 2560 : i32
      %lt3A_160 = vector.broadcast %lt3A : i32 to vector<16xi32>
      %lt3A_161 = arith.cmpi slt, %sub3A_157, %lt3A_160 : vector<16xi32>
      %and3A = arith.andi %ge3A_159, %lt3A_161 : vector<16xi1>
      %and3A_162 = arith.constant 511 : i32
      %and3A_163 = vector.broadcast %and3A_162 : i32 to vector<16xi32>
      %and3A_164 = arith.andi %get3A_156, %and3A_163 : vector<16xi32>
      %add3A_165 = arith.constant 2560 : i32
      %add3A_166 = vector.broadcast %add3A_165 : i32 to vector<16xi32>
      %add3A_167 = arith.addi %add3A_166, %and3A_164 : vector<16xi32>
      %select_n3A = arith.select %and3A, %sub3A_157, %add3A_167 : vector<16xi1>, vector<16xi32>
      %swap3A = arith.index_cast %add3A_153 : i32 to index
      %swap3A_168 = arith.constant 0 : index
      %swap3A_169 = tpu.vector_load %arg7[%swap3A, %swap3A_168] {strides = array<i32>} : memref<160x128xi32, #tpu.memory_space<vmem>>, vector<1x16xi32>,
      %swap3A_170 = vector.shape_cast %swap3A_169 : vector<1x16xi32> to vector<16xi32>
      %swap3A_171 = vector.shape_cast %select_n3A : vector<16xi32> to vector<1x16xi32>
      tpu.vector_store %arg7[%swap3A, %swap3A_168], %swap3A_171 {strides = array<i32>} : memref<160x128xi32, #tpu.memory_space<vmem>>, vector<1x16xi32>,
      %get3A_172 = arith.index_cast %add3A_153 : i32 to index
      %get3A_173 = arith.constant 16 : index
      %get3A_174 = tpu.vector_load %arg7[%get3A_172, %get3A_173] {strides = array<i32>} : memref<160x128xi32, #tpu.memory_space<vmem>>, vector<1x16xi32>,
      %get3A_175 = vector.shape_cast %get3A_174 : vector<1x16xi32> to vector<16xi32>
      %sub3A_176 = vector.broadcast %add3A_5 : i32 to vector<16xi32>
      %sub3A_177 = arith.subi %get3A_175, %sub3A_176 : vector<16xi32>
      %ge3A_178 = arith.constant 0 : i32
      %ge3A_179 = vector.broadcast %ge3A_178 : i32 to vector<16xi32>
      %ge3A_180 = arith.cmpi sge, %sub3A_177, %ge3A_179 : vector<16xi32>
      %lt3A_181 = arith.constant 2560 : i32
      %lt3A_182 = vector.broadcast %lt3A_181 : i32 to vector<16xi32>
      %lt3A_183 = arith.cmpi slt, %sub3A_177, %lt3A_182 : vector<16xi32>
      %and3A_184 = arith.andi %ge3A_180, %lt3A_183 : vector<16xi1>
      %and3A_185 = arith.constant 511 : i32
      %and3A_186 = vector.broadcast %and3A_185 : i32 to vector<16xi32>
      %and3A_187 = arith.andi %get3A_175, %and3A_186 : vector<16xi32>
      %add3A_188 = arith.constant 2560 : i32
      %add3A_189 = vector.broadcast %add3A_188 : i32 to vector<16xi32>
      %add3A_190 = arith.addi %add3A_189, %and3A_187 : vector<16xi32>
      %select_n3A_191 = arith.select %and3A_184, %sub3A_177, %add3A_190 : vector<16xi1>, vector<16xi32>
      %swap3A_192 = arith.index_cast %add3A_153 : i32 to index
      %swap3A_193 = arith.constant 16 : index
      %swap3A_194 = tpu.vector_load %arg7[%swap3A_192, %swap3A_193] {strides = array<i32>} : memref<160x128xi32, #tpu.memory_space<vmem>>, vector<1x16xi32>,
      %swap3A_195 = vector.shape_cast %swap3A_194 : vector<1x16xi32> to vector<16xi32>
      %swap3A_196 = vector.shape_cast %select_n3A_191 : vector<16xi32> to vector<1x16xi32>
      tpu.vector_store %arg7[%swap3A_192, %swap3A_193], %swap3A_196 {strides = array<i32>} : memref<160x128xi32, #tpu.memory_space<vmem>>, vector<1x16xi32>,
      %get3A_197 = arith.index_cast %add3A_153 : i32 to index
      %get3A_198 = arith.constant 32 : index
      %get3A_199 = tpu.vector_load %arg7[%get3A_197, %get3A_198] {strides = array<i32>} : memref<160x128xi32, #tpu.memory_space<vmem>>, vector<1x16xi32>,
      %get3A_200 = vector.shape_cast %get3A_199 : vector<1x16xi32> to vector<16xi32>
      %sub3A_201 = vector.broadcast %add3A_5 : i32 to vector<16xi32>
      %sub3A_202 = arith.subi %get3A_200, %sub3A_201 : vector<16xi32>
      %ge3A_203 = arith.constant 0 : i32
      %ge3A_204 = vector.broadcast %ge3A_203 : i32 to vector<16xi32>
      %ge3A_205 = arith.cmpi sge, %sub3A_202, %ge3A_204 : vector<16xi32>
      %lt3A_206 = arith.constant 2560 : i32
      %lt3A_207 = vector.broadcast %lt3A_206 : i32 to vector<16xi32>
      %lt3A_208 = arith.cmpi slt, %sub3A_202, %lt3A_207 : vector<16xi32>
      %and3A_209 = arith.andi %ge3A_205, %lt3A_208 : vector<16xi1>
      %and3A_210 = arith.constant 511 : i32
      %and3A_211 = vector.broadcast %and3A_210 : i32 to vector<16xi32>
      %and3A_212 = arith.andi %get3A_200, %and3A_211 : vector<16xi32>
      %add3A_213 = arith.constant 2560 : i32
      %add3A_214 = vector.broadcast %add3A_213 : i32 to vector<16xi32>
      %add3A_215 = arith.addi %add3A_214, %and3A_212 : vector<16xi32>
      %select_n3A_216 = arith.select %and3A_209, %sub3A_202, %add3A_215 : vector<16xi1>, vector<16xi32>
      %swap3A_217 = arith.index_cast %add3A_153 : i32 to index
      %swap3A_218 = arith.constant 32 : index
      %swap3A_219 = tpu.vector_load %arg7[%swap3A_217, %swap3A_218] {strides = array<i32>} : memref<160x128xi32, #tpu.memory_space<vmem>>, vector<1x16xi32>,
      %swap3A_220 = vector.shape_cast %swap3A_219 : vector<1x16xi32> to vector<16xi32>
      %swap3A_221 = vector.shape_cast %select_n3A_216 : vector<16xi32> to vector<1x16xi32>
      tpu.vector_store %arg7[%swap3A_217, %swap3A_218], %swap3A_221 {strides = array<i32>} : memref<160x128xi32, #tpu.memory_space<vmem>>, vector<1x16xi32>,
      %get3A_222 = arith.index_cast %add3A_153 : i32 to index
      %get3A_223 = arith.constant 48 : index
      %get3A_224 = tpu.vector_load %arg7[%get3A_222, %get3A_223] {strides = array<i32>} : memref<160x128xi32, #tpu.memory_space<vmem>>, vector<1x16xi32>,
      %get3A_225 = vector.shape_cast %get3A_224 : vector<1x16xi32> to vector<16xi32>
      %sub3A_226 = vector.broadcast %add3A_5 : i32 to vector<16xi32>
      %sub3A_227 = arith.subi %get3A_225, %sub3A_226 : vector<16xi32>
      %ge3A_228 = arith.constant 0 : i32
      %ge3A_229 = vector.broadcast %ge3A_228 : i32 to vector<16xi32>
      %ge3A_230 = arith.cmpi sge, %sub3A_227, %ge3A_229 : vector<16xi32>
      %lt3A_231 = arith.constant 2560 : i32
      %lt3A_232 = vector.broadcast %lt3A_231 : i32 to vector<16xi32>
      %lt3A_233 = arith.cmpi slt, %sub3A_227, %lt3A_232 : vector<16xi32>
      %and3A_234 = arith.andi %ge3A_230, %lt3A_233 : vector<16xi1>
      %and3A_235 = arith.constant 511 : i32
      %and3A_236 = vector.broadcast %and3A_235 : i32 to vector<16xi32>
      %and3A_237 = arith.andi %get3A_225, %and3A_236 : vector<16xi32>
      %add3A_238 = arith.constant 2560 : i32
      %add3A_239 = vector.broadcast %add3A_238 : i32 to vector<16xi32>
      %add3A_240 = arith.addi %add3A_239, %and3A_237 : vector<16xi32>
      %select_n3A_241 = arith.select %and3A_234, %sub3A_227, %add3A_240 : vector<16xi1>, vector<16xi32>
      %swap3A_242 = arith.index_cast %add3A_153 : i32 to index
      %swap3A_243 = arith.constant 48 : index
      %swap3A_244 = tpu.vector_load %arg7[%swap3A_242, %swap3A_243] {strides = array<i32>} : memref<160x128xi32, #tpu.memory_space<vmem>>, vector<1x16xi32>,
      %swap3A_245 = vector.shape_cast %swap3A_244 : vector<1x16xi32> to vector<16xi32>
      %swap3A_246 = vector.shape_cast %select_n3A_241 : vector<16xi32> to vector<1x16xi32>
      tpu.vector_store %arg7[%swap3A_242, %swap3A_243], %swap3A_246 {strides = array<i32>} : memref<160x128xi32, #tpu.memory_space<vmem>>, vector<1x16xi32>,
      %get3A_247 = arith.index_cast %add3A_153 : i32 to index
      %get3A_248 = arith.constant 64 : index
      %get3A_249 = tpu.vector_load %arg7[%get3A_247, %get3A_248] {strides = array<i32>} : memref<160x128xi32, #tpu.memory_space<vmem>>, vector<1x16xi32>,
      %get3A_250 = vector.shape_cast %get3A_249 : vector<1x16xi32> to vector<16xi32>
      %sub3A_251 = vector.broadcast %add3A_5 : i32 to vector<16xi32>
      %sub3A_252 = arith.subi %get3A_250, %sub3A_251 : vector<16xi32>
      %ge3A_253 = arith.constant 0 : i32
      %ge3A_254 = vector.broadcast %ge3A_253 : i32 to vector<16xi32>
      %ge3A_255 = arith.cmpi sge, %sub3A_252, %ge3A_254 : vector<16xi32>
      %lt3A_256 = arith.constant 2560 : i32
      %lt3A_257 = vector.broadcast %lt3A_256 : i32 to vector<16xi32>
      %lt3A_258 = arith.cmpi slt, %sub3A_252, %lt3A_257 : vector<16xi32>
      %and3A_259 = arith.andi %ge3A_255, %lt3A_258 : vector<16xi1>
      %and3A_260 = arith.constant 511 : i32
      %and3A_261 = vector.broadcast %and3A_260 : i32 to vector<16xi32>
      %and3A_262 = arith.andi %get3A_250, %and3A_261 : vector<16xi32>
      %add3A_263 = arith.constant 2560 : i32
      %add3A_264 = vector.broadcast %add3A_263 : i32 to vector<16xi32>
      %add3A_265 = arith.addi %add3A_264, %and3A_262 : vector<16xi32>
      %select_n3A_266 = arith.select %and3A_259, %sub3A_252, %add3A_265 : vector<16xi1>, vector<16xi32>
      %swap3A_267 = arith.index_cast %add3A_153 : i32 to index
      %swap3A_268 = arith.constant 64 : index
      %swap3A_269 = tpu.vector_load %arg7[%swap3A_267, %swap3A_268] {strides = array<i32>} : memref<160x128xi32, #tpu.memory_space<vmem>>, vector<1x16xi32>,
      %swap3A_270 = vector.shape_cast %swap3A_269 : vector<1x16xi32> to vector<16xi32>
      %swap3A_271 = vector.shape_cast %select_n3A_266 : vector<16xi32> to vector<1x16xi32>
      tpu.vector_store %arg7[%swap3A_267, %swap3A_268], %swap3A_271 {strides = array<i32>} : memref<160x128xi32, #tpu.memory_space<vmem>>, vector<1x16xi32>,
      %get3A_272 = arith.index_cast %add3A_153 : i32 to index
      %get3A_273 = arith.constant 80 : index
      %get3A_274 = tpu.vector_load %arg7[%get3A_272, %get3A_273] {strides = array<i32>} : memref<160x128xi32, #tpu.memory_space<vmem>>, vector<1x16xi32>,
      %get3A_275 = vector.shape_cast %get3A_274 : vector<1x16xi32> to vector<16xi32>
      %sub3A_276 = vector.broadcast %add3A_5 : i32 to vector<16xi32>
      %sub3A_277 = arith.subi %get3A_275, %sub3A_276 : vector<16xi32>
      %ge3A_278 = arith.constant 0 : i32
      %ge3A_279 = vector.broadcast %ge3A_278 : i32 to vector<16xi32>
      %ge3A_280 = arith.cmpi sge, %sub3A_277, %ge3A_279 : vector<16xi32>
      %lt3A_281 = arith.constant 2560 : i32
      %lt3A_282 = vector.broadcast %lt3A_281 : i32 to vector<16xi32>
      %lt3A_283 = arith.cmpi slt, %sub3A_277, %lt3A_282 : vector<16xi32>
      %and3A_284 = arith.andi %ge3A_280, %lt3A_283 : vector<16xi1>
      %and3A_285 = arith.constant 511 : i32
      %and3A_286 = vector.broadcast %and3A_285 : i32 to vector<16xi32>
      %and3A_287 = arith.andi %get3A_275, %and3A_286 : vector<16xi32>
      %add3A_288 = arith.constant 2560 : i32
      %add3A_289 = vector.broadcast %add3A_288 : i32 to vector<16xi32>
      %add3A_290 = arith.addi %add3A_289, %and3A_287 : vector<16xi32>
      %select_n3A_291 = arith.select %and3A_284, %sub3A_277, %add3A_290 : vector<16xi1>, vector<16xi32>
      %swap3A_292 = arith.index_cast %add3A_153 : i32 to index
      %swap3A_293 = arith.constant 80 : index
      %swap3A_294 = tpu.vector_load %arg7[%swap3A_292, %swap3A_293] {strides = array<i32>} : memref<160x128xi32, #tpu.memory_space<vmem>>, vector<1x16xi32>,
      %swap3A_295 = vector.shape_cast %swap3A_294 : vector<1x16xi32> to vector<16xi32>
      %swap3A_296 = vector.shape_cast %select_n3A_291 : vector<16xi32> to vector<1x16xi32>
      tpu.vector_store %arg7[%swap3A_292, %swap3A_293], %swap3A_296 {strides = array<i32>} : memref<160x128xi32, #tpu.memory_space<vmem>>, vector<1x16xi32>,
      %get3A_297 = arith.index_cast %add3A_153 : i32 to index
      %get3A_298 = arith.constant 96 : index
      %get3A_299 = tpu.vector_load %arg7[%get3A_297, %get3A_298] {strides = array<i32>} : memref<160x128xi32, #tpu.memory_space<vmem>>, vector<1x16xi32>,
      %get3A_300 = vector.shape_cast %get3A_299 : vector<1x16xi32> to vector<16xi32>
      %sub3A_301 = vector.broadcast %add3A_5 : i32 to vector<16xi32>
      %sub3A_302 = arith.subi %get3A_300, %sub3A_301 : vector<16xi32>
      %ge3A_303 = arith.constant 0 : i32
      %ge3A_304 = vector.broadcast %ge3A_303 : i32 to vector<16xi32>
      %ge3A_305 = arith.cmpi sge, %sub3A_302, %ge3A_304 : vector<16xi32>
      %lt3A_306 = arith.constant 2560 : i32
      %lt3A_307 = vector.broadcast %lt3A_306 : i32 to vector<16xi32>
      %lt3A_308 = arith.cmpi slt, %sub3A_302, %lt3A_307 : vector<16xi32>
      %and3A_309 = arith.andi %ge3A_305, %lt3A_308 : vector<16xi1>
      %and3A_310 = arith.constant 511 : i32
      %and3A_311 = vector.broadcast %and3A_310 : i32 to vector<16xi32>
      %and3A_312 = arith.andi %get3A_300, %and3A_311 : vector<16xi32>
      %add3A_313 = arith.constant 2560 : i32
      %add3A_314 = vector.broadcast %add3A_313 : i32 to vector<16xi32>
      %add3A_315 = arith.addi %add3A_314, %and3A_312 : vector<16xi32>
      %select_n3A_316 = arith.select %and3A_309, %sub3A_302, %add3A_315 : vector<16xi1>, vector<16xi32>
      %swap3A_317 = arith.index_cast %add3A_153 : i32 to index
      %swap3A_318 = arith.constant 96 : index
      %swap3A_319 = tpu.vector_load %arg7[%swap3A_317, %swap3A_318] {strides = array<i32>} : memref<160x128xi32, #tpu.memory_space<vmem>>, vector<1x16xi32>,
      %swap3A_320 = vector.shape_cast %swap3A_319 : vector<1x16xi32> to vector<16xi32>
      %swap3A_321 = vector.shape_cast %select_n3A_316 : vector<16xi32> to vector<1x16xi32>
      tpu.vector_store %arg7[%swap3A_317, %swap3A_318], %swap3A_321 {strides = array<i32>} : memref<160x128xi32, #tpu.memory_space<vmem>>, vector<1x16xi32>,
      %get3A_322 = arith.index_cast %add3A_153 : i32 to index
      %get3A_323 = arith.constant 112 : index
      %get3A_324 = tpu.vector_load %arg7[%get3A_322, %get3A_323] {strides = array<i32>} : memref<160x128xi32, #tpu.memory_space<vmem>>, vector<1x16xi32>,
      %get3A_325 = vector.shape_cast %get3A_324 : vector<1x16xi32> to vector<16xi32>
      %sub3A_326 = vector.broadcast %add3A_5 : i32 to vector<16xi32>
      %sub3A_327 = arith.subi %get3A_325, %sub3A_326 : vector<16xi32>
      %ge3A_328 = arith.constant 0 : i32
      %ge3A_329 = vector.broadcast %ge3A_328 : i32 to vector<16xi32>
      %ge3A_330 = arith.cmpi sge, %sub3A_327, %ge3A_329 : vector<16xi32>
      %lt3A_331 = arith.constant 2560 : i32
      %lt3A_332 = vector.broadcast %lt3A_331 : i32 to vector<16xi32>
      %lt3A_333 = arith.cmpi slt, %sub3A_327, %lt3A_332 : vector<16xi32>
      %and3A_334 = arith.andi %ge3A_330, %lt3A_333 : vector<16xi1>
      %and3A_335 = arith.constant 511 : i32
      %and3A_336 = vector.broadcast %and3A_335 : i32 to vector<16xi32>
      %and3A_337 = arith.andi %get3A_325, %and3A_336 : vector<16xi32>
      %add3A_338 = arith.constant 2560 : i32
      %add3A_339 = vector.broadcast %add3A_338 : i32 to vector<16xi32>
      %add3A_340 = arith.addi %add3A_339, %and3A_337 : vector<16xi32>
      %select_n3A_341 = arith.select %and3A_334, %sub3A_327, %add3A_340 : vector<16xi1>, vector<16xi32>
      %swap3A_342 = arith.index_cast %add3A_153 : i32 to index
      %swap3A_343 = arith.constant 112 : index
      %swap3A_344 = tpu.vector_load %arg7[%swap3A_342, %swap3A_343] {strides = array<i32>} : memref<160x128xi32, #tpu.memory_space<vmem>>, vector<1x16xi32>,
      %swap3A_345 = vector.shape_cast %swap3A_344 : vector<1x16xi32> to vector<16xi32>
      %swap3A_346 = vector.shape_cast %select_n3A_341 : vector<16xi32> to vector<1x16xi32>
      tpu.vector_store %arg7[%swap3A_342, %swap3A_343], %swap3A_346 {strides = array<i32>} : memref<160x128xi32, #tpu.memory_space<vmem>>, vector<1x16xi32>,
    }
    %scan3A_9 = arith.constant 160 : i32
    %broadcast_in_dim3A = arith.constant 0.000000e+00 : f32
    %broadcast_in_dim3A_10 = vector.broadcast %broadcast_in_dim3A : f32 to vector<16xf32>
    %scan3A_11 = arith.constant 0 : i32
    %scan3A_12 = arith.constant 128 : i32
    %scan3A_13 = arith.addi %scan3A_11, %scan3A_12 : i32
    %scan3A_14 = arith.constant 1 : i32
    scf.for %scan3A_149 = %scan3A_11 to %scan3A_13 step %scan3A_14  : i32 {
      %mul3A_150 = arith.constant 1 : i32
      %mul3A_151 = arith.muli %scan3A_149, %mul3A_150 : i32
      %add3A_152 = arith.constant 0 : i32
      %add3A_153 = arith.addi %add3A_152, %mul3A_151 : i32
      %swap3A = arith.index_cast %add3A_153 : i32 to index
      %swap3A_154 = arith.constant 0 : index
      %swap3A_155 = tpu.vector_load %arg8[%swap3A, %swap3A_154] {strides = array<i32>} : memref<128x128xf32, #tpu.memory_space<vmem>>, vector<1x16xf32>,
      %swap3A_156 = vector.shape_cast %swap3A_155 : vector<1x16xf32> to vector<16xf32>
      %swap3A_157 = vector.shape_cast %broadcast_in_dim3A_10 : vector<16xf32> to vector<1x16xf32>
      tpu.vector_store %arg8[%swap3A, %swap3A_154], %swap3A_157 {strides = array<i32>} : memref<128x128xf32, #tpu.memory_space<vmem>>, vector<1x16xf32>,
      %swap3A_158 = arith.index_cast %add3A_153 : i32 to index
      %swap3A_159 = arith.constant 16 : index
      %swap3A_160 = tpu.vector_load %arg8[%swap3A_158, %swap3A_159] {strides = array<i32>} : memref<128x128xf32, #tpu.memory_space<vmem>>, vector<1x16xf32>,
      %swap3A_161 = vector.shape_cast %swap3A_160 : vector<1x16xf32> to vector<16xf32>
      %swap3A_162 = vector.shape_cast %broadcast_in_dim3A_10 : vector<16xf32> to vector<1x16xf32>
      tpu.vector_store %arg8[%swap3A_158, %swap3A_159], %swap3A_162 {strides = array<i32>} : memref<128x128xf32, #tpu.memory_space<vmem>>, vector<1x16xf32>,
      %swap3A_163 = arith.index_cast %add3A_153 : i32 to index
      %swap3A_164 = arith.constant 32 : index
      %swap3A_165 = tpu.vector_load %arg8[%swap3A_163, %swap3A_164] {strides = array<i32>} : memref<128x128xf32, #tpu.memory_space<vmem>>, vector<1x16xf32>,
      %swap3A_166 = vector.shape_cast %swap3A_165 : vector<1x16xf32> to vector<16xf32>
      %swap3A_167 = vector.shape_cast %broadcast_in_dim3A_10 : vector<16xf32> to vector<1x16xf32>
      tpu.vector_store %arg8[%swap3A_163, %swap3A_164], %swap3A_167 {strides = array<i32>} : memref<128x128xf32, #tpu.memory_space<vmem>>, vector<1x16xf32>,
      %swap3A_168 = arith.index_cast %add3A_153 : i32 to index
      %swap3A_169 = arith.constant 48 : index
      %swap3A_170 = tpu.vector_load %arg8[%swap3A_168, %swap3A_169] {strides = array<i32>} : memref<128x128xf32, #tpu.memory_space<vmem>>, vector<1x16xf32>,
      %swap3A_171 = vector.shape_cast %swap3A_170 : vector<1x16xf32> to vector<16xf32>
      %swap3A_172 = vector.shape_cast %broadcast_in_dim3A_10 : vector<16xf32> to vector<1x16xf32>
      tpu.vector_store %arg8[%swap3A_168, %swap3A_169], %swap3A_172 {strides = array<i32>} : memref<128x128xf32, #tpu.memory_space<vmem>>, vector<1x16xf32>,
      %swap3A_173 = arith.index_cast %add3A_153 : i32 to index
      %swap3A_174 = arith.constant 64 : index
      %swap3A_175 = tpu.vector_load %arg8[%swap3A_173, %swap3A_174] {strides = array<i32>} : memref<128x128xf32, #tpu.memory_space<vmem>>, vector<1x16xf32>,
      %swap3A_176 = vector.shape_cast %swap3A_175 : vector<1x16xf32> to vector<16xf32>
      %swap3A_177 = vector.shape_cast %broadcast_in_dim3A_10 : vector<16xf32> to vector<1x16xf32>
      tpu.vector_store %arg8[%swap3A_173, %swap3A_174], %swap3A_177 {strides = array<i32>} : memref<128x128xf32, #tpu.memory_space<vmem>>, vector<1x16xf32>,
      %swap3A_178 = arith.index_cast %add3A_153 : i32 to index
      %swap3A_179 = arith.constant 80 : index
      %swap3A_180 = tpu.vector_load %arg8[%swap3A_178, %swap3A_179] {strides = array<i32>} : memref<128x128xf32, #tpu.memory_space<vmem>>, vector<1x16xf32>,
      %swap3A_181 = vector.shape_cast %swap3A_180 : vector<1x16xf32> to vector<16xf32>
      %swap3A_182 = vector.shape_cast %broadcast_in_dim3A_10 : vector<16xf32> to vector<1x16xf32>
      tpu.vector_store %arg8[%swap3A_178, %swap3A_179], %swap3A_182 {strides = array<i32>} : memref<128x128xf32, #tpu.memory_space<vmem>>, vector<1x16xf32>,
      %swap3A_183 = arith.index_cast %add3A_153 : i32 to index
      %swap3A_184 = arith.constant 96 : index
      %swap3A_185 = tpu.vector_load %arg8[%swap3A_183, %swap3A_184] {strides = array<i32>} : memref<128x128xf32, #tpu.memory_space<vmem>>, vector<1x16xf32>,
      %swap3A_186 = vector.shape_cast %swap3A_185 : vector<1x16xf32> to vector<16xf32>
      %swap3A_187 = vector.shape_cast %broadcast_in_dim3A_10 : vector<16xf32> to vector<1x16xf32>
      tpu.vector_store %arg8[%swap3A_183, %swap3A_184], %swap3A_187 {strides = array<i32>} : memref<128x128xf32, #tpu.memory_space<vmem>>, vector<1x16xf32>,
      %swap3A_188 = arith.index_cast %add3A_153 : i32 to index
      %swap3A_189 = arith.constant 112 : index
      %swap3A_190 = tpu.vector_load %arg8[%swap3A_188, %swap3A_189] {strides = array<i32>} : memref<128x128xf32, #tpu.memory_space<vmem>>, vector<1x16xf32>,
      %swap3A_191 = vector.shape_cast %swap3A_190 : vector<1x16xf32> to vector<16xf32>
      %swap3A_192 = vector.shape_cast %broadcast_in_dim3A_10 : vector<16xf32> to vector<1x16xf32>
      tpu.vector_store %arg8[%swap3A_188, %swap3A_189], %swap3A_192 {strides = array<i32>} : memref<128x128xf32, #tpu.memory_space<vmem>>, vector<1x16xf32>,
    }
    %scan3A_15 = arith.constant 128 : i32
    %mul3A_16 = arith.constant 192 : i32
    %mul3A_17 = arith.muli %arg1, %mul3A_16 : i32
    %add3A_18 = arith.constant 0 : i32
    %add3A_19 = arith.addi %mul3A_17, %add3A_18 : i32
    "tpu.region"() ({
      %run_scoped3A = tpu.sem_alloc : memref<!tpu.dma_semaphore, #tpu.memory_space<semaphore_mem>>
      %dma_start3A_149 = arith.constant 0 : i32
      %dma_start3A_150 = tpu.memref_slice %arg12[%add3A_19, %dma_start3A_149] : memref<3072x128xf32, #tpu.memory_space<vmem_shared>> -> memref<128x128xf32, #tpu.memory_space<vmem_shared>>
      %dma_start3A_151 = arith.constant 0 : i32
      %dma_start3A_152 = tpu.memref_slice %arg12[%add3A_19, %dma_start3A_151] : memref<3072x128xf32, #tpu.memory_space<vmem_shared>> -> memref<128x128xf32, #tpu.memory_space<vmem_shared>>
      tpu.enqueue_dma source(%arg8 : memref<128x128xf32, #tpu.memory_space<vmem>>) target(%dma_start3A_152 : memref<128x128xf32, #tpu.memory_space<vmem_shared>>) target_semaphore(%run_scoped3A : memref<!tpu.dma_semaphore, #tpu.memory_space<semaphore_mem>>)
      %dma_wait3A_153 = arith.constant 0 : i32
      %dma_wait3A_154 = tpu.memref_slice %arg12[%add3A_19, %dma_wait3A_153] : memref<3072x128xf32, #tpu.memory_space<vmem_shared>> -> memref<128x128xf32, #tpu.memory_space<vmem_shared>>
      %dma_wait3A_155 = arith.constant 0 : i32
      %dma_wait3A_156 = tpu.memref_slice %arg12[%add3A_19, %dma_wait3A_155] : memref<3072x128xf32, #tpu.memory_space<vmem_shared>> -> memref<128x128xf32, #tpu.memory_space<vmem_shared>>
      tpu.wait_dma2 semaphore(%run_scoped3A : memref<!tpu.dma_semaphore, #tpu.memory_space<semaphore_mem>>) src(%arg8 : memref<128x128xf32, #tpu.memory_space<vmem>>) dst(%dma_wait3A_156 : memref<128x128xf32, #tpu.memory_space<vmem_shared>>)
      tpu.yield
    }) : () -> ()
    %add3A_20 = arith.constant 128 : i32
    %add3A_21 = arith.addi %mul3A_17, %add3A_20 : i32
    "tpu.region"() ({
      %run_scoped3A = tpu.sem_alloc : memref<!tpu.dma_semaphore, #tpu.memory_space<semaphore_mem>>
      %dma_start3A_149 = arith.constant 0 : i32
      %dma_start3A_150 = arith.constant 0 : i32
      %dma_start3A_151 = tpu.memref_slice %arg8[%dma_start3A_149, %dma_start3A_150] : memref<128x128xf32, #tpu.memory_space<vmem>> -> memref<64x128xf32, #tpu.memory_space<vmem>>
      %dma_start3A_152 = arith.constant 0 : i32
      %dma_start3A_153 = tpu.memref_slice %arg12[%add3A_21, %dma_start3A_152] : memref<3072x128xf32, #tpu.memory_space<vmem_shared>> -> memref<64x128xf32, #tpu.memory_space<vmem_shared>>
      %dma_start3A_154 = arith.constant 0 : i32
      %dma_start3A_155 = tpu.memref_slice %arg12[%add3A_21, %dma_start3A_154] : memref<3072x128xf32, #tpu.memory_space<vmem_shared>> -> memref<64x128xf32, #tpu.memory_space<vmem_shared>>
      %dma_start3A_156 = arith.constant 0 : i32
      %dma_start3A_157 = arith.constant 0 : i32
      %dma_start3A_158 = tpu.memref_slice %arg8[%dma_start3A_156, %dma_start3A_157] : memref<128x128xf32, #tpu.memory_space<vmem>> -> memref<64x128xf32, #tpu.memory_space<vmem>>
      tpu.enqueue_dma source(%dma_start3A_158 : memref<64x128xf32, #tpu.memory_space<vmem>>) target(%dma_start3A_155 : memref<64x128xf32, #tpu.memory_space<vmem_shared>>) target_semaphore(%run_scoped3A : memref<!tpu.dma_semaphore, #tpu.memory_space<semaphore_mem>>)
      %dma_wait3A_159 = arith.constant 0 : i32
      %dma_wait3A_160 = arith.constant 0 : i32
      %dma_wait3A_161 = tpu.memref_slice %arg8[%dma_wait3A_159, %dma_wait3A_160] : memref<128x128xf32, #tpu.memory_space<vmem>> -> memref<64x128xf32, #tpu.memory_space<vmem>>
      %dma_wait3A_162 = arith.constant 0 : i32
      %dma_wait3A_163 = tpu.memref_slice %arg12[%add3A_21, %dma_wait3A_162] : memref<3072x128xf32, #tpu.memory_space<vmem_shared>> -> memref<64x128xf32, #tpu.memory_space<vmem_shared>>
      %dma_wait3A_164 = arith.constant 0 : i32
      %dma_wait3A_165 = tpu.memref_slice %arg12[%add3A_21, %dma_wait3A_164] : memref<3072x128xf32, #tpu.memory_space<vmem_shared>> -> memref<64x128xf32, #tpu.memory_space<vmem_shared>>
      %dma_wait3A_166 = arith.constant 0 : i32
      %dma_wait3A_167 = arith.constant 0 : i32
      %dma_wait3A_168 = tpu.memref_slice %arg8[%dma_wait3A_166, %dma_wait3A_167] : memref<128x128xf32, #tpu.memory_space<vmem>> -> memref<64x128xf32, #tpu.memory_space<vmem>>
      tpu.wait_dma2 semaphore(%run_scoped3A : memref<!tpu.dma_semaphore, #tpu.memory_space<semaphore_mem>>) src(%dma_wait3A_168 : memref<64x128xf32, #tpu.memory_space<vmem>>) dst(%dma_wait3A_165 : memref<64x128xf32, #tpu.memory_space<vmem_shared>>)
      tpu.yield
    }) : () -> ()
    %barrier3A = arith.constant 0 : index
    tpu.barrier barrier_id(%barrier3A)
    %dma_start3A = arith.constant 0 : i32
    %dma_start3A_22 = arith.constant 0 : i32
    %dma_start3A_23 = tpu.memref_slice %arg6[%dma_start3A, %dma_start3A_22] : memref<160x128xi32, #tpu.memory_space<vmem>> -> memref<1x128xi32, #tpu.memory_space<vmem>>
    %dma_start3A_24 = tpu.memref_squeeze %dma_start3A_23 : memref<1x128xi32, #tpu.memory_space<vmem>> -> memref<128xi32, #tpu.memory_space<vmem>>
    %dma_start3A_25 = arith.constant 0 : i32
    %dma_start3A_26 = arith.constant 0 : i32
    %dma_start3A_27 = tpu.memref_slice %arg2[%dma_start3A_25, %dma_start3A_26] : memref<10000x128xf32, #tpu.memory_space<hbm>> -> memref<10000x128xf32, #tpu.memory_space<hbm>>
    tpu.enqueue_indirect_dma source(%dma_start3A_27 : memref<10000x128xf32, #tpu.memory_space<hbm>>) target(%arg8 : memref<128x128xf32, #tpu.memory_space<vmem>>) offsets(%dma_start3A_24 : memref<128xi32, #tpu.memory_space<vmem>>) semaphore(%arg13 : memref<!tpu.dma_semaphore, #tpu.memory_space<semaphore_mem>>)
    %dma_start3A_28 = arith.constant 1 : i32
    %dma_start3A_29 = arith.constant 0 : i32
    %dma_start3A_30 = tpu.memref_slice %arg6[%dma_start3A_28, %dma_start3A_29] : memref<160x128xi32, #tpu.memory_space<vmem>> -> memref<1x128xi32, #tpu.memory_space<vmem>>
    %dma_start3A_31 = tpu.memref_squeeze %dma_start3A_30 : memref<1x128xi32, #tpu.memory_space<vmem>> -> memref<128xi32, #tpu.memory_space<vmem>>
    %dma_start3A_32 = arith.constant 0 : i32
    %dma_start3A_33 = arith.constant 0 : i32
    %dma_start3A_34 = tpu.memref_slice %arg2[%dma_start3A_32, %dma_start3A_33] : memref<10000x128xf32, #tpu.memory_space<hbm>> -> memref<10000x128xf32, #tpu.memory_space<hbm>>
    tpu.enqueue_indirect_dma source(%dma_start3A_34 : memref<10000x128xf32, #tpu.memory_space<hbm>>) target(%arg9 : memref<128x128xf32, #tpu.memory_space<vmem>>) offsets(%dma_start3A_31 : memref<128xi32, #tpu.memory_space<vmem>>) semaphore(%arg14 : memref<!tpu.dma_semaphore, #tpu.memory_space<semaphore_mem>>)
    %dma_start3A_35 = arith.constant 2 : i32
    %dma_start3A_36 = arith.constant 0 : i32
    %dma_start3A_37 = tpu.memref_slice %arg6[%dma_start3A_35, %dma_start3A_36] : memref<160x128xi32, #tpu.memory_space<vmem>> -> memref<1x128xi32, #tpu.memory_space<vmem>>
    %dma_start3A_38 = tpu.memref_squeeze %dma_start3A_37 : memref<1x128xi32, #tpu.memory_space<vmem>> -> memref<128xi32, #tpu.memory_space<vmem>>
    %dma_start3A_39 = arith.constant 0 : i32
    %dma_start3A_40 = arith.constant 0 : i32
    %dma_start3A_41 = tpu.memref_slice %arg2[%dma_start3A_39, %dma_start3A_40] : memref<10000x128xf32, #tpu.memory_space<hbm>> -> memref<10000x128xf32, #tpu.memory_space<hbm>>
    tpu.enqueue_indirect_dma source(%dma_start3A_41 : memref<10000x128xf32, #tpu.memory_space<hbm>>) target(%arg10 : memref<128x128xf32, #tpu.memory_space<vmem>>) offsets(%dma_start3A_38 : memref<128xi32, #tpu.memory_space<vmem>>) semaphore(%arg15 : memref<!tpu.dma_semaphore, #tpu.memory_space<semaphore_mem>>)
    %dma_start3A_42 = arith.constant 3 : i32
    %dma_start3A_43 = arith.constant 0 : i32
    %dma_start3A_44 = tpu.memref_slice %arg6[%dma_start3A_42, %dma_start3A_43] : memref<160x128xi32, #tpu.memory_space<vmem>> -> memref<1x128xi32, #tpu.memory_space<vmem>>
    %dma_start3A_45 = tpu.memref_squeeze %dma_start3A_44 : memref<1x128xi32, #tpu.memory_space<vmem>> -> memref<128xi32, #tpu.memory_space<vmem>>
    %dma_start3A_46 = arith.constant 0 : i32
    %dma_start3A_47 = arith.constant 0 : i32
    %dma_start3A_48 = tpu.memref_slice %arg2[%dma_start3A_46, %dma_start3A_47] : memref<10000x128xf32, #tpu.memory_space<hbm>> -> memref<10000x128xf32, #tpu.memory_space<hbm>>
    tpu.enqueue_indirect_dma source(%dma_start3A_48 : memref<10000x128xf32, #tpu.memory_space<hbm>>) target(%arg11 : memref<128x128xf32, #tpu.memory_space<vmem>>) offsets(%dma_start3A_45 : memref<128xi32, #tpu.memory_space<vmem>>) semaphore(%arg16 : memref<!tpu.dma_semaphore, #tpu.memory_space<semaphore_mem>>)
    %scan3A_49 = arith.constant 0 : i32
    %scan3A_50 = arith.constant 39 : i32
    %scan3A_51 = arith.addi %scan3A_49, %scan3A_50 : i32
    %scan3A_52 = arith.constant 1 : i32
    scf.for %scan3A_149 = %scan3A_49 to %scan3A_51 step %scan3A_52  : i32 {
      %mul3A_150 = arith.constant 4 : i32
      %mul3A_151 = arith.muli %scan3A_149, %mul3A_150 : i32
      %add3A_152 = arith.constant 0 : i32
      %add3A_153 = arith.addi %add3A_152, %mul3A_151 : i32
      %add3A_154 = arith.constant 0 : i32
      %add3A_155 = arith.addi %add3A_153, %add3A_154 : i32
      %dma_wait3A_156 = arith.constant 0 : i32
      %dma_wait3A_157 = tpu.memref_slice %arg6[%add3A_155, %dma_wait3A_156] : memref<160x128xi32, #tpu.memory_space<vmem>> -> memref<1x128xi32, #tpu.memory_space<vmem>>
      %dma_wait3A_158 = tpu.memref_squeeze %dma_wait3A_157 : memref<1x128xi32, #tpu.memory_space<vmem>> -> memref<128xi32, #tpu.memory_space<vmem>>
      %dma_wait3A_159 = arith.constant 0 : i32
      %dma_wait3A_160 = arith.constant 0 : i32
      %dma_wait3A_161 = tpu.memref_slice %arg2[%dma_wait3A_159, %dma_wait3A_160] : memref<10000x128xf32, #tpu.memory_space<hbm>> -> memref<10000x128xf32, #tpu.memory_space<hbm>>
      tpu.wait_indirect_dma semaphore(%arg13 : memref<!tpu.dma_semaphore, #tpu.memory_space<semaphore_mem>>) src(%dma_wait3A_161 : memref<10000x128xf32, #tpu.memory_space<hbm>>) dst(%arg8 : memref<128x128xf32, #tpu.memory_space<vmem>>)
      %add3A_162 = arith.constant 0 : i32
      %add3A_163 = arith.addi %add3A_153, %add3A_162 : i32
      %dma_start3A_164 = arith.constant 0 : i32
      %dma_start3A_165 = tpu.memref_slice %arg7[%add3A_163, %dma_start3A_164] : memref<160x128xi32, #tpu.memory_space<vmem>> -> memref<1x128xi32, #tpu.memory_space<vmem>>
      %dma_start3A_166 = tpu.memref_squeeze %dma_start3A_165 : memref<1x128xi32, #tpu.memory_space<vmem>> -> memref<128xi32, #tpu.memory_space<vmem>>
      %dma_start3A_167 = arith.constant 0 : i32
      %dma_start3A_168 = arith.constant 0 : i32
      %dma_start3A_169 = tpu.memref_slice %arg12[%dma_start3A_167, %dma_start3A_168] : memref<3072x128xf32, #tpu.memory_space<vmem_shared>> -> memref<3072x128xf32, #tpu.memory_space<vmem_shared>>
      tpu.enqueue_indirect_dma source(%arg8 : memref<128x128xf32, #tpu.memory_space<vmem>>) target(%dma_start3A_169 : memref<3072x128xf32, #tpu.memory_space<vmem_shared>>) offsets(%dma_start3A_166 : memref<128xi32, #tpu.memory_space<vmem>>) semaphore(%arg17 : memref<!tpu.dma_semaphore, #tpu.memory_space<semaphore_mem>>) {add = true}
      %add3A_170 = arith.constant 1 : i32
      %add3A_171 = arith.addi %add3A_153, %add3A_170 : i32
      %dma_wait3A_172 = arith.constant 0 : i32
      %dma_wait3A_173 = tpu.memref_slice %arg6[%add3A_171, %dma_wait3A_172] : memref<160x128xi32, #tpu.memory_space<vmem>> -> memref<1x128xi32, #tpu.memory_space<vmem>>
      %dma_wait3A_174 = tpu.memref_squeeze %dma_wait3A_173 : memref<1x128xi32, #tpu.memory_space<vmem>> -> memref<128xi32, #tpu.memory_space<vmem>>
      %dma_wait3A_175 = arith.constant 0 : i32
      %dma_wait3A_176 = arith.constant 0 : i32
      %dma_wait3A_177 = tpu.memref_slice %arg2[%dma_wait3A_175, %dma_wait3A_176] : memref<10000x128xf32, #tpu.memory_space<hbm>> -> memref<10000x128xf32, #tpu.memory_space<hbm>>
      tpu.wait_indirect_dma semaphore(%arg14 : memref<!tpu.dma_semaphore, #tpu.memory_space<semaphore_mem>>) src(%dma_wait3A_177 : memref<10000x128xf32, #tpu.memory_space<hbm>>) dst(%arg9 : memref<128x128xf32, #tpu.memory_space<vmem>>)
      %add3A_178 = arith.constant 1 : i32
      %add3A_179 = arith.addi %add3A_153, %add3A_178 : i32
      %dma_start3A_180 = arith.constant 0 : i32
      %dma_start3A_181 = tpu.memref_slice %arg7[%add3A_179, %dma_start3A_180] : memref<160x128xi32, #tpu.memory_space<vmem>> -> memref<1x128xi32, #tpu.memory_space<vmem>>
      %dma_start3A_182 = tpu.memref_squeeze %dma_start3A_181 : memref<1x128xi32, #tpu.memory_space<vmem>> -> memref<128xi32, #tpu.memory_space<vmem>>
      %dma_start3A_183 = arith.constant 0 : i32
      %dma_start3A_184 = arith.constant 0 : i32
      %dma_start3A_185 = tpu.memref_slice %arg12[%dma_start3A_183, %dma_start3A_184] : memref<3072x128xf32, #tpu.memory_space<vmem_shared>> -> memref<3072x128xf32, #tpu.memory_space<vmem_shared>>
      tpu.enqueue_indirect_dma source(%arg9 : memref<128x128xf32, #tpu.memory_space<vmem>>) target(%dma_start3A_185 : memref<3072x128xf32, #tpu.memory_space<vmem_shared>>) offsets(%dma_start3A_182 : memref<128xi32, #tpu.memory_space<vmem>>) semaphore(%arg17 : memref<!tpu.dma_semaphore, #tpu.memory_space<semaphore_mem>>) {add = true}
      %add3A_186 = arith.constant 2 : i32
      %add3A_187 = arith.addi %add3A_153, %add3A_186 : i32
      %dma_wait3A_188 = arith.constant 0 : i32
      %dma_wait3A_189 = tpu.memref_slice %arg6[%add3A_187, %dma_wait3A_188] : memref<160x128xi32, #tpu.memory_space<vmem>> -> memref<1x128xi32, #tpu.memory_space<vmem>>
      %dma_wait3A_190 = tpu.memref_squeeze %dma_wait3A_189 : memref<1x128xi32, #tpu.memory_space<vmem>> -> memref<128xi32, #tpu.memory_space<vmem>>
      %dma_wait3A_191 = arith.constant 0 : i32
      %dma_wait3A_192 = arith.constant 0 : i32
      %dma_wait3A_193 = tpu.memref_slice %arg2[%dma_wait3A_191, %dma_wait3A_192] : memref<10000x128xf32, #tpu.memory_space<hbm>> -> memref<10000x128xf32, #tpu.memory_space<hbm>>
      tpu.wait_indirect_dma semaphore(%arg15 : memref<!tpu.dma_semaphore, #tpu.memory_space<semaphore_mem>>) src(%dma_wait3A_193 : memref<10000x128xf32, #tpu.memory_space<hbm>>) dst(%arg10 : memref<128x128xf32, #tpu.memory_space<vmem>>)
      %add3A_194 = arith.constant 2 : i32
      %add3A_195 = arith.addi %add3A_153, %add3A_194 : i32
      %dma_start3A_196 = arith.constant 0 : i32
      %dma_start3A_197 = tpu.memref_slice %arg7[%add3A_195, %dma_start3A_196] : memref<160x128xi32, #tpu.memory_space<vmem>> -> memref<1x128xi32, #tpu.memory_space<vmem>>
      %dma_start3A_198 = tpu.memref_squeeze %dma_start3A_197 : memref<1x128xi32, #tpu.memory_space<vmem>> -> memref<128xi32, #tpu.memory_space<vmem>>
      %dma_start3A_199 = arith.constant 0 : i32
      %dma_start3A_200 = arith.constant 0 : i32
      %dma_start3A_201 = tpu.memref_slice %arg12[%dma_start3A_199, %dma_start3A_200] : memref<3072x128xf32, #tpu.memory_space<vmem_shared>> -> memref<3072x128xf32, #tpu.memory_space<vmem_shared>>
      tpu.enqueue_indirect_dma source(%arg10 : memref<128x128xf32, #tpu.memory_space<vmem>>) target(%dma_start3A_201 : memref<3072x128xf32, #tpu.memory_space<vmem_shared>>) offsets(%dma_start3A_198 : memref<128xi32, #tpu.memory_space<vmem>>) semaphore(%arg17 : memref<!tpu.dma_semaphore, #tpu.memory_space<semaphore_mem>>) {add = true}
      %add3A_202 = arith.constant 3 : i32
      %add3A_203 = arith.addi %add3A_153, %add3A_202 : i32
      %dma_wait3A_204 = arith.constant 0 : i32
      %dma_wait3A_205 = tpu.memref_slice %arg6[%add3A_203, %dma_wait3A_204] : memref<160x128xi32, #tpu.memory_space<vmem>> -> memref<1x128xi32, #tpu.memory_space<vmem>>
      %dma_wait3A_206 = tpu.memref_squeeze %dma_wait3A_205 : memref<1x128xi32, #tpu.memory_space<vmem>> -> memref<128xi32, #tpu.memory_space<vmem>>
      %dma_wait3A_207 = arith.constant 0 : i32
      %dma_wait3A_208 = arith.constant 0 : i32
      %dma_wait3A_209 = tpu.memref_slice %arg2[%dma_wait3A_207, %dma_wait3A_208] : memref<10000x128xf32, #tpu.memory_space<hbm>> -> memref<10000x128xf32, #tpu.memory_space<hbm>>
      tpu.wait_indirect_dma semaphore(%arg16 : memref<!tpu.dma_semaphore, #tpu.memory_space<semaphore_mem>>) src(%dma_wait3A_209 : memref<10000x128xf32, #tpu.memory_space<hbm>>) dst(%arg11 : memref<128x128xf32, #tpu.memory_space<vmem>>)
      %add3A_210 = arith.constant 3 : i32
      %add3A_211 = arith.addi %add3A_153, %add3A_210 : i32
      %dma_start3A_212 = arith.constant 0 : i32
      %dma_start3A_213 = tpu.memref_slice %arg7[%add3A_211, %dma_start3A_212] : memref<160x128xi32, #tpu.memory_space<vmem>> -> memref<1x128xi32, #tpu.memory_space<vmem>>
      %dma_start3A_214 = tpu.memref_squeeze %dma_start3A_213 : memref<1x128xi32, #tpu.memory_space<vmem>> -> memref<128xi32, #tpu.memory_space<vmem>>
      %dma_start3A_215 = arith.constant 0 : i32
      %dma_start3A_216 = arith.constant 0 : i32
      %dma_start3A_217 = tpu.memref_slice %arg12[%dma_start3A_215, %dma_start3A_216] : memref<3072x128xf32, #tpu.memory_space<vmem_shared>> -> memref<3072x128xf32, #tpu.memory_space<vmem_shared>>
      tpu.enqueue_indirect_dma source(%arg11 : memref<128x128xf32, #tpu.memory_space<vmem>>) target(%dma_start3A_217 : memref<3072x128xf32, #tpu.memory_space<vmem_shared>>) offsets(%dma_start3A_214 : memref<128xi32, #tpu.memory_space<vmem>>) semaphore(%arg17 : memref<!tpu.dma_semaphore, #tpu.memory_space<semaphore_mem>>) {add = true}
      %add3A_218 = arith.constant 0 : i32
      %add3A_219 = arith.addi %add3A_153, %add3A_218 : i32
      %dma_wait3A_220 = arith.constant 0 : i32
      %dma_wait3A_221 = tpu.memref_slice %arg7[%add3A_219, %dma_wait3A_220] : memref<160x128xi32, #tpu.memory_space<vmem>> -> memref<1x128xi32, #tpu.memory_space<vmem>>
      %dma_wait3A_222 = tpu.memref_squeeze %dma_wait3A_221 : memref<1x128xi32, #tpu.memory_space<vmem>> -> memref<128xi32, #tpu.memory_space<vmem>>
      %dma_wait3A_223 = arith.constant 0 : i32
      %dma_wait3A_224 = arith.constant 0 : i32
      %dma_wait3A_225 = tpu.memref_slice %arg12[%dma_wait3A_223, %dma_wait3A_224] : memref<3072x128xf32, #tpu.memory_space<vmem_shared>> -> memref<3072x128xf32, #tpu.memory_space<vmem_shared>>
      tpu.wait_indirect_dma semaphore(%arg17 : memref<!tpu.dma_semaphore, #tpu.memory_space<semaphore_mem>>) src(%arg8 : memref<128x128xf32, #tpu.memory_space<vmem>>) dst(%dma_wait3A_225 : memref<3072x128xf32, #tpu.memory_space<vmem_shared>>)
      %add3A_226 = arith.constant 4 : i32
      %add3A_227 = arith.addi %add3A_153, %add3A_226 : i32
      %add3A_228 = arith.constant 0 : i32
      %add3A_229 = arith.addi %add3A_227, %add3A_228 : i32
      %dma_start3A_230 = arith.constant 0 : i32
      %dma_start3A_231 = tpu.memref_slice %arg6[%add3A_229, %dma_start3A_230] : memref<160x128xi32, #tpu.memory_space<vmem>> -> memref<1x128xi32, #tpu.memory_space<vmem>>
      %dma_start3A_232 = tpu.memref_squeeze %dma_start3A_231 : memref<1x128xi32, #tpu.memory_space<vmem>> -> memref<128xi32, #tpu.memory_space<vmem>>
      %dma_start3A_233 = arith.constant 0 : i32
      %dma_start3A_234 = arith.constant 0 : i32
      %dma_start3A_235 = tpu.memref_slice %arg2[%dma_start3A_233, %dma_start3A_234] : memref<10000x128xf32, #tpu.memory_space<hbm>> -> memref<10000x128xf32, #tpu.memory_space<hbm>>
      tpu.enqueue_indirect_dma source(%dma_start3A_235 : memref<10000x128xf32, #tpu.memory_space<hbm>>) target(%arg8 : memref<128x128xf32, #tpu.memory_space<vmem>>) offsets(%dma_start3A_232 : memref<128xi32, #tpu.memory_space<vmem>>) semaphore(%arg13 : memref<!tpu.dma_semaphore, #tpu.memory_space<semaphore_mem>>)
      %add3A_236 = arith.constant 1 : i32
      %add3A_237 = arith.addi %add3A_153, %add3A_236 : i32
      %dma_wait3A_238 = arith.constant 0 : i32
      %dma_wait3A_239 = tpu.memref_slice %arg7[%add3A_237, %dma_wait3A_238] : memref<160x128xi32, #tpu.memory_space<vmem>> -> memref<1x128xi32, #tpu.memory_space<vmem>>
      %dma_wait3A_240 = tpu.memref_squeeze %dma_wait3A_239 : memref<1x128xi32, #tpu.memory_space<vmem>> -> memref<128xi32, #tpu.memory_space<vmem>>
      %dma_wait3A_241 = arith.constant 0 : i32
      %dma_wait3A_242 = arith.constant 0 : i32
      %dma_wait3A_243 = tpu.memref_slice %arg12[%dma_wait3A_241, %dma_wait3A_242] : memref<3072x128xf32, #tpu.memory_space<vmem_shared>> -> memref<3072x128xf32, #tpu.memory_space<vmem_shared>>
      tpu.wait_indirect_dma semaphore(%arg17 : memref<!tpu.dma_semaphore, #tpu.memory_space<semaphore_mem>>) src(%arg9 : memref<128x128xf32, #tpu.memory_space<vmem>>) dst(%dma_wait3A_243 : memref<3072x128xf32, #tpu.memory_space<vmem_shared>>)
      %add3A_244 = arith.constant 4 : i32
      %add3A_245 = arith.addi %add3A_153, %add3A_244 : i32
      %add3A_246 = arith.constant 1 : i32
      %add3A_247 = arith.addi %add3A_245, %add3A_246 : i32
      %dma_start3A_248 = arith.constant 0 : i32
      %dma_start3A_249 = tpu.memref_slice %arg6[%add3A_247, %dma_start3A_248] : memref<160x128xi32, #tpu.memory_space<vmem>> -> memref<1x128xi32, #tpu.memory_space<vmem>>
      %dma_start3A_250 = tpu.memref_squeeze %dma_start3A_249 : memref<1x128xi32, #tpu.memory_space<vmem>> -> memref<128xi32, #tpu.memory_space<vmem>>
      %dma_start3A_251 = arith.constant 0 : i32
      %dma_start3A_252 = arith.constant 0 : i32
      %dma_start3A_253 = tpu.memref_slice %arg2[%dma_start3A_251, %dma_start3A_252] : memref<10000x128xf32, #tpu.memory_space<hbm>> -> memref<10000x128xf32, #tpu.memory_space<hbm>>
      tpu.enqueue_indirect_dma source(%dma_start3A_253 : memref<10000x128xf32, #tpu.memory_space<hbm>>) target(%arg9 : memref<128x128xf32, #tpu.memory_space<vmem>>) offsets(%dma_start3A_250 : memref<128xi32, #tpu.memory_space<vmem>>) semaphore(%arg14 : memref<!tpu.dma_semaphore, #tpu.memory_space<semaphore_mem>>)
      %add3A_254 = arith.constant 2 : i32
      %add3A_255 = arith.addi %add3A_153, %add3A_254 : i32
      %dma_wait3A_256 = arith.constant 0 : i32
      %dma_wait3A_257 = tpu.memref_slice %arg7[%add3A_255, %dma_wait3A_256] : memref<160x128xi32, #tpu.memory_space<vmem>> -> memref<1x128xi32, #tpu.memory_space<vmem>>
      %dma_wait3A_258 = tpu.memref_squeeze %dma_wait3A_257 : memref<1x128xi32, #tpu.memory_space<vmem>> -> memref<128xi32, #tpu.memory_space<vmem>>
      %dma_wait3A_259 = arith.constant 0 : i32
      %dma_wait3A_260 = arith.constant 0 : i32
      %dma_wait3A_261 = tpu.memref_slice %arg12[%dma_wait3A_259, %dma_wait3A_260] : memref<3072x128xf32, #tpu.memory_space<vmem_shared>> -> memref<3072x128xf32, #tpu.memory_space<vmem_shared>>
      tpu.wait_indirect_dma semaphore(%arg17 : memref<!tpu.dma_semaphore, #tpu.memory_space<semaphore_mem>>) src(%arg10 : memref<128x128xf32, #tpu.memory_space<vmem>>) dst(%dma_wait3A_261 : memref<3072x128xf32, #tpu.memory_space<vmem_shared>>)
      %add3A_262 = arith.constant 4 : i32
      %add3A_263 = arith.addi %add3A_153, %add3A_262 : i32
      %add3A_264 = arith.constant 2 : i32
      %add3A_265 = arith.addi %add3A_263, %add3A_264 : i32
      %dma_start3A_266 = arith.constant 0 : i32
      %dma_start3A_267 = tpu.memref_slice %arg6[%add3A_265, %dma_start3A_266] : memref<160x128xi32, #tpu.memory_space<vmem>> -> memref<1x128xi32, #tpu.memory_space<vmem>>
      %dma_start3A_268 = tpu.memref_squeeze %dma_start3A_267 : memref<1x128xi32, #tpu.memory_space<vmem>> -> memref<128xi32, #tpu.memory_space<vmem>>
      %dma_start3A_269 = arith.constant 0 : i32
      %dma_start3A_270 = arith.constant 0 : i32
      %dma_start3A_271 = tpu.memref_slice %arg2[%dma_start3A_269, %dma_start3A_270] : memref<10000x128xf32, #tpu.memory_space<hbm>> -> memref<10000x128xf32, #tpu.memory_space<hbm>>
      tpu.enqueue_indirect_dma source(%dma_start3A_271 : memref<10000x128xf32, #tpu.memory_space<hbm>>) target(%arg10 : memref<128x128xf32, #tpu.memory_space<vmem>>) offsets(%dma_start3A_268 : memref<128xi32, #tpu.memory_space<vmem>>) semaphore(%arg15 : memref<!tpu.dma_semaphore, #tpu.memory_space<semaphore_mem>>)
      %add3A_272 = arith.constant 3 : i32
      %add3A_273 = arith.addi %add3A_153, %add3A_272 : i32
      %dma_wait3A_274 = arith.constant 0 : i32
      %dma_wait3A_275 = tpu.memref_slice %arg7[%add3A_273, %dma_wait3A_274] : memref<160x128xi32, #tpu.memory_space<vmem>> -> memref<1x128xi32, #tpu.memory_space<vmem>>
      %dma_wait3A_276 = tpu.memref_squeeze %dma_wait3A_275 : memref<1x128xi32, #tpu.memory_space<vmem>> -> memref<128xi32, #tpu.memory_space<vmem>>
      %dma_wait3A_277 = arith.constant 0 : i32
      %dma_wait3A_278 = arith.constant 0 : i32
      %dma_wait3A_279 = tpu.memref_slice %arg12[%dma_wait3A_277, %dma_wait3A_278] : memref<3072x128xf32, #tpu.memory_space<vmem_shared>> -> memref<3072x128xf32, #tpu.memory_space<vmem_shared>>
      tpu.wait_indirect_dma semaphore(%arg17 : memref<!tpu.dma_semaphore, #tpu.memory_space<semaphore_mem>>) src(%arg11 : memref<128x128xf32, #tpu.memory_space<vmem>>) dst(%dma_wait3A_279 : memref<3072x128xf32, #tpu.memory_space<vmem_shared>>)
      %add3A_280 = arith.constant 4 : i32
      %add3A_281 = arith.addi %add3A_153, %add3A_280 : i32
      %add3A_282 = arith.constant 3 : i32
      %add3A_283 = arith.addi %add3A_281, %add3A_282 : i32
      %dma_start3A_284 = arith.constant 0 : i32
      %dma_start3A_285 = tpu.memref_slice %arg6[%add3A_283, %dma_start3A_284] : memref<160x128xi32, #tpu.memory_space<vmem>> -> memref<1x128xi32, #tpu.memory_space<vmem>>
      %dma_start3A_286 = tpu.memref_squeeze %dma_start3A_285 : memref<1x128xi32, #tpu.memory_space<vmem>> -> memref<128xi32, #tpu.memory_space<vmem>>
      %dma_start3A_287 = arith.constant 0 : i32
      %dma_start3A_288 = arith.constant 0 : i32
      %dma_start3A_289 = tpu.memref_slice %arg2[%dma_start3A_287, %dma_start3A_288] : memref<10000x128xf32, #tpu.memory_space<hbm>> -> memref<10000x128xf32, #tpu.memory_space<hbm>>
      tpu.enqueue_indirect_dma source(%dma_start3A_289 : memref<10000x128xf32, #tpu.memory_space<hbm>>) target(%arg11 : memref<128x128xf32, #tpu.memory_space<vmem>>) offsets(%dma_start3A_286 : memref<128xi32, #tpu.memory_space<vmem>>) semaphore(%arg16 : memref<!tpu.dma_semaphore, #tpu.memory_space<semaphore_mem>>)
    }
    %scan3A_53 = arith.constant 39 : i32
    %dma_wait3A = arith.constant 156 : i32
    %dma_wait3A_54 = arith.constant 0 : i32
    %dma_wait3A_55 = tpu.memref_slice %arg6[%dma_wait3A, %dma_wait3A_54] : memref<160x128xi32, #tpu.memory_space<vmem>> -> memref<1x128xi32, #tpu.memory_space<vmem>>
    %dma_wait3A_56 = tpu.memref_squeeze %dma_wait3A_55 : memref<1x128xi32, #tpu.memory_space<vmem>> -> memref<128xi32, #tpu.memory_space<vmem>>
    %dma_wait3A_57 = arith.constant 0 : i32
    %dma_wait3A_58 = arith.constant 0 : i32
    %dma_wait3A_59 = tpu.memref_slice %arg2[%dma_wait3A_57, %dma_wait3A_58] : memref<10000x128xf32, #tpu.memory_space<hbm>> -> memref<10000x128xf32, #tpu.memory_space<hbm>>
    tpu.wait_indirect_dma semaphore(%arg13 : memref<!tpu.dma_semaphore, #tpu.memory_space<semaphore_mem>>) src(%dma_wait3A_59 : memref<10000x128xf32, #tpu.memory_space<hbm>>) dst(%arg8 : memref<128x128xf32, #tpu.memory_space<vmem>>)
    %dma_start3A_60 = arith.constant 156 : i32
    %dma_start3A_61 = arith.constant 0 : i32
    %dma_start3A_62 = tpu.memref_slice %arg7[%dma_start3A_60, %dma_start3A_61] : memref<160x128xi32, #tpu.memory_space<vmem>> -> memref<1x128xi32, #tpu.memory_space<vmem>>
    %dma_start3A_63 = tpu.memref_squeeze %dma_start3A_62 : memref<1x128xi32, #tpu.memory_space<vmem>> -> memref<128xi32, #tpu.memory_space<vmem>>
    %dma_start3A_64 = arith.constant 0 : i32
    %dma_start3A_65 = arith.constant 0 : i32
    %dma_start3A_66 = tpu.memref_slice %arg12[%dma_start3A_64, %dma_start3A_65] : memref<3072x128xf32, #tpu.memory_space<vmem_shared>> -> memref<3072x128xf32, #tpu.memory_space<vmem_shared>>
    tpu.enqueue_indirect_dma source(%arg8 : memref<128x128xf32, #tpu.memory_space<vmem>>) target(%dma_start3A_66 : memref<3072x128xf32, #tpu.memory_space<vmem_shared>>) offsets(%dma_start3A_63 : memref<128xi32, #tpu.memory_space<vmem>>) semaphore(%arg17 : memref<!tpu.dma_semaphore, #tpu.memory_space<semaphore_mem>>) {add = true}
    %dma_wait3A_67 = arith.constant 157 : i32
    %dma_wait3A_68 = arith.constant 0 : i32
    %dma_wait3A_69 = tpu.memref_slice %arg6[%dma_wait3A_67, %dma_wait3A_68] : memref<160x128xi32, #tpu.memory_space<vmem>> -> memref<1x128xi32, #tpu.memory_space<vmem>>
    %dma_wait3A_70 = tpu.memref_squeeze %dma_wait3A_69 : memref<1x128xi32, #tpu.memory_space<vmem>> -> memref<128xi32, #tpu.memory_space<vmem>>
    %dma_wait3A_71 = arith.constant 0 : i32
    %dma_wait3A_72 = arith.constant 0 : i32
    %dma_wait3A_73 = tpu.memref_slice %arg2[%dma_wait3A_71, %dma_wait3A_72] : memref<10000x128xf32, #tpu.memory_space<hbm>> -> memref<10000x128xf32, #tpu.memory_space<hbm>>
    tpu.wait_indirect_dma semaphore(%arg14 : memref<!tpu.dma_semaphore, #tpu.memory_space<semaphore_mem>>) src(%dma_wait3A_73 : memref<10000x128xf32, #tpu.memory_space<hbm>>) dst(%arg9 : memref<128x128xf32, #tpu.memory_space<vmem>>)
    %dma_start3A_74 = arith.constant 157 : i32
    %dma_start3A_75 = arith.constant 0 : i32
    %dma_start3A_76 = tpu.memref_slice %arg7[%dma_start3A_74, %dma_start3A_75] : memref<160x128xi32, #tpu.memory_space<vmem>> -> memref<1x128xi32, #tpu.memory_space<vmem>>
    %dma_start3A_77 = tpu.memref_squeeze %dma_start3A_76 : memref<1x128xi32, #tpu.memory_space<vmem>> -> memref<128xi32, #tpu.memory_space<vmem>>
    %dma_start3A_78 = arith.constant 0 : i32
    %dma_start3A_79 = arith.constant 0 : i32
    %dma_start3A_80 = tpu.memref_slice %arg12[%dma_start3A_78, %dma_start3A_79] : memref<3072x128xf32, #tpu.memory_space<vmem_shared>> -> memref<3072x128xf32, #tpu.memory_space<vmem_shared>>
    tpu.enqueue_indirect_dma source(%arg9 : memref<128x128xf32, #tpu.memory_space<vmem>>) target(%dma_start3A_80 : memref<3072x128xf32, #tpu.memory_space<vmem_shared>>) offsets(%dma_start3A_77 : memref<128xi32, #tpu.memory_space<vmem>>) semaphore(%arg17 : memref<!tpu.dma_semaphore, #tpu.memory_space<semaphore_mem>>) {add = true}
    %dma_wait3A_81 = arith.constant 158 : i32
    %dma_wait3A_82 = arith.constant 0 : i32
    %dma_wait3A_83 = tpu.memref_slice %arg6[%dma_wait3A_81, %dma_wait3A_82] : memref<160x128xi32, #tpu.memory_space<vmem>> -> memref<1x128xi32, #tpu.memory_space<vmem>>
    %dma_wait3A_84 = tpu.memref_squeeze %dma_wait3A_83 : memref<1x128xi32, #tpu.memory_space<vmem>> -> memref<128xi32, #tpu.memory_space<vmem>>
    %dma_wait3A_85 = arith.constant 0 : i32
    %dma_wait3A_86 = arith.constant 0 : i32
    %dma_wait3A_87 = tpu.memref_slice %arg2[%dma_wait3A_85, %dma_wait3A_86] : memref<10000x128xf32, #tpu.memory_space<hbm>> -> memref<10000x128xf32, #tpu.memory_space<hbm>>
    tpu.wait_indirect_dma semaphore(%arg15 : memref<!tpu.dma_semaphore, #tpu.memory_space<semaphore_mem>>) src(%dma_wait3A_87 : memref<10000x128xf32, #tpu.memory_space<hbm>>) dst(%arg10 : memref<128x128xf32, #tpu.memory_space<vmem>>)
    %dma_start3A_88 = arith.constant 158 : i32
    %dma_start3A_89 = arith.constant 0 : i32
    %dma_start3A_90 = tpu.memref_slice %arg7[%dma_start3A_88, %dma_start3A_89] : memref<160x128xi32, #tpu.memory_space<vmem>> -> memref<1x128xi32, #tpu.memory_space<vmem>>
    %dma_start3A_91 = tpu.memref_squeeze %dma_start3A_90 : memref<1x128xi32, #tpu.memory_space<vmem>> -> memref<128xi32, #tpu.memory_space<vmem>>
    %dma_start3A_92 = arith.constant 0 : i32
    %dma_start3A_93 = arith.constant 0 : i32
    %dma_start3A_94 = tpu.memref_slice %arg12[%dma_start3A_92, %dma_start3A_93] : memref<3072x128xf32, #tpu.memory_space<vmem_shared>> -> memref<3072x128xf32, #tpu.memory_space<vmem_shared>>
    tpu.enqueue_indirect_dma source(%arg10 : memref<128x128xf32, #tpu.memory_space<vmem>>) target(%dma_start3A_94 : memref<3072x128xf32, #tpu.memory_space<vmem_shared>>) offsets(%dma_start3A_91 : memref<128xi32, #tpu.memory_space<vmem>>) semaphore(%arg17 : memref<!tpu.dma_semaphore, #tpu.memory_space<semaphore_mem>>) {add = true}
    %dma_wait3A_95 = arith.constant 159 : i32
    %dma_wait3A_96 = arith.constant 0 : i32
    %dma_wait3A_97 = tpu.memref_slice %arg6[%dma_wait3A_95, %dma_wait3A_96] : memref<160x128xi32, #tpu.memory_space<vmem>> -> memref<1x128xi32, #tpu.memory_space<vmem>>
    %dma_wait3A_98 = tpu.memref_squeeze %dma_wait3A_97 : memref<1x128xi32, #tpu.memory_space<vmem>> -> memref<128xi32, #tpu.memory_space<vmem>>
    %dma_wait3A_99 = arith.constant 0 : i32
    %dma_wait3A_100 = arith.constant 0 : i32
    %dma_wait3A_101 = tpu.memref_slice %arg2[%dma_wait3A_99, %dma_wait3A_100] : memref<10000x128xf32, #tpu.memory_space<hbm>> -> memref<10000x128xf32, #tpu.memory_space<hbm>>
    tpu.wait_indirect_dma semaphore(%arg16 : memref<!tpu.dma_semaphore, #tpu.memory_space<semaphore_mem>>) src(%dma_wait3A_101 : memref<10000x128xf32, #tpu.memory_space<hbm>>) dst(%arg11 : memref<128x128xf32, #tpu.memory_space<vmem>>)
    %dma_start3A_102 = arith.constant 159 : i32
    %dma_start3A_103 = arith.constant 0 : i32
    %dma_start3A_104 = tpu.memref_slice %arg7[%dma_start3A_102, %dma_start3A_103] : memref<160x128xi32, #tpu.memory_space<vmem>> -> memref<1x128xi32, #tpu.memory_space<vmem>>
    %dma_start3A_105 = tpu.memref_squeeze %dma_start3A_104 : memref<1x128xi32, #tpu.memory_space<vmem>> -> memref<128xi32, #tpu.memory_space<vmem>>
    %dma_start3A_106 = arith.constant 0 : i32
    %dma_start3A_107 = arith.constant 0 : i32
    %dma_start3A_108 = tpu.memref_slice %arg12[%dma_start3A_106, %dma_start3A_107] : memref<3072x128xf32, #tpu.memory_space<vmem_shared>> -> memref<3072x128xf32, #tpu.memory_space<vmem_shared>>
    tpu.enqueue_indirect_dma source(%arg11 : memref<128x128xf32, #tpu.memory_space<vmem>>) target(%dma_start3A_108 : memref<3072x128xf32, #tpu.memory_space<vmem_shared>>) offsets(%dma_start3A_105 : memref<128xi32, #tpu.memory_space<vmem>>) semaphore(%arg17 : memref<!tpu.dma_semaphore, #tpu.memory_space<semaphore_mem>>) {add = true}
    %dma_wait3A_109 = arith.constant 156 : i32
    %dma_wait3A_110 = arith.constant 0 : i32
    %dma_wait3A_111 = tpu.memref_slice %arg7[%dma_wait3A_109, %dma_wait3A_110] : memref<160x128xi32, #tpu.memory_space<vmem>> -> memref<1x128xi32, #tpu.memory_space<vmem>>
    %dma_wait3A_112 = tpu.memref_squeeze %dma_wait3A_111 : memref<1x128xi32, #tpu.memory_space<vmem>> -> memref<128xi32, #tpu.memory_space<vmem>>
    %dma_wait3A_113 = arith.constant 0 : i32
    %dma_wait3A_114 = arith.constant 0 : i32
    %dma_wait3A_115 = tpu.memref_slice %arg12[%dma_wait3A_113, %dma_wait3A_114] : memref<3072x128xf32, #tpu.memory_space<vmem_shared>> -> memref<3072x128xf32, #tpu.memory_space<vmem_shared>>
    tpu.wait_indirect_dma semaphore(%arg17 : memref<!tpu.dma_semaphore, #tpu.memory_space<semaphore_mem>>) src(%arg8 : memref<128x128xf32, #tpu.memory_space<vmem>>) dst(%dma_wait3A_115 : memref<3072x128xf32, #tpu.memory_space<vmem_shared>>)
    %dma_wait3A_116 = arith.constant 157 : i32
    %dma_wait3A_117 = arith.constant 0 : i32
    %dma_wait3A_118 = tpu.memref_slice %arg7[%dma_wait3A_116, %dma_wait3A_117] : memref<160x128xi32, #tpu.memory_space<vmem>> -> memref<1x128xi32, #tpu.memory_space<vmem>>
    %dma_wait3A_119 = tpu.memref_squeeze %dma_wait3A_118 : memref<1x128xi32, #tpu.memory_space<vmem>> -> memref<128xi32, #tpu.memory_space<vmem>>
    %dma_wait3A_120 = arith.constant 0 : i32
    %dma_wait3A_121 = arith.constant 0 : i32
    %dma_wait3A_122 = tpu.memref_slice %arg12[%dma_wait3A_120, %dma_wait3A_121] : memref<3072x128xf32, #tpu.memory_space<vmem_shared>> -> memref<3072x128xf32, #tpu.memory_space<vmem_shared>>
    tpu.wait_indirect_dma semaphore(%arg17 : memref<!tpu.dma_semaphore, #tpu.memory_space<semaphore_mem>>) src(%arg9 : memref<128x128xf32, #tpu.memory_space<vmem>>) dst(%dma_wait3A_122 : memref<3072x128xf32, #tpu.memory_space<vmem_shared>>)
    %dma_wait3A_123 = arith.constant 158 : i32
    %dma_wait3A_124 = arith.constant 0 : i32
    %dma_wait3A_125 = tpu.memref_slice %arg7[%dma_wait3A_123, %dma_wait3A_124] : memref<160x128xi32, #tpu.memory_space<vmem>> -> memref<1x128xi32, #tpu.memory_space<vmem>>
    %dma_wait3A_126 = tpu.memref_squeeze %dma_wait3A_125 : memref<1x128xi32, #tpu.memory_space<vmem>> -> memref<128xi32, #tpu.memory_space<vmem>>
    %dma_wait3A_127 = arith.constant 0 : i32
    %dma_wait3A_128 = arith.constant 0 : i32
    %dma_wait3A_129 = tpu.memref_slice %arg12[%dma_wait3A_127, %dma_wait3A_128] : memref<3072x128xf32, #tpu.memory_space<vmem_shared>> -> memref<3072x128xf32, #tpu.memory_space<vmem_shared>>
    tpu.wait_indirect_dma semaphore(%arg17 : memref<!tpu.dma_semaphore, #tpu.memory_space<semaphore_mem>>) src(%arg10 : memref<128x128xf32, #tpu.memory_space<vmem>>) dst(%dma_wait3A_129 : memref<3072x128xf32, #tpu.memory_space<vmem_shared>>)
    %dma_wait3A_130 = arith.constant 159 : i32
    %dma_wait3A_131 = arith.constant 0 : i32
    %dma_wait3A_132 = tpu.memref_slice %arg7[%dma_wait3A_130, %dma_wait3A_131] : memref<160x128xi32, #tpu.memory_space<vmem>> -> memref<1x128xi32, #tpu.memory_space<vmem>>
    %dma_wait3A_133 = tpu.memref_squeeze %dma_wait3A_132 : memref<1x128xi32, #tpu.memory_space<vmem>> -> memref<128xi32, #tpu.memory_space<vmem>>
    %dma_wait3A_134 = arith.constant 0 : i32
    %dma_wait3A_135 = arith.constant 0 : i32
    %dma_wait3A_136 = tpu.memref_slice %arg12[%dma_wait3A_134, %dma_wait3A_135] : memref<3072x128xf32, #tpu.memory_space<vmem_shared>> -> memref<3072x128xf32, #tpu.memory_space<vmem_shared>>
    tpu.wait_indirect_dma semaphore(%arg17 : memref<!tpu.dma_semaphore, #tpu.memory_space<semaphore_mem>>) src(%arg11 : memref<128x128xf32, #tpu.memory_space<vmem>>) dst(%dma_wait3A_136 : memref<3072x128xf32, #tpu.memory_space<vmem_shared>>)
    %barrier3A_137 = arith.constant 0 : index
    tpu.barrier barrier_id(%barrier3A_137)
    %mul3A_138 = arith.constant 3072 : i32
    %mul3A_139 = arith.muli %arg0, %mul3A_138 : i32
    %add3A_140 = arith.addi %mul3A_139, %mul3A_17 : i32
    %add3A_141 = arith.constant 0 : i32
    %add3A_142 = arith.addi %mul3A_17, %add3A_141 : i32
    %add3A_143 = arith.constant 0 : i32
    %add3A_144 = arith.addi %add3A_140, %add3A_143 : i32
    "tpu.region"() ({
      %run_scoped3A = tpu.sem_alloc : memref<!tpu.dma_semaphore, #tpu.memory_space<semaphore_mem>>
      %dma_start3A_149 = arith.constant 0 : i32
      %dma_start3A_150 = tpu.memref_slice %arg5[%add3A_144, %dma_start3A_149] : memref<6144x128xf32, #tpu.memory_space<hbm>> -> memref<128x128xf32, #tpu.memory_space<hbm>>
      %dma_start3A_151 = arith.constant 0 : i32
      %dma_start3A_152 = tpu.memref_slice %arg12[%add3A_142, %dma_start3A_151] : memref<3072x128xf32, #tpu.memory_space<vmem_shared>> -> memref<128x128xf32, #tpu.memory_space<vmem_shared>>
      tpu.enqueue_dma source(%dma_start3A_152 : memref<128x128xf32, #tpu.memory_space<vmem_shared>>) target(%dma_start3A_150 : memref<128x128xf32, #tpu.memory_space<hbm>>) target_semaphore(%run_scoped3A : memref<!tpu.dma_semaphore, #tpu.memory_space<semaphore_mem>>)
      %dma_wait3A_153 = arith.constant 0 : i32
      %dma_wait3A_154 = tpu.memref_slice %arg5[%add3A_144, %dma_wait3A_153] : memref<6144x128xf32, #tpu.memory_space<hbm>> -> memref<128x128xf32, #tpu.memory_space<hbm>>
      %dma_wait3A_155 = arith.constant 0 : i32
      %dma_wait3A_156 = tpu.memref_slice %arg12[%add3A_142, %dma_wait3A_155] : memref<3072x128xf32, #tpu.memory_space<vmem_shared>> -> memref<128x128xf32, #tpu.memory_space<vmem_shared>>
      tpu.wait_dma2 semaphore(%run_scoped3A : memref<!tpu.dma_semaphore, #tpu.memory_space<semaphore_mem>>) src(%dma_wait3A_156 : memref<128x128xf32, #tpu.memory_space<vmem_shared>>) dst(%dma_wait3A_154 : memref<128x128xf32, #tpu.memory_space<hbm>>)
      tpu.yield
    }) : () -> ()
    %add3A_145 = arith.constant 128 : i32
    %add3A_146 = arith.addi %mul3A_17, %add3A_145 : i32
    %add3A_147 = arith.constant 128 : i32
    %add3A_148 = arith.addi %add3A_140, %add3A_147 : i32
    "tpu.region"() ({
      %run_scoped3A = tpu.sem_alloc : memref<!tpu.dma_semaphore, #tpu.memory_space<semaphore_mem>>
      %dma_start3A_149 = arith.constant 0 : i32
      %dma_start3A_150 = tpu.memref_slice %arg5[%add3A_148, %dma_start3A_149] : memref<6144x128xf32, #tpu.memory_space<hbm>> -> memref<64x128xf32, #tpu.memory_space<hbm>>
      %dma_start3A_151 = arith.constant 0 : i32
      %dma_start3A_152 = tpu.memref_slice %arg12[%add3A_146, %dma_start3A_151] : memref<3072x128xf32, #tpu.memory_space<vmem_shared>> -> memref<64x128xf32, #tpu.memory_space<vmem_shared>>
      tpu.enqueue_dma source(%dma_start3A_152 : memref<64x128xf32, #tpu.memory_space<vmem_shared>>) target(%dma_start3A_150 : memref<64x128xf32, #tpu.memory_space<hbm>>) target_semaphore(%run_scoped3A : memref<!tpu.dma_semaphore, #tpu.memory_space<semaphore_mem>>)
      %dma_wait3A_153 = arith.constant 0 : i32
      %dma_wait3A_154 = tpu.memref_slice %arg5[%add3A_148, %dma_wait3A_153] : memref<6144x128xf32, #tpu.memory_space<hbm>> -> memref<64x128xf32, #tpu.memory_space<hbm>>
      %dma_wait3A_155 = arith.constant 0 : i32
      %dma_wait3A_156 = tpu.memref_slice %arg12[%add3A_146, %dma_wait3A_155] : memref<3072x128xf32, #tpu.memory_space<vmem_shared>> -> memref<64x128xf32, #tpu.memory_space<vmem_shared>>
      tpu.wait_dma2 semaphore(%run_scoped3A : memref<!tpu.dma_semaphore, #tpu.memory_space<semaphore_mem>>) src(%dma_wait3A_156 : memref<64x128xf32, #tpu.memory_space<vmem_shared>>) dst(%dma_wait3A_154 : memref<64x128xf32, #tpu.memory_space<hbm>>)
      tpu.yield
    }) : () -> ()
    return
  }
}

#map = affine_map<(d0, d1) -> (0, 0)>
module attributes {stable_mosaic.version = 14 : i64} {
  func.func @k(%arg0: i32, %arg1: i32, %arg2: memref<10000x128xf32, #tpu.memory_space<hbm>>, %arg3: memref<2560x128xi32, #tpu.memory_space<hbm>>, %arg4: memref<2560x128xi32, #tpu.memory_space<hbm>>, %arg5: memref<6144x128xf32, #tpu.memory_space<hbm>>, %arg6: memref<160x128xi32, #tpu.memory_space<vmem>>, %arg7: memref<160x128xi32, #tpu.memory_space<vmem>>, %arg8: memref<128x128xf32, #tpu.memory_space<vmem>>, %arg9: memref<128x128xf32, #tpu.memory_space<vmem>>, %arg10: memref<128x128xf32, #tpu.memory_space<vmem>>, %arg11: memref<128x128xf32, #tpu.memory_space<vmem>>, %arg12: memref<3072x128xf32, #tpu.memory_space<vmem_shared>>, %arg13: memref<!tpu.dma_semaphore, #tpu.memory_space<semaphore_mem>>, %arg14: memref<!tpu.dma_semaphore, #tpu.memory_space<semaphore_mem>>, %arg15: memref<!tpu.dma_semaphore, #tpu.memory_space<semaphore_mem>>, %arg16: memref<!tpu.dma_semaphore, #tpu.memory_space<semaphore_mem>>, %arg17: memref<!tpu.dma_semaphore, #tpu.memory_space<semaphore_mem>>) attributes {dimension_semantics = [#tpu.dimension_semantics<core_parallel>, #tpu.dimension_semantics<subcore_parallel>], iteration_bounds = array<i64: 2, 16>, scalar_prefetch = 0 : i64, scratch_operands = 12 : i64, tpu.core_type = #tpu.core_type<sc_vector_subcore>, window_params = [{transform_indices = #map}, {transform_indices = #map}, {transform_indices = #map}, {transform_indices = #map}]} {
    %mul3A = arith.constant 160 : i32
    %mul3A_0 = arith.muli %arg1, %mul3A : i32
    "tpu.region"() ({
      %run_scoped3A = tpu.sem_alloc : memref<!tpu.dma_semaphore, #tpu.memory_space<semaphore_mem>>
      %dma_start3A_149 = arith.constant 0 : i32
      %dma_start3A_150 = tpu.memref_slice %arg3[%mul3A_0, %dma_start3A_149] : memref<2560x128xi32, #tpu.memory_space<hbm>> -> memref<160x128xi32, #tpu.memory_space<hbm>>
      %dma_start3A_151 = arith.constant 0 : i32
      %dma_start3A_152 = tpu.memref_slice %arg3[%mul3A_0, %dma_start3A_151] : memref<2560x128xi32, #tpu.memory_space<hbm>> -> memref<160x128xi32, #tpu.memory_space<hbm>>
      tpu.enqueue_dma source(%dma_start3A_152 : memref<160x128xi32, #tpu.memory_space<hbm>>) target(%arg6 : memref<160x128xi32, #tpu.memory_space<vmem>>) target_semaphore(%run_scoped3A : memref<!tpu.dma_semaphore, #tpu.memory_space<semaphore_mem>>)
      %dma_wait3A_153 = arith.constant 0 : i32
      %dma_wait3A_154 = tpu.memref_slice %arg3[%mul3A_0, %dma_wait3A_153] : memref<2560x128xi32, #tpu.memory_space<hbm>> -> memref<160x128xi32, #tpu.memory_space<hbm>>
      %dma_wait3A_155 = arith.constant 0 : i32
      %dma_wait3A_156 = tpu.memref_slice %arg3[%mul3A_0, %dma_wait3A_155] : memref<2560x128xi32, #tpu.memory_space<hbm>> -> memref<160x128xi32, #tpu.memory_space<hbm>>
      tpu.wait_dma2 semaphore(%run_scoped3A : memref<!tpu.dma_semaphore, #tpu.memory_space<semaphore_mem>>) src(%dma_wait3A_156 : memref<160x128xi32, #tpu.memory_space<hbm>>) dst(%arg6 : memref<160x128xi32, #tpu.memory_space<vmem>>)
      tpu.yield
    }) : () -> ()
    %mul3A_1 = arith.constant 160 : i32
    %mul3A_2 = arith.muli %arg1, %mul3A_1 : i32
    "tpu.region"() ({
      %run_scoped3A = tpu.sem_alloc : memref<!tpu.dma_semaphore, #tpu.memory_space<semaphore_mem>>
      %dma_start3A_149 = arith.constant 0 : i32
      %dma_start3A_150 = tpu.memref_slice %arg4[%mul3A_2, %dma_start3A_149] : memref<2560x128xi32, #tpu.memory_space<hbm>> -> memref<160x128xi32, #tpu.memory_space<hbm>>
      %dma_start3A_151 = arith.constant 0 : i32
      %dma_start3A_152 = tpu.memref_slice %arg4[%mul3A_2, %dma_start3A_151] : memref<2560x128xi32, #tpu.memory_space<hbm>> -> memref<160x128xi32, #tpu.memory_space<hbm>>
      tpu.enqueue_dma source(%dma_start3A_152 : memref<160x128xi32, #tpu.memory_space<hbm>>) target(%arg7 : memref<160x128xi32, #tpu.memory_space<vmem>>) target_semaphore(%run_scoped3A : memref<!tpu.dma_semaphore, #tpu.memory_space<semaphore_mem>>)
      %dma_wait3A_153 = arith.constant 0 : i32
      %dma_wait3A_154 = tpu.memref_slice %arg4[%mul3A_2, %dma_wait3A_153] : memref<2560x128xi32, #tpu.memory_space<hbm>> -> memref<160x128xi32, #tpu.memory_space<hbm>>
      %dma_wait3A_155 = arith.constant 0 : i32
      %dma_wait3A_156 = tpu.memref_slice %arg4[%mul3A_2, %dma_wait3A_155] : memref<2560x128xi32, #tpu.memory_space<hbm>> -> memref<160x128xi32, #tpu.memory_space<hbm>>
      tpu.wait_dma2 semaphore(%run_scoped3A : memref<!tpu.dma_semaphore, #tpu.memory_space<semaphore_mem>>) src(%dma_wait3A_156 : memref<160x128xi32, #tpu.memory_space<hbm>>) dst(%arg7 : memref<160x128xi32, #tpu.memory_space<vmem>>)
      tpu.yield
    }) : () -> ()
    %mul3A_3 = arith.constant 2560 : i32
    %mul3A_4 = arith.muli %arg0, %mul3A_3 : i32
    %add3A = arith.constant 5120 : i32
    %add3A_5 = arith.addi %add3A, %mul3A_4 : i32
    %scan3A = arith.constant 0 : i32
    %scan3A_6 = arith.constant 160 : i32
    %scan3A_7 = arith.addi %scan3A, %scan3A_6 : i32
    %scan3A_8 = arith.constant 1 : i32
    scf.for %scan3A_149 = %scan3A to %scan3A_7 step %scan3A_8  : i32 {
      %mul3A_150 = arith.constant 1 : i32
      %mul3A_151 = arith.muli %scan3A_149, %mul3A_150 : i32
      %add3A_152 = arith.constant 0 : i32
      %add3A_153 = arith.addi %add3A_152, %mul3A_151 : i32
      %get3A = arith.index_cast %add3A_153 : i32 to index
      %get3A_154 = arith.constant 0 : index
      %get3A_155 = tpu.vector_load %arg7[%get3A, %get3A_154] {strides = array<i32>} : memref<160x128xi32, #tpu.memory_space<vmem>>, vector<1x16xi32>,
      %get3A_156 = vector.shape_cast %get3A_155 : vector<1x16xi32> to vector<16xi32>
      %sub3A = vector.broadcast %add3A_5 : i32 to vector<16xi32>
      %sub3A_157 = arith.subi %get3A_156, %sub3A : vector<16xi32>
      %ge3A = arith.constant 0 : i32
      %ge3A_158 = vector.broadcast %ge3A : i32 to vector<16xi32>
      %ge3A_159 = arith.cmpi sge, %sub3A_157, %ge3A_158 : vector<16xi32>
      %lt3A = arith.constant 2560 : i32
      %lt3A_160 = vector.broadcast %lt3A : i32 to vector<16xi32>
      %lt3A_161 = arith.cmpi slt, %sub3A_157, %lt3A_160 : vector<16xi32>
      %and3A = arith.andi %ge3A_159, %lt3A_161 : vector<16xi1>
      %and3A_162 = arith.constant 511 : i32
      %and3A_163 = vector.broadcast %and3A_162 : i32 to vector<16xi32>
      %and3A_164 = arith.andi %get3A_156, %and3A_163 : vector<16xi32>
      %add3A_165 = arith.constant 2560 : i32
      %add3A_166 = vector.broadcast %add3A_165 : i32 to vector<16xi32>
      %add3A_167 = arith.addi %add3A_166, %and3A_164 : vector<16xi32>
      %select_n3A = arith.select %and3A, %sub3A_157, %add3A_167 : vector<16xi1>, vector<16xi32>
      %swap3A = arith.index_cast %add3A_153 : i32 to index
      %swap3A_168 = arith.constant 0 : index
      %swap3A_169 = tpu.vector_load %arg7[%swap3A, %swap3A_168] {strides = array<i32>} : memref<160x128xi32, #tpu.memory_space<vmem>>, vector<1x16xi32>,
      %swap3A_170 = vector.shape_cast %swap3A_169 : vector<1x16xi32> to vector<16xi32>
      %swap3A_171 = vector.shape_cast %select_n3A : vector<16xi32> to vector<1x16xi32>
      tpu.vector_store %arg7[%swap3A, %swap3A_168], %swap3A_171 {strides = array<i32>} : memref<160x128xi32, #tpu.memory_space<vmem>>, vector<1x16xi32>,
      %get3A_172 = arith.index_cast %add3A_153 : i32 to index
      %get3A_173 = arith.constant 16 : index
      %get3A_174 = tpu.vector_load %arg7[%get3A_172, %get3A_173] {strides = array<i32>} : memref<160x128xi32, #tpu.memory_space<vmem>>, vector<1x16xi32>,
      %get3A_175 = vector.shape_cast %get3A_174 : vector<1x16xi32> to vector<16xi32>
      %sub3A_176 = vector.broadcast %add3A_5 : i32 to vector<16xi32>
      %sub3A_177 = arith.subi %get3A_175, %sub3A_176 : vector<16xi32>
      %ge3A_178 = arith.constant 0 : i32
      %ge3A_179 = vector.broadcast %ge3A_178 : i32 to vector<16xi32>
      %ge3A_180 = arith.cmpi sge, %sub3A_177, %ge3A_179 : vector<16xi32>
      %lt3A_181 = arith.constant 2560 : i32
      %lt3A_182 = vector.broadcast %lt3A_181 : i32 to vector<16xi32>
      %lt3A_183 = arith.cmpi slt, %sub3A_177, %lt3A_182 : vector<16xi32>
      %and3A_184 = arith.andi %ge3A_180, %lt3A_183 : vector<16xi1>
      %and3A_185 = arith.constant 511 : i32
      %and3A_186 = vector.broadcast %and3A_185 : i32 to vector<16xi32>
      %and3A_187 = arith.andi %get3A_175, %and3A_186 : vector<16xi32>
      %add3A_188 = arith.constant 2560 : i32
      %add3A_189 = vector.broadcast %add3A_188 : i32 to vector<16xi32>
      %add3A_190 = arith.addi %add3A_189, %and3A_187 : vector<16xi32>
      %select_n3A_191 = arith.select %and3A_184, %sub3A_177, %add3A_190 : vector<16xi1>, vector<16xi32>
      %swap3A_192 = arith.index_cast %add3A_153 : i32 to index
      %swap3A_193 = arith.constant 16 : index
      %swap3A_194 = tpu.vector_load %arg7[%swap3A_192, %swap3A_193] {strides = array<i32>} : memref<160x128xi32, #tpu.memory_space<vmem>>, vector<1x16xi32>,
      %swap3A_195 = vector.shape_cast %swap3A_194 : vector<1x16xi32> to vector<16xi32>
      %swap3A_196 = vector.shape_cast %select_n3A_191 : vector<16xi32> to vector<1x16xi32>
      tpu.vector_store %arg7[%swap3A_192, %swap3A_193], %swap3A_196 {strides = array<i32>} : memref<160x128xi32, #tpu.memory_space<vmem>>, vector<1x16xi32>,
      %get3A_197 = arith.index_cast %add3A_153 : i32 to index
      %get3A_198 = arith.constant 32 : index
      %get3A_199 = tpu.vector_load %arg7[%get3A_197, %get3A_198] {strides = array<i32>} : memref<160x128xi32, #tpu.memory_space<vmem>>, vector<1x16xi32>,
      %get3A_200 = vector.shape_cast %get3A_199 : vector<1x16xi32> to vector<16xi32>
      %sub3A_201 = vector.broadcast %add3A_5 : i32 to vector<16xi32>
      %sub3A_202 = arith.subi %get3A_200, %sub3A_201 : vector<16xi32>
      %ge3A_203 = arith.constant 0 : i32
      %ge3A_204 = vector.broadcast %ge3A_203 : i32 to vector<16xi32>
      %ge3A_205 = arith.cmpi sge, %sub3A_202, %ge3A_204 : vector<16xi32>
      %lt3A_206 = arith.constant 2560 : i32
      %lt3A_207 = vector.broadcast %lt3A_206 : i32 to vector<16xi32>
      %lt3A_208 = arith.cmpi slt, %sub3A_202, %lt3A_207 : vector<16xi32>
      %and3A_209 = arith.andi %ge3A_205, %lt3A_208 : vector<16xi1>
      %and3A_210 = arith.constant 511 : i32
      %and3A_211 = vector.broadcast %and3A_210 : i32 to vector<16xi32>
      %and3A_212 = arith.andi %get3A_200, %and3A_211 : vector<16xi32>
      %add3A_213 = arith.constant 2560 : i32
      %add3A_214 = vector.broadcast %add3A_213 : i32 to vector<16xi32>
      %add3A_215 = arith.addi %add3A_214, %and3A_212 : vector<16xi32>
      %select_n3A_216 = arith.select %and3A_209, %sub3A_202, %add3A_215 : vector<16xi1>, vector<16xi32>
      %swap3A_217 = arith.index_cast %add3A_153 : i32 to index
      %swap3A_218 = arith.constant 32 : index
      %swap3A_219 = tpu.vector_load %arg7[%swap3A_217, %swap3A_218] {strides = array<i32>} : memref<160x128xi32, #tpu.memory_space<vmem>>, vector<1x16xi32>,
      %swap3A_220 = vector.shape_cast %swap3A_219 : vector<1x16xi32> to vector<16xi32>
      %swap3A_221 = vector.shape_cast %select_n3A_216 : vector<16xi32> to vector<1x16xi32>
      tpu.vector_store %arg7[%swap3A_217, %swap3A_218], %swap3A_221 {strides = array<i32>} : memref<160x128xi32, #tpu.memory_space<vmem>>, vector<1x16xi32>,
      %get3A_222 = arith.index_cast %add3A_153 : i32 to index
      %get3A_223 = arith.constant 48 : index
      %get3A_224 = tpu.vector_load %arg7[%get3A_222, %get3A_223] {strides = array<i32>} : memref<160x128xi32, #tpu.memory_space<vmem>>, vector<1x16xi32>,
      %get3A_225 = vector.shape_cast %get3A_224 : vector<1x16xi32> to vector<16xi32>
      %sub3A_226 = vector.broadcast %add3A_5 : i32 to vector<16xi32>
      %sub3A_227 = arith.subi %get3A_225, %sub3A_226 : vector<16xi32>
      %ge3A_228 = arith.constant 0 : i32
      %ge3A_229 = vector.broadcast %ge3A_228 : i32 to vector<16xi32>
      %ge3A_230 = arith.cmpi sge, %sub3A_227, %ge3A_229 : vector<16xi32>
      %lt3A_231 = arith.constant 2560 : i32
      %lt3A_232 = vector.broadcast %lt3A_231 : i32 to vector<16xi32>
      %lt3A_233 = arith.cmpi slt, %sub3A_227, %lt3A_232 : vector<16xi32>
      %and3A_234 = arith.andi %ge3A_230, %lt3A_233 : vector<16xi1>
      %and3A_235 = arith.constant 511 : i32
      %and3A_236 = vector.broadcast %and3A_235 : i32 to vector<16xi32>
      %and3A_237 = arith.andi %get3A_225, %and3A_236 : vector<16xi32>
      %add3A_238 = arith.constant 2560 : i32
      %add3A_239 = vector.broadcast %add3A_238 : i32 to vector<16xi32>
      %add3A_240 = arith.addi %add3A_239, %and3A_237 : vector<16xi32>
      %select_n3A_241 = arith.select %and3A_234, %sub3A_227, %add3A_240 : vector<16xi1>, vector<16xi32>
      %swap3A_242 = arith.index_cast %add3A_153 : i32 to index
      %swap3A_243 = arith.constant 48 : index
      %swap3A_244 = tpu.vector_load %arg7[%swap3A_242, %swap3A_243] {strides = array<i32>} : memref<160x128xi32, #tpu.memory_space<vmem>>, vector<1x16xi32>,
      %swap3A_245 = vector.shape_cast %swap3A_244 : vector<1x16xi32> to vector<16xi32>
      %swap3A_246 = vector.shape_cast %select_n3A_241 : vector<16xi32> to vector<1x16xi32>
      tpu.vector_store %arg7[%swap3A_242, %swap3A_243], %swap3A_246 {strides = array<i32>} : memref<160x128xi32, #tpu.memory_space<vmem>>, vector<1x16xi32>,
      %get3A_247 = arith.index_cast %add3A_153 : i32 to index
      %get3A_248 = arith.constant 64 : index
      %get3A_249 = tpu.vector_load %arg7[%get3A_247, %get3A_248] {strides = array<i32>} : memref<160x128xi32, #tpu.memory_space<vmem>>, vector<1x16xi32>,
      %get3A_250 = vector.shape_cast %get3A_249 : vector<1x16xi32> to vector<16xi32>
      %sub3A_251 = vector.broadcast %add3A_5 : i32 to vector<16xi32>
      %sub3A_252 = arith.subi %get3A_250, %sub3A_251 : vector<16xi32>
      %ge3A_253 = arith.constant 0 : i32
      %ge3A_254 = vector.broadcast %ge3A_253 : i32 to vector<16xi32>
      %ge3A_255 = arith.cmpi sge, %sub3A_252, %ge3A_254 : vector<16xi32>
      %lt3A_256 = arith.constant 2560 : i32
      %lt3A_257 = vector.broadcast %lt3A_256 : i32 to vector<16xi32>
      %lt3A_258 = arith.cmpi slt, %sub3A_252, %lt3A_257 : vector<16xi32>
      %and3A_259 = arith.andi %ge3A_255, %lt3A_258 : vector<16xi1>
      %and3A_260 = arith.constant 511 : i32
      %and3A_261 = vector.broadcast %and3A_260 : i32 to vector<16xi32>
      %and3A_262 = arith.andi %get3A_250, %and3A_261 : vector<16xi32>
      %add3A_263 = arith.constant 2560 : i32
      %add3A_264 = vector.broadcast %add3A_263 : i32 to vector<16xi32>
      %add3A_265 = arith.addi %add3A_264, %and3A_262 : vector<16xi32>
      %select_n3A_266 = arith.select %and3A_259, %sub3A_252, %add3A_265 : vector<16xi1>, vector<16xi32>
      %swap3A_267 = arith.index_cast %add3A_153 : i32 to index
      %swap3A_268 = arith.constant 64 : index
      %swap3A_269 = tpu.vector_load %arg7[%swap3A_267, %swap3A_268] {strides = array<i32>} : memref<160x128xi32, #tpu.memory_space<vmem>>, vector<1x16xi32>,
      %swap3A_270 = vector.shape_cast %swap3A_269 : vector<1x16xi32> to vector<16xi32>
      %swap3A_271 = vector.shape_cast %select_n3A_266 : vector<16xi32> to vector<1x16xi32>
      tpu.vector_store %arg7[%swap3A_267, %swap3A_268], %swap3A_271 {strides = array<i32>} : memref<160x128xi32, #tpu.memory_space<vmem>>, vector<1x16xi32>,
      %get3A_272 = arith.index_cast %add3A_153 : i32 to index
      %get3A_273 = arith.constant 80 : index
      %get3A_274 = tpu.vector_load %arg7[%get3A_272, %get3A_273] {strides = array<i32>} : memref<160x128xi32, #tpu.memory_space<vmem>>, vector<1x16xi32>,
      %get3A_275 = vector.shape_cast %get3A_274 : vector<1x16xi32> to vector<16xi32>
      %sub3A_276 = vector.broadcast %add3A_5 : i32 to vector<16xi32>
      %sub3A_277 = arith.subi %get3A_275, %sub3A_276 : vector<16xi32>
      %ge3A_278 = arith.constant 0 : i32
      %ge3A_279 = vector.broadcast %ge3A_278 : i32 to vector<16xi32>
      %ge3A_280 = arith.cmpi sge, %sub3A_277, %ge3A_279 : vector<16xi32>
      %lt3A_281 = arith.constant 2560 : i32
      %lt3A_282 = vector.broadcast %lt3A_281 : i32 to vector<16xi32>
      %lt3A_283 = arith.cmpi slt, %sub3A_277, %lt3A_282 : vector<16xi32>
      %and3A_284 = arith.andi %ge3A_280, %lt3A_283 : vector<16xi1>
      %and3A_285 = arith.constant 511 : i32
      %and3A_286 = vector.broadcast %and3A_285 : i32 to vector<16xi32>
      %and3A_287 = arith.andi %get3A_275, %and3A_286 : vector<16xi32>
      %add3A_288 = arith.constant 2560 : i32
      %add3A_289 = vector.broadcast %add3A_288 : i32 to vector<16xi32>
      %add3A_290 = arith.addi %add3A_289, %and3A_287 : vector<16xi32>
      %select_n3A_291 = arith.select %and3A_284, %sub3A_277, %add3A_290 : vector<16xi1>, vector<16xi32>
      %swap3A_292 = arith.index_cast %add3A_153 : i32 to index
      %swap3A_293 = arith.constant 80 : index
      %swap3A_294 = tpu.vector_load %arg7[%swap3A_292, %swap3A_293] {strides = array<i32>} : memref<160x128xi32, #tpu.memory_space<vmem>>, vector<1x16xi32>,
      %swap3A_295 = vector.shape_cast %swap3A_294 : vector<1x16xi32> to vector<16xi32>
      %swap3A_296 = vector.shape_cast %select_n3A_291 : vector<16xi32> to vector<1x16xi32>
      tpu.vector_store %arg7[%swap3A_292, %swap3A_293], %swap3A_296 {strides = array<i32>} : memref<160x128xi32, #tpu.memory_space<vmem>>, vector<1x16xi32>,
      %get3A_297 = arith.index_cast %add3A_153 : i32 to index
      %get3A_298 = arith.constant 96 : index
      %get3A_299 = tpu.vector_load %arg7[%get3A_297, %get3A_298] {strides = array<i32>} : memref<160x128xi32, #tpu.memory_space<vmem>>, vector<1x16xi32>,
      %get3A_300 = vector.shape_cast %get3A_299 : vector<1x16xi32> to vector<16xi32>
      %sub3A_301 = vector.broadcast %add3A_5 : i32 to vector<16xi32>
      %sub3A_302 = arith.subi %get3A_300, %sub3A_301 : vector<16xi32>
      %ge3A_303 = arith.constant 0 : i32
      %ge3A_304 = vector.broadcast %ge3A_303 : i32 to vector<16xi32>
      %ge3A_305 = arith.cmpi sge, %sub3A_302, %ge3A_304 : vector<16xi32>
      %lt3A_306 = arith.constant 2560 : i32
      %lt3A_307 = vector.broadcast %lt3A_306 : i32 to vector<16xi32>
      %lt3A_308 = arith.cmpi slt, %sub3A_302, %lt3A_307 : vector<16xi32>
      %and3A_309 = arith.andi %ge3A_305, %lt3A_308 : vector<16xi1>
      %and3A_310 = arith.constant 511 : i32
      %and3A_311 = vector.broadcast %and3A_310 : i32 to vector<16xi32>
      %and3A_312 = arith.andi %get3A_300, %and3A_311 : vector<16xi32>
      %add3A_313 = arith.constant 2560 : i32
      %add3A_314 = vector.broadcast %add3A_313 : i32 to vector<16xi32>
      %add3A_315 = arith.addi %add3A_314, %and3A_312 : vector<16xi32>
      %select_n3A_316 = arith.select %and3A_309, %sub3A_302, %add3A_315 : vector<16xi1>, vector<16xi32>
      %swap3A_317 = arith.index_cast %add3A_153 : i32 to index
      %swap3A_318 = arith.constant 96 : index
      %swap3A_319 = tpu.vector_load %arg7[%swap3A_317, %swap3A_318] {strides = array<i32>} : memref<160x128xi32, #tpu.memory_space<vmem>>, vector<1x16xi32>,
      %swap3A_320 = vector.shape_cast %swap3A_319 : vector<1x16xi32> to vector<16xi32>
      %swap3A_321 = vector.shape_cast %select_n3A_316 : vector<16xi32> to vector<1x16xi32>
      tpu.vector_store %arg7[%swap3A_317, %swap3A_318], %swap3A_321 {strides = array<i32>} : memref<160x128xi32, #tpu.memory_space<vmem>>, vector<1x16xi32>,
      %get3A_322 = arith.index_cast %add3A_153 : i32 to index
      %get3A_323 = arith.constant 112 : index
      %get3A_324 = tpu.vector_load %arg7[%get3A_322, %get3A_323] {strides = array<i32>} : memref<160x128xi32, #tpu.memory_space<vmem>>, vector<1x16xi32>,
      %get3A_325 = vector.shape_cast %get3A_324 : vector<1x16xi32> to vector<16xi32>
      %sub3A_326 = vector.broadcast %add3A_5 : i32 to vector<16xi32>
      %sub3A_327 = arith.subi %get3A_325, %sub3A_326 : vector<16xi32>
      %ge3A_328 = arith.constant 0 : i32
      %ge3A_329 = vector.broadcast %ge3A_328 : i32 to vector<16xi32>
      %ge3A_330 = arith.cmpi sge, %sub3A_327, %ge3A_329 : vector<16xi32>
      %lt3A_331 = arith.constant 2560 : i32
      %lt3A_332 = vector.broadcast %lt3A_331 : i32 to vector<16xi32>
      %lt3A_333 = arith.cmpi slt, %sub3A_327, %lt3A_332 : vector<16xi32>
      %and3A_334 = arith.andi %ge3A_330, %lt3A_333 : vector<16xi1>
      %and3A_335 = arith.constant 511 : i32
      %and3A_336 = vector.broadcast %and3A_335 : i32 to vector<16xi32>
      %and3A_337 = arith.andi %get3A_325, %and3A_336 : vector<16xi32>
      %add3A_338 = arith.constant 2560 : i32
      %add3A_339 = vector.broadcast %add3A_338 : i32 to vector<16xi32>
      %add3A_340 = arith.addi %add3A_339, %and3A_337 : vector<16xi32>
      %select_n3A_341 = arith.select %and3A_334, %sub3A_327, %add3A_340 : vector<16xi1>, vector<16xi32>
      %swap3A_342 = arith.index_cast %add3A_153 : i32 to index
      %swap3A_343 = arith.constant 112 : index
      %swap3A_344 = tpu.vector_load %arg7[%swap3A_342, %swap3A_343] {strides = array<i32>} : memref<160x128xi32, #tpu.memory_space<vmem>>, vector<1x16xi32>,
      %swap3A_345 = vector.shape_cast %swap3A_344 : vector<1x16xi32> to vector<16xi32>
      %swap3A_346 = vector.shape_cast %select_n3A_341 : vector<16xi32> to vector<1x16xi32>
      tpu.vector_store %arg7[%swap3A_342, %swap3A_343], %swap3A_346 {strides = array<i32>} : memref<160x128xi32, #tpu.memory_space<vmem>>, vector<1x16xi32>,
    }
    %scan3A_9 = arith.constant 160 : i32
    %broadcast_in_dim3A = arith.constant 0.000000e+00 : f32
    %broadcast_in_dim3A_10 = vector.broadcast %broadcast_in_dim3A : f32 to vector<16xf32>
    %scan3A_11 = arith.constant 0 : i32
    %scan3A_12 = arith.constant 128 : i32
    %scan3A_13 = arith.addi %scan3A_11, %scan3A_12 : i32
    %scan3A_14 = arith.constant 1 : i32
    scf.for %scan3A_149 = %scan3A_11 to %scan3A_13 step %scan3A_14  : i32 {
      %mul3A_150 = arith.constant 1 : i32
      %mul3A_151 = arith.muli %scan3A_149, %mul3A_150 : i32
      %add3A_152 = arith.constant 0 : i32
      %add3A_153 = arith.addi %add3A_152, %mul3A_151 : i32
      %swap3A = arith.index_cast %add3A_153 : i32 to index
      %swap3A_154 = arith.constant 0 : index
      %swap3A_155 = tpu.vector_load %arg8[%swap3A, %swap3A_154] {strides = array<i32>} : memref<128x128xf32, #tpu.memory_space<vmem>>, vector<1x16xf32>,
      %swap3A_156 = vector.shape_cast %swap3A_155 : vector<1x16xf32> to vector<16xf32>
      %swap3A_157 = vector.shape_cast %broadcast_in_dim3A_10 : vector<16xf32> to vector<1x16xf32>
      tpu.vector_store %arg8[%swap3A, %swap3A_154], %swap3A_157 {strides = array<i32>} : memref<128x128xf32, #tpu.memory_space<vmem>>, vector<1x16xf32>,
      %swap3A_158 = arith.index_cast %add3A_153 : i32 to index
      %swap3A_159 = arith.constant 16 : index
      %swap3A_160 = tpu.vector_load %arg8[%swap3A_158, %swap3A_159] {strides = array<i32>} : memref<128x128xf32, #tpu.memory_space<vmem>>, vector<1x16xf32>,
      %swap3A_161 = vector.shape_cast %swap3A_160 : vector<1x16xf32> to vector<16xf32>
      %swap3A_162 = vector.shape_cast %broadcast_in_dim3A_10 : vector<16xf32> to vector<1x16xf32>
      tpu.vector_store %arg8[%swap3A_158, %swap3A_159], %swap3A_162 {strides = array<i32>} : memref<128x128xf32, #tpu.memory_space<vmem>>, vector<1x16xf32>,
      %swap3A_163 = arith.index_cast %add3A_153 : i32 to index
      %swap3A_164 = arith.constant 32 : index
      %swap3A_165 = tpu.vector_load %arg8[%swap3A_163, %swap3A_164] {strides = array<i32>} : memref<128x128xf32, #tpu.memory_space<vmem>>, vector<1x16xf32>,
      %swap3A_166 = vector.shape_cast %swap3A_165 : vector<1x16xf32> to vector<16xf32>
      %swap3A_167 = vector.shape_cast %broadcast_in_dim3A_10 : vector<16xf32> to vector<1x16xf32>
      tpu.vector_store %arg8[%swap3A_163, %swap3A_164], %swap3A_167 {strides = array<i32>} : memref<128x128xf32, #tpu.memory_space<vmem>>, vector<1x16xf32>,
      %swap3A_168 = arith.index_cast %add3A_153 : i32 to index
      %swap3A_169 = arith.constant 48 : index
      %swap3A_170 = tpu.vector_load %arg8[%swap3A_168, %swap3A_169] {strides = array<i32>} : memref<128x128xf32, #tpu.memory_space<vmem>>, vector<1x16xf32>,
      %swap3A_171 = vector.shape_cast %swap3A_170 : vector<1x16xf32> to vector<16xf32>
      %swap3A_172 = vector.shape_cast %broadcast_in_dim3A_10 : vector<16xf32> to vector<1x16xf32>
      tpu.vector_store %arg8[%swap3A_168, %swap3A_169], %swap3A_172 {strides = array<i32>} : memref<128x128xf32, #tpu.memory_space<vmem>>, vector<1x16xf32>,
      %swap3A_173 = arith.index_cast %add3A_153 : i32 to index
      %swap3A_174 = arith.constant 64 : index
      %swap3A_175 = tpu.vector_load %arg8[%swap3A_173, %swap3A_174] {strides = array<i32>} : memref<128x128xf32, #tpu.memory_space<vmem>>, vector<1x16xf32>,
      %swap3A_176 = vector.shape_cast %swap3A_175 : vector<1x16xf32> to vector<16xf32>
      %swap3A_177 = vector.shape_cast %broadcast_in_dim3A_10 : vector<16xf32> to vector<1x16xf32>
      tpu.vector_store %arg8[%swap3A_173, %swap3A_174], %swap3A_177 {strides = array<i32>} : memref<128x128xf32, #tpu.memory_space<vmem>>, vector<1x16xf32>,
      %swap3A_178 = arith.index_cast %add3A_153 : i32 to index
      %swap3A_179 = arith.constant 80 : index
      %swap3A_180 = tpu.vector_load %arg8[%swap3A_178, %swap3A_179] {strides = array<i32>} : memref<128x128xf32, #tpu.memory_space<vmem>>, vector<1x16xf32>,
      %swap3A_181 = vector.shape_cast %swap3A_180 : vector<1x16xf32> to vector<16xf32>
      %swap3A_182 = vector.shape_cast %broadcast_in_dim3A_10 : vector<16xf32> to vector<1x16xf32>
      tpu.vector_store %arg8[%swap3A_178, %swap3A_179], %swap3A_182 {strides = array<i32>} : memref<128x128xf32, #tpu.memory_space<vmem>>, vector<1x16xf32>,
      %swap3A_183 = arith.index_cast %add3A_153 : i32 to index
      %swap3A_184 = arith.constant 96 : index
      %swap3A_185 = tpu.vector_load %arg8[%swap3A_183, %swap3A_184] {strides = array<i32>} : memref<128x128xf32, #tpu.memory_space<vmem>>, vector<1x16xf32>,
      %swap3A_186 = vector.shape_cast %swap3A_185 : vector<1x16xf32> to vector<16xf32>
      %swap3A_187 = vector.shape_cast %broadcast_in_dim3A_10 : vector<16xf32> to vector<1x16xf32>
      tpu.vector_store %arg8[%swap3A_183, %swap3A_184], %swap3A_187 {strides = array<i32>} : memref<128x128xf32, #tpu.memory_space<vmem>>, vector<1x16xf32>,
      %swap3A_188 = arith.index_cast %add3A_153 : i32 to index
      %swap3A_189 = arith.constant 112 : index
      %swap3A_190 = tpu.vector_load %arg8[%swap3A_188, %swap3A_189] {strides = array<i32>} : memref<128x128xf32, #tpu.memory_space<vmem>>, vector<1x16xf32>,
      %swap3A_191 = vector.shape_cast %swap3A_190 : vector<1x16xf32> to vector<16xf32>
      %swap3A_192 = vector.shape_cast %broadcast_in_dim3A_10 : vector<16xf32> to vector<1x16xf32>
      tpu.vector_store %arg8[%swap3A_188, %swap3A_189], %swap3A_192 {strides = array<i32>} : memref<128x128xf32, #tpu.memory_space<vmem>>, vector<1x16xf32>,
    }
    %scan3A_15 = arith.constant 128 : i32
    %mul3A_16 = arith.constant 192 : i32
    %mul3A_17 = arith.muli %arg1, %mul3A_16 : i32
    %add3A_18 = arith.constant 0 : i32
    %add3A_19 = arith.addi %mul3A_17, %add3A_18 : i32
    "tpu.region"() ({
      %run_scoped3A = tpu.sem_alloc : memref<!tpu.dma_semaphore, #tpu.memory_space<semaphore_mem>>
      %dma_start3A_149 = arith.constant 0 : i32
      %dma_start3A_150 = tpu.memref_slice %arg12[%add3A_19, %dma_start3A_149] : memref<3072x128xf32, #tpu.memory_space<vmem_shared>> -> memref<128x128xf32, #tpu.memory_space<vmem_shared>>
      %dma_start3A_151 = arith.constant 0 : i32
      %dma_start3A_152 = tpu.memref_slice %arg12[%add3A_19, %dma_start3A_151] : memref<3072x128xf32, #tpu.memory_space<vmem_shared>> -> memref<128x128xf32, #tpu.memory_space<vmem_shared>>
      tpu.enqueue_dma source(%arg8 : memref<128x128xf32, #tpu.memory_space<vmem>>) target(%dma_start3A_152 : memref<128x128xf32, #tpu.memory_space<vmem_shared>>) target_semaphore(%run_scoped3A : memref<!tpu.dma_semaphore, #tpu.memory_space<semaphore_mem>>)
      %dma_wait3A_153 = arith.constant 0 : i32
      %dma_wait3A_154 = tpu.memref_slice %arg12[%add3A_19, %dma_wait3A_153] : memref<3072x128xf32, #tpu.memory_space<vmem_shared>> -> memref<128x128xf32, #tpu.memory_space<vmem_shared>>
      %dma_wait3A_155 = arith.constant 0 : i32
      %dma_wait3A_156 = tpu.memref_slice %arg12[%add3A_19, %dma_wait3A_155] : memref<3072x128xf32, #tpu.memory_space<vmem_shared>> -> memref<128x128xf32, #tpu.memory_space<vmem_shared>>
      tpu.wait_dma2 semaphore(%run_scoped3A : memref<!tpu.dma_semaphore, #tpu.memory_space<semaphore_mem>>) src(%arg8 : memref<128x128xf32, #tpu.memory_space<vmem>>) dst(%dma_wait3A_156 : memref<128x128xf32, #tpu.memory_space<vmem_shared>>)
      tpu.yield
    }) : () -> ()
    %add3A_20 = arith.constant 128 : i32
    %add3A_21 = arith.addi %mul3A_17, %add3A_20 : i32
    "tpu.region"() ({
      %run_scoped3A = tpu.sem_alloc : memref<!tpu.dma_semaphore, #tpu.memory_space<semaphore_mem>>
      %dma_start3A_149 = arith.constant 0 : i32
      %dma_start3A_150 = arith.constant 0 : i32
      %dma_start3A_151 = tpu.memref_slice %arg8[%dma_start3A_149, %dma_start3A_150] : memref<128x128xf32, #tpu.memory_space<vmem>> -> memref<64x128xf32, #tpu.memory_space<vmem>>
      %dma_start3A_152 = arith.constant 0 : i32
      %dma_start3A_153 = tpu.memref_slice %arg12[%add3A_21, %dma_start3A_152] : memref<3072x128xf32, #tpu.memory_space<vmem_shared>> -> memref<64x128xf32, #tpu.memory_space<vmem_shared>>
      %dma_start3A_154 = arith.constant 0 : i32
      %dma_start3A_155 = tpu.memref_slice %arg12[%add3A_21, %dma_start3A_154] : memref<3072x128xf32, #tpu.memory_space<vmem_shared>> -> memref<64x128xf32, #tpu.memory_space<vmem_shared>>
      %dma_start3A_156 = arith.constant 0 : i32
      %dma_start3A_157 = arith.constant 0 : i32
      %dma_start3A_158 = tpu.memref_slice %arg8[%dma_start3A_156, %dma_start3A_157] : memref<128x128xf32, #tpu.memory_space<vmem>> -> memref<64x128xf32, #tpu.memory_space<vmem>>
      tpu.enqueue_dma source(%dma_start3A_158 : memref<64x128xf32, #tpu.memory_space<vmem>>) target(%dma_start3A_155 : memref<64x128xf32, #tpu.memory_space<vmem_shared>>) target_semaphore(%run_scoped3A : memref<!tpu.dma_semaphore, #tpu.memory_space<semaphore_mem>>)
      %dma_wait3A_159 = arith.constant 0 : i32
      %dma_wait3A_160 = arith.constant 0 : i32
      %dma_wait3A_161 = tpu.memref_slice %arg8[%dma_wait3A_159, %dma_wait3A_160] : memref<128x128xf32, #tpu.memory_space<vmem>> -> memref<64x128xf32, #tpu.memory_space<vmem>>
      %dma_wait3A_162 = arith.constant 0 : i32
      %dma_wait3A_163 = tpu.memref_slice %arg12[%add3A_21, %dma_wait3A_162] : memref<3072x128xf32, #tpu.memory_space<vmem_shared>> -> memref<64x128xf32, #tpu.memory_space<vmem_shared>>
      %dma_wait3A_164 = arith.constant 0 : i32
      %dma_wait3A_165 = tpu.memref_slice %arg12[%add3A_21, %dma_wait3A_164] : memref<3072x128xf32, #tpu.memory_space<vmem_shared>> -> memref<64x128xf32, #tpu.memory_space<vmem_shared>>
      %dma_wait3A_166 = arith.constant 0 : i32
      %dma_wait3A_167 = arith.constant 0 : i32
      %dma_wait3A_168 = tpu.memref_slice %arg8[%dma_wait3A_166, %dma_wait3A_167] : memref<128x128xf32, #tpu.memory_space<vmem>> -> memref<64x128xf32, #tpu.memory_space<vmem>>
      tpu.wait_dma2 semaphore(%run_scoped3A : memref<!tpu.dma_semaphore, #tpu.memory_space<semaphore_mem>>) src(%dma_wait3A_168 : memref<64x128xf32, #tpu.memory_space<vmem>>) dst(%dma_wait3A_165 : memref<64x128xf32, #tpu.memory_space<vmem_shared>>)
      tpu.yield
    }) : () -> ()
    %barrier3A = arith.constant 0 : index
    tpu.barrier barrier_id(%barrier3A)
    %dma_start3A = arith.constant 0 : i32
    %dma_start3A_22 = arith.constant 0 : i32
    %dma_start3A_23 = tpu.memref_slice %arg6[%dma_start3A, %dma_start3A_22] : memref<160x128xi32, #tpu.memory_space<vmem>> -> memref<1x128xi32, #tpu.memory_space<vmem>>
    %dma_start3A_24 = tpu.memref_squeeze %dma_start3A_23 : memref<1x128xi32, #tpu.memory_space<vmem>> -> memref<128xi32, #tpu.memory_space<vmem>>
    %dma_start3A_25 = arith.constant 0 : i32
    %dma_start3A_26 = arith.constant 0 : i32
    %dma_start3A_27 = tpu.memref_slice %arg2[%dma_start3A_25, %dma_start3A_26] : memref<10000x128xf32, #tpu.memory_space<hbm>> -> memref<10000x128xf32, #tpu.memory_space<hbm>>
    tpu.enqueue_indirect_dma source(%dma_start3A_27 : memref<10000x128xf32, #tpu.memory_space<hbm>>) target(%arg8 : memref<128x128xf32, #tpu.memory_space<vmem>>) offsets(%dma_start3A_24 : memref<128xi32, #tpu.memory_space<vmem>>) semaphore(%arg13 : memref<!tpu.dma_semaphore, #tpu.memory_space<semaphore_mem>>)
    %dma_start3A_28 = arith.constant 1 : i32
    %dma_start3A_29 = arith.constant 0 : i32
    %dma_start3A_30 = tpu.memref_slice %arg6[%dma_start3A_28, %dma_start3A_29] : memref<160x128xi32, #tpu.memory_space<vmem>> -> memref<1x128xi32, #tpu.memory_space<vmem>>
    %dma_start3A_31 = tpu.memref_squeeze %dma_start3A_30 : memref<1x128xi32, #tpu.memory_space<vmem>> -> memref<128xi32, #tpu.memory_space<vmem>>
    %dma_start3A_32 = arith.constant 0 : i32
    %dma_start3A_33 = arith.constant 0 : i32
    %dma_start3A_34 = tpu.memref_slice %arg2[%dma_start3A_32, %dma_start3A_33] : memref<10000x128xf32, #tpu.memory_space<hbm>> -> memref<10000x128xf32, #tpu.memory_space<hbm>>
    tpu.enqueue_indirect_dma source(%dma_start3A_34 : memref<10000x128xf32, #tpu.memory_space<hbm>>) target(%arg9 : memref<128x128xf32, #tpu.memory_space<vmem>>) offsets(%dma_start3A_31 : memref<128xi32, #tpu.memory_space<vmem>>) semaphore(%arg14 : memref<!tpu.dma_semaphore, #tpu.memory_space<semaphore_mem>>)
    %dma_start3A_35 = arith.constant 2 : i32
    %dma_start3A_36 = arith.constant 0 : i32
    %dma_start3A_37 = tpu.memref_slice %arg6[%dma_start3A_35, %dma_start3A_36] : memref<160x128xi32, #tpu.memory_space<vmem>> -> memref<1x128xi32, #tpu.memory_space<vmem>>
    %dma_start3A_38 = tpu.memref_squeeze %dma_start3A_37 : memref<1x128xi32, #tpu.memory_space<vmem>> -> memref<128xi32, #tpu.memory_space<vmem>>
    %dma_start3A_39 = arith.constant 0 : i32
    %dma_start3A_40 = arith.constant 0 : i32
    %dma_start3A_41 = tpu.memref_slice %arg2[%dma_start3A_39, %dma_start3A_40] : memref<10000x128xf32, #tpu.memory_space<hbm>> -> memref<10000x128xf32, #tpu.memory_space<hbm>>
    tpu.enqueue_indirect_dma source(%dma_start3A_41 : memref<10000x128xf32, #tpu.memory_space<hbm>>) target(%arg10 : memref<128x128xf32, #tpu.memory_space<vmem>>) offsets(%dma_start3A_38 : memref<128xi32, #tpu.memory_space<vmem>>) semaphore(%arg15 : memref<!tpu.dma_semaphore, #tpu.memory_space<semaphore_mem>>)
    %dma_start3A_42 = arith.constant 3 : i32
    %dma_start3A_43 = arith.constant 0 : i32
    %dma_start3A_44 = tpu.memref_slice %arg6[%dma_start3A_42, %dma_start3A_43] : memref<160x128xi32, #tpu.memory_space<vmem>> -> memref<1x128xi32, #tpu.memory_space<vmem>>
    %dma_start3A_45 = tpu.memref_squeeze %dma_start3A_44 : memref<1x128xi32, #tpu.memory_space<vmem>> -> memref<128xi32, #tpu.memory_space<vmem>>
    %dma_start3A_46 = arith.constant 0 : i32
    %dma_start3A_47 = arith.constant 0 : i32
    %dma_start3A_48 = tpu.memref_slice %arg2[%dma_start3A_46, %dma_start3A_47] : memref<10000x128xf32, #tpu.memory_space<hbm>> -> memref<10000x128xf32, #tpu.memory_space<hbm>>
    tpu.enqueue_indirect_dma source(%dma_start3A_48 : memref<10000x128xf32, #tpu.memory_space<hbm>>) target(%arg11 : memref<128x128xf32, #tpu.memory_space<vmem>>) offsets(%dma_start3A_45 : memref<128xi32, #tpu.memory_space<vmem>>) semaphore(%arg16 : memref<!tpu.dma_semaphore, #tpu.memory_space<semaphore_mem>>)
    %scan3A_49 = arith.constant 0 : i32
    %scan3A_50 = arith.constant 39 : i32
    %scan3A_51 = arith.addi %scan3A_49, %scan3A_50 : i32
    %scan3A_52 = arith.constant 1 : i32
    scf.for %scan3A_149 = %scan3A_49 to %scan3A_51 step %scan3A_52  : i32 {
      %mul3A_150 = arith.constant 4 : i32
      %mul3A_151 = arith.muli %scan3A_149, %mul3A_150 : i32
      %add3A_152 = arith.constant 0 : i32
      %add3A_153 = arith.addi %add3A_152, %mul3A_151 : i32
      %add3A_154 = arith.constant 0 : i32
      %add3A_155 = arith.addi %add3A_153, %add3A_154 : i32
      %dma_wait3A_156 = arith.constant 0 : i32
      %dma_wait3A_157 = tpu.memref_slice %arg6[%add3A_155, %dma_wait3A_156] : memref<160x128xi32, #tpu.memory_space<vmem>> -> memref<1x128xi32, #tpu.memory_space<vmem>>
      %dma_wait3A_158 = tpu.memref_squeeze %dma_wait3A_157 : memref<1x128xi32, #tpu.memory_space<vmem>> -> memref<128xi32, #tpu.memory_space<vmem>>
      %dma_wait3A_159 = arith.constant 0 : i32
      %dma_wait3A_160 = arith.constant 0 : i32
      %dma_wait3A_161 = tpu.memref_slice %arg2[%dma_wait3A_159, %dma_wait3A_160] : memref<10000x128xf32, #tpu.memory_space<hbm>> -> memref<10000x128xf32, #tpu.memory_space<hbm>>
      tpu.wait_indirect_dma semaphore(%arg13 : memref<!tpu.dma_semaphore, #tpu.memory_space<semaphore_mem>>) src(%dma_wait3A_161 : memref<10000x128xf32, #tpu.memory_space<hbm>>) dst(%arg8 : memref<128x128xf32, #tpu.memory_space<vmem>>)
      %add3A_162 = arith.constant 0 : i32
      %add3A_163 = arith.addi %add3A_153, %add3A_162 : i32
      %dma_start3A_164 = arith.constant 0 : i32
      %dma_start3A_165 = tpu.memref_slice %arg7[%add3A_163, %dma_start3A_164] : memref<160x128xi32, #tpu.memory_space<vmem>> -> memref<1x128xi32, #tpu.memory_space<vmem>>
      %dma_start3A_166 = tpu.memref_squeeze %dma_start3A_165 : memref<1x128xi32, #tpu.memory_space<vmem>> -> memref<128xi32, #tpu.memory_space<vmem>>
      %dma_start3A_167 = arith.constant 0 : i32
      %dma_start3A_168 = arith.constant 0 : i32
      %dma_start3A_169 = tpu.memref_slice %arg12[%dma_start3A_167, %dma_start3A_168] : memref<3072x128xf32, #tpu.memory_space<vmem_shared>> -> memref<3072x128xf32, #tpu.memory_space<vmem_shared>>
      tpu.enqueue_indirect_dma source(%arg8 : memref<128x128xf32, #tpu.memory_space<vmem>>) target(%dma_start3A_169 : memref<3072x128xf32, #tpu.memory_space<vmem_shared>>) offsets(%dma_start3A_166 : memref<128xi32, #tpu.memory_space<vmem>>) semaphore(%arg17 : memref<!tpu.dma_semaphore, #tpu.memory_space<semaphore_mem>>) {add = true}
      %add3A_170 = arith.constant 1 : i32
      %add3A_171 = arith.addi %add3A_153, %add3A_170 : i32
      %dma_wait3A_172 = arith.constant 0 : i32
      %dma_wait3A_173 = tpu.memref_slice %arg6[%add3A_171, %dma_wait3A_172] : memref<160x128xi32, #tpu.memory_space<vmem>> -> memref<1x128xi32, #tpu.memory_space<vmem>>
      %dma_wait3A_174 = tpu.memref_squeeze %dma_wait3A_173 : memref<1x128xi32, #tpu.memory_space<vmem>> -> memref<128xi32, #tpu.memory_space<vmem>>
      %dma_wait3A_175 = arith.constant 0 : i32
      %dma_wait3A_176 = arith.constant 0 : i32
      %dma_wait3A_177 = tpu.memref_slice %arg2[%dma_wait3A_175, %dma_wait3A_176] : memref<10000x128xf32, #tpu.memory_space<hbm>> -> memref<10000x128xf32, #tpu.memory_space<hbm>>
      tpu.wait_indirect_dma semaphore(%arg14 : memref<!tpu.dma_semaphore, #tpu.memory_space<semaphore_mem>>) src(%dma_wait3A_177 : memref<10000x128xf32, #tpu.memory_space<hbm>>) dst(%arg9 : memref<128x128xf32, #tpu.memory_space<vmem>>)
      %add3A_178 = arith.constant 1 : i32
      %add3A_179 = arith.addi %add3A_153, %add3A_178 : i32
      %dma_start3A_180 = arith.constant 0 : i32
      %dma_start3A_181 = tpu.memref_slice %arg7[%add3A_179, %dma_start3A_180] : memref<160x128xi32, #tpu.memory_space<vmem>> -> memref<1x128xi32, #tpu.memory_space<vmem>>
      %dma_start3A_182 = tpu.memref_squeeze %dma_start3A_181 : memref<1x128xi32, #tpu.memory_space<vmem>> -> memref<128xi32, #tpu.memory_space<vmem>>
      %dma_start3A_183 = arith.constant 0 : i32
      %dma_start3A_184 = arith.constant 0 : i32
      %dma_start3A_185 = tpu.memref_slice %arg12[%dma_start3A_183, %dma_start3A_184] : memref<3072x128xf32, #tpu.memory_space<vmem_shared>> -> memref<3072x128xf32, #tpu.memory_space<vmem_shared>>
      tpu.enqueue_indirect_dma source(%arg9 : memref<128x128xf32, #tpu.memory_space<vmem>>) target(%dma_start3A_185 : memref<3072x128xf32, #tpu.memory_space<vmem_shared>>) offsets(%dma_start3A_182 : memref<128xi32, #tpu.memory_space<vmem>>) semaphore(%arg17 : memref<!tpu.dma_semaphore, #tpu.memory_space<semaphore_mem>>) {add = true}
      %add3A_186 = arith.constant 2 : i32
      %add3A_187 = arith.addi %add3A_153, %add3A_186 : i32
      %dma_wait3A_188 = arith.constant 0 : i32
      %dma_wait3A_189 = tpu.memref_slice %arg6[%add3A_187, %dma_wait3A_188] : memref<160x128xi32, #tpu.memory_space<vmem>> -> memref<1x128xi32, #tpu.memory_space<vmem>>
      %dma_wait3A_190 = tpu.memref_squeeze %dma_wait3A_189 : memref<1x128xi32, #tpu.memory_space<vmem>> -> memref<128xi32, #tpu.memory_space<vmem>>
      %dma_wait3A_191 = arith.constant 0 : i32
      %dma_wait3A_192 = arith.constant 0 : i32
      %dma_wait3A_193 = tpu.memref_slice %arg2[%dma_wait3A_191, %dma_wait3A_192] : memref<10000x128xf32, #tpu.memory_space<hbm>> -> memref<10000x128xf32, #tpu.memory_space<hbm>>
      tpu.wait_indirect_dma semaphore(%arg15 : memref<!tpu.dma_semaphore, #tpu.memory_space<semaphore_mem>>) src(%dma_wait3A_193 : memref<10000x128xf32, #tpu.memory_space<hbm>>) dst(%arg10 : memref<128x128xf32, #tpu.memory_space<vmem>>)
      %add3A_194 = arith.constant 2 : i32
      %add3A_195 = arith.addi %add3A_153, %add3A_194 : i32
      %dma_start3A_196 = arith.constant 0 : i32
      %dma_start3A_197 = tpu.memref_slice %arg7[%add3A_195, %dma_start3A_196] : memref<160x128xi32, #tpu.memory_space<vmem>> -> memref<1x128xi32, #tpu.memory_space<vmem>>
      %dma_start3A_198 = tpu.memref_squeeze %dma_start3A_197 : memref<1x128xi32, #tpu.memory_space<vmem>> -> memref<128xi32, #tpu.memory_space<vmem>>
      %dma_start3A_199 = arith.constant 0 : i32
      %dma_start3A_200 = arith.constant 0 : i32
      %dma_start3A_201 = tpu.memref_slice %arg12[%dma_start3A_199, %dma_start3A_200] : memref<3072x128xf32, #tpu.memory_space<vmem_shared>> -> memref<3072x128xf32, #tpu.memory_space<vmem_shared>>
      tpu.enqueue_indirect_dma source(%arg10 : memref<128x128xf32, #tpu.memory_space<vmem>>) target(%dma_start3A_201 : memref<3072x128xf32, #tpu.memory_space<vmem_shared>>) offsets(%dma_start3A_198 : memref<128xi32, #tpu.memory_space<vmem>>) semaphore(%arg17 : memref<!tpu.dma_semaphore, #tpu.memory_space<semaphore_mem>>) {add = true}
      %add3A_202 = arith.constant 3 : i32
      %add3A_203 = arith.addi %add3A_153, %add3A_202 : i32
      %dma_wait3A_204 = arith.constant 0 : i32
      %dma_wait3A_205 = tpu.memref_slice %arg6[%add3A_203, %dma_wait3A_204] : memref<160x128xi32, #tpu.memory_space<vmem>> -> memref<1x128xi32, #tpu.memory_space<vmem>>
      %dma_wait3A_206 = tpu.memref_squeeze %dma_wait3A_205 : memref<1x128xi32, #tpu.memory_space<vmem>> -> memref<128xi32, #tpu.memory_space<vmem>>
      %dma_wait3A_207 = arith.constant 0 : i32
      %dma_wait3A_208 = arith.constant 0 : i32
      %dma_wait3A_209 = tpu.memref_slice %arg2[%dma_wait3A_207, %dma_wait3A_208] : memref<10000x128xf32, #tpu.memory_space<hbm>> -> memref<10000x128xf32, #tpu.memory_space<hbm>>
      tpu.wait_indirect_dma semaphore(%arg16 : memref<!tpu.dma_semaphore, #tpu.memory_space<semaphore_mem>>) src(%dma_wait3A_209 : memref<10000x128xf32, #tpu.memory_space<hbm>>) dst(%arg11 : memref<128x128xf32, #tpu.memory_space<vmem>>)
      %add3A_210 = arith.constant 3 : i32
      %add3A_211 = arith.addi %add3A_153, %add3A_210 : i32
      %dma_start3A_212 = arith.constant 0 : i32
      %dma_start3A_213 = tpu.memref_slice %arg7[%add3A_211, %dma_start3A_212] : memref<160x128xi32, #tpu.memory_space<vmem>> -> memref<1x128xi32, #tpu.memory_space<vmem>>
      %dma_start3A_214 = tpu.memref_squeeze %dma_start3A_213 : memref<1x128xi32, #tpu.memory_space<vmem>> -> memref<128xi32, #tpu.memory_space<vmem>>
      %dma_start3A_215 = arith.constant 0 : i32
      %dma_start3A_216 = arith.constant 0 : i32
      %dma_start3A_217 = tpu.memref_slice %arg12[%dma_start3A_215, %dma_start3A_216] : memref<3072x128xf32, #tpu.memory_space<vmem_shared>> -> memref<3072x128xf32, #tpu.memory_space<vmem_shared>>
      tpu.enqueue_indirect_dma source(%arg11 : memref<128x128xf32, #tpu.memory_space<vmem>>) target(%dma_start3A_217 : memref<3072x128xf32, #tpu.memory_space<vmem_shared>>) offsets(%dma_start3A_214 : memref<128xi32, #tpu.memory_space<vmem>>) semaphore(%arg17 : memref<!tpu.dma_semaphore, #tpu.memory_space<semaphore_mem>>) {add = true}
      %add3A_218 = arith.constant 0 : i32
      %add3A_219 = arith.addi %add3A_153, %add3A_218 : i32
      %dma_wait3A_220 = arith.constant 0 : i32
      %dma_wait3A_221 = tpu.memref_slice %arg7[%add3A_219, %dma_wait3A_220] : memref<160x128xi32, #tpu.memory_space<vmem>> -> memref<1x128xi32, #tpu.memory_space<vmem>>
      %dma_wait3A_222 = tpu.memref_squeeze %dma_wait3A_221 : memref<1x128xi32, #tpu.memory_space<vmem>> -> memref<128xi32, #tpu.memory_space<vmem>>
      %dma_wait3A_223 = arith.constant 0 : i32
      %dma_wait3A_224 = arith.constant 0 : i32
      %dma_wait3A_225 = tpu.memref_slice %arg12[%dma_wait3A_223, %dma_wait3A_224] : memref<3072x128xf32, #tpu.memory_space<vmem_shared>> -> memref<3072x128xf32, #tpu.memory_space<vmem_shared>>
      tpu.wait_indirect_dma semaphore(%arg17 : memref<!tpu.dma_semaphore, #tpu.memory_space<semaphore_mem>>) src(%arg8 : memref<128x128xf32, #tpu.memory_space<vmem>>) dst(%dma_wait3A_225 : memref<3072x128xf32, #tpu.memory_space<vmem_shared>>)
      %add3A_226 = arith.constant 4 : i32
      %add3A_227 = arith.addi %add3A_153, %add3A_226 : i32
      %add3A_228 = arith.constant 0 : i32
      %add3A_229 = arith.addi %add3A_227, %add3A_228 : i32
      %dma_start3A_230 = arith.constant 0 : i32
      %dma_start3A_231 = tpu.memref_slice %arg6[%add3A_229, %dma_start3A_230] : memref<160x128xi32, #tpu.memory_space<vmem>> -> memref<1x128xi32, #tpu.memory_space<vmem>>
      %dma_start3A_232 = tpu.memref_squeeze %dma_start3A_231 : memref<1x128xi32, #tpu.memory_space<vmem>> -> memref<128xi32, #tpu.memory_space<vmem>>
      %dma_start3A_233 = arith.constant 0 : i32
      %dma_start3A_234 = arith.constant 0 : i32
      %dma_start3A_235 = tpu.memref_slice %arg2[%dma_start3A_233, %dma_start3A_234] : memref<10000x128xf32, #tpu.memory_space<hbm>> -> memref<10000x128xf32, #tpu.memory_space<hbm>>
      tpu.enqueue_indirect_dma source(%dma_start3A_235 : memref<10000x128xf32, #tpu.memory_space<hbm>>) target(%arg8 : memref<128x128xf32, #tpu.memory_space<vmem>>) offsets(%dma_start3A_232 : memref<128xi32, #tpu.memory_space<vmem>>) semaphore(%arg13 : memref<!tpu.dma_semaphore, #tpu.memory_space<semaphore_mem>>)
      %add3A_236 = arith.constant 1 : i32
      %add3A_237 = arith.addi %add3A_153, %add3A_236 : i32
      %dma_wait3A_238 = arith.constant 0 : i32
      %dma_wait3A_239 = tpu.memref_slice %arg7[%add3A_237, %dma_wait3A_238] : memref<160x128xi32, #tpu.memory_space<vmem>> -> memref<1x128xi32, #tpu.memory_space<vmem>>
      %dma_wait3A_240 = tpu.memref_squeeze %dma_wait3A_239 : memref<1x128xi32, #tpu.memory_space<vmem>> -> memref<128xi32, #tpu.memory_space<vmem>>
      %dma_wait3A_241 = arith.constant 0 : i32
      %dma_wait3A_242 = arith.constant 0 : i32
      %dma_wait3A_243 = tpu.memref_slice %arg12[%dma_wait3A_241, %dma_wait3A_242] : memref<3072x128xf32, #tpu.memory_space<vmem_shared>> -> memref<3072x128xf32, #tpu.memory_space<vmem_shared>>
      tpu.wait_indirect_dma semaphore(%arg17 : memref<!tpu.dma_semaphore, #tpu.memory_space<semaphore_mem>>) src(%arg9 : memref<128x128xf32, #tpu.memory_space<vmem>>) dst(%dma_wait3A_243 : memref<3072x128xf32, #tpu.memory_space<vmem_shared>>)
      %add3A_244 = arith.constant 4 : i32
      %add3A_245 = arith.addi %add3A_153, %add3A_244 : i32
      %add3A_246 = arith.constant 1 : i32
      %add3A_247 = arith.addi %add3A_245, %add3A_246 : i32
      %dma_start3A_248 = arith.constant 0 : i32
      %dma_start3A_249 = tpu.memref_slice %arg6[%add3A_247, %dma_start3A_248] : memref<160x128xi32, #tpu.memory_space<vmem>> -> memref<1x128xi32, #tpu.memory_space<vmem>>
      %dma_start3A_250 = tpu.memref_squeeze %dma_start3A_249 : memref<1x128xi32, #tpu.memory_space<vmem>> -> memref<128xi32, #tpu.memory_space<vmem>>
      %dma_start3A_251 = arith.constant 0 : i32
      %dma_start3A_252 = arith.constant 0 : i32
      %dma_start3A_253 = tpu.memref_slice %arg2[%dma_start3A_251, %dma_start3A_252] : memref<10000x128xf32, #tpu.memory_space<hbm>> -> memref<10000x128xf32, #tpu.memory_space<hbm>>
      tpu.enqueue_indirect_dma source(%dma_start3A_253 : memref<10000x128xf32, #tpu.memory_space<hbm>>) target(%arg9 : memref<128x128xf32, #tpu.memory_space<vmem>>) offsets(%dma_start3A_250 : memref<128xi32, #tpu.memory_space<vmem>>) semaphore(%arg14 : memref<!tpu.dma_semaphore, #tpu.memory_space<semaphore_mem>>)
      %add3A_254 = arith.constant 2 : i32
      %add3A_255 = arith.addi %add3A_153, %add3A_254 : i32
      %dma_wait3A_256 = arith.constant 0 : i32
      %dma_wait3A_257 = tpu.memref_slice %arg7[%add3A_255, %dma_wait3A_256] : memref<160x128xi32, #tpu.memory_space<vmem>> -> memref<1x128xi32, #tpu.memory_space<vmem>>
      %dma_wait3A_258 = tpu.memref_squeeze %dma_wait3A_257 : memref<1x128xi32, #tpu.memory_space<vmem>> -> memref<128xi32, #tpu.memory_space<vmem>>
      %dma_wait3A_259 = arith.constant 0 : i32
      %dma_wait3A_260 = arith.constant 0 : i32
      %dma_wait3A_261 = tpu.memref_slice %arg12[%dma_wait3A_259, %dma_wait3A_260] : memref<3072x128xf32, #tpu.memory_space<vmem_shared>> -> memref<3072x128xf32, #tpu.memory_space<vmem_shared>>
      tpu.wait_indirect_dma semaphore(%arg17 : memref<!tpu.dma_semaphore, #tpu.memory_space<semaphore_mem>>) src(%arg10 : memref<128x128xf32, #tpu.memory_space<vmem>>) dst(%dma_wait3A_261 : memref<3072x128xf32, #tpu.memory_space<vmem_shared>>)
      %add3A_262 = arith.constant 4 : i32
      %add3A_263 = arith.addi %add3A_153, %add3A_262 : i32
      %add3A_264 = arith.constant 2 : i32
      %add3A_265 = arith.addi %add3A_263, %add3A_264 : i32
      %dma_start3A_266 = arith.constant 0 : i32
      %dma_start3A_267 = tpu.memref_slice %arg6[%add3A_265, %dma_start3A_266] : memref<160x128xi32, #tpu.memory_space<vmem>> -> memref<1x128xi32, #tpu.memory_space<vmem>>
      %dma_start3A_268 = tpu.memref_squeeze %dma_start3A_267 : memref<1x128xi32, #tpu.memory_space<vmem>> -> memref<128xi32, #tpu.memory_space<vmem>>
      %dma_start3A_269 = arith.constant 0 : i32
      %dma_start3A_270 = arith.constant 0 : i32
      %dma_start3A_271 = tpu.memref_slice %arg2[%dma_start3A_269, %dma_start3A_270] : memref<10000x128xf32, #tpu.memory_space<hbm>> -> memref<10000x128xf32, #tpu.memory_space<hbm>>
      tpu.enqueue_indirect_dma source(%dma_start3A_271 : memref<10000x128xf32, #tpu.memory_space<hbm>>) target(%arg10 : memref<128x128xf32, #tpu.memory_space<vmem>>) offsets(%dma_start3A_268 : memref<128xi32, #tpu.memory_space<vmem>>) semaphore(%arg15 : memref<!tpu.dma_semaphore, #tpu.memory_space<semaphore_mem>>)
      %add3A_272 = arith.constant 3 : i32
      %add3A_273 = arith.addi %add3A_153, %add3A_272 : i32
      %dma_wait3A_274 = arith.constant 0 : i32
      %dma_wait3A_275 = tpu.memref_slice %arg7[%add3A_273, %dma_wait3A_274] : memref<160x128xi32, #tpu.memory_space<vmem>> -> memref<1x128xi32, #tpu.memory_space<vmem>>
      %dma_wait3A_276 = tpu.memref_squeeze %dma_wait3A_275 : memref<1x128xi32, #tpu.memory_space<vmem>> -> memref<128xi32, #tpu.memory_space<vmem>>
      %dma_wait3A_277 = arith.constant 0 : i32
      %dma_wait3A_278 = arith.constant 0 : i32
      %dma_wait3A_279 = tpu.memref_slice %arg12[%dma_wait3A_277, %dma_wait3A_278] : memref<3072x128xf32, #tpu.memory_space<vmem_shared>> -> memref<3072x128xf32, #tpu.memory_space<vmem_shared>>
      tpu.wait_indirect_dma semaphore(%arg17 : memref<!tpu.dma_semaphore, #tpu.memory_space<semaphore_mem>>) src(%arg11 : memref<128x128xf32, #tpu.memory_space<vmem>>) dst(%dma_wait3A_279 : memref<3072x128xf32, #tpu.memory_space<vmem_shared>>)
      %add3A_280 = arith.constant 4 : i32
      %add3A_281 = arith.addi %add3A_153, %add3A_280 : i32
      %add3A_282 = arith.constant 3 : i32
      %add3A_283 = arith.addi %add3A_281, %add3A_282 : i32
      %dma_start3A_284 = arith.constant 0 : i32
      %dma_start3A_285 = tpu.memref_slice %arg6[%add3A_283, %dma_start3A_284] : memref<160x128xi32, #tpu.memory_space<vmem>> -> memref<1x128xi32, #tpu.memory_space<vmem>>
      %dma_start3A_286 = tpu.memref_squeeze %dma_start3A_285 : memref<1x128xi32, #tpu.memory_space<vmem>> -> memref<128xi32, #tpu.memory_space<vmem>>
      %dma_start3A_287 = arith.constant 0 : i32
      %dma_start3A_288 = arith.constant 0 : i32
      %dma_start3A_289 = tpu.memref_slice %arg2[%dma_start3A_287, %dma_start3A_288] : memref<10000x128xf32, #tpu.memory_space<hbm>> -> memref<10000x128xf32, #tpu.memory_space<hbm>>
      tpu.enqueue_indirect_dma source(%dma_start3A_289 : memref<10000x128xf32, #tpu.memory_space<hbm>>) target(%arg11 : memref<128x128xf32, #tpu.memory_space<vmem>>) offsets(%dma_start3A_286 : memref<128xi32, #tpu.memory_space<vmem>>) semaphore(%arg16 : memref<!tpu.dma_semaphore, #tpu.memory_space<semaphore_mem>>)
    }
    %scan3A_53 = arith.constant 39 : i32
    %dma_wait3A = arith.constant 156 : i32
    %dma_wait3A_54 = arith.constant 0 : i32
    %dma_wait3A_55 = tpu.memref_slice %arg6[%dma_wait3A, %dma_wait3A_54] : memref<160x128xi32, #tpu.memory_space<vmem>> -> memref<1x128xi32, #tpu.memory_space<vmem>>
    %dma_wait3A_56 = tpu.memref_squeeze %dma_wait3A_55 : memref<1x128xi32, #tpu.memory_space<vmem>> -> memref<128xi32, #tpu.memory_space<vmem>>
    %dma_wait3A_57 = arith.constant 0 : i32
    %dma_wait3A_58 = arith.constant 0 : i32
    %dma_wait3A_59 = tpu.memref_slice %arg2[%dma_wait3A_57, %dma_wait3A_58] : memref<10000x128xf32, #tpu.memory_space<hbm>> -> memref<10000x128xf32, #tpu.memory_space<hbm>>
    tpu.wait_indirect_dma semaphore(%arg13 : memref<!tpu.dma_semaphore, #tpu.memory_space<semaphore_mem>>) src(%dma_wait3A_59 : memref<10000x128xf32, #tpu.memory_space<hbm>>) dst(%arg8 : memref<128x128xf32, #tpu.memory_space<vmem>>)
    %dma_start3A_60 = arith.constant 156 : i32
    %dma_start3A_61 = arith.constant 0 : i32
    %dma_start3A_62 = tpu.memref_slice %arg7[%dma_start3A_60, %dma_start3A_61] : memref<160x128xi32, #tpu.memory_space<vmem>> -> memref<1x128xi32, #tpu.memory_space<vmem>>
    %dma_start3A_63 = tpu.memref_squeeze %dma_start3A_62 : memref<1x128xi32, #tpu.memory_space<vmem>> -> memref<128xi32, #tpu.memory_space<vmem>>
    %dma_start3A_64 = arith.constant 0 : i32
    %dma_start3A_65 = arith.constant 0 : i32
    %dma_start3A_66 = tpu.memref_slice %arg12[%dma_start3A_64, %dma_start3A_65] : memref<3072x128xf32, #tpu.memory_space<vmem_shared>> -> memref<3072x128xf32, #tpu.memory_space<vmem_shared>>
    tpu.enqueue_indirect_dma source(%arg8 : memref<128x128xf32, #tpu.memory_space<vmem>>) target(%dma_start3A_66 : memref<3072x128xf32, #tpu.memory_space<vmem_shared>>) offsets(%dma_start3A_63 : memref<128xi32, #tpu.memory_space<vmem>>) semaphore(%arg17 : memref<!tpu.dma_semaphore, #tpu.memory_space<semaphore_mem>>) {add = true}
    %dma_wait3A_67 = arith.constant 157 : i32
    %dma_wait3A_68 = arith.constant 0 : i32
    %dma_wait3A_69 = tpu.memref_slice %arg6[%dma_wait3A_67, %dma_wait3A_68] : memref<160x128xi32, #tpu.memory_space<vmem>> -> memref<1x128xi32, #tpu.memory_space<vmem>>
    %dma_wait3A_70 = tpu.memref_squeeze %dma_wait3A_69 : memref<1x128xi32, #tpu.memory_space<vmem>> -> memref<128xi32, #tpu.memory_space<vmem>>
    %dma_wait3A_71 = arith.constant 0 : i32
    %dma_wait3A_72 = arith.constant 0 : i32
    %dma_wait3A_73 = tpu.memref_slice %arg2[%dma_wait3A_71, %dma_wait3A_72] : memref<10000x128xf32, #tpu.memory_space<hbm>> -> memref<10000x128xf32, #tpu.memory_space<hbm>>
    tpu.wait_indirect_dma semaphore(%arg14 : memref<!tpu.dma_semaphore, #tpu.memory_space<semaphore_mem>>) src(%dma_wait3A_73 : memref<10000x128xf32, #tpu.memory_space<hbm>>) dst(%arg9 : memref<128x128xf32, #tpu.memory_space<vmem>>)
    %dma_start3A_74 = arith.constant 157 : i32
    %dma_start3A_75 = arith.constant 0 : i32
    %dma_start3A_76 = tpu.memref_slice %arg7[%dma_start3A_74, %dma_start3A_75] : memref<160x128xi32, #tpu.memory_space<vmem>> -> memref<1x128xi32, #tpu.memory_space<vmem>>
    %dma_start3A_77 = tpu.memref_squeeze %dma_start3A_76 : memref<1x128xi32, #tpu.memory_space<vmem>> -> memref<128xi32, #tpu.memory_space<vmem>>
    %dma_start3A_78 = arith.constant 0 : i32
    %dma_start3A_79 = arith.constant 0 : i32
    %dma_start3A_80 = tpu.memref_slice %arg12[%dma_start3A_78, %dma_start3A_79] : memref<3072x128xf32, #tpu.memory_space<vmem_shared>> -> memref<3072x128xf32, #tpu.memory_space<vmem_shared>>
    tpu.enqueue_indirect_dma source(%arg9 : memref<128x128xf32, #tpu.memory_space<vmem>>) target(%dma_start3A_80 : memref<3072x128xf32, #tpu.memory_space<vmem_shared>>) offsets(%dma_start3A_77 : memref<128xi32, #tpu.memory_space<vmem>>) semaphore(%arg17 : memref<!tpu.dma_semaphore, #tpu.memory_space<semaphore_mem>>) {add = true}
    %dma_wait3A_81 = arith.constant 158 : i32
    %dma_wait3A_82 = arith.constant 0 : i32
    %dma_wait3A_83 = tpu.memref_slice %arg6[%dma_wait3A_81, %dma_wait3A_82] : memref<160x128xi32, #tpu.memory_space<vmem>> -> memref<1x128xi32, #tpu.memory_space<vmem>>
    %dma_wait3A_84 = tpu.memref_squeeze %dma_wait3A_83 : memref<1x128xi32, #tpu.memory_space<vmem>> -> memref<128xi32, #tpu.memory_space<vmem>>
    %dma_wait3A_85 = arith.constant 0 : i32
    %dma_wait3A_86 = arith.constant 0 : i32
    %dma_wait3A_87 = tpu.memref_slice %arg2[%dma_wait3A_85, %dma_wait3A_86] : memref<10000x128xf32, #tpu.memory_space<hbm>> -> memref<10000x128xf32, #tpu.memory_space<hbm>>
    tpu.wait_indirect_dma semaphore(%arg15 : memref<!tpu.dma_semaphore, #tpu.memory_space<semaphore_mem>>) src(%dma_wait3A_87 : memref<10000x128xf32, #tpu.memory_space<hbm>>) dst(%arg10 : memref<128x128xf32, #tpu.memory_space<vmem>>)
    %dma_start3A_88 = arith.constant 158 : i32
    %dma_start3A_89 = arith.constant 0 : i32
    %dma_start3A_90 = tpu.memref_slice %arg7[%dma_start3A_88, %dma_start3A_89] : memref<160x128xi32, #tpu.memory_space<vmem>> -> memref<1x128xi32, #tpu.memory_space<vmem>>
    %dma_start3A_91 = tpu.memref_squeeze %dma_start3A_90 : memref<1x128xi32, #tpu.memory_space<vmem>> -> memref<128xi32, #tpu.memory_space<vmem>>
    %dma_start3A_92 = arith.constant 0 : i32
    %dma_start3A_93 = arith.constant 0 : i32
    %dma_start3A_94 = tpu.memref_slice %arg12[%dma_start3A_92, %dma_start3A_93] : memref<3072x128xf32, #tpu.memory_space<vmem_shared>> -> memref<3072x128xf32, #tpu.memory_space<vmem_shared>>
    tpu.enqueue_indirect_dma source(%arg10 : memref<128x128xf32, #tpu.memory_space<vmem>>) target(%dma_start3A_94 : memref<3072x128xf32, #tpu.memory_space<vmem_shared>>) offsets(%dma_start3A_91 : memref<128xi32, #tpu.memory_space<vmem>>) semaphore(%arg17 : memref<!tpu.dma_semaphore, #tpu.memory_space<semaphore_mem>>) {add = true}
    %dma_wait3A_95 = arith.constant 159 : i32
    %dma_wait3A_96 = arith.constant 0 : i32
    %dma_wait3A_97 = tpu.memref_slice %arg6[%dma_wait3A_95, %dma_wait3A_96] : memref<160x128xi32, #tpu.memory_space<vmem>> -> memref<1x128xi32, #tpu.memory_space<vmem>>
    %dma_wait3A_98 = tpu.memref_squeeze %dma_wait3A_97 : memref<1x128xi32, #tpu.memory_space<vmem>> -> memref<128xi32, #tpu.memory_space<vmem>>
    %dma_wait3A_99 = arith.constant 0 : i32
    %dma_wait3A_100 = arith.constant 0 : i32
    %dma_wait3A_101 = tpu.memref_slice %arg2[%dma_wait3A_99, %dma_wait3A_100] : memref<10000x128xf32, #tpu.memory_space<hbm>> -> memref<10000x128xf32, #tpu.memory_space<hbm>>
    tpu.wait_indirect_dma semaphore(%arg16 : memref<!tpu.dma_semaphore, #tpu.memory_space<semaphore_mem>>) src(%dma_wait3A_101 : memref<10000x128xf32, #tpu.memory_space<hbm>>) dst(%arg11 : memref<128x128xf32, #tpu.memory_space<vmem>>)
    %dma_start3A_102 = arith.constant 159 : i32
    %dma_start3A_103 = arith.constant 0 : i32
    %dma_start3A_104 = tpu.memref_slice %arg7[%dma_start3A_102, %dma_start3A_103] : memref<160x128xi32, #tpu.memory_space<vmem>> -> memref<1x128xi32, #tpu.memory_space<vmem>>
    %dma_start3A_105 = tpu.memref_squeeze %dma_start3A_104 : memref<1x128xi32, #tpu.memory_space<vmem>> -> memref<128xi32, #tpu.memory_space<vmem>>
    %dma_start3A_106 = arith.constant 0 : i32
    %dma_start3A_107 = arith.constant 0 : i32
    %dma_start3A_108 = tpu.memref_slice %arg12[%dma_start3A_106, %dma_start3A_107] : memref<3072x128xf32, #tpu.memory_space<vmem_shared>> -> memref<3072x128xf32, #tpu.memory_space<vmem_shared>>
    tpu.enqueue_indirect_dma source(%arg11 : memref<128x128xf32, #tpu.memory_space<vmem>>) target(%dma_start3A_108 : memref<3072x128xf32, #tpu.memory_space<vmem_shared>>) offsets(%dma_start3A_105 : memref<128xi32, #tpu.memory_space<vmem>>) semaphore(%arg17 : memref<!tpu.dma_semaphore, #tpu.memory_space<semaphore_mem>>) {add = true}
    %dma_wait3A_109 = arith.constant 156 : i32
    %dma_wait3A_110 = arith.constant 0 : i32
    %dma_wait3A_111 = tpu.memref_slice %arg7[%dma_wait3A_109, %dma_wait3A_110] : memref<160x128xi32, #tpu.memory_space<vmem>> -> memref<1x128xi32, #tpu.memory_space<vmem>>
    %dma_wait3A_112 = tpu.memref_squeeze %dma_wait3A_111 : memref<1x128xi32, #tpu.memory_space<vmem>> -> memref<128xi32, #tpu.memory_space<vmem>>
    %dma_wait3A_113 = arith.constant 0 : i32
    %dma_wait3A_114 = arith.constant 0 : i32
    %dma_wait3A_115 = tpu.memref_slice %arg12[%dma_wait3A_113, %dma_wait3A_114] : memref<3072x128xf32, #tpu.memory_space<vmem_shared>> -> memref<3072x128xf32, #tpu.memory_space<vmem_shared>>
    tpu.wait_indirect_dma semaphore(%arg17 : memref<!tpu.dma_semaphore, #tpu.memory_space<semaphore_mem>>) src(%arg8 : memref<128x128xf32, #tpu.memory_space<vmem>>) dst(%dma_wait3A_115 : memref<3072x128xf32, #tpu.memory_space<vmem_shared>>)
    %dma_wait3A_116 = arith.constant 157 : i32
    %dma_wait3A_117 = arith.constant 0 : i32
    %dma_wait3A_118 = tpu.memref_slice %arg7[%dma_wait3A_116, %dma_wait3A_117] : memref<160x128xi32, #tpu.memory_space<vmem>> -> memref<1x128xi32, #tpu.memory_space<vmem>>
    %dma_wait3A_119 = tpu.memref_squeeze %dma_wait3A_118 : memref<1x128xi32, #tpu.memory_space<vmem>> -> memref<128xi32, #tpu.memory_space<vmem>>
    %dma_wait3A_120 = arith.constant 0 : i32
    %dma_wait3A_121 = arith.constant 0 : i32
    %dma_wait3A_122 = tpu.memref_slice %arg12[%dma_wait3A_120, %dma_wait3A_121] : memref<3072x128xf32, #tpu.memory_space<vmem_shared>> -> memref<3072x128xf32, #tpu.memory_space<vmem_shared>>
    tpu.wait_indirect_dma semaphore(%arg17 : memref<!tpu.dma_semaphore, #tpu.memory_space<semaphore_mem>>) src(%arg9 : memref<128x128xf32, #tpu.memory_space<vmem>>) dst(%dma_wait3A_122 : memref<3072x128xf32, #tpu.memory_space<vmem_shared>>)
    %dma_wait3A_123 = arith.constant 158 : i32
    %dma_wait3A_124 = arith.constant 0 : i32
    %dma_wait3A_125 = tpu.memref_slice %arg7[%dma_wait3A_123, %dma_wait3A_124] : memref<160x128xi32, #tpu.memory_space<vmem>> -> memref<1x128xi32, #tpu.memory_space<vmem>>
    %dma_wait3A_126 = tpu.memref_squeeze %dma_wait3A_125 : memref<1x128xi32, #tpu.memory_space<vmem>> -> memref<128xi32, #tpu.memory_space<vmem>>
    %dma_wait3A_127 = arith.constant 0 : i32
    %dma_wait3A_128 = arith.constant 0 : i32
    %dma_wait3A_129 = tpu.memref_slice %arg12[%dma_wait3A_127, %dma_wait3A_128] : memref<3072x128xf32, #tpu.memory_space<vmem_shared>> -> memref<3072x128xf32, #tpu.memory_space<vmem_shared>>
    tpu.wait_indirect_dma semaphore(%arg17 : memref<!tpu.dma_semaphore, #tpu.memory_space<semaphore_mem>>) src(%arg10 : memref<128x128xf32, #tpu.memory_space<vmem>>) dst(%dma_wait3A_129 : memref<3072x128xf32, #tpu.memory_space<vmem_shared>>)
    %dma_wait3A_130 = arith.constant 159 : i32
    %dma_wait3A_131 = arith.constant 0 : i32
    %dma_wait3A_132 = tpu.memref_slice %arg7[%dma_wait3A_130, %dma_wait3A_131] : memref<160x128xi32, #tpu.memory_space<vmem>> -> memref<1x128xi32, #tpu.memory_space<vmem>>
    %dma_wait3A_133 = tpu.memref_squeeze %dma_wait3A_132 : memref<1x128xi32, #tpu.memory_space<vmem>> -> memref<128xi32, #tpu.memory_space<vmem>>
    %dma_wait3A_134 = arith.constant 0 : i32
    %dma_wait3A_135 = arith.constant 0 : i32
    %dma_wait3A_136 = tpu.memref_slice %arg12[%dma_wait3A_134, %dma_wait3A_135] : memref<3072x128xf32, #tpu.memory_space<vmem_shared>> -> memref<3072x128xf32, #tpu.memory_space<vmem_shared>>
    tpu.wait_indirect_dma semaphore(%arg17 : memref<!tpu.dma_semaphore, #tpu.memory_space<semaphore_mem>>) src(%arg11 : memref<128x128xf32, #tpu.memory_space<vmem>>) dst(%dma_wait3A_136 : memref<3072x128xf32, #tpu.memory_space<vmem_shared>>)
    %barrier3A_137 = arith.constant 0 : index
    tpu.barrier barrier_id(%barrier3A_137)
    %mul3A_138 = arith.constant 3072 : i32
    %mul3A_139 = arith.muli %arg0, %mul3A_138 : i32
    %add3A_140 = arith.addi %mul3A_139, %mul3A_17 : i32
    %add3A_141 = arith.constant 0 : i32
    %add3A_142 = arith.addi %mul3A_17, %add3A_141 : i32
    %add3A_143 = arith.constant 0 : i32
    %add3A_144 = arith.addi %add3A_140, %add3A_143 : i32
    "tpu.region"() ({
      %run_scoped3A = tpu.sem_alloc : memref<!tpu.dma_semaphore, #tpu.memory_space<semaphore_mem>>
      %dma_start3A_149 = arith.constant 0 : i32
      %dma_start3A_150 = tpu.memref_slice %arg5[%add3A_144, %dma_start3A_149] : memref<6144x128xf32, #tpu.memory_space<hbm>> -> memref<128x128xf32, #tpu.memory_space<hbm>>
      %dma_start3A_151 = arith.constant 0 : i32
      %dma_start3A_152 = tpu.memref_slice %arg12[%add3A_142, %dma_start3A_151] : memref<3072x128xf32, #tpu.memory_space<vmem_shared>> -> memref<128x128xf32, #tpu.memory_space<vmem_shared>>
      tpu.enqueue_dma source(%dma_start3A_152 : memref<128x128xf32, #tpu.memory_space<vmem_shared>>) target(%dma_start3A_150 : memref<128x128xf32, #tpu.memory_space<hbm>>) target_semaphore(%run_scoped3A : memref<!tpu.dma_semaphore, #tpu.memory_space<semaphore_mem>>)
      %dma_wait3A_153 = arith.constant 0 : i32
      %dma_wait3A_154 = tpu.memref_slice %arg5[%add3A_144, %dma_wait3A_153] : memref<6144x128xf32, #tpu.memory_space<hbm>> -> memref<128x128xf32, #tpu.memory_space<hbm>>
      %dma_wait3A_155 = arith.constant 0 : i32
      %dma_wait3A_156 = tpu.memref_slice %arg12[%add3A_142, %dma_wait3A_155] : memref<3072x128xf32, #tpu.memory_space<vmem_shared>> -> memref<128x128xf32, #tpu.memory_space<vmem_shared>>
      tpu.wait_dma2 semaphore(%run_scoped3A : memref<!tpu.dma_semaphore, #tpu.memory_space<semaphore_mem>>) src(%dma_wait3A_156 : memref<128x128xf32, #tpu.memory_space<vmem_shared>>) dst(%dma_wait3A_154 : memref<128x128xf32, #tpu.memory_space<hbm>>)
      tpu.yield
    }) : () -> ()
    %add3A_145 = arith.constant 128 : i32
    %add3A_146 = arith.addi %mul3A_17, %add3A_145 : i32
    %add3A_147 = arith.constant 128 : i32
    %add3A_148 = arith.addi %add3A_140, %add3A_147 : i32
    "tpu.region"() ({
      %run_scoped3A = tpu.sem_alloc : memref<!tpu.dma_semaphore, #tpu.memory_space<semaphore_mem>>
      %dma_start3A_149 = arith.constant 0 : i32
      %dma_start3A_150 = tpu.memref_slice %arg5[%add3A_148, %dma_start3A_149] : memref<6144x128xf32, #tpu.memory_space<hbm>> -> memref<64x128xf32, #tpu.memory_space<hbm>>
      %dma_start3A_151 = arith.constant 0 : i32
      %dma_start3A_152 = tpu.memref_slice %arg12[%add3A_146, %dma_start3A_151] : memref<3072x128xf32, #tpu.memory_space<vmem_shared>> -> memref<64x128xf32, #tpu.memory_space<vmem_shared>>
      tpu.enqueue_dma source(%dma_start3A_152 : memref<64x128xf32, #tpu.memory_space<vmem_shared>>) target(%dma_start3A_150 : memref<64x128xf32, #tpu.memory_space<hbm>>) target_semaphore(%run_scoped3A : memref<!tpu.dma_semaphore, #tpu.memory_space<semaphore_mem>>)
      %dma_wait3A_153 = arith.constant 0 : i32
      %dma_wait3A_154 = tpu.memref_slice %arg5[%add3A_148, %dma_wait3A_153] : memref<6144x128xf32, #tpu.memory_space<hbm>> -> memref<64x128xf32, #tpu.memory_space<hbm>>
      %dma_wait3A_155 = arith.constant 0 : i32
      %dma_wait3A_156 = tpu.memref_slice %arg12[%add3A_146, %dma_wait3A_155] : memref<3072x128xf32, #tpu.memory_space<vmem_shared>> -> memref<64x128xf32, #tpu.memory_space<vmem_shared>>
      tpu.wait_dma2 semaphore(%run_scoped3A : memref<!tpu.dma_semaphore, #tpu.memory_space<semaphore_mem>>) src(%dma_wait3A_156 : memref<64x128xf32, #tpu.memory_space<vmem_shared>>) dst(%dma_wait3A_154 : memref<64x128xf32, #tpu.memory_space<hbm>>)
      tpu.yield
    }) : () -> ()
    return
  }
}

#map = affine_map<(d0, d1) -> (0, 0)>
module attributes {stable_mosaic.version = 14 : i64} {
  func.func @k(%arg0: i32, %arg1: i32, %arg2: memref<2560x128xi32, #tpu.memory_space<hbm>>, %arg3: memref<32x10112xf32, #tpu.memory_space<hbm>>, %arg4: memref<80x128xi32, #tpu.memory_space<vmem>>, %arg5: memref<10112xf32, #tpu.memory_space<vmem>>) attributes {dimension_semantics = [#tpu.dimension_semantics<core_parallel>, #tpu.dimension_semantics<subcore_parallel>], iteration_bounds = array<i64: 2, 16>, scalar_prefetch = 0 : i64, scratch_operands = 2 : i64, tpu.core_type = #tpu.core_type<sc_vector_subcore>, window_params = [{transform_indices = #map}, {transform_indices = #map}]} {
    %mul3A = arith.constant 2 : i32
    %mul3A_0 = arith.muli %arg1, %mul3A : i32
    %add3A = arith.addi %mul3A_0, %arg0 : i32
    %mul3A_1 = arith.constant 80 : i32
    %mul3A_2 = arith.muli %add3A, %mul3A_1 : i32
    "tpu.region"() ({
      %run_scoped3A = tpu.sem_alloc : memref<!tpu.dma_semaphore, #tpu.memory_space<semaphore_mem>>
      %dma_start3A = arith.constant 0 : i32
      %dma_start3A_15 = tpu.memref_slice %arg2[%mul3A_2, %dma_start3A] : memref<2560x128xi32, #tpu.memory_space<hbm>> -> memref<80x128xi32, #tpu.memory_space<hbm>>
      %dma_start3A_16 = arith.constant 0 : i32
      %dma_start3A_17 = tpu.memref_slice %arg2[%mul3A_2, %dma_start3A_16] : memref<2560x128xi32, #tpu.memory_space<hbm>> -> memref<80x128xi32, #tpu.memory_space<hbm>>
      tpu.enqueue_dma source(%dma_start3A_17 : memref<80x128xi32, #tpu.memory_space<hbm>>) target(%arg4 : memref<80x128xi32, #tpu.memory_space<vmem>>) target_semaphore(%run_scoped3A : memref<!tpu.dma_semaphore, #tpu.memory_space<semaphore_mem>>)
      %dma_wait3A = arith.constant 0 : i32
      %dma_wait3A_18 = tpu.memref_slice %arg2[%mul3A_2, %dma_wait3A] : memref<2560x128xi32, #tpu.memory_space<hbm>> -> memref<80x128xi32, #tpu.memory_space<hbm>>
      %dma_wait3A_19 = arith.constant 0 : i32
      %dma_wait3A_20 = tpu.memref_slice %arg2[%mul3A_2, %dma_wait3A_19] : memref<2560x128xi32, #tpu.memory_space<hbm>> -> memref<80x128xi32, #tpu.memory_space<hbm>>
      tpu.wait_dma2 semaphore(%run_scoped3A : memref<!tpu.dma_semaphore, #tpu.memory_space<semaphore_mem>>) src(%dma_wait3A_20 : memref<80x128xi32, #tpu.memory_space<hbm>>) dst(%arg4 : memref<80x128xi32, #tpu.memory_space<vmem>>)
      tpu.yield
    }) : () -> ()
    %broadcast_in_dim3A = arith.constant 0.000000e+00 : f32
    %broadcast_in_dim3A_3 = vector.broadcast %broadcast_in_dim3A : f32 to vector<16xf32>
    %broadcast_in_dim3A_4 = arith.constant 1.000000e+00 : f32
    %broadcast_in_dim3A_5 = vector.broadcast %broadcast_in_dim3A_4 : f32 to vector<16xf32>
    %scan3A = arith.constant 0 : i32
    %scan3A_6 = arith.constant 632 : i32
    %scan3A_7 = arith.addi %scan3A, %scan3A_6 : i32
    %scan3A_8 = arith.constant 1 : i32
    scf.for %scan3A_15 = %scan3A to %scan3A_7 step %scan3A_8  : i32 {
      %mul3A_16 = arith.constant 1 : i32
      %mul3A_17 = arith.muli %scan3A_15, %mul3A_16 : i32
      %add3A_18 = arith.constant 0 : i32
      %add3A_19 = arith.addi %add3A_18, %mul3A_17 : i32
      %mul3A_20 = arith.constant 16 : i32
      %mul3A_21 = arith.muli %add3A_19, %mul3A_20 : i32
      %swap3A = arith.index_cast %mul3A_21 : i32 to index
      %swap3A_22 = tpu.vector_load %arg5[%swap3A] {strides = array<i32>} : memref<10112xf32, #tpu.memory_space<vmem>>, vector<16xf32>,
      tpu.vector_store %arg5[%swap3A], %broadcast_in_dim3A_3 {strides = array<i32>} : memref<10112xf32, #tpu.memory_space<vmem>>, vector<16xf32>,
    }
    %scan3A_9 = arith.constant 632 : i32
    %scan3A_10 = arith.constant 0 : i32
    %scan3A_11 = arith.constant 80 : i32
    %scan3A_12 = arith.addi %scan3A_10, %scan3A_11 : i32
    %scan3A_13 = arith.constant 1 : i32
    scf.for %scan3A_15 = %scan3A_10 to %scan3A_12 step %scan3A_13  : i32 {
      %mul3A_16 = arith.constant 1 : i32
      %mul3A_17 = arith.muli %scan3A_15, %mul3A_16 : i32
      %add3A_18 = arith.constant 0 : i32
      %add3A_19 = arith.addi %add3A_18, %mul3A_17 : i32
      %get3A = arith.index_cast %add3A_19 : i32 to index
      %get3A_20 = arith.constant 0 : index
      %get3A_21 = tpu.vector_load %arg4[%get3A, %get3A_20] {strides = array<i32>} : memref<80x128xi32, #tpu.memory_space<vmem>>, vector<16xi32>,
      tpu.vector_store_idx %arg5[%get3A_21], %broadcast_in_dim3A_5 {add = true} : memref<10112xf32, #tpu.memory_space<vmem>>[vector<16xi32>], vector<16xf32>,
      %get3A_22 = arith.index_cast %add3A_19 : i32 to index
      %get3A_23 = arith.constant 16 : index
      %get3A_24 = tpu.vector_load %arg4[%get3A_22, %get3A_23] {strides = array<i32>} : memref<80x128xi32, #tpu.memory_space<vmem>>, vector<16xi32>,
      tpu.vector_store_idx %arg5[%get3A_24], %broadcast_in_dim3A_5 {add = true} : memref<10112xf32, #tpu.memory_space<vmem>>[vector<16xi32>], vector<16xf32>,
      %get3A_25 = arith.index_cast %add3A_19 : i32 to index
      %get3A_26 = arith.constant 32 : index
      %get3A_27 = tpu.vector_load %arg4[%get3A_25, %get3A_26] {strides = array<i32>} : memref<80x128xi32, #tpu.memory_space<vmem>>, vector<16xi32>,
      tpu.vector_store_idx %arg5[%get3A_27], %broadcast_in_dim3A_5 {add = true} : memref<10112xf32, #tpu.memory_space<vmem>>[vector<16xi32>], vector<16xf32>,
      %get3A_28 = arith.index_cast %add3A_19 : i32 to index
      %get3A_29 = arith.constant 48 : index
      %get3A_30 = tpu.vector_load %arg4[%get3A_28, %get3A_29] {strides = array<i32>} : memref<80x128xi32, #tpu.memory_space<vmem>>, vector<16xi32>,
      tpu.vector_store_idx %arg5[%get3A_30], %broadcast_in_dim3A_5 {add = true} : memref<10112xf32, #tpu.memory_space<vmem>>[vector<16xi32>], vector<16xf32>,
      %get3A_31 = arith.index_cast %add3A_19 : i32 to index
      %get3A_32 = arith.constant 64 : index
      %get3A_33 = tpu.vector_load %arg4[%get3A_31, %get3A_32] {strides = array<i32>} : memref<80x128xi32, #tpu.memory_space<vmem>>, vector<16xi32>,
      tpu.vector_store_idx %arg5[%get3A_33], %broadcast_in_dim3A_5 {add = true} : memref<10112xf32, #tpu.memory_space<vmem>>[vector<16xi32>], vector<16xf32>,
      %get3A_34 = arith.index_cast %add3A_19 : i32 to index
      %get3A_35 = arith.constant 80 : index
      %get3A_36 = tpu.vector_load %arg4[%get3A_34, %get3A_35] {strides = array<i32>} : memref<80x128xi32, #tpu.memory_space<vmem>>, vector<16xi32>,
      tpu.vector_store_idx %arg5[%get3A_36], %broadcast_in_dim3A_5 {add = true} : memref<10112xf32, #tpu.memory_space<vmem>>[vector<16xi32>], vector<16xf32>,
      %get3A_37 = arith.index_cast %add3A_19 : i32 to index
      %get3A_38 = arith.constant 96 : index
      %get3A_39 = tpu.vector_load %arg4[%get3A_37, %get3A_38] {strides = array<i32>} : memref<80x128xi32, #tpu.memory_space<vmem>>, vector<16xi32>,
      tpu.vector_store_idx %arg5[%get3A_39], %broadcast_in_dim3A_5 {add = true} : memref<10112xf32, #tpu.memory_space<vmem>>[vector<16xi32>], vector<16xf32>,
      %get3A_40 = arith.index_cast %add3A_19 : i32 to index
      %get3A_41 = arith.constant 112 : index
      %get3A_42 = tpu.vector_load %arg4[%get3A_40, %get3A_41] {strides = array<i32>} : memref<80x128xi32, #tpu.memory_space<vmem>>, vector<16xi32>,
      tpu.vector_store_idx %arg5[%get3A_42], %broadcast_in_dim3A_5 {add = true} : memref<10112xf32, #tpu.memory_space<vmem>>[vector<16xi32>], vector<16xf32>,
    }
    %scan3A_14 = arith.constant 80 : i32
    "tpu.region"() ({
      %run_scoped3A = tpu.sem_alloc : memref<!tpu.dma_semaphore, #tpu.memory_space<semaphore_mem>>
      %dma_start3A = arith.constant 0 : i32
      %dma_start3A_15 = tpu.memref_slice %arg3[%add3A, %dma_start3A] : memref<32x10112xf32, #tpu.memory_space<hbm>> -> memref<1x10112xf32, #tpu.memory_space<hbm>>
      %dma_start3A_16 = tpu.memref_squeeze %dma_start3A_15 : memref<1x10112xf32, #tpu.memory_space<hbm>> -> memref<10112xf32, #tpu.memory_space<hbm>>
      %dma_start3A_17 = arith.constant 0 : i32
      %dma_start3A_18 = tpu.memref_slice %arg3[%add3A, %dma_start3A_17] : memref<32x10112xf32, #tpu.memory_space<hbm>> -> memref<1x10112xf32, #tpu.memory_space<hbm>>
      %dma_start3A_19 = tpu.memref_squeeze %dma_start3A_18 : memref<1x10112xf32, #tpu.memory_space<hbm>> -> memref<10112xf32, #tpu.memory_space<hbm>>
      tpu.enqueue_dma source(%arg5 : memref<10112xf32, #tpu.memory_space<vmem>>) target(%dma_start3A_19 : memref<10112xf32, #tpu.memory_space<hbm>>) target_semaphore(%run_scoped3A : memref<!tpu.dma_semaphore, #tpu.memory_space<semaphore_mem>>)
      %dma_wait3A = arith.constant 0 : i32
      %dma_wait3A_20 = tpu.memref_slice %arg3[%add3A, %dma_wait3A] : memref<32x10112xf32, #tpu.memory_space<hbm>> -> memref<1x10112xf32, #tpu.memory_space<hbm>>
      %dma_wait3A_21 = tpu.memref_squeeze %dma_wait3A_20 : memref<1x10112xf32, #tpu.memory_space<hbm>> -> memref<10112xf32, #tpu.memory_space<hbm>>
      %dma_wait3A_22 = arith.constant 0 : i32
      %dma_wait3A_23 = tpu.memref_slice %arg3[%add3A, %dma_wait3A_22] : memref<32x10112xf32, #tpu.memory_space<hbm>> -> memref<1x10112xf32, #tpu.memory_space<hbm>>
      %dma_wait3A_24 = tpu.memref_squeeze %dma_wait3A_23 : memref<1x10112xf32, #tpu.memory_space<hbm>> -> memref<10112xf32, #tpu.memory_space<hbm>>
      tpu.wait_dma2 semaphore(%run_scoped3A : memref<!tpu.dma_semaphore, #tpu.memory_space<semaphore_mem>>) src(%arg5 : memref<10112xf32, #tpu.memory_space<vmem>>) dst(%dma_wait3A_24 : memref<10112xf32, #tpu.memory_space<hbm>>)
      tpu.yield
    }) : () -> ()
    return
  }
}

#map = affine_map<(d0, d1) -> (0, 0)>
module attributes {stable_mosaic.version = 14 : i64} {
  func.func @k(%arg0: i32, %arg1: i32, %arg2: memref<10000x128xf32, #tpu.memory_space<hbm>>, %arg3: memref<2560x128xi32, #tpu.memory_space<hbm>>, %arg4: memref<2560x128xi32, #tpu.memory_space<hbm>>, %arg5: memref<6144x128xf32, #tpu.memory_space<hbm>>, %arg6: memref<160x128xi32, #tpu.memory_space<vmem>>, %arg7: memref<160x128xi32, #tpu.memory_space<vmem>>, %arg8: memref<128x128xf32, #tpu.memory_space<vmem>>, %arg9: memref<128x128xf32, #tpu.memory_space<vmem>>, %arg10: memref<128x128xf32, #tpu.memory_space<vmem>>, %arg11: memref<128x128xf32, #tpu.memory_space<vmem>>, %arg12: memref<3072x128xf32, #tpu.memory_space<vmem_shared>>, %arg13: memref<!tpu.dma_semaphore, #tpu.memory_space<semaphore_mem>>, %arg14: memref<!tpu.dma_semaphore, #tpu.memory_space<semaphore_mem>>, %arg15: memref<!tpu.dma_semaphore, #tpu.memory_space<semaphore_mem>>, %arg16: memref<!tpu.dma_semaphore, #tpu.memory_space<semaphore_mem>>, %arg17: memref<!tpu.dma_semaphore, #tpu.memory_space<semaphore_mem>>) attributes {dimension_semantics = [#tpu.dimension_semantics<core_parallel>, #tpu.dimension_semantics<subcore_parallel>], iteration_bounds = array<i64: 2, 16>, scalar_prefetch = 0 : i64, scratch_operands = 12 : i64, tpu.core_type = #tpu.core_type<sc_vector_subcore>, window_params = [{transform_indices = #map}, {transform_indices = #map}, {transform_indices = #map}, {transform_indices = #map}]} {
    %mul3A = arith.constant 160 : i32
    %mul3A_0 = arith.muli %arg1, %mul3A : i32
    "tpu.region"() ({
      %run_scoped3A = tpu.sem_alloc : memref<!tpu.dma_semaphore, #tpu.memory_space<semaphore_mem>>
      %dma_start3A_149 = arith.constant 0 : i32
      %dma_start3A_150 = tpu.memref_slice %arg3[%mul3A_0, %dma_start3A_149] : memref<2560x128xi32, #tpu.memory_space<hbm>> -> memref<160x128xi32, #tpu.memory_space<hbm>>
      %dma_start3A_151 = arith.constant 0 : i32
      %dma_start3A_152 = tpu.memref_slice %arg3[%mul3A_0, %dma_start3A_151] : memref<2560x128xi32, #tpu.memory_space<hbm>> -> memref<160x128xi32, #tpu.memory_space<hbm>>
      tpu.enqueue_dma source(%dma_start3A_152 : memref<160x128xi32, #tpu.memory_space<hbm>>) target(%arg6 : memref<160x128xi32, #tpu.memory_space<vmem>>) target_semaphore(%run_scoped3A : memref<!tpu.dma_semaphore, #tpu.memory_space<semaphore_mem>>)
      %dma_wait3A_153 = arith.constant 0 : i32
      %dma_wait3A_154 = tpu.memref_slice %arg3[%mul3A_0, %dma_wait3A_153] : memref<2560x128xi32, #tpu.memory_space<hbm>> -> memref<160x128xi32, #tpu.memory_space<hbm>>
      %dma_wait3A_155 = arith.constant 0 : i32
      %dma_wait3A_156 = tpu.memref_slice %arg3[%mul3A_0, %dma_wait3A_155] : memref<2560x128xi32, #tpu.memory_space<hbm>> -> memref<160x128xi32, #tpu.memory_space<hbm>>
      tpu.wait_dma2 semaphore(%run_scoped3A : memref<!tpu.dma_semaphore, #tpu.memory_space<semaphore_mem>>) src(%dma_wait3A_156 : memref<160x128xi32, #tpu.memory_space<hbm>>) dst(%arg6 : memref<160x128xi32, #tpu.memory_space<vmem>>)
      tpu.yield
    }) : () -> ()
    %mul3A_1 = arith.constant 160 : i32
    %mul3A_2 = arith.muli %arg1, %mul3A_1 : i32
    "tpu.region"() ({
      %run_scoped3A = tpu.sem_alloc : memref<!tpu.dma_semaphore, #tpu.memory_space<semaphore_mem>>
      %dma_start3A_149 = arith.constant 0 : i32
      %dma_start3A_150 = tpu.memref_slice %arg4[%mul3A_2, %dma_start3A_149] : memref<2560x128xi32, #tpu.memory_space<hbm>> -> memref<160x128xi32, #tpu.memory_space<hbm>>
      %dma_start3A_151 = arith.constant 0 : i32
      %dma_start3A_152 = tpu.memref_slice %arg4[%mul3A_2, %dma_start3A_151] : memref<2560x128xi32, #tpu.memory_space<hbm>> -> memref<160x128xi32, #tpu.memory_space<hbm>>
      tpu.enqueue_dma source(%dma_start3A_152 : memref<160x128xi32, #tpu.memory_space<hbm>>) target(%arg7 : memref<160x128xi32, #tpu.memory_space<vmem>>) target_semaphore(%run_scoped3A : memref<!tpu.dma_semaphore, #tpu.memory_space<semaphore_mem>>)
      %dma_wait3A_153 = arith.constant 0 : i32
      %dma_wait3A_154 = tpu.memref_slice %arg4[%mul3A_2, %dma_wait3A_153] : memref<2560x128xi32, #tpu.memory_space<hbm>> -> memref<160x128xi32, #tpu.memory_space<hbm>>
      %dma_wait3A_155 = arith.constant 0 : i32
      %dma_wait3A_156 = tpu.memref_slice %arg4[%mul3A_2, %dma_wait3A_155] : memref<2560x128xi32, #tpu.memory_space<hbm>> -> memref<160x128xi32, #tpu.memory_space<hbm>>
      tpu.wait_dma2 semaphore(%run_scoped3A : memref<!tpu.dma_semaphore, #tpu.memory_space<semaphore_mem>>) src(%dma_wait3A_156 : memref<160x128xi32, #tpu.memory_space<hbm>>) dst(%arg7 : memref<160x128xi32, #tpu.memory_space<vmem>>)
      tpu.yield
    }) : () -> ()
    %mul3A_3 = arith.constant 2560 : i32
    %mul3A_4 = arith.muli %arg0, %mul3A_3 : i32
    %add3A = arith.constant 0 : i32
    %add3A_5 = arith.addi %add3A, %mul3A_4 : i32
    %scan3A = arith.constant 0 : i32
    %scan3A_6 = arith.constant 160 : i32
    %scan3A_7 = arith.addi %scan3A, %scan3A_6 : i32
    %scan3A_8 = arith.constant 1 : i32
    scf.for %scan3A_149 = %scan3A to %scan3A_7 step %scan3A_8  : i32 {
      %mul3A_150 = arith.constant 1 : i32
      %mul3A_151 = arith.muli %scan3A_149, %mul3A_150 : i32
      %add3A_152 = arith.constant 0 : i32
      %add3A_153 = arith.addi %add3A_152, %mul3A_151 : i32
      %get3A = arith.index_cast %add3A_153 : i32 to index
      %get3A_154 = arith.constant 0 : index
      %get3A_155 = tpu.vector_load %arg7[%get3A, %get3A_154] {strides = array<i32>} : memref<160x128xi32, #tpu.memory_space<vmem>>, vector<1x16xi32>,
      %get3A_156 = vector.shape_cast %get3A_155 : vector<1x16xi32> to vector<16xi32>
      %sub3A = vector.broadcast %add3A_5 : i32 to vector<16xi32>
      %sub3A_157 = arith.subi %get3A_156, %sub3A : vector<16xi32>
      %ge3A = arith.constant 0 : i32
      %ge3A_158 = vector.broadcast %ge3A : i32 to vector<16xi32>
      %ge3A_159 = arith.cmpi sge, %sub3A_157, %ge3A_158 : vector<16xi32>
      %lt3A = arith.constant 2560 : i32
      %lt3A_160 = vector.broadcast %lt3A : i32 to vector<16xi32>
      %lt3A_161 = arith.cmpi slt, %sub3A_157, %lt3A_160 : vector<16xi32>
      %and3A = arith.andi %ge3A_159, %lt3A_161 : vector<16xi1>
      %and3A_162 = arith.constant 511 : i32
      %and3A_163 = vector.broadcast %and3A_162 : i32 to vector<16xi32>
      %and3A_164 = arith.andi %get3A_156, %and3A_163 : vector<16xi32>
      %add3A_165 = arith.constant 2560 : i32
      %add3A_166 = vector.broadcast %add3A_165 : i32 to vector<16xi32>
      %add3A_167 = arith.addi %add3A_166, %and3A_164 : vector<16xi32>
      %select_n3A = arith.select %and3A, %sub3A_157, %add3A_167 : vector<16xi1>, vector<16xi32>
      %swap3A = arith.index_cast %add3A_153 : i32 to index
      %swap3A_168 = arith.constant 0 : index
      %swap3A_169 = tpu.vector_load %arg7[%swap3A, %swap3A_168] {strides = array<i32>} : memref<160x128xi32, #tpu.memory_space<vmem>>, vector<1x16xi32>,
      %swap3A_170 = vector.shape_cast %swap3A_169 : vector<1x16xi32> to vector<16xi32>
      %swap3A_171 = vector.shape_cast %select_n3A : vector<16xi32> to vector<1x16xi32>
      tpu.vector_store %arg7[%swap3A, %swap3A_168], %swap3A_171 {strides = array<i32>} : memref<160x128xi32, #tpu.memory_space<vmem>>, vector<1x16xi32>,
      %get3A_172 = arith.index_cast %add3A_153 : i32 to index
      %get3A_173 = arith.constant 16 : index
      %get3A_174 = tpu.vector_load %arg7[%get3A_172, %get3A_173] {strides = array<i32>} : memref<160x128xi32, #tpu.memory_space<vmem>>, vector<1x16xi32>,
      %get3A_175 = vector.shape_cast %get3A_174 : vector<1x16xi32> to vector<16xi32>
      %sub3A_176 = vector.broadcast %add3A_5 : i32 to vector<16xi32>
      %sub3A_177 = arith.subi %get3A_175, %sub3A_176 : vector<16xi32>
      %ge3A_178 = arith.constant 0 : i32
      %ge3A_179 = vector.broadcast %ge3A_178 : i32 to vector<16xi32>
      %ge3A_180 = arith.cmpi sge, %sub3A_177, %ge3A_179 : vector<16xi32>
      %lt3A_181 = arith.constant 2560 : i32
      %lt3A_182 = vector.broadcast %lt3A_181 : i32 to vector<16xi32>
      %lt3A_183 = arith.cmpi slt, %sub3A_177, %lt3A_182 : vector<16xi32>
      %and3A_184 = arith.andi %ge3A_180, %lt3A_183 : vector<16xi1>
      %and3A_185 = arith.constant 511 : i32
      %and3A_186 = vector.broadcast %and3A_185 : i32 to vector<16xi32>
      %and3A_187 = arith.andi %get3A_175, %and3A_186 : vector<16xi32>
      %add3A_188 = arith.constant 2560 : i32
      %add3A_189 = vector.broadcast %add3A_188 : i32 to vector<16xi32>
      %add3A_190 = arith.addi %add3A_189, %and3A_187 : vector<16xi32>
      %select_n3A_191 = arith.select %and3A_184, %sub3A_177, %add3A_190 : vector<16xi1>, vector<16xi32>
      %swap3A_192 = arith.index_cast %add3A_153 : i32 to index
      %swap3A_193 = arith.constant 16 : index
      %swap3A_194 = tpu.vector_load %arg7[%swap3A_192, %swap3A_193] {strides = array<i32>} : memref<160x128xi32, #tpu.memory_space<vmem>>, vector<1x16xi32>,
      %swap3A_195 = vector.shape_cast %swap3A_194 : vector<1x16xi32> to vector<16xi32>
      %swap3A_196 = vector.shape_cast %select_n3A_191 : vector<16xi32> to vector<1x16xi32>
      tpu.vector_store %arg7[%swap3A_192, %swap3A_193], %swap3A_196 {strides = array<i32>} : memref<160x128xi32, #tpu.memory_space<vmem>>, vector<1x16xi32>,
      %get3A_197 = arith.index_cast %add3A_153 : i32 to index
      %get3A_198 = arith.constant 32 : index
      %get3A_199 = tpu.vector_load %arg7[%get3A_197, %get3A_198] {strides = array<i32>} : memref<160x128xi32, #tpu.memory_space<vmem>>, vector<1x16xi32>,
      %get3A_200 = vector.shape_cast %get3A_199 : vector<1x16xi32> to vector<16xi32>
      %sub3A_201 = vector.broadcast %add3A_5 : i32 to vector<16xi32>
      %sub3A_202 = arith.subi %get3A_200, %sub3A_201 : vector<16xi32>
      %ge3A_203 = arith.constant 0 : i32
      %ge3A_204 = vector.broadcast %ge3A_203 : i32 to vector<16xi32>
      %ge3A_205 = arith.cmpi sge, %sub3A_202, %ge3A_204 : vector<16xi32>
      %lt3A_206 = arith.constant 2560 : i32
      %lt3A_207 = vector.broadcast %lt3A_206 : i32 to vector<16xi32>
      %lt3A_208 = arith.cmpi slt, %sub3A_202, %lt3A_207 : vector<16xi32>
      %and3A_209 = arith.andi %ge3A_205, %lt3A_208 : vector<16xi1>
      %and3A_210 = arith.constant 511 : i32
      %and3A_211 = vector.broadcast %and3A_210 : i32 to vector<16xi32>
      %and3A_212 = arith.andi %get3A_200, %and3A_211 : vector<16xi32>
      %add3A_213 = arith.constant 2560 : i32
      %add3A_214 = vector.broadcast %add3A_213 : i32 to vector<16xi32>
      %add3A_215 = arith.addi %add3A_214, %and3A_212 : vector<16xi32>
      %select_n3A_216 = arith.select %and3A_209, %sub3A_202, %add3A_215 : vector<16xi1>, vector<16xi32>
      %swap3A_217 = arith.index_cast %add3A_153 : i32 to index
      %swap3A_218 = arith.constant 32 : index
      %swap3A_219 = tpu.vector_load %arg7[%swap3A_217, %swap3A_218] {strides = array<i32>} : memref<160x128xi32, #tpu.memory_space<vmem>>, vector<1x16xi32>,
      %swap3A_220 = vector.shape_cast %swap3A_219 : vector<1x16xi32> to vector<16xi32>
      %swap3A_221 = vector.shape_cast %select_n3A_216 : vector<16xi32> to vector<1x16xi32>
      tpu.vector_store %arg7[%swap3A_217, %swap3A_218], %swap3A_221 {strides = array<i32>} : memref<160x128xi32, #tpu.memory_space<vmem>>, vector<1x16xi32>,
      %get3A_222 = arith.index_cast %add3A_153 : i32 to index
      %get3A_223 = arith.constant 48 : index
      %get3A_224 = tpu.vector_load %arg7[%get3A_222, %get3A_223] {strides = array<i32>} : memref<160x128xi32, #tpu.memory_space<vmem>>, vector<1x16xi32>,
      %get3A_225 = vector.shape_cast %get3A_224 : vector<1x16xi32> to vector<16xi32>
      %sub3A_226 = vector.broadcast %add3A_5 : i32 to vector<16xi32>
      %sub3A_227 = arith.subi %get3A_225, %sub3A_226 : vector<16xi32>
      %ge3A_228 = arith.constant 0 : i32
      %ge3A_229 = vector.broadcast %ge3A_228 : i32 to vector<16xi32>
      %ge3A_230 = arith.cmpi sge, %sub3A_227, %ge3A_229 : vector<16xi32>
      %lt3A_231 = arith.constant 2560 : i32
      %lt3A_232 = vector.broadcast %lt3A_231 : i32 to vector<16xi32>
      %lt3A_233 = arith.cmpi slt, %sub3A_227, %lt3A_232 : vector<16xi32>
      %and3A_234 = arith.andi %ge3A_230, %lt3A_233 : vector<16xi1>
      %and3A_235 = arith.constant 511 : i32
      %and3A_236 = vector.broadcast %and3A_235 : i32 to vector<16xi32>
      %and3A_237 = arith.andi %get3A_225, %and3A_236 : vector<16xi32>
      %add3A_238 = arith.constant 2560 : i32
      %add3A_239 = vector.broadcast %add3A_238 : i32 to vector<16xi32>
      %add3A_240 = arith.addi %add3A_239, %and3A_237 : vector<16xi32>
      %select_n3A_241 = arith.select %and3A_234, %sub3A_227, %add3A_240 : vector<16xi1>, vector<16xi32>
      %swap3A_242 = arith.index_cast %add3A_153 : i32 to index
      %swap3A_243 = arith.constant 48 : index
      %swap3A_244 = tpu.vector_load %arg7[%swap3A_242, %swap3A_243] {strides = array<i32>} : memref<160x128xi32, #tpu.memory_space<vmem>>, vector<1x16xi32>,
      %swap3A_245 = vector.shape_cast %swap3A_244 : vector<1x16xi32> to vector<16xi32>
      %swap3A_246 = vector.shape_cast %select_n3A_241 : vector<16xi32> to vector<1x16xi32>
      tpu.vector_store %arg7[%swap3A_242, %swap3A_243], %swap3A_246 {strides = array<i32>} : memref<160x128xi32, #tpu.memory_space<vmem>>, vector<1x16xi32>,
      %get3A_247 = arith.index_cast %add3A_153 : i32 to index
      %get3A_248 = arith.constant 64 : index
      %get3A_249 = tpu.vector_load %arg7[%get3A_247, %get3A_248] {strides = array<i32>} : memref<160x128xi32, #tpu.memory_space<vmem>>, vector<1x16xi32>,
      %get3A_250 = vector.shape_cast %get3A_249 : vector<1x16xi32> to vector<16xi32>
      %sub3A_251 = vector.broadcast %add3A_5 : i32 to vector<16xi32>
      %sub3A_252 = arith.subi %get3A_250, %sub3A_251 : vector<16xi32>
      %ge3A_253 = arith.constant 0 : i32
      %ge3A_254 = vector.broadcast %ge3A_253 : i32 to vector<16xi32>
      %ge3A_255 = arith.cmpi sge, %sub3A_252, %ge3A_254 : vector<16xi32>
      %lt3A_256 = arith.constant 2560 : i32
      %lt3A_257 = vector.broadcast %lt3A_256 : i32 to vector<16xi32>
      %lt3A_258 = arith.cmpi slt, %sub3A_252, %lt3A_257 : vector<16xi32>
      %and3A_259 = arith.andi %ge3A_255, %lt3A_258 : vector<16xi1>
      %and3A_260 = arith.constant 511 : i32
      %and3A_261 = vector.broadcast %and3A_260 : i32 to vector<16xi32>
      %and3A_262 = arith.andi %get3A_250, %and3A_261 : vector<16xi32>
      %add3A_263 = arith.constant 2560 : i32
      %add3A_264 = vector.broadcast %add3A_263 : i32 to vector<16xi32>
      %add3A_265 = arith.addi %add3A_264, %and3A_262 : vector<16xi32>
      %select_n3A_266 = arith.select %and3A_259, %sub3A_252, %add3A_265 : vector<16xi1>, vector<16xi32>
      %swap3A_267 = arith.index_cast %add3A_153 : i32 to index
      %swap3A_268 = arith.constant 64 : index
      %swap3A_269 = tpu.vector_load %arg7[%swap3A_267, %swap3A_268] {strides = array<i32>} : memref<160x128xi32, #tpu.memory_space<vmem>>, vector<1x16xi32>,
      %swap3A_270 = vector.shape_cast %swap3A_269 : vector<1x16xi32> to vector<16xi32>
      %swap3A_271 = vector.shape_cast %select_n3A_266 : vector<16xi32> to vector<1x16xi32>
      tpu.vector_store %arg7[%swap3A_267, %swap3A_268], %swap3A_271 {strides = array<i32>} : memref<160x128xi32, #tpu.memory_space<vmem>>, vector<1x16xi32>,
      %get3A_272 = arith.index_cast %add3A_153 : i32 to index
      %get3A_273 = arith.constant 80 : index
      %get3A_274 = tpu.vector_load %arg7[%get3A_272, %get3A_273] {strides = array<i32>} : memref<160x128xi32, #tpu.memory_space<vmem>>, vector<1x16xi32>,
      %get3A_275 = vector.shape_cast %get3A_274 : vector<1x16xi32> to vector<16xi32>
      %sub3A_276 = vector.broadcast %add3A_5 : i32 to vector<16xi32>
      %sub3A_277 = arith.subi %get3A_275, %sub3A_276 : vector<16xi32>
      %ge3A_278 = arith.constant 0 : i32
      %ge3A_279 = vector.broadcast %ge3A_278 : i32 to vector<16xi32>
      %ge3A_280 = arith.cmpi sge, %sub3A_277, %ge3A_279 : vector<16xi32>
      %lt3A_281 = arith.constant 2560 : i32
      %lt3A_282 = vector.broadcast %lt3A_281 : i32 to vector<16xi32>
      %lt3A_283 = arith.cmpi slt, %sub3A_277, %lt3A_282 : vector<16xi32>
      %and3A_284 = arith.andi %ge3A_280, %lt3A_283 : vector<16xi1>
      %and3A_285 = arith.constant 511 : i32
      %and3A_286 = vector.broadcast %and3A_285 : i32 to vector<16xi32>
      %and3A_287 = arith.andi %get3A_275, %and3A_286 : vector<16xi32>
      %add3A_288 = arith.constant 2560 : i32
      %add3A_289 = vector.broadcast %add3A_288 : i32 to vector<16xi32>
      %add3A_290 = arith.addi %add3A_289, %and3A_287 : vector<16xi32>
      %select_n3A_291 = arith.select %and3A_284, %sub3A_277, %add3A_290 : vector<16xi1>, vector<16xi32>
      %swap3A_292 = arith.index_cast %add3A_153 : i32 to index
      %swap3A_293 = arith.constant 80 : index
      %swap3A_294 = tpu.vector_load %arg7[%swap3A_292, %swap3A_293] {strides = array<i32>} : memref<160x128xi32, #tpu.memory_space<vmem>>, vector<1x16xi32>,
      %swap3A_295 = vector.shape_cast %swap3A_294 : vector<1x16xi32> to vector<16xi32>
      %swap3A_296 = vector.shape_cast %select_n3A_291 : vector<16xi32> to vector<1x16xi32>
      tpu.vector_store %arg7[%swap3A_292, %swap3A_293], %swap3A_296 {strides = array<i32>} : memref<160x128xi32, #tpu.memory_space<vmem>>, vector<1x16xi32>,
      %get3A_297 = arith.index_cast %add3A_153 : i32 to index
      %get3A_298 = arith.constant 96 : index
      %get3A_299 = tpu.vector_load %arg7[%get3A_297, %get3A_298] {strides = array<i32>} : memref<160x128xi32, #tpu.memory_space<vmem>>, vector<1x16xi32>,
      %get3A_300 = vector.shape_cast %get3A_299 : vector<1x16xi32> to vector<16xi32>
      %sub3A_301 = vector.broadcast %add3A_5 : i32 to vector<16xi32>
      %sub3A_302 = arith.subi %get3A_300, %sub3A_301 : vector<16xi32>
      %ge3A_303 = arith.constant 0 : i32
      %ge3A_304 = vector.broadcast %ge3A_303 : i32 to vector<16xi32>
      %ge3A_305 = arith.cmpi sge, %sub3A_302, %ge3A_304 : vector<16xi32>
      %lt3A_306 = arith.constant 2560 : i32
      %lt3A_307 = vector.broadcast %lt3A_306 : i32 to vector<16xi32>
      %lt3A_308 = arith.cmpi slt, %sub3A_302, %lt3A_307 : vector<16xi32>
      %and3A_309 = arith.andi %ge3A_305, %lt3A_308 : vector<16xi1>
      %and3A_310 = arith.constant 511 : i32
      %and3A_311 = vector.broadcast %and3A_310 : i32 to vector<16xi32>
      %and3A_312 = arith.andi %get3A_300, %and3A_311 : vector<16xi32>
      %add3A_313 = arith.constant 2560 : i32
      %add3A_314 = vector.broadcast %add3A_313 : i32 to vector<16xi32>
      %add3A_315 = arith.addi %add3A_314, %and3A_312 : vector<16xi32>
      %select_n3A_316 = arith.select %and3A_309, %sub3A_302, %add3A_315 : vector<16xi1>, vector<16xi32>
      %swap3A_317 = arith.index_cast %add3A_153 : i32 to index
      %swap3A_318 = arith.constant 96 : index
      %swap3A_319 = tpu.vector_load %arg7[%swap3A_317, %swap3A_318] {strides = array<i32>} : memref<160x128xi32, #tpu.memory_space<vmem>>, vector<1x16xi32>,
      %swap3A_320 = vector.shape_cast %swap3A_319 : vector<1x16xi32> to vector<16xi32>
      %swap3A_321 = vector.shape_cast %select_n3A_316 : vector<16xi32> to vector<1x16xi32>
      tpu.vector_store %arg7[%swap3A_317, %swap3A_318], %swap3A_321 {strides = array<i32>} : memref<160x128xi32, #tpu.memory_space<vmem>>, vector<1x16xi32>,
      %get3A_322 = arith.index_cast %add3A_153 : i32 to index
      %get3A_323 = arith.constant 112 : index
      %get3A_324 = tpu.vector_load %arg7[%get3A_322, %get3A_323] {strides = array<i32>} : memref<160x128xi32, #tpu.memory_space<vmem>>, vector<1x16xi32>,
      %get3A_325 = vector.shape_cast %get3A_324 : vector<1x16xi32> to vector<16xi32>
      %sub3A_326 = vector.broadcast %add3A_5 : i32 to vector<16xi32>
      %sub3A_327 = arith.subi %get3A_325, %sub3A_326 : vector<16xi32>
      %ge3A_328 = arith.constant 0 : i32
      %ge3A_329 = vector.broadcast %ge3A_328 : i32 to vector<16xi32>
      %ge3A_330 = arith.cmpi sge, %sub3A_327, %ge3A_329 : vector<16xi32>
      %lt3A_331 = arith.constant 2560 : i32
      %lt3A_332 = vector.broadcast %lt3A_331 : i32 to vector<16xi32>
      %lt3A_333 = arith.cmpi slt, %sub3A_327, %lt3A_332 : vector<16xi32>
      %and3A_334 = arith.andi %ge3A_330, %lt3A_333 : vector<16xi1>
      %and3A_335 = arith.constant 511 : i32
      %and3A_336 = vector.broadcast %and3A_335 : i32 to vector<16xi32>
      %and3A_337 = arith.andi %get3A_325, %and3A_336 : vector<16xi32>
      %add3A_338 = arith.constant 2560 : i32
      %add3A_339 = vector.broadcast %add3A_338 : i32 to vector<16xi32>
      %add3A_340 = arith.addi %add3A_339, %and3A_337 : vector<16xi32>
      %select_n3A_341 = arith.select %and3A_334, %sub3A_327, %add3A_340 : vector<16xi1>, vector<16xi32>
      %swap3A_342 = arith.index_cast %add3A_153 : i32 to index
      %swap3A_343 = arith.constant 112 : index
      %swap3A_344 = tpu.vector_load %arg7[%swap3A_342, %swap3A_343] {strides = array<i32>} : memref<160x128xi32, #tpu.memory_space<vmem>>, vector<1x16xi32>,
      %swap3A_345 = vector.shape_cast %swap3A_344 : vector<1x16xi32> to vector<16xi32>
      %swap3A_346 = vector.shape_cast %select_n3A_341 : vector<16xi32> to vector<1x16xi32>
      tpu.vector_store %arg7[%swap3A_342, %swap3A_343], %swap3A_346 {strides = array<i32>} : memref<160x128xi32, #tpu.memory_space<vmem>>, vector<1x16xi32>,
    }
    %scan3A_9 = arith.constant 160 : i32
    %broadcast_in_dim3A = arith.constant 0.000000e+00 : f32
    %broadcast_in_dim3A_10 = vector.broadcast %broadcast_in_dim3A : f32 to vector<16xf32>
    %scan3A_11 = arith.constant 0 : i32
    %scan3A_12 = arith.constant 128 : i32
    %scan3A_13 = arith.addi %scan3A_11, %scan3A_12 : i32
    %scan3A_14 = arith.constant 1 : i32
    scf.for %scan3A_149 = %scan3A_11 to %scan3A_13 step %scan3A_14  : i32 {
      %mul3A_150 = arith.constant 1 : i32
      %mul3A_151 = arith.muli %scan3A_149, %mul3A_150 : i32
      %add3A_152 = arith.constant 0 : i32
      %add3A_153 = arith.addi %add3A_152, %mul3A_151 : i32
      %swap3A = arith.index_cast %add3A_153 : i32 to index
      %swap3A_154 = arith.constant 0 : index
      %swap3A_155 = tpu.vector_load %arg8[%swap3A, %swap3A_154] {strides = array<i32>} : memref<128x128xf32, #tpu.memory_space<vmem>>, vector<1x16xf32>,
      %swap3A_156 = vector.shape_cast %swap3A_155 : vector<1x16xf32> to vector<16xf32>
      %swap3A_157 = vector.shape_cast %broadcast_in_dim3A_10 : vector<16xf32> to vector<1x16xf32>
      tpu.vector_store %arg8[%swap3A, %swap3A_154], %swap3A_157 {strides = array<i32>} : memref<128x128xf32, #tpu.memory_space<vmem>>, vector<1x16xf32>,
      %swap3A_158 = arith.index_cast %add3A_153 : i32 to index
      %swap3A_159 = arith.constant 16 : index
      %swap3A_160 = tpu.vector_load %arg8[%swap3A_158, %swap3A_159] {strides = array<i32>} : memref<128x128xf32, #tpu.memory_space<vmem>>, vector<1x16xf32>,
      %swap3A_161 = vector.shape_cast %swap3A_160 : vector<1x16xf32> to vector<16xf32>
      %swap3A_162 = vector.shape_cast %broadcast_in_dim3A_10 : vector<16xf32> to vector<1x16xf32>
      tpu.vector_store %arg8[%swap3A_158, %swap3A_159], %swap3A_162 {strides = array<i32>} : memref<128x128xf32, #tpu.memory_space<vmem>>, vector<1x16xf32>,
      %swap3A_163 = arith.index_cast %add3A_153 : i32 to index
      %swap3A_164 = arith.constant 32 : index
      %swap3A_165 = tpu.vector_load %arg8[%swap3A_163, %swap3A_164] {strides = array<i32>} : memref<128x128xf32, #tpu.memory_space<vmem>>, vector<1x16xf32>,
      %swap3A_166 = vector.shape_cast %swap3A_165 : vector<1x16xf32> to vector<16xf32>
      %swap3A_167 = vector.shape_cast %broadcast_in_dim3A_10 : vector<16xf32> to vector<1x16xf32>
      tpu.vector_store %arg8[%swap3A_163, %swap3A_164], %swap3A_167 {strides = array<i32>} : memref<128x128xf32, #tpu.memory_space<vmem>>, vector<1x16xf32>,
      %swap3A_168 = arith.index_cast %add3A_153 : i32 to index
      %swap3A_169 = arith.constant 48 : index
      %swap3A_170 = tpu.vector_load %arg8[%swap3A_168, %swap3A_169] {strides = array<i32>} : memref<128x128xf32, #tpu.memory_space<vmem>>, vector<1x16xf32>,
      %swap3A_171 = vector.shape_cast %swap3A_170 : vector<1x16xf32> to vector<16xf32>
      %swap3A_172 = vector.shape_cast %broadcast_in_dim3A_10 : vector<16xf32> to vector<1x16xf32>
      tpu.vector_store %arg8[%swap3A_168, %swap3A_169], %swap3A_172 {strides = array<i32>} : memref<128x128xf32, #tpu.memory_space<vmem>>, vector<1x16xf32>,
      %swap3A_173 = arith.index_cast %add3A_153 : i32 to index
      %swap3A_174 = arith.constant 64 : index
      %swap3A_175 = tpu.vector_load %arg8[%swap3A_173, %swap3A_174] {strides = array<i32>} : memref<128x128xf32, #tpu.memory_space<vmem>>, vector<1x16xf32>,
      %swap3A_176 = vector.shape_cast %swap3A_175 : vector<1x16xf32> to vector<16xf32>
      %swap3A_177 = vector.shape_cast %broadcast_in_dim3A_10 : vector<16xf32> to vector<1x16xf32>
      tpu.vector_store %arg8[%swap3A_173, %swap3A_174], %swap3A_177 {strides = array<i32>} : memref<128x128xf32, #tpu.memory_space<vmem>>, vector<1x16xf32>,
      %swap3A_178 = arith.index_cast %add3A_153 : i32 to index
      %swap3A_179 = arith.constant 80 : index
      %swap3A_180 = tpu.vector_load %arg8[%swap3A_178, %swap3A_179] {strides = array<i32>} : memref<128x128xf32, #tpu.memory_space<vmem>>, vector<1x16xf32>,
      %swap3A_181 = vector.shape_cast %swap3A_180 : vector<1x16xf32> to vector<16xf32>
      %swap3A_182 = vector.shape_cast %broadcast_in_dim3A_10 : vector<16xf32> to vector<1x16xf32>
      tpu.vector_store %arg8[%swap3A_178, %swap3A_179], %swap3A_182 {strides = array<i32>} : memref<128x128xf32, #tpu.memory_space<vmem>>, vector<1x16xf32>,
      %swap3A_183 = arith.index_cast %add3A_153 : i32 to index
      %swap3A_184 = arith.constant 96 : index
      %swap3A_185 = tpu.vector_load %arg8[%swap3A_183, %swap3A_184] {strides = array<i32>} : memref<128x128xf32, #tpu.memory_space<vmem>>, vector<1x16xf32>,
      %swap3A_186 = vector.shape_cast %swap3A_185 : vector<1x16xf32> to vector<16xf32>
      %swap3A_187 = vector.shape_cast %broadcast_in_dim3A_10 : vector<16xf32> to vector<1x16xf32>
      tpu.vector_store %arg8[%swap3A_183, %swap3A_184], %swap3A_187 {strides = array<i32>} : memref<128x128xf32, #tpu.memory_space<vmem>>, vector<1x16xf32>,
      %swap3A_188 = arith.index_cast %add3A_153 : i32 to index
      %swap3A_189 = arith.constant 112 : index
      %swap3A_190 = tpu.vector_load %arg8[%swap3A_188, %swap3A_189] {strides = array<i32>} : memref<128x128xf32, #tpu.memory_space<vmem>>, vector<1x16xf32>,
      %swap3A_191 = vector.shape_cast %swap3A_190 : vector<1x16xf32> to vector<16xf32>
      %swap3A_192 = vector.shape_cast %broadcast_in_dim3A_10 : vector<16xf32> to vector<1x16xf32>
      tpu.vector_store %arg8[%swap3A_188, %swap3A_189], %swap3A_192 {strides = array<i32>} : memref<128x128xf32, #tpu.memory_space<vmem>>, vector<1x16xf32>,
    }
    %scan3A_15 = arith.constant 128 : i32
    %mul3A_16 = arith.constant 192 : i32
    %mul3A_17 = arith.muli %arg1, %mul3A_16 : i32
    %add3A_18 = arith.constant 0 : i32
    %add3A_19 = arith.addi %mul3A_17, %add3A_18 : i32
    "tpu.region"() ({
      %run_scoped3A = tpu.sem_alloc : memref<!tpu.dma_semaphore, #tpu.memory_space<semaphore_mem>>
      %dma_start3A_149 = arith.constant 0 : i32
      %dma_start3A_150 = tpu.memref_slice %arg12[%add3A_19, %dma_start3A_149] : memref<3072x128xf32, #tpu.memory_space<vmem_shared>> -> memref<128x128xf32, #tpu.memory_space<vmem_shared>>
      %dma_start3A_151 = arith.constant 0 : i32
      %dma_start3A_152 = tpu.memref_slice %arg12[%add3A_19, %dma_start3A_151] : memref<3072x128xf32, #tpu.memory_space<vmem_shared>> -> memref<128x128xf32, #tpu.memory_space<vmem_shared>>
      tpu.enqueue_dma source(%arg8 : memref<128x128xf32, #tpu.memory_space<vmem>>) target(%dma_start3A_152 : memref<128x128xf32, #tpu.memory_space<vmem_shared>>) target_semaphore(%run_scoped3A : memref<!tpu.dma_semaphore, #tpu.memory_space<semaphore_mem>>)
      %dma_wait3A_153 = arith.constant 0 : i32
      %dma_wait3A_154 = tpu.memref_slice %arg12[%add3A_19, %dma_wait3A_153] : memref<3072x128xf32, #tpu.memory_space<vmem_shared>> -> memref<128x128xf32, #tpu.memory_space<vmem_shared>>
      %dma_wait3A_155 = arith.constant 0 : i32
      %dma_wait3A_156 = tpu.memref_slice %arg12[%add3A_19, %dma_wait3A_155] : memref<3072x128xf32, #tpu.memory_space<vmem_shared>> -> memref<128x128xf32, #tpu.memory_space<vmem_shared>>
      tpu.wait_dma2 semaphore(%run_scoped3A : memref<!tpu.dma_semaphore, #tpu.memory_space<semaphore_mem>>) src(%arg8 : memref<128x128xf32, #tpu.memory_space<vmem>>) dst(%dma_wait3A_156 : memref<128x128xf32, #tpu.memory_space<vmem_shared>>)
      tpu.yield
    }) : () -> ()
    %add3A_20 = arith.constant 128 : i32
    %add3A_21 = arith.addi %mul3A_17, %add3A_20 : i32
    "tpu.region"() ({
      %run_scoped3A = tpu.sem_alloc : memref<!tpu.dma_semaphore, #tpu.memory_space<semaphore_mem>>
      %dma_start3A_149 = arith.constant 0 : i32
      %dma_start3A_150 = arith.constant 0 : i32
      %dma_start3A_151 = tpu.memref_slice %arg8[%dma_start3A_149, %dma_start3A_150] : memref<128x128xf32, #tpu.memory_space<vmem>> -> memref<64x128xf32, #tpu.memory_space<vmem>>
      %dma_start3A_152 = arith.constant 0 : i32
      %dma_start3A_153 = tpu.memref_slice %arg12[%add3A_21, %dma_start3A_152] : memref<3072x128xf32, #tpu.memory_space<vmem_shared>> -> memref<64x128xf32, #tpu.memory_space<vmem_shared>>
      %dma_start3A_154 = arith.constant 0 : i32
      %dma_start3A_155 = tpu.memref_slice %arg12[%add3A_21, %dma_start3A_154] : memref<3072x128xf32, #tpu.memory_space<vmem_shared>> -> memref<64x128xf32, #tpu.memory_space<vmem_shared>>
      %dma_start3A_156 = arith.constant 0 : i32
      %dma_start3A_157 = arith.constant 0 : i32
      %dma_start3A_158 = tpu.memref_slice %arg8[%dma_start3A_156, %dma_start3A_157] : memref<128x128xf32, #tpu.memory_space<vmem>> -> memref<64x128xf32, #tpu.memory_space<vmem>>
      tpu.enqueue_dma source(%dma_start3A_158 : memref<64x128xf32, #tpu.memory_space<vmem>>) target(%dma_start3A_155 : memref<64x128xf32, #tpu.memory_space<vmem_shared>>) target_semaphore(%run_scoped3A : memref<!tpu.dma_semaphore, #tpu.memory_space<semaphore_mem>>)
      %dma_wait3A_159 = arith.constant 0 : i32
      %dma_wait3A_160 = arith.constant 0 : i32
      %dma_wait3A_161 = tpu.memref_slice %arg8[%dma_wait3A_159, %dma_wait3A_160] : memref<128x128xf32, #tpu.memory_space<vmem>> -> memref<64x128xf32, #tpu.memory_space<vmem>>
      %dma_wait3A_162 = arith.constant 0 : i32
      %dma_wait3A_163 = tpu.memref_slice %arg12[%add3A_21, %dma_wait3A_162] : memref<3072x128xf32, #tpu.memory_space<vmem_shared>> -> memref<64x128xf32, #tpu.memory_space<vmem_shared>>
      %dma_wait3A_164 = arith.constant 0 : i32
      %dma_wait3A_165 = tpu.memref_slice %arg12[%add3A_21, %dma_wait3A_164] : memref<3072x128xf32, #tpu.memory_space<vmem_shared>> -> memref<64x128xf32, #tpu.memory_space<vmem_shared>>
      %dma_wait3A_166 = arith.constant 0 : i32
      %dma_wait3A_167 = arith.constant 0 : i32
      %dma_wait3A_168 = tpu.memref_slice %arg8[%dma_wait3A_166, %dma_wait3A_167] : memref<128x128xf32, #tpu.memory_space<vmem>> -> memref<64x128xf32, #tpu.memory_space<vmem>>
      tpu.wait_dma2 semaphore(%run_scoped3A : memref<!tpu.dma_semaphore, #tpu.memory_space<semaphore_mem>>) src(%dma_wait3A_168 : memref<64x128xf32, #tpu.memory_space<vmem>>) dst(%dma_wait3A_165 : memref<64x128xf32, #tpu.memory_space<vmem_shared>>)
      tpu.yield
    }) : () -> ()
    %barrier3A = arith.constant 0 : index
    tpu.barrier barrier_id(%barrier3A)
    %dma_start3A = arith.constant 0 : i32
    %dma_start3A_22 = arith.constant 0 : i32
    %dma_start3A_23 = tpu.memref_slice %arg6[%dma_start3A, %dma_start3A_22] : memref<160x128xi32, #tpu.memory_space<vmem>> -> memref<1x128xi32, #tpu.memory_space<vmem>>
    %dma_start3A_24 = tpu.memref_squeeze %dma_start3A_23 : memref<1x128xi32, #tpu.memory_space<vmem>> -> memref<128xi32, #tpu.memory_space<vmem>>
    %dma_start3A_25 = arith.constant 0 : i32
    %dma_start3A_26 = arith.constant 0 : i32
    %dma_start3A_27 = tpu.memref_slice %arg2[%dma_start3A_25, %dma_start3A_26] : memref<10000x128xf32, #tpu.memory_space<hbm>> -> memref<10000x128xf32, #tpu.memory_space<hbm>>
    tpu.enqueue_indirect_dma source(%dma_start3A_27 : memref<10000x128xf32, #tpu.memory_space<hbm>>) target(%arg8 : memref<128x128xf32, #tpu.memory_space<vmem>>) offsets(%dma_start3A_24 : memref<128xi32, #tpu.memory_space<vmem>>) semaphore(%arg13 : memref<!tpu.dma_semaphore, #tpu.memory_space<semaphore_mem>>)
    %dma_start3A_28 = arith.constant 1 : i32
    %dma_start3A_29 = arith.constant 0 : i32
    %dma_start3A_30 = tpu.memref_slice %arg6[%dma_start3A_28, %dma_start3A_29] : memref<160x128xi32, #tpu.memory_space<vmem>> -> memref<1x128xi32, #tpu.memory_space<vmem>>
    %dma_start3A_31 = tpu.memref_squeeze %dma_start3A_30 : memref<1x128xi32, #tpu.memory_space<vmem>> -> memref<128xi32, #tpu.memory_space<vmem>>
    %dma_start3A_32 = arith.constant 0 : i32
    %dma_start3A_33 = arith.constant 0 : i32
    %dma_start3A_34 = tpu.memref_slice %arg2[%dma_start3A_32, %dma_start3A_33] : memref<10000x128xf32, #tpu.memory_space<hbm>> -> memref<10000x128xf32, #tpu.memory_space<hbm>>
    tpu.enqueue_indirect_dma source(%dma_start3A_34 : memref<10000x128xf32, #tpu.memory_space<hbm>>) target(%arg9 : memref<128x128xf32, #tpu.memory_space<vmem>>) offsets(%dma_start3A_31 : memref<128xi32, #tpu.memory_space<vmem>>) semaphore(%arg14 : memref<!tpu.dma_semaphore, #tpu.memory_space<semaphore_mem>>)
    %dma_start3A_35 = arith.constant 2 : i32
    %dma_start3A_36 = arith.constant 0 : i32
    %dma_start3A_37 = tpu.memref_slice %arg6[%dma_start3A_35, %dma_start3A_36] : memref<160x128xi32, #tpu.memory_space<vmem>> -> memref<1x128xi32, #tpu.memory_space<vmem>>
    %dma_start3A_38 = tpu.memref_squeeze %dma_start3A_37 : memref<1x128xi32, #tpu.memory_space<vmem>> -> memref<128xi32, #tpu.memory_space<vmem>>
    %dma_start3A_39 = arith.constant 0 : i32
    %dma_start3A_40 = arith.constant 0 : i32
    %dma_start3A_41 = tpu.memref_slice %arg2[%dma_start3A_39, %dma_start3A_40] : memref<10000x128xf32, #tpu.memory_space<hbm>> -> memref<10000x128xf32, #tpu.memory_space<hbm>>
    tpu.enqueue_indirect_dma source(%dma_start3A_41 : memref<10000x128xf32, #tpu.memory_space<hbm>>) target(%arg10 : memref<128x128xf32, #tpu.memory_space<vmem>>) offsets(%dma_start3A_38 : memref<128xi32, #tpu.memory_space<vmem>>) semaphore(%arg15 : memref<!tpu.dma_semaphore, #tpu.memory_space<semaphore_mem>>)
    %dma_start3A_42 = arith.constant 3 : i32
    %dma_start3A_43 = arith.constant 0 : i32
    %dma_start3A_44 = tpu.memref_slice %arg6[%dma_start3A_42, %dma_start3A_43] : memref<160x128xi32, #tpu.memory_space<vmem>> -> memref<1x128xi32, #tpu.memory_space<vmem>>
    %dma_start3A_45 = tpu.memref_squeeze %dma_start3A_44 : memref<1x128xi32, #tpu.memory_space<vmem>> -> memref<128xi32, #tpu.memory_space<vmem>>
    %dma_start3A_46 = arith.constant 0 : i32
    %dma_start3A_47 = arith.constant 0 : i32
    %dma_start3A_48 = tpu.memref_slice %arg2[%dma_start3A_46, %dma_start3A_47] : memref<10000x128xf32, #tpu.memory_space<hbm>> -> memref<10000x128xf32, #tpu.memory_space<hbm>>
    tpu.enqueue_indirect_dma source(%dma_start3A_48 : memref<10000x128xf32, #tpu.memory_space<hbm>>) target(%arg11 : memref<128x128xf32, #tpu.memory_space<vmem>>) offsets(%dma_start3A_45 : memref<128xi32, #tpu.memory_space<vmem>>) semaphore(%arg16 : memref<!tpu.dma_semaphore, #tpu.memory_space<semaphore_mem>>)
    %scan3A_49 = arith.constant 0 : i32
    %scan3A_50 = arith.constant 39 : i32
    %scan3A_51 = arith.addi %scan3A_49, %scan3A_50 : i32
    %scan3A_52 = arith.constant 1 : i32
    scf.for %scan3A_149 = %scan3A_49 to %scan3A_51 step %scan3A_52  : i32 {
      %mul3A_150 = arith.constant 4 : i32
      %mul3A_151 = arith.muli %scan3A_149, %mul3A_150 : i32
      %add3A_152 = arith.constant 0 : i32
      %add3A_153 = arith.addi %add3A_152, %mul3A_151 : i32
      %add3A_154 = arith.constant 0 : i32
      %add3A_155 = arith.addi %add3A_153, %add3A_154 : i32
      %dma_wait3A_156 = arith.constant 0 : i32
      %dma_wait3A_157 = tpu.memref_slice %arg6[%add3A_155, %dma_wait3A_156] : memref<160x128xi32, #tpu.memory_space<vmem>> -> memref<1x128xi32, #tpu.memory_space<vmem>>
      %dma_wait3A_158 = tpu.memref_squeeze %dma_wait3A_157 : memref<1x128xi32, #tpu.memory_space<vmem>> -> memref<128xi32, #tpu.memory_space<vmem>>
      %dma_wait3A_159 = arith.constant 0 : i32
      %dma_wait3A_160 = arith.constant 0 : i32
      %dma_wait3A_161 = tpu.memref_slice %arg2[%dma_wait3A_159, %dma_wait3A_160] : memref<10000x128xf32, #tpu.memory_space<hbm>> -> memref<10000x128xf32, #tpu.memory_space<hbm>>
      tpu.wait_indirect_dma semaphore(%arg13 : memref<!tpu.dma_semaphore, #tpu.memory_space<semaphore_mem>>) src(%dma_wait3A_161 : memref<10000x128xf32, #tpu.memory_space<hbm>>) dst(%arg8 : memref<128x128xf32, #tpu.memory_space<vmem>>)
      %add3A_162 = arith.constant 0 : i32
      %add3A_163 = arith.addi %add3A_153, %add3A_162 : i32
      %dma_start3A_164 = arith.constant 0 : i32
      %dma_start3A_165 = tpu.memref_slice %arg7[%add3A_163, %dma_start3A_164] : memref<160x128xi32, #tpu.memory_space<vmem>> -> memref<1x128xi32, #tpu.memory_space<vmem>>
      %dma_start3A_166 = tpu.memref_squeeze %dma_start3A_165 : memref<1x128xi32, #tpu.memory_space<vmem>> -> memref<128xi32, #tpu.memory_space<vmem>>
      %dma_start3A_167 = arith.constant 0 : i32
      %dma_start3A_168 = arith.constant 0 : i32
      %dma_start3A_169 = tpu.memref_slice %arg12[%dma_start3A_167, %dma_start3A_168] : memref<3072x128xf32, #tpu.memory_space<vmem_shared>> -> memref<3072x128xf32, #tpu.memory_space<vmem_shared>>
      tpu.enqueue_indirect_dma source(%arg8 : memref<128x128xf32, #tpu.memory_space<vmem>>) target(%dma_start3A_169 : memref<3072x128xf32, #tpu.memory_space<vmem_shared>>) offsets(%dma_start3A_166 : memref<128xi32, #tpu.memory_space<vmem>>) semaphore(%arg17 : memref<!tpu.dma_semaphore, #tpu.memory_space<semaphore_mem>>) {add = true}
      %add3A_170 = arith.constant 1 : i32
      %add3A_171 = arith.addi %add3A_153, %add3A_170 : i32
      %dma_wait3A_172 = arith.constant 0 : i32
      %dma_wait3A_173 = tpu.memref_slice %arg6[%add3A_171, %dma_wait3A_172] : memref<160x128xi32, #tpu.memory_space<vmem>> -> memref<1x128xi32, #tpu.memory_space<vmem>>
      %dma_wait3A_174 = tpu.memref_squeeze %dma_wait3A_173 : memref<1x128xi32, #tpu.memory_space<vmem>> -> memref<128xi32, #tpu.memory_space<vmem>>
      %dma_wait3A_175 = arith.constant 0 : i32
      %dma_wait3A_176 = arith.constant 0 : i32
      %dma_wait3A_177 = tpu.memref_slice %arg2[%dma_wait3A_175, %dma_wait3A_176] : memref<10000x128xf32, #tpu.memory_space<hbm>> -> memref<10000x128xf32, #tpu.memory_space<hbm>>
      tpu.wait_indirect_dma semaphore(%arg14 : memref<!tpu.dma_semaphore, #tpu.memory_space<semaphore_mem>>) src(%dma_wait3A_177 : memref<10000x128xf32, #tpu.memory_space<hbm>>) dst(%arg9 : memref<128x128xf32, #tpu.memory_space<vmem>>)
      %add3A_178 = arith.constant 1 : i32
      %add3A_179 = arith.addi %add3A_153, %add3A_178 : i32
      %dma_start3A_180 = arith.constant 0 : i32
      %dma_start3A_181 = tpu.memref_slice %arg7[%add3A_179, %dma_start3A_180] : memref<160x128xi32, #tpu.memory_space<vmem>> -> memref<1x128xi32, #tpu.memory_space<vmem>>
      %dma_start3A_182 = tpu.memref_squeeze %dma_start3A_181 : memref<1x128xi32, #tpu.memory_space<vmem>> -> memref<128xi32, #tpu.memory_space<vmem>>
      %dma_start3A_183 = arith.constant 0 : i32
      %dma_start3A_184 = arith.constant 0 : i32
      %dma_start3A_185 = tpu.memref_slice %arg12[%dma_start3A_183, %dma_start3A_184] : memref<3072x128xf32, #tpu.memory_space<vmem_shared>> -> memref<3072x128xf32, #tpu.memory_space<vmem_shared>>
      tpu.enqueue_indirect_dma source(%arg9 : memref<128x128xf32, #tpu.memory_space<vmem>>) target(%dma_start3A_185 : memref<3072x128xf32, #tpu.memory_space<vmem_shared>>) offsets(%dma_start3A_182 : memref<128xi32, #tpu.memory_space<vmem>>) semaphore(%arg17 : memref<!tpu.dma_semaphore, #tpu.memory_space<semaphore_mem>>) {add = true}
      %add3A_186 = arith.constant 2 : i32
      %add3A_187 = arith.addi %add3A_153, %add3A_186 : i32
      %dma_wait3A_188 = arith.constant 0 : i32
      %dma_wait3A_189 = tpu.memref_slice %arg6[%add3A_187, %dma_wait3A_188] : memref<160x128xi32, #tpu.memory_space<vmem>> -> memref<1x128xi32, #tpu.memory_space<vmem>>
      %dma_wait3A_190 = tpu.memref_squeeze %dma_wait3A_189 : memref<1x128xi32, #tpu.memory_space<vmem>> -> memref<128xi32, #tpu.memory_space<vmem>>
      %dma_wait3A_191 = arith.constant 0 : i32
      %dma_wait3A_192 = arith.constant 0 : i32
      %dma_wait3A_193 = tpu.memref_slice %arg2[%dma_wait3A_191, %dma_wait3A_192] : memref<10000x128xf32, #tpu.memory_space<hbm>> -> memref<10000x128xf32, #tpu.memory_space<hbm>>
      tpu.wait_indirect_dma semaphore(%arg15 : memref<!tpu.dma_semaphore, #tpu.memory_space<semaphore_mem>>) src(%dma_wait3A_193 : memref<10000x128xf32, #tpu.memory_space<hbm>>) dst(%arg10 : memref<128x128xf32, #tpu.memory_space<vmem>>)
      %add3A_194 = arith.constant 2 : i32
      %add3A_195 = arith.addi %add3A_153, %add3A_194 : i32
      %dma_start3A_196 = arith.constant 0 : i32
      %dma_start3A_197 = tpu.memref_slice %arg7[%add3A_195, %dma_start3A_196] : memref<160x128xi32, #tpu.memory_space<vmem>> -> memref<1x128xi32, #tpu.memory_space<vmem>>
      %dma_start3A_198 = tpu.memref_squeeze %dma_start3A_197 : memref<1x128xi32, #tpu.memory_space<vmem>> -> memref<128xi32, #tpu.memory_space<vmem>>
      %dma_start3A_199 = arith.constant 0 : i32
      %dma_start3A_200 = arith.constant 0 : i32
      %dma_start3A_201 = tpu.memref_slice %arg12[%dma_start3A_199, %dma_start3A_200] : memref<3072x128xf32, #tpu.memory_space<vmem_shared>> -> memref<3072x128xf32, #tpu.memory_space<vmem_shared>>
      tpu.enqueue_indirect_dma source(%arg10 : memref<128x128xf32, #tpu.memory_space<vmem>>) target(%dma_start3A_201 : memref<3072x128xf32, #tpu.memory_space<vmem_shared>>) offsets(%dma_start3A_198 : memref<128xi32, #tpu.memory_space<vmem>>) semaphore(%arg17 : memref<!tpu.dma_semaphore, #tpu.memory_space<semaphore_mem>>) {add = true}
      %add3A_202 = arith.constant 3 : i32
      %add3A_203 = arith.addi %add3A_153, %add3A_202 : i32
      %dma_wait3A_204 = arith.constant 0 : i32
      %dma_wait3A_205 = tpu.memref_slice %arg6[%add3A_203, %dma_wait3A_204] : memref<160x128xi32, #tpu.memory_space<vmem>> -> memref<1x128xi32, #tpu.memory_space<vmem>>
      %dma_wait3A_206 = tpu.memref_squeeze %dma_wait3A_205 : memref<1x128xi32, #tpu.memory_space<vmem>> -> memref<128xi32, #tpu.memory_space<vmem>>
      %dma_wait3A_207 = arith.constant 0 : i32
      %dma_wait3A_208 = arith.constant 0 : i32
      %dma_wait3A_209 = tpu.memref_slice %arg2[%dma_wait3A_207, %dma_wait3A_208] : memref<10000x128xf32, #tpu.memory_space<hbm>> -> memref<10000x128xf32, #tpu.memory_space<hbm>>
      tpu.wait_indirect_dma semaphore(%arg16 : memref<!tpu.dma_semaphore, #tpu.memory_space<semaphore_mem>>) src(%dma_wait3A_209 : memref<10000x128xf32, #tpu.memory_space<hbm>>) dst(%arg11 : memref<128x128xf32, #tpu.memory_space<vmem>>)
      %add3A_210 = arith.constant 3 : i32
      %add3A_211 = arith.addi %add3A_153, %add3A_210 : i32
      %dma_start3A_212 = arith.constant 0 : i32
      %dma_start3A_213 = tpu.memref_slice %arg7[%add3A_211, %dma_start3A_212] : memref<160x128xi32, #tpu.memory_space<vmem>> -> memref<1x128xi32, #tpu.memory_space<vmem>>
      %dma_start3A_214 = tpu.memref_squeeze %dma_start3A_213 : memref<1x128xi32, #tpu.memory_space<vmem>> -> memref<128xi32, #tpu.memory_space<vmem>>
      %dma_start3A_215 = arith.constant 0 : i32
      %dma_start3A_216 = arith.constant 0 : i32
      %dma_start3A_217 = tpu.memref_slice %arg12[%dma_start3A_215, %dma_start3A_216] : memref<3072x128xf32, #tpu.memory_space<vmem_shared>> -> memref<3072x128xf32, #tpu.memory_space<vmem_shared>>
      tpu.enqueue_indirect_dma source(%arg11 : memref<128x128xf32, #tpu.memory_space<vmem>>) target(%dma_start3A_217 : memref<3072x128xf32, #tpu.memory_space<vmem_shared>>) offsets(%dma_start3A_214 : memref<128xi32, #tpu.memory_space<vmem>>) semaphore(%arg17 : memref<!tpu.dma_semaphore, #tpu.memory_space<semaphore_mem>>) {add = true}
      %add3A_218 = arith.constant 0 : i32
      %add3A_219 = arith.addi %add3A_153, %add3A_218 : i32
      %dma_wait3A_220 = arith.constant 0 : i32
      %dma_wait3A_221 = tpu.memref_slice %arg7[%add3A_219, %dma_wait3A_220] : memref<160x128xi32, #tpu.memory_space<vmem>> -> memref<1x128xi32, #tpu.memory_space<vmem>>
      %dma_wait3A_222 = tpu.memref_squeeze %dma_wait3A_221 : memref<1x128xi32, #tpu.memory_space<vmem>> -> memref<128xi32, #tpu.memory_space<vmem>>
      %dma_wait3A_223 = arith.constant 0 : i32
      %dma_wait3A_224 = arith.constant 0 : i32
      %dma_wait3A_225 = tpu.memref_slice %arg12[%dma_wait3A_223, %dma_wait3A_224] : memref<3072x128xf32, #tpu.memory_space<vmem_shared>> -> memref<3072x128xf32, #tpu.memory_space<vmem_shared>>
      tpu.wait_indirect_dma semaphore(%arg17 : memref<!tpu.dma_semaphore, #tpu.memory_space<semaphore_mem>>) src(%arg8 : memref<128x128xf32, #tpu.memory_space<vmem>>) dst(%dma_wait3A_225 : memref<3072x128xf32, #tpu.memory_space<vmem_shared>>)
      %add3A_226 = arith.constant 4 : i32
      %add3A_227 = arith.addi %add3A_153, %add3A_226 : i32
      %add3A_228 = arith.constant 0 : i32
      %add3A_229 = arith.addi %add3A_227, %add3A_228 : i32
      %dma_start3A_230 = arith.constant 0 : i32
      %dma_start3A_231 = tpu.memref_slice %arg6[%add3A_229, %dma_start3A_230] : memref<160x128xi32, #tpu.memory_space<vmem>> -> memref<1x128xi32, #tpu.memory_space<vmem>>
      %dma_start3A_232 = tpu.memref_squeeze %dma_start3A_231 : memref<1x128xi32, #tpu.memory_space<vmem>> -> memref<128xi32, #tpu.memory_space<vmem>>
      %dma_start3A_233 = arith.constant 0 : i32
      %dma_start3A_234 = arith.constant 0 : i32
      %dma_start3A_235 = tpu.memref_slice %arg2[%dma_start3A_233, %dma_start3A_234] : memref<10000x128xf32, #tpu.memory_space<hbm>> -> memref<10000x128xf32, #tpu.memory_space<hbm>>
      tpu.enqueue_indirect_dma source(%dma_start3A_235 : memref<10000x128xf32, #tpu.memory_space<hbm>>) target(%arg8 : memref<128x128xf32, #tpu.memory_space<vmem>>) offsets(%dma_start3A_232 : memref<128xi32, #tpu.memory_space<vmem>>) semaphore(%arg13 : memref<!tpu.dma_semaphore, #tpu.memory_space<semaphore_mem>>)
      %add3A_236 = arith.constant 1 : i32
      %add3A_237 = arith.addi %add3A_153, %add3A_236 : i32
      %dma_wait3A_238 = arith.constant 0 : i32
      %dma_wait3A_239 = tpu.memref_slice %arg7[%add3A_237, %dma_wait3A_238] : memref<160x128xi32, #tpu.memory_space<vmem>> -> memref<1x128xi32, #tpu.memory_space<vmem>>
      %dma_wait3A_240 = tpu.memref_squeeze %dma_wait3A_239 : memref<1x128xi32, #tpu.memory_space<vmem>> -> memref<128xi32, #tpu.memory_space<vmem>>
      %dma_wait3A_241 = arith.constant 0 : i32
      %dma_wait3A_242 = arith.constant 0 : i32
      %dma_wait3A_243 = tpu.memref_slice %arg12[%dma_wait3A_241, %dma_wait3A_242] : memref<3072x128xf32, #tpu.memory_space<vmem_shared>> -> memref<3072x128xf32, #tpu.memory_space<vmem_shared>>
      tpu.wait_indirect_dma semaphore(%arg17 : memref<!tpu.dma_semaphore, #tpu.memory_space<semaphore_mem>>) src(%arg9 : memref<128x128xf32, #tpu.memory_space<vmem>>) dst(%dma_wait3A_243 : memref<3072x128xf32, #tpu.memory_space<vmem_shared>>)
      %add3A_244 = arith.constant 4 : i32
      %add3A_245 = arith.addi %add3A_153, %add3A_244 : i32
      %add3A_246 = arith.constant 1 : i32
      %add3A_247 = arith.addi %add3A_245, %add3A_246 : i32
      %dma_start3A_248 = arith.constant 0 : i32
      %dma_start3A_249 = tpu.memref_slice %arg6[%add3A_247, %dma_start3A_248] : memref<160x128xi32, #tpu.memory_space<vmem>> -> memref<1x128xi32, #tpu.memory_space<vmem>>
      %dma_start3A_250 = tpu.memref_squeeze %dma_start3A_249 : memref<1x128xi32, #tpu.memory_space<vmem>> -> memref<128xi32, #tpu.memory_space<vmem>>
      %dma_start3A_251 = arith.constant 0 : i32
      %dma_start3A_252 = arith.constant 0 : i32
      %dma_start3A_253 = tpu.memref_slice %arg2[%dma_start3A_251, %dma_start3A_252] : memref<10000x128xf32, #tpu.memory_space<hbm>> -> memref<10000x128xf32, #tpu.memory_space<hbm>>
      tpu.enqueue_indirect_dma source(%dma_start3A_253 : memref<10000x128xf32, #tpu.memory_space<hbm>>) target(%arg9 : memref<128x128xf32, #tpu.memory_space<vmem>>) offsets(%dma_start3A_250 : memref<128xi32, #tpu.memory_space<vmem>>) semaphore(%arg14 : memref<!tpu.dma_semaphore, #tpu.memory_space<semaphore_mem>>)
      %add3A_254 = arith.constant 2 : i32
      %add3A_255 = arith.addi %add3A_153, %add3A_254 : i32
      %dma_wait3A_256 = arith.constant 0 : i32
      %dma_wait3A_257 = tpu.memref_slice %arg7[%add3A_255, %dma_wait3A_256] : memref<160x128xi32, #tpu.memory_space<vmem>> -> memref<1x128xi32, #tpu.memory_space<vmem>>
      %dma_wait3A_258 = tpu.memref_squeeze %dma_wait3A_257 : memref<1x128xi32, #tpu.memory_space<vmem>> -> memref<128xi32, #tpu.memory_space<vmem>>
      %dma_wait3A_259 = arith.constant 0 : i32
      %dma_wait3A_260 = arith.constant 0 : i32
      %dma_wait3A_261 = tpu.memref_slice %arg12[%dma_wait3A_259, %dma_wait3A_260] : memref<3072x128xf32, #tpu.memory_space<vmem_shared>> -> memref<3072x128xf32, #tpu.memory_space<vmem_shared>>
      tpu.wait_indirect_dma semaphore(%arg17 : memref<!tpu.dma_semaphore, #tpu.memory_space<semaphore_mem>>) src(%arg10 : memref<128x128xf32, #tpu.memory_space<vmem>>) dst(%dma_wait3A_261 : memref<3072x128xf32, #tpu.memory_space<vmem_shared>>)
      %add3A_262 = arith.constant 4 : i32
      %add3A_263 = arith.addi %add3A_153, %add3A_262 : i32
      %add3A_264 = arith.constant 2 : i32
      %add3A_265 = arith.addi %add3A_263, %add3A_264 : i32
      %dma_start3A_266 = arith.constant 0 : i32
      %dma_start3A_267 = tpu.memref_slice %arg6[%add3A_265, %dma_start3A_266] : memref<160x128xi32, #tpu.memory_space<vmem>> -> memref<1x128xi32, #tpu.memory_space<vmem>>
      %dma_start3A_268 = tpu.memref_squeeze %dma_start3A_267 : memref<1x128xi32, #tpu.memory_space<vmem>> -> memref<128xi32, #tpu.memory_space<vmem>>
      %dma_start3A_269 = arith.constant 0 : i32
      %dma_start3A_270 = arith.constant 0 : i32
      %dma_start3A_271 = tpu.memref_slice %arg2[%dma_start3A_269, %dma_start3A_270] : memref<10000x128xf32, #tpu.memory_space<hbm>> -> memref<10000x128xf32, #tpu.memory_space<hbm>>
      tpu.enqueue_indirect_dma source(%dma_start3A_271 : memref<10000x128xf32, #tpu.memory_space<hbm>>) target(%arg10 : memref<128x128xf32, #tpu.memory_space<vmem>>) offsets(%dma_start3A_268 : memref<128xi32, #tpu.memory_space<vmem>>) semaphore(%arg15 : memref<!tpu.dma_semaphore, #tpu.memory_space<semaphore_mem>>)
      %add3A_272 = arith.constant 3 : i32
      %add3A_273 = arith.addi %add3A_153, %add3A_272 : i32
      %dma_wait3A_274 = arith.constant 0 : i32
      %dma_wait3A_275 = tpu.memref_slice %arg7[%add3A_273, %dma_wait3A_274] : memref<160x128xi32, #tpu.memory_space<vmem>> -> memref<1x128xi32, #tpu.memory_space<vmem>>
      %dma_wait3A_276 = tpu.memref_squeeze %dma_wait3A_275 : memref<1x128xi32, #tpu.memory_space<vmem>> -> memref<128xi32, #tpu.memory_space<vmem>>
      %dma_wait3A_277 = arith.constant 0 : i32
      %dma_wait3A_278 = arith.constant 0 : i32
      %dma_wait3A_279 = tpu.memref_slice %arg12[%dma_wait3A_277, %dma_wait3A_278] : memref<3072x128xf32, #tpu.memory_space<vmem_shared>> -> memref<3072x128xf32, #tpu.memory_space<vmem_shared>>
      tpu.wait_indirect_dma semaphore(%arg17 : memref<!tpu.dma_semaphore, #tpu.memory_space<semaphore_mem>>) src(%arg11 : memref<128x128xf32, #tpu.memory_space<vmem>>) dst(%dma_wait3A_279 : memref<3072x128xf32, #tpu.memory_space<vmem_shared>>)
      %add3A_280 = arith.constant 4 : i32
      %add3A_281 = arith.addi %add3A_153, %add3A_280 : i32
      %add3A_282 = arith.constant 3 : i32
      %add3A_283 = arith.addi %add3A_281, %add3A_282 : i32
      %dma_start3A_284 = arith.constant 0 : i32
      %dma_start3A_285 = tpu.memref_slice %arg6[%add3A_283, %dma_start3A_284] : memref<160x128xi32, #tpu.memory_space<vmem>> -> memref<1x128xi32, #tpu.memory_space<vmem>>
      %dma_start3A_286 = tpu.memref_squeeze %dma_start3A_285 : memref<1x128xi32, #tpu.memory_space<vmem>> -> memref<128xi32, #tpu.memory_space<vmem>>
      %dma_start3A_287 = arith.constant 0 : i32
      %dma_start3A_288 = arith.constant 0 : i32
      %dma_start3A_289 = tpu.memref_slice %arg2[%dma_start3A_287, %dma_start3A_288] : memref<10000x128xf32, #tpu.memory_space<hbm>> -> memref<10000x128xf32, #tpu.memory_space<hbm>>
      tpu.enqueue_indirect_dma source(%dma_start3A_289 : memref<10000x128xf32, #tpu.memory_space<hbm>>) target(%arg11 : memref<128x128xf32, #tpu.memory_space<vmem>>) offsets(%dma_start3A_286 : memref<128xi32, #tpu.memory_space<vmem>>) semaphore(%arg16 : memref<!tpu.dma_semaphore, #tpu.memory_space<semaphore_mem>>)
    }
    %scan3A_53 = arith.constant 39 : i32
    %dma_wait3A = arith.constant 156 : i32
    %dma_wait3A_54 = arith.constant 0 : i32
    %dma_wait3A_55 = tpu.memref_slice %arg6[%dma_wait3A, %dma_wait3A_54] : memref<160x128xi32, #tpu.memory_space<vmem>> -> memref<1x128xi32, #tpu.memory_space<vmem>>
    %dma_wait3A_56 = tpu.memref_squeeze %dma_wait3A_55 : memref<1x128xi32, #tpu.memory_space<vmem>> -> memref<128xi32, #tpu.memory_space<vmem>>
    %dma_wait3A_57 = arith.constant 0 : i32
    %dma_wait3A_58 = arith.constant 0 : i32
    %dma_wait3A_59 = tpu.memref_slice %arg2[%dma_wait3A_57, %dma_wait3A_58] : memref<10000x128xf32, #tpu.memory_space<hbm>> -> memref<10000x128xf32, #tpu.memory_space<hbm>>
    tpu.wait_indirect_dma semaphore(%arg13 : memref<!tpu.dma_semaphore, #tpu.memory_space<semaphore_mem>>) src(%dma_wait3A_59 : memref<10000x128xf32, #tpu.memory_space<hbm>>) dst(%arg8 : memref<128x128xf32, #tpu.memory_space<vmem>>)
    %dma_start3A_60 = arith.constant 156 : i32
    %dma_start3A_61 = arith.constant 0 : i32
    %dma_start3A_62 = tpu.memref_slice %arg7[%dma_start3A_60, %dma_start3A_61] : memref<160x128xi32, #tpu.memory_space<vmem>> -> memref<1x128xi32, #tpu.memory_space<vmem>>
    %dma_start3A_63 = tpu.memref_squeeze %dma_start3A_62 : memref<1x128xi32, #tpu.memory_space<vmem>> -> memref<128xi32, #tpu.memory_space<vmem>>
    %dma_start3A_64 = arith.constant 0 : i32
    %dma_start3A_65 = arith.constant 0 : i32
    %dma_start3A_66 = tpu.memref_slice %arg12[%dma_start3A_64, %dma_start3A_65] : memref<3072x128xf32, #tpu.memory_space<vmem_shared>> -> memref<3072x128xf32, #tpu.memory_space<vmem_shared>>
    tpu.enqueue_indirect_dma source(%arg8 : memref<128x128xf32, #tpu.memory_space<vmem>>) target(%dma_start3A_66 : memref<3072x128xf32, #tpu.memory_space<vmem_shared>>) offsets(%dma_start3A_63 : memref<128xi32, #tpu.memory_space<vmem>>) semaphore(%arg17 : memref<!tpu.dma_semaphore, #tpu.memory_space<semaphore_mem>>) {add = true}
    %dma_wait3A_67 = arith.constant 157 : i32
    %dma_wait3A_68 = arith.constant 0 : i32
    %dma_wait3A_69 = tpu.memref_slice %arg6[%dma_wait3A_67, %dma_wait3A_68] : memref<160x128xi32, #tpu.memory_space<vmem>> -> memref<1x128xi32, #tpu.memory_space<vmem>>
    %dma_wait3A_70 = tpu.memref_squeeze %dma_wait3A_69 : memref<1x128xi32, #tpu.memory_space<vmem>> -> memref<128xi32, #tpu.memory_space<vmem>>
    %dma_wait3A_71 = arith.constant 0 : i32
    %dma_wait3A_72 = arith.constant 0 : i32
    %dma_wait3A_73 = tpu.memref_slice %arg2[%dma_wait3A_71, %dma_wait3A_72] : memref<10000x128xf32, #tpu.memory_space<hbm>> -> memref<10000x128xf32, #tpu.memory_space<hbm>>
    tpu.wait_indirect_dma semaphore(%arg14 : memref<!tpu.dma_semaphore, #tpu.memory_space<semaphore_mem>>) src(%dma_wait3A_73 : memref<10000x128xf32, #tpu.memory_space<hbm>>) dst(%arg9 : memref<128x128xf32, #tpu.memory_space<vmem>>)
    %dma_start3A_74 = arith.constant 157 : i32
    %dma_start3A_75 = arith.constant 0 : i32
    %dma_start3A_76 = tpu.memref_slice %arg7[%dma_start3A_74, %dma_start3A_75] : memref<160x128xi32, #tpu.memory_space<vmem>> -> memref<1x128xi32, #tpu.memory_space<vmem>>
    %dma_start3A_77 = tpu.memref_squeeze %dma_start3A_76 : memref<1x128xi32, #tpu.memory_space<vmem>> -> memref<128xi32, #tpu.memory_space<vmem>>
    %dma_start3A_78 = arith.constant 0 : i32
    %dma_start3A_79 = arith.constant 0 : i32
    %dma_start3A_80 = tpu.memref_slice %arg12[%dma_start3A_78, %dma_start3A_79] : memref<3072x128xf32, #tpu.memory_space<vmem_shared>> -> memref<3072x128xf32, #tpu.memory_space<vmem_shared>>
    tpu.enqueue_indirect_dma source(%arg9 : memref<128x128xf32, #tpu.memory_space<vmem>>) target(%dma_start3A_80 : memref<3072x128xf32, #tpu.memory_space<vmem_shared>>) offsets(%dma_start3A_77 : memref<128xi32, #tpu.memory_space<vmem>>) semaphore(%arg17 : memref<!tpu.dma_semaphore, #tpu.memory_space<semaphore_mem>>) {add = true}
    %dma_wait3A_81 = arith.constant 158 : i32
    %dma_wait3A_82 = arith.constant 0 : i32
    %dma_wait3A_83 = tpu.memref_slice %arg6[%dma_wait3A_81, %dma_wait3A_82] : memref<160x128xi32, #tpu.memory_space<vmem>> -> memref<1x128xi32, #tpu.memory_space<vmem>>
    %dma_wait3A_84 = tpu.memref_squeeze %dma_wait3A_83 : memref<1x128xi32, #tpu.memory_space<vmem>> -> memref<128xi32, #tpu.memory_space<vmem>>
    %dma_wait3A_85 = arith.constant 0 : i32
    %dma_wait3A_86 = arith.constant 0 : i32
    %dma_wait3A_87 = tpu.memref_slice %arg2[%dma_wait3A_85, %dma_wait3A_86] : memref<10000x128xf32, #tpu.memory_space<hbm>> -> memref<10000x128xf32, #tpu.memory_space<hbm>>
    tpu.wait_indirect_dma semaphore(%arg15 : memref<!tpu.dma_semaphore, #tpu.memory_space<semaphore_mem>>) src(%dma_wait3A_87 : memref<10000x128xf32, #tpu.memory_space<hbm>>) dst(%arg10 : memref<128x128xf32, #tpu.memory_space<vmem>>)
    %dma_start3A_88 = arith.constant 158 : i32
    %dma_start3A_89 = arith.constant 0 : i32
    %dma_start3A_90 = tpu.memref_slice %arg7[%dma_start3A_88, %dma_start3A_89] : memref<160x128xi32, #tpu.memory_space<vmem>> -> memref<1x128xi32, #tpu.memory_space<vmem>>
    %dma_start3A_91 = tpu.memref_squeeze %dma_start3A_90 : memref<1x128xi32, #tpu.memory_space<vmem>> -> memref<128xi32, #tpu.memory_space<vmem>>
    %dma_start3A_92 = arith.constant 0 : i32
    %dma_start3A_93 = arith.constant 0 : i32
    %dma_start3A_94 = tpu.memref_slice %arg12[%dma_start3A_92, %dma_start3A_93] : memref<3072x128xf32, #tpu.memory_space<vmem_shared>> -> memref<3072x128xf32, #tpu.memory_space<vmem_shared>>
    tpu.enqueue_indirect_dma source(%arg10 : memref<128x128xf32, #tpu.memory_space<vmem>>) target(%dma_start3A_94 : memref<3072x128xf32, #tpu.memory_space<vmem_shared>>) offsets(%dma_start3A_91 : memref<128xi32, #tpu.memory_space<vmem>>) semaphore(%arg17 : memref<!tpu.dma_semaphore, #tpu.memory_space<semaphore_mem>>) {add = true}
    %dma_wait3A_95 = arith.constant 159 : i32
    %dma_wait3A_96 = arith.constant 0 : i32
    %dma_wait3A_97 = tpu.memref_slice %arg6[%dma_wait3A_95, %dma_wait3A_96] : memref<160x128xi32, #tpu.memory_space<vmem>> -> memref<1x128xi32, #tpu.memory_space<vmem>>
    %dma_wait3A_98 = tpu.memref_squeeze %dma_wait3A_97 : memref<1x128xi32, #tpu.memory_space<vmem>> -> memref<128xi32, #tpu.memory_space<vmem>>
    %dma_wait3A_99 = arith.constant 0 : i32
    %dma_wait3A_100 = arith.constant 0 : i32
    %dma_wait3A_101 = tpu.memref_slice %arg2[%dma_wait3A_99, %dma_wait3A_100] : memref<10000x128xf32, #tpu.memory_space<hbm>> -> memref<10000x128xf32, #tpu.memory_space<hbm>>
    tpu.wait_indirect_dma semaphore(%arg16 : memref<!tpu.dma_semaphore, #tpu.memory_space<semaphore_mem>>) src(%dma_wait3A_101 : memref<10000x128xf32, #tpu.memory_space<hbm>>) dst(%arg11 : memref<128x128xf32, #tpu.memory_space<vmem>>)
    %dma_start3A_102 = arith.constant 159 : i32
    %dma_start3A_103 = arith.constant 0 : i32
    %dma_start3A_104 = tpu.memref_slice %arg7[%dma_start3A_102, %dma_start3A_103] : memref<160x128xi32, #tpu.memory_space<vmem>> -> memref<1x128xi32, #tpu.memory_space<vmem>>
    %dma_start3A_105 = tpu.memref_squeeze %dma_start3A_104 : memref<1x128xi32, #tpu.memory_space<vmem>> -> memref<128xi32, #tpu.memory_space<vmem>>
    %dma_start3A_106 = arith.constant 0 : i32
    %dma_start3A_107 = arith.constant 0 : i32
    %dma_start3A_108 = tpu.memref_slice %arg12[%dma_start3A_106, %dma_start3A_107] : memref<3072x128xf32, #tpu.memory_space<vmem_shared>> -> memref<3072x128xf32, #tpu.memory_space<vmem_shared>>
    tpu.enqueue_indirect_dma source(%arg11 : memref<128x128xf32, #tpu.memory_space<vmem>>) target(%dma_start3A_108 : memref<3072x128xf32, #tpu.memory_space<vmem_shared>>) offsets(%dma_start3A_105 : memref<128xi32, #tpu.memory_space<vmem>>) semaphore(%arg17 : memref<!tpu.dma_semaphore, #tpu.memory_space<semaphore_mem>>) {add = true}
    %dma_wait3A_109 = arith.constant 156 : i32
    %dma_wait3A_110 = arith.constant 0 : i32
    %dma_wait3A_111 = tpu.memref_slice %arg7[%dma_wait3A_109, %dma_wait3A_110] : memref<160x128xi32, #tpu.memory_space<vmem>> -> memref<1x128xi32, #tpu.memory_space<vmem>>
    %dma_wait3A_112 = tpu.memref_squeeze %dma_wait3A_111 : memref<1x128xi32, #tpu.memory_space<vmem>> -> memref<128xi32, #tpu.memory_space<vmem>>
    %dma_wait3A_113 = arith.constant 0 : i32
    %dma_wait3A_114 = arith.constant 0 : i32
    %dma_wait3A_115 = tpu.memref_slice %arg12[%dma_wait3A_113, %dma_wait3A_114] : memref<3072x128xf32, #tpu.memory_space<vmem_shared>> -> memref<3072x128xf32, #tpu.memory_space<vmem_shared>>
    tpu.wait_indirect_dma semaphore(%arg17 : memref<!tpu.dma_semaphore, #tpu.memory_space<semaphore_mem>>) src(%arg8 : memref<128x128xf32, #tpu.memory_space<vmem>>) dst(%dma_wait3A_115 : memref<3072x128xf32, #tpu.memory_space<vmem_shared>>)
    %dma_wait3A_116 = arith.constant 157 : i32
    %dma_wait3A_117 = arith.constant 0 : i32
    %dma_wait3A_118 = tpu.memref_slice %arg7[%dma_wait3A_116, %dma_wait3A_117] : memref<160x128xi32, #tpu.memory_space<vmem>> -> memref<1x128xi32, #tpu.memory_space<vmem>>
    %dma_wait3A_119 = tpu.memref_squeeze %dma_wait3A_118 : memref<1x128xi32, #tpu.memory_space<vmem>> -> memref<128xi32, #tpu.memory_space<vmem>>
    %dma_wait3A_120 = arith.constant 0 : i32
    %dma_wait3A_121 = arith.constant 0 : i32
    %dma_wait3A_122 = tpu.memref_slice %arg12[%dma_wait3A_120, %dma_wait3A_121] : memref<3072x128xf32, #tpu.memory_space<vmem_shared>> -> memref<3072x128xf32, #tpu.memory_space<vmem_shared>>
    tpu.wait_indirect_dma semaphore(%arg17 : memref<!tpu.dma_semaphore, #tpu.memory_space<semaphore_mem>>) src(%arg9 : memref<128x128xf32, #tpu.memory_space<vmem>>) dst(%dma_wait3A_122 : memref<3072x128xf32, #tpu.memory_space<vmem_shared>>)
    %dma_wait3A_123 = arith.constant 158 : i32
    %dma_wait3A_124 = arith.constant 0 : i32
    %dma_wait3A_125 = tpu.memref_slice %arg7[%dma_wait3A_123, %dma_wait3A_124] : memref<160x128xi32, #tpu.memory_space<vmem>> -> memref<1x128xi32, #tpu.memory_space<vmem>>
    %dma_wait3A_126 = tpu.memref_squeeze %dma_wait3A_125 : memref<1x128xi32, #tpu.memory_space<vmem>> -> memref<128xi32, #tpu.memory_space<vmem>>
    %dma_wait3A_127 = arith.constant 0 : i32
    %dma_wait3A_128 = arith.constant 0 : i32
    %dma_wait3A_129 = tpu.memref_slice %arg12[%dma_wait3A_127, %dma_wait3A_128] : memref<3072x128xf32, #tpu.memory_space<vmem_shared>> -> memref<3072x128xf32, #tpu.memory_space<vmem_shared>>
    tpu.wait_indirect_dma semaphore(%arg17 : memref<!tpu.dma_semaphore, #tpu.memory_space<semaphore_mem>>) src(%arg10 : memref<128x128xf32, #tpu.memory_space<vmem>>) dst(%dma_wait3A_129 : memref<3072x128xf32, #tpu.memory_space<vmem_shared>>)
    %dma_wait3A_130 = arith.constant 159 : i32
    %dma_wait3A_131 = arith.constant 0 : i32
    %dma_wait3A_132 = tpu.memref_slice %arg7[%dma_wait3A_130, %dma_wait3A_131] : memref<160x128xi32, #tpu.memory_space<vmem>> -> memref<1x128xi32, #tpu.memory_space<vmem>>
    %dma_wait3A_133 = tpu.memref_squeeze %dma_wait3A_132 : memref<1x128xi32, #tpu.memory_space<vmem>> -> memref<128xi32, #tpu.memory_space<vmem>>
    %dma_wait3A_134 = arith.constant 0 : i32
    %dma_wait3A_135 = arith.constant 0 : i32
    %dma_wait3A_136 = tpu.memref_slice %arg12[%dma_wait3A_134, %dma_wait3A_135] : memref<3072x128xf32, #tpu.memory_space<vmem_shared>> -> memref<3072x128xf32, #tpu.memory_space<vmem_shared>>
    tpu.wait_indirect_dma semaphore(%arg17 : memref<!tpu.dma_semaphore, #tpu.memory_space<semaphore_mem>>) src(%arg11 : memref<128x128xf32, #tpu.memory_space<vmem>>) dst(%dma_wait3A_136 : memref<3072x128xf32, #tpu.memory_space<vmem_shared>>)
    %barrier3A_137 = arith.constant 0 : index
    tpu.barrier barrier_id(%barrier3A_137)
    %mul3A_138 = arith.constant 3072 : i32
    %mul3A_139 = arith.muli %arg0, %mul3A_138 : i32
    %add3A_140 = arith.addi %mul3A_139, %mul3A_17 : i32
    %add3A_141 = arith.constant 0 : i32
    %add3A_142 = arith.addi %mul3A_17, %add3A_141 : i32
    %add3A_143 = arith.constant 0 : i32
    %add3A_144 = arith.addi %add3A_140, %add3A_143 : i32
    "tpu.region"() ({
      %run_scoped3A = tpu.sem_alloc : memref<!tpu.dma_semaphore, #tpu.memory_space<semaphore_mem>>
      %dma_start3A_149 = arith.constant 0 : i32
      %dma_start3A_150 = tpu.memref_slice %arg5[%add3A_144, %dma_start3A_149] : memref<6144x128xf32, #tpu.memory_space<hbm>> -> memref<128x128xf32, #tpu.memory_space<hbm>>
      %dma_start3A_151 = arith.constant 0 : i32
      %dma_start3A_152 = tpu.memref_slice %arg12[%add3A_142, %dma_start3A_151] : memref<3072x128xf32, #tpu.memory_space<vmem_shared>> -> memref<128x128xf32, #tpu.memory_space<vmem_shared>>
      tpu.enqueue_dma source(%dma_start3A_152 : memref<128x128xf32, #tpu.memory_space<vmem_shared>>) target(%dma_start3A_150 : memref<128x128xf32, #tpu.memory_space<hbm>>) target_semaphore(%run_scoped3A : memref<!tpu.dma_semaphore, #tpu.memory_space<semaphore_mem>>)
      %dma_wait3A_153 = arith.constant 0 : i32
      %dma_wait3A_154 = tpu.memref_slice %arg5[%add3A_144, %dma_wait3A_153] : memref<6144x128xf32, #tpu.memory_space<hbm>> -> memref<128x128xf32, #tpu.memory_space<hbm>>
      %dma_wait3A_155 = arith.constant 0 : i32
      %dma_wait3A_156 = tpu.memref_slice %arg12[%add3A_142, %dma_wait3A_155] : memref<3072x128xf32, #tpu.memory_space<vmem_shared>> -> memref<128x128xf32, #tpu.memory_space<vmem_shared>>
      tpu.wait_dma2 semaphore(%run_scoped3A : memref<!tpu.dma_semaphore, #tpu.memory_space<semaphore_mem>>) src(%dma_wait3A_156 : memref<128x128xf32, #tpu.memory_space<vmem_shared>>) dst(%dma_wait3A_154 : memref<128x128xf32, #tpu.memory_space<hbm>>)
      tpu.yield
    }) : () -> ()
    %add3A_145 = arith.constant 128 : i32
    %add3A_146 = arith.addi %mul3A_17, %add3A_145 : i32
    %add3A_147 = arith.constant 128 : i32
    %add3A_148 = arith.addi %add3A_140, %add3A_147 : i32
    "tpu.region"() ({
      %run_scoped3A = tpu.sem_alloc : memref<!tpu.dma_semaphore, #tpu.memory_space<semaphore_mem>>
      %dma_start3A_149 = arith.constant 0 : i32
      %dma_start3A_150 = tpu.memref_slice %arg5[%add3A_148, %dma_start3A_149] : memref<6144x128xf32, #tpu.memory_space<hbm>> -> memref<64x128xf32, #tpu.memory_space<hbm>>
      %dma_start3A_151 = arith.constant 0 : i32
      %dma_start3A_152 = tpu.memref_slice %arg12[%add3A_146, %dma_start3A_151] : memref<3072x128xf32, #tpu.memory_space<vmem_shared>> -> memref<64x128xf32, #tpu.memory_space<vmem_shared>>
      tpu.enqueue_dma source(%dma_start3A_152 : memref<64x128xf32, #tpu.memory_space<vmem_shared>>) target(%dma_start3A_150 : memref<64x128xf32, #tpu.memory_space<hbm>>) target_semaphore(%run_scoped3A : memref<!tpu.dma_semaphore, #tpu.memory_space<semaphore_mem>>)
      %dma_wait3A_153 = arith.constant 0 : i32
      %dma_wait3A_154 = tpu.memref_slice %arg5[%add3A_148, %dma_wait3A_153] : memref<6144x128xf32, #tpu.memory_space<hbm>> -> memref<64x128xf32, #tpu.memory_space<hbm>>
      %dma_wait3A_155 = arith.constant 0 : i32
      %dma_wait3A_156 = tpu.memref_slice %arg12[%add3A_146, %dma_wait3A_155] : memref<3072x128xf32, #tpu.memory_space<vmem_shared>> -> memref<64x128xf32, #tpu.memory_space<vmem_shared>>
      tpu.wait_dma2 semaphore(%run_scoped3A : memref<!tpu.dma_semaphore, #tpu.memory_space<semaphore_mem>>) src(%dma_wait3A_156 : memref<64x128xf32, #tpu.memory_space<vmem_shared>>) dst(%dma_wait3A_154 : memref<64x128xf32, #tpu.memory_space<hbm>>)
      tpu.yield
    }) : () -> ()
    return
  }
}

#map = affine_map<(d0, d1) -> (0, 0)>
module attributes {stable_mosaic.version = 14 : i64} {
  func.func @k(%arg0: i32, %arg1: i32, %arg2: memref<10000x128xf32, #tpu.memory_space<hbm>>, %arg3: memref<2560x128xi32, #tpu.memory_space<hbm>>, %arg4: memref<2560x128xi32, #tpu.memory_space<hbm>>, %arg5: memref<6144x128xf32, #tpu.memory_space<hbm>>, %arg6: memref<160x128xi32, #tpu.memory_space<vmem>>, %arg7: memref<160x128xi32, #tpu.memory_space<vmem>>, %arg8: memref<128x128xf32, #tpu.memory_space<vmem>>, %arg9: memref<128x128xf32, #tpu.memory_space<vmem>>, %arg10: memref<128x128xf32, #tpu.memory_space<vmem>>, %arg11: memref<128x128xf32, #tpu.memory_space<vmem>>, %arg12: memref<3072x128xf32, #tpu.memory_space<vmem_shared>>, %arg13: memref<!tpu.dma_semaphore, #tpu.memory_space<semaphore_mem>>, %arg14: memref<!tpu.dma_semaphore, #tpu.memory_space<semaphore_mem>>, %arg15: memref<!tpu.dma_semaphore, #tpu.memory_space<semaphore_mem>>, %arg16: memref<!tpu.dma_semaphore, #tpu.memory_space<semaphore_mem>>, %arg17: memref<!tpu.dma_semaphore, #tpu.memory_space<semaphore_mem>>) attributes {dimension_semantics = [#tpu.dimension_semantics<core_parallel>, #tpu.dimension_semantics<subcore_parallel>], iteration_bounds = array<i64: 2, 16>, scalar_prefetch = 0 : i64, scratch_operands = 12 : i64, tpu.core_type = #tpu.core_type<sc_vector_subcore>, window_params = [{transform_indices = #map}, {transform_indices = #map}, {transform_indices = #map}, {transform_indices = #map}]} {
    %mul3A = arith.constant 160 : i32
    %mul3A_0 = arith.muli %arg1, %mul3A : i32
    "tpu.region"() ({
      %run_scoped3A = tpu.sem_alloc : memref<!tpu.dma_semaphore, #tpu.memory_space<semaphore_mem>>
      %dma_start3A_149 = arith.constant 0 : i32
      %dma_start3A_150 = tpu.memref_slice %arg3[%mul3A_0, %dma_start3A_149] : memref<2560x128xi32, #tpu.memory_space<hbm>> -> memref<160x128xi32, #tpu.memory_space<hbm>>
      %dma_start3A_151 = arith.constant 0 : i32
      %dma_start3A_152 = tpu.memref_slice %arg3[%mul3A_0, %dma_start3A_151] : memref<2560x128xi32, #tpu.memory_space<hbm>> -> memref<160x128xi32, #tpu.memory_space<hbm>>
      tpu.enqueue_dma source(%dma_start3A_152 : memref<160x128xi32, #tpu.memory_space<hbm>>) target(%arg6 : memref<160x128xi32, #tpu.memory_space<vmem>>) target_semaphore(%run_scoped3A : memref<!tpu.dma_semaphore, #tpu.memory_space<semaphore_mem>>)
      %dma_wait3A_153 = arith.constant 0 : i32
      %dma_wait3A_154 = tpu.memref_slice %arg3[%mul3A_0, %dma_wait3A_153] : memref<2560x128xi32, #tpu.memory_space<hbm>> -> memref<160x128xi32, #tpu.memory_space<hbm>>
      %dma_wait3A_155 = arith.constant 0 : i32
      %dma_wait3A_156 = tpu.memref_slice %arg3[%mul3A_0, %dma_wait3A_155] : memref<2560x128xi32, #tpu.memory_space<hbm>> -> memref<160x128xi32, #tpu.memory_space<hbm>>
      tpu.wait_dma2 semaphore(%run_scoped3A : memref<!tpu.dma_semaphore, #tpu.memory_space<semaphore_mem>>) src(%dma_wait3A_156 : memref<160x128xi32, #tpu.memory_space<hbm>>) dst(%arg6 : memref<160x128xi32, #tpu.memory_space<vmem>>)
      tpu.yield
    }) : () -> ()
    %mul3A_1 = arith.constant 160 : i32
    %mul3A_2 = arith.muli %arg1, %mul3A_1 : i32
    "tpu.region"() ({
      %run_scoped3A = tpu.sem_alloc : memref<!tpu.dma_semaphore, #tpu.memory_space<semaphore_mem>>
      %dma_start3A_149 = arith.constant 0 : i32
      %dma_start3A_150 = tpu.memref_slice %arg4[%mul3A_2, %dma_start3A_149] : memref<2560x128xi32, #tpu.memory_space<hbm>> -> memref<160x128xi32, #tpu.memory_space<hbm>>
      %dma_start3A_151 = arith.constant 0 : i32
      %dma_start3A_152 = tpu.memref_slice %arg4[%mul3A_2, %dma_start3A_151] : memref<2560x128xi32, #tpu.memory_space<hbm>> -> memref<160x128xi32, #tpu.memory_space<hbm>>
      tpu.enqueue_dma source(%dma_start3A_152 : memref<160x128xi32, #tpu.memory_space<hbm>>) target(%arg7 : memref<160x128xi32, #tpu.memory_space<vmem>>) target_semaphore(%run_scoped3A : memref<!tpu.dma_semaphore, #tpu.memory_space<semaphore_mem>>)
      %dma_wait3A_153 = arith.constant 0 : i32
      %dma_wait3A_154 = tpu.memref_slice %arg4[%mul3A_2, %dma_wait3A_153] : memref<2560x128xi32, #tpu.memory_space<hbm>> -> memref<160x128xi32, #tpu.memory_space<hbm>>
      %dma_wait3A_155 = arith.constant 0 : i32
      %dma_wait3A_156 = tpu.memref_slice %arg4[%mul3A_2, %dma_wait3A_155] : memref<2560x128xi32, #tpu.memory_space<hbm>> -> memref<160x128xi32, #tpu.memory_space<hbm>>
      tpu.wait_dma2 semaphore(%run_scoped3A : memref<!tpu.dma_semaphore, #tpu.memory_space<semaphore_mem>>) src(%dma_wait3A_156 : memref<160x128xi32, #tpu.memory_space<hbm>>) dst(%arg7 : memref<160x128xi32, #tpu.memory_space<vmem>>)
      tpu.yield
    }) : () -> ()
    %mul3A_3 = arith.constant 2560 : i32
    %mul3A_4 = arith.muli %arg0, %mul3A_3 : i32
    %add3A = arith.constant 0 : i32
    %add3A_5 = arith.addi %add3A, %mul3A_4 : i32
    %scan3A = arith.constant 0 : i32
    %scan3A_6 = arith.constant 160 : i32
    %scan3A_7 = arith.addi %scan3A, %scan3A_6 : i32
    %scan3A_8 = arith.constant 1 : i32
    scf.for %scan3A_149 = %scan3A to %scan3A_7 step %scan3A_8  : i32 {
      %mul3A_150 = arith.constant 1 : i32
      %mul3A_151 = arith.muli %scan3A_149, %mul3A_150 : i32
      %add3A_152 = arith.constant 0 : i32
      %add3A_153 = arith.addi %add3A_152, %mul3A_151 : i32
      %get3A = arith.index_cast %add3A_153 : i32 to index
      %get3A_154 = arith.constant 0 : index
      %get3A_155 = tpu.vector_load %arg7[%get3A, %get3A_154] {strides = array<i32>} : memref<160x128xi32, #tpu.memory_space<vmem>>, vector<1x16xi32>,
      %get3A_156 = vector.shape_cast %get3A_155 : vector<1x16xi32> to vector<16xi32>
      %sub3A = vector.broadcast %add3A_5 : i32 to vector<16xi32>
      %sub3A_157 = arith.subi %get3A_156, %sub3A : vector<16xi32>
      %ge3A = arith.constant 0 : i32
      %ge3A_158 = vector.broadcast %ge3A : i32 to vector<16xi32>
      %ge3A_159 = arith.cmpi sge, %sub3A_157, %ge3A_158 : vector<16xi32>
      %lt3A = arith.constant 2560 : i32
      %lt3A_160 = vector.broadcast %lt3A : i32 to vector<16xi32>
      %lt3A_161 = arith.cmpi slt, %sub3A_157, %lt3A_160 : vector<16xi32>
      %and3A = arith.andi %ge3A_159, %lt3A_161 : vector<16xi1>
      %and3A_162 = arith.constant 511 : i32
      %and3A_163 = vector.broadcast %and3A_162 : i32 to vector<16xi32>
      %and3A_164 = arith.andi %get3A_156, %and3A_163 : vector<16xi32>
      %add3A_165 = arith.constant 2560 : i32
      %add3A_166 = vector.broadcast %add3A_165 : i32 to vector<16xi32>
      %add3A_167 = arith.addi %add3A_166, %and3A_164 : vector<16xi32>
      %select_n3A = arith.select %and3A, %sub3A_157, %add3A_167 : vector<16xi1>, vector<16xi32>
      %swap3A = arith.index_cast %add3A_153 : i32 to index
      %swap3A_168 = arith.constant 0 : index
      %swap3A_169 = tpu.vector_load %arg7[%swap3A, %swap3A_168] {strides = array<i32>} : memref<160x128xi32, #tpu.memory_space<vmem>>, vector<1x16xi32>,
      %swap3A_170 = vector.shape_cast %swap3A_169 : vector<1x16xi32> to vector<16xi32>
      %swap3A_171 = vector.shape_cast %select_n3A : vector<16xi32> to vector<1x16xi32>
      tpu.vector_store %arg7[%swap3A, %swap3A_168], %swap3A_171 {strides = array<i32>} : memref<160x128xi32, #tpu.memory_space<vmem>>, vector<1x16xi32>,
      %get3A_172 = arith.index_cast %add3A_153 : i32 to index
      %get3A_173 = arith.constant 16 : index
      %get3A_174 = tpu.vector_load %arg7[%get3A_172, %get3A_173] {strides = array<i32>} : memref<160x128xi32, #tpu.memory_space<vmem>>, vector<1x16xi32>,
      %get3A_175 = vector.shape_cast %get3A_174 : vector<1x16xi32> to vector<16xi32>
      %sub3A_176 = vector.broadcast %add3A_5 : i32 to vector<16xi32>
      %sub3A_177 = arith.subi %get3A_175, %sub3A_176 : vector<16xi32>
      %ge3A_178 = arith.constant 0 : i32
      %ge3A_179 = vector.broadcast %ge3A_178 : i32 to vector<16xi32>
      %ge3A_180 = arith.cmpi sge, %sub3A_177, %ge3A_179 : vector<16xi32>
      %lt3A_181 = arith.constant 2560 : i32
      %lt3A_182 = vector.broadcast %lt3A_181 : i32 to vector<16xi32>
      %lt3A_183 = arith.cmpi slt, %sub3A_177, %lt3A_182 : vector<16xi32>
      %and3A_184 = arith.andi %ge3A_180, %lt3A_183 : vector<16xi1>
      %and3A_185 = arith.constant 511 : i32
      %and3A_186 = vector.broadcast %and3A_185 : i32 to vector<16xi32>
      %and3A_187 = arith.andi %get3A_175, %and3A_186 : vector<16xi32>
      %add3A_188 = arith.constant 2560 : i32
      %add3A_189 = vector.broadcast %add3A_188 : i32 to vector<16xi32>
      %add3A_190 = arith.addi %add3A_189, %and3A_187 : vector<16xi32>
      %select_n3A_191 = arith.select %and3A_184, %sub3A_177, %add3A_190 : vector<16xi1>, vector<16xi32>
      %swap3A_192 = arith.index_cast %add3A_153 : i32 to index
      %swap3A_193 = arith.constant 16 : index
      %swap3A_194 = tpu.vector_load %arg7[%swap3A_192, %swap3A_193] {strides = array<i32>} : memref<160x128xi32, #tpu.memory_space<vmem>>, vector<1x16xi32>,
      %swap3A_195 = vector.shape_cast %swap3A_194 : vector<1x16xi32> to vector<16xi32>
      %swap3A_196 = vector.shape_cast %select_n3A_191 : vector<16xi32> to vector<1x16xi32>
      tpu.vector_store %arg7[%swap3A_192, %swap3A_193], %swap3A_196 {strides = array<i32>} : memref<160x128xi32, #tpu.memory_space<vmem>>, vector<1x16xi32>,
      %get3A_197 = arith.index_cast %add3A_153 : i32 to index
      %get3A_198 = arith.constant 32 : index
      %get3A_199 = tpu.vector_load %arg7[%get3A_197, %get3A_198] {strides = array<i32>} : memref<160x128xi32, #tpu.memory_space<vmem>>, vector<1x16xi32>,
      %get3A_200 = vector.shape_cast %get3A_199 : vector<1x16xi32> to vector<16xi32>
      %sub3A_201 = vector.broadcast %add3A_5 : i32 to vector<16xi32>
      %sub3A_202 = arith.subi %get3A_200, %sub3A_201 : vector<16xi32>
      %ge3A_203 = arith.constant 0 : i32
      %ge3A_204 = vector.broadcast %ge3A_203 : i32 to vector<16xi32>
      %ge3A_205 = arith.cmpi sge, %sub3A_202, %ge3A_204 : vector<16xi32>
      %lt3A_206 = arith.constant 2560 : i32
      %lt3A_207 = vector.broadcast %lt3A_206 : i32 to vector<16xi32>
      %lt3A_208 = arith.cmpi slt, %sub3A_202, %lt3A_207 : vector<16xi32>
      %and3A_209 = arith.andi %ge3A_205, %lt3A_208 : vector<16xi1>
      %and3A_210 = arith.constant 511 : i32
      %and3A_211 = vector.broadcast %and3A_210 : i32 to vector<16xi32>
      %and3A_212 = arith.andi %get3A_200, %and3A_211 : vector<16xi32>
      %add3A_213 = arith.constant 2560 : i32
      %add3A_214 = vector.broadcast %add3A_213 : i32 to vector<16xi32>
      %add3A_215 = arith.addi %add3A_214, %and3A_212 : vector<16xi32>
      %select_n3A_216 = arith.select %and3A_209, %sub3A_202, %add3A_215 : vector<16xi1>, vector<16xi32>
      %swap3A_217 = arith.index_cast %add3A_153 : i32 to index
      %swap3A_218 = arith.constant 32 : index
      %swap3A_219 = tpu.vector_load %arg7[%swap3A_217, %swap3A_218] {strides = array<i32>} : memref<160x128xi32, #tpu.memory_space<vmem>>, vector<1x16xi32>,
      %swap3A_220 = vector.shape_cast %swap3A_219 : vector<1x16xi32> to vector<16xi32>
      %swap3A_221 = vector.shape_cast %select_n3A_216 : vector<16xi32> to vector<1x16xi32>
      tpu.vector_store %arg7[%swap3A_217, %swap3A_218], %swap3A_221 {strides = array<i32>} : memref<160x128xi32, #tpu.memory_space<vmem>>, vector<1x16xi32>,
      %get3A_222 = arith.index_cast %add3A_153 : i32 to index
      %get3A_223 = arith.constant 48 : index
      %get3A_224 = tpu.vector_load %arg7[%get3A_222, %get3A_223] {strides = array<i32>} : memref<160x128xi32, #tpu.memory_space<vmem>>, vector<1x16xi32>,
      %get3A_225 = vector.shape_cast %get3A_224 : vector<1x16xi32> to vector<16xi32>
      %sub3A_226 = vector.broadcast %add3A_5 : i32 to vector<16xi32>
      %sub3A_227 = arith.subi %get3A_225, %sub3A_226 : vector<16xi32>
      %ge3A_228 = arith.constant 0 : i32
      %ge3A_229 = vector.broadcast %ge3A_228 : i32 to vector<16xi32>
      %ge3A_230 = arith.cmpi sge, %sub3A_227, %ge3A_229 : vector<16xi32>
      %lt3A_231 = arith.constant 2560 : i32
      %lt3A_232 = vector.broadcast %lt3A_231 : i32 to vector<16xi32>
      %lt3A_233 = arith.cmpi slt, %sub3A_227, %lt3A_232 : vector<16xi32>
      %and3A_234 = arith.andi %ge3A_230, %lt3A_233 : vector<16xi1>
      %and3A_235 = arith.constant 511 : i32
      %and3A_236 = vector.broadcast %and3A_235 : i32 to vector<16xi32>
      %and3A_237 = arith.andi %get3A_225, %and3A_236 : vector<16xi32>
      %add3A_238 = arith.constant 2560 : i32
      %add3A_239 = vector.broadcast %add3A_238 : i32 to vector<16xi32>
      %add3A_240 = arith.addi %add3A_239, %and3A_237 : vector<16xi32>
      %select_n3A_241 = arith.select %and3A_234, %sub3A_227, %add3A_240 : vector<16xi1>, vector<16xi32>
      %swap3A_242 = arith.index_cast %add3A_153 : i32 to index
      %swap3A_243 = arith.constant 48 : index
      %swap3A_244 = tpu.vector_load %arg7[%swap3A_242, %swap3A_243] {strides = array<i32>} : memref<160x128xi32, #tpu.memory_space<vmem>>, vector<1x16xi32>,
      %swap3A_245 = vector.shape_cast %swap3A_244 : vector<1x16xi32> to vector<16xi32>
      %swap3A_246 = vector.shape_cast %select_n3A_241 : vector<16xi32> to vector<1x16xi32>
      tpu.vector_store %arg7[%swap3A_242, %swap3A_243], %swap3A_246 {strides = array<i32>} : memref<160x128xi32, #tpu.memory_space<vmem>>, vector<1x16xi32>,
      %get3A_247 = arith.index_cast %add3A_153 : i32 to index
      %get3A_248 = arith.constant 64 : index
      %get3A_249 = tpu.vector_load %arg7[%get3A_247, %get3A_248] {strides = array<i32>} : memref<160x128xi32, #tpu.memory_space<vmem>>, vector<1x16xi32>,
      %get3A_250 = vector.shape_cast %get3A_249 : vector<1x16xi32> to vector<16xi32>
      %sub3A_251 = vector.broadcast %add3A_5 : i32 to vector<16xi32>
      %sub3A_252 = arith.subi %get3A_250, %sub3A_251 : vector<16xi32>
      %ge3A_253 = arith.constant 0 : i32
      %ge3A_254 = vector.broadcast %ge3A_253 : i32 to vector<16xi32>
      %ge3A_255 = arith.cmpi sge, %sub3A_252, %ge3A_254 : vector<16xi32>
      %lt3A_256 = arith.constant 2560 : i32
      %lt3A_257 = vector.broadcast %lt3A_256 : i32 to vector<16xi32>
      %lt3A_258 = arith.cmpi slt, %sub3A_252, %lt3A_257 : vector<16xi32>
      %and3A_259 = arith.andi %ge3A_255, %lt3A_258 : vector<16xi1>
      %and3A_260 = arith.constant 511 : i32
      %and3A_261 = vector.broadcast %and3A_260 : i32 to vector<16xi32>
      %and3A_262 = arith.andi %get3A_250, %and3A_261 : vector<16xi32>
      %add3A_263 = arith.constant 2560 : i32
      %add3A_264 = vector.broadcast %add3A_263 : i32 to vector<16xi32>
      %add3A_265 = arith.addi %add3A_264, %and3A_262 : vector<16xi32>
      %select_n3A_266 = arith.select %and3A_259, %sub3A_252, %add3A_265 : vector<16xi1>, vector<16xi32>
      %swap3A_267 = arith.index_cast %add3A_153 : i32 to index
      %swap3A_268 = arith.constant 64 : index
      %swap3A_269 = tpu.vector_load %arg7[%swap3A_267, %swap3A_268] {strides = array<i32>} : memref<160x128xi32, #tpu.memory_space<vmem>>, vector<1x16xi32>,
      %swap3A_270 = vector.shape_cast %swap3A_269 : vector<1x16xi32> to vector<16xi32>
      %swap3A_271 = vector.shape_cast %select_n3A_266 : vector<16xi32> to vector<1x16xi32>
      tpu.vector_store %arg7[%swap3A_267, %swap3A_268], %swap3A_271 {strides = array<i32>} : memref<160x128xi32, #tpu.memory_space<vmem>>, vector<1x16xi32>,
      %get3A_272 = arith.index_cast %add3A_153 : i32 to index
      %get3A_273 = arith.constant 80 : index
      %get3A_274 = tpu.vector_load %arg7[%get3A_272, %get3A_273] {strides = array<i32>} : memref<160x128xi32, #tpu.memory_space<vmem>>, vector<1x16xi32>,
      %get3A_275 = vector.shape_cast %get3A_274 : vector<1x16xi32> to vector<16xi32>
      %sub3A_276 = vector.broadcast %add3A_5 : i32 to vector<16xi32>
      %sub3A_277 = arith.subi %get3A_275, %sub3A_276 : vector<16xi32>
      %ge3A_278 = arith.constant 0 : i32
      %ge3A_279 = vector.broadcast %ge3A_278 : i32 to vector<16xi32>
      %ge3A_280 = arith.cmpi sge, %sub3A_277, %ge3A_279 : vector<16xi32>
      %lt3A_281 = arith.constant 2560 : i32
      %lt3A_282 = vector.broadcast %lt3A_281 : i32 to vector<16xi32>
      %lt3A_283 = arith.cmpi slt, %sub3A_277, %lt3A_282 : vector<16xi32>
      %and3A_284 = arith.andi %ge3A_280, %lt3A_283 : vector<16xi1>
      %and3A_285 = arith.constant 511 : i32
      %and3A_286 = vector.broadcast %and3A_285 : i32 to vector<16xi32>
      %and3A_287 = arith.andi %get3A_275, %and3A_286 : vector<16xi32>
      %add3A_288 = arith.constant 2560 : i32
      %add3A_289 = vector.broadcast %add3A_288 : i32 to vector<16xi32>
      %add3A_290 = arith.addi %add3A_289, %and3A_287 : vector<16xi32>
      %select_n3A_291 = arith.select %and3A_284, %sub3A_277, %add3A_290 : vector<16xi1>, vector<16xi32>
      %swap3A_292 = arith.index_cast %add3A_153 : i32 to index
      %swap3A_293 = arith.constant 80 : index
      %swap3A_294 = tpu.vector_load %arg7[%swap3A_292, %swap3A_293] {strides = array<i32>} : memref<160x128xi32, #tpu.memory_space<vmem>>, vector<1x16xi32>,
      %swap3A_295 = vector.shape_cast %swap3A_294 : vector<1x16xi32> to vector<16xi32>
      %swap3A_296 = vector.shape_cast %select_n3A_291 : vector<16xi32> to vector<1x16xi32>
      tpu.vector_store %arg7[%swap3A_292, %swap3A_293], %swap3A_296 {strides = array<i32>} : memref<160x128xi32, #tpu.memory_space<vmem>>, vector<1x16xi32>,
      %get3A_297 = arith.index_cast %add3A_153 : i32 to index
      %get3A_298 = arith.constant 96 : index
      %get3A_299 = tpu.vector_load %arg7[%get3A_297, %get3A_298] {strides = array<i32>} : memref<160x128xi32, #tpu.memory_space<vmem>>, vector<1x16xi32>,
      %get3A_300 = vector.shape_cast %get3A_299 : vector<1x16xi32> to vector<16xi32>
      %sub3A_301 = vector.broadcast %add3A_5 : i32 to vector<16xi32>
      %sub3A_302 = arith.subi %get3A_300, %sub3A_301 : vector<16xi32>
      %ge3A_303 = arith.constant 0 : i32
      %ge3A_304 = vector.broadcast %ge3A_303 : i32 to vector<16xi32>
      %ge3A_305 = arith.cmpi sge, %sub3A_302, %ge3A_304 : vector<16xi32>
      %lt3A_306 = arith.constant 2560 : i32
      %lt3A_307 = vector.broadcast %lt3A_306 : i32 to vector<16xi32>
      %lt3A_308 = arith.cmpi slt, %sub3A_302, %lt3A_307 : vector<16xi32>
      %and3A_309 = arith.andi %ge3A_305, %lt3A_308 : vector<16xi1>
      %and3A_310 = arith.constant 511 : i32
      %and3A_311 = vector.broadcast %and3A_310 : i32 to vector<16xi32>
      %and3A_312 = arith.andi %get3A_300, %and3A_311 : vector<16xi32>
      %add3A_313 = arith.constant 2560 : i32
      %add3A_314 = vector.broadcast %add3A_313 : i32 to vector<16xi32>
      %add3A_315 = arith.addi %add3A_314, %and3A_312 : vector<16xi32>
      %select_n3A_316 = arith.select %and3A_309, %sub3A_302, %add3A_315 : vector<16xi1>, vector<16xi32>
      %swap3A_317 = arith.index_cast %add3A_153 : i32 to index
      %swap3A_318 = arith.constant 96 : index
      %swap3A_319 = tpu.vector_load %arg7[%swap3A_317, %swap3A_318] {strides = array<i32>} : memref<160x128xi32, #tpu.memory_space<vmem>>, vector<1x16xi32>,
      %swap3A_320 = vector.shape_cast %swap3A_319 : vector<1x16xi32> to vector<16xi32>
      %swap3A_321 = vector.shape_cast %select_n3A_316 : vector<16xi32> to vector<1x16xi32>
      tpu.vector_store %arg7[%swap3A_317, %swap3A_318], %swap3A_321 {strides = array<i32>} : memref<160x128xi32, #tpu.memory_space<vmem>>, vector<1x16xi32>,
      %get3A_322 = arith.index_cast %add3A_153 : i32 to index
      %get3A_323 = arith.constant 112 : index
      %get3A_324 = tpu.vector_load %arg7[%get3A_322, %get3A_323] {strides = array<i32>} : memref<160x128xi32, #tpu.memory_space<vmem>>, vector<1x16xi32>,
      %get3A_325 = vector.shape_cast %get3A_324 : vector<1x16xi32> to vector<16xi32>
      %sub3A_326 = vector.broadcast %add3A_5 : i32 to vector<16xi32>
      %sub3A_327 = arith.subi %get3A_325, %sub3A_326 : vector<16xi32>
      %ge3A_328 = arith.constant 0 : i32
      %ge3A_329 = vector.broadcast %ge3A_328 : i32 to vector<16xi32>
      %ge3A_330 = arith.cmpi sge, %sub3A_327, %ge3A_329 : vector<16xi32>
      %lt3A_331 = arith.constant 2560 : i32
      %lt3A_332 = vector.broadcast %lt3A_331 : i32 to vector<16xi32>
      %lt3A_333 = arith.cmpi slt, %sub3A_327, %lt3A_332 : vector<16xi32>
      %and3A_334 = arith.andi %ge3A_330, %lt3A_333 : vector<16xi1>
      %and3A_335 = arith.constant 511 : i32
      %and3A_336 = vector.broadcast %and3A_335 : i32 to vector<16xi32>
      %and3A_337 = arith.andi %get3A_325, %and3A_336 : vector<16xi32>
      %add3A_338 = arith.constant 2560 : i32
      %add3A_339 = vector.broadcast %add3A_338 : i32 to vector<16xi32>
      %add3A_340 = arith.addi %add3A_339, %and3A_337 : vector<16xi32>
      %select_n3A_341 = arith.select %and3A_334, %sub3A_327, %add3A_340 : vector<16xi1>, vector<16xi32>
      %swap3A_342 = arith.index_cast %add3A_153 : i32 to index
      %swap3A_343 = arith.constant 112 : index
      %swap3A_344 = tpu.vector_load %arg7[%swap3A_342, %swap3A_343] {strides = array<i32>} : memref<160x128xi32, #tpu.memory_space<vmem>>, vector<1x16xi32>,
      %swap3A_345 = vector.shape_cast %swap3A_344 : vector<1x16xi32> to vector<16xi32>
      %swap3A_346 = vector.shape_cast %select_n3A_341 : vector<16xi32> to vector<1x16xi32>
      tpu.vector_store %arg7[%swap3A_342, %swap3A_343], %swap3A_346 {strides = array<i32>} : memref<160x128xi32, #tpu.memory_space<vmem>>, vector<1x16xi32>,
    }
    %scan3A_9 = arith.constant 160 : i32
    %broadcast_in_dim3A = arith.constant 0.000000e+00 : f32
    %broadcast_in_dim3A_10 = vector.broadcast %broadcast_in_dim3A : f32 to vector<16xf32>
    %scan3A_11 = arith.constant 0 : i32
    %scan3A_12 = arith.constant 128 : i32
    %scan3A_13 = arith.addi %scan3A_11, %scan3A_12 : i32
    %scan3A_14 = arith.constant 1 : i32
    scf.for %scan3A_149 = %scan3A_11 to %scan3A_13 step %scan3A_14  : i32 {
      %mul3A_150 = arith.constant 1 : i32
      %mul3A_151 = arith.muli %scan3A_149, %mul3A_150 : i32
      %add3A_152 = arith.constant 0 : i32
      %add3A_153 = arith.addi %add3A_152, %mul3A_151 : i32
      %swap3A = arith.index_cast %add3A_153 : i32 to index
      %swap3A_154 = arith.constant 0 : index
      %swap3A_155 = tpu.vector_load %arg8[%swap3A, %swap3A_154] {strides = array<i32>} : memref<128x128xf32, #tpu.memory_space<vmem>>, vector<1x16xf32>,
      %swap3A_156 = vector.shape_cast %swap3A_155 : vector<1x16xf32> to vector<16xf32>
      %swap3A_157 = vector.shape_cast %broadcast_in_dim3A_10 : vector<16xf32> to vector<1x16xf32>
      tpu.vector_store %arg8[%swap3A, %swap3A_154], %swap3A_157 {strides = array<i32>} : memref<128x128xf32, #tpu.memory_space<vmem>>, vector<1x16xf32>,
      %swap3A_158 = arith.index_cast %add3A_153 : i32 to index
      %swap3A_159 = arith.constant 16 : index
      %swap3A_160 = tpu.vector_load %arg8[%swap3A_158, %swap3A_159] {strides = array<i32>} : memref<128x128xf32, #tpu.memory_space<vmem>>, vector<1x16xf32>,
      %swap3A_161 = vector.shape_cast %swap3A_160 : vector<1x16xf32> to vector<16xf32>
      %swap3A_162 = vector.shape_cast %broadcast_in_dim3A_10 : vector<16xf32> to vector<1x16xf32>
      tpu.vector_store %arg8[%swap3A_158, %swap3A_159], %swap3A_162 {strides = array<i32>} : memref<128x128xf32, #tpu.memory_space<vmem>>, vector<1x16xf32>,
      %swap3A_163 = arith.index_cast %add3A_153 : i32 to index
      %swap3A_164 = arith.constant 32 : index
      %swap3A_165 = tpu.vector_load %arg8[%swap3A_163, %swap3A_164] {strides = array<i32>} : memref<128x128xf32, #tpu.memory_space<vmem>>, vector<1x16xf32>,
      %swap3A_166 = vector.shape_cast %swap3A_165 : vector<1x16xf32> to vector<16xf32>
      %swap3A_167 = vector.shape_cast %broadcast_in_dim3A_10 : vector<16xf32> to vector<1x16xf32>
      tpu.vector_store %arg8[%swap3A_163, %swap3A_164], %swap3A_167 {strides = array<i32>} : memref<128x128xf32, #tpu.memory_space<vmem>>, vector<1x16xf32>,
      %swap3A_168 = arith.index_cast %add3A_153 : i32 to index
      %swap3A_169 = arith.constant 48 : index
      %swap3A_170 = tpu.vector_load %arg8[%swap3A_168, %swap3A_169] {strides = array<i32>} : memref<128x128xf32, #tpu.memory_space<vmem>>, vector<1x16xf32>,
      %swap3A_171 = vector.shape_cast %swap3A_170 : vector<1x16xf32> to vector<16xf32>
      %swap3A_172 = vector.shape_cast %broadcast_in_dim3A_10 : vector<16xf32> to vector<1x16xf32>
      tpu.vector_store %arg8[%swap3A_168, %swap3A_169], %swap3A_172 {strides = array<i32>} : memref<128x128xf32, #tpu.memory_space<vmem>>, vector<1x16xf32>,
      %swap3A_173 = arith.index_cast %add3A_153 : i32 to index
      %swap3A_174 = arith.constant 64 : index
      %swap3A_175 = tpu.vector_load %arg8[%swap3A_173, %swap3A_174] {strides = array<i32>} : memref<128x128xf32, #tpu.memory_space<vmem>>, vector<1x16xf32>,
      %swap3A_176 = vector.shape_cast %swap3A_175 : vector<1x16xf32> to vector<16xf32>
      %swap3A_177 = vector.shape_cast %broadcast_in_dim3A_10 : vector<16xf32> to vector<1x16xf32>
      tpu.vector_store %arg8[%swap3A_173, %swap3A_174], %swap3A_177 {strides = array<i32>} : memref<128x128xf32, #tpu.memory_space<vmem>>, vector<1x16xf32>,
      %swap3A_178 = arith.index_cast %add3A_153 : i32 to index
      %swap3A_179 = arith.constant 80 : index
      %swap3A_180 = tpu.vector_load %arg8[%swap3A_178, %swap3A_179] {strides = array<i32>} : memref<128x128xf32, #tpu.memory_space<vmem>>, vector<1x16xf32>,
      %swap3A_181 = vector.shape_cast %swap3A_180 : vector<1x16xf32> to vector<16xf32>
      %swap3A_182 = vector.shape_cast %broadcast_in_dim3A_10 : vector<16xf32> to vector<1x16xf32>
      tpu.vector_store %arg8[%swap3A_178, %swap3A_179], %swap3A_182 {strides = array<i32>} : memref<128x128xf32, #tpu.memory_space<vmem>>, vector<1x16xf32>,
      %swap3A_183 = arith.index_cast %add3A_153 : i32 to index
      %swap3A_184 = arith.constant 96 : index
      %swap3A_185 = tpu.vector_load %arg8[%swap3A_183, %swap3A_184] {strides = array<i32>} : memref<128x128xf32, #tpu.memory_space<vmem>>, vector<1x16xf32>,
      %swap3A_186 = vector.shape_cast %swap3A_185 : vector<1x16xf32> to vector<16xf32>
      %swap3A_187 = vector.shape_cast %broadcast_in_dim3A_10 : vector<16xf32> to vector<1x16xf32>
      tpu.vector_store %arg8[%swap3A_183, %swap3A_184], %swap3A_187 {strides = array<i32>} : memref<128x128xf32, #tpu.memory_space<vmem>>, vector<1x16xf32>,
      %swap3A_188 = arith.index_cast %add3A_153 : i32 to index
      %swap3A_189 = arith.constant 112 : index
      %swap3A_190 = tpu.vector_load %arg8[%swap3A_188, %swap3A_189] {strides = array<i32>} : memref<128x128xf32, #tpu.memory_space<vmem>>, vector<1x16xf32>,
      %swap3A_191 = vector.shape_cast %swap3A_190 : vector<1x16xf32> to vector<16xf32>
      %swap3A_192 = vector.shape_cast %broadcast_in_dim3A_10 : vector<16xf32> to vector<1x16xf32>
      tpu.vector_store %arg8[%swap3A_188, %swap3A_189], %swap3A_192 {strides = array<i32>} : memref<128x128xf32, #tpu.memory_space<vmem>>, vector<1x16xf32>,
    }
    %scan3A_15 = arith.constant 128 : i32
    %mul3A_16 = arith.constant 192 : i32
    %mul3A_17 = arith.muli %arg1, %mul3A_16 : i32
    %add3A_18 = arith.constant 0 : i32
    %add3A_19 = arith.addi %mul3A_17, %add3A_18 : i32
    "tpu.region"() ({
      %run_scoped3A = tpu.sem_alloc : memref<!tpu.dma_semaphore, #tpu.memory_space<semaphore_mem>>
      %dma_start3A_149 = arith.constant 0 : i32
      %dma_start3A_150 = tpu.memref_slice %arg12[%add3A_19, %dma_start3A_149] : memref<3072x128xf32, #tpu.memory_space<vmem_shared>> -> memref<128x128xf32, #tpu.memory_space<vmem_shared>>
      %dma_start3A_151 = arith.constant 0 : i32
      %dma_start3A_152 = tpu.memref_slice %arg12[%add3A_19, %dma_start3A_151] : memref<3072x128xf32, #tpu.memory_space<vmem_shared>> -> memref<128x128xf32, #tpu.memory_space<vmem_shared>>
      tpu.enqueue_dma source(%arg8 : memref<128x128xf32, #tpu.memory_space<vmem>>) target(%dma_start3A_152 : memref<128x128xf32, #tpu.memory_space<vmem_shared>>) target_semaphore(%run_scoped3A : memref<!tpu.dma_semaphore, #tpu.memory_space<semaphore_mem>>)
      %dma_wait3A_153 = arith.constant 0 : i32
      %dma_wait3A_154 = tpu.memref_slice %arg12[%add3A_19, %dma_wait3A_153] : memref<3072x128xf32, #tpu.memory_space<vmem_shared>> -> memref<128x128xf32, #tpu.memory_space<vmem_shared>>
      %dma_wait3A_155 = arith.constant 0 : i32
      %dma_wait3A_156 = tpu.memref_slice %arg12[%add3A_19, %dma_wait3A_155] : memref<3072x128xf32, #tpu.memory_space<vmem_shared>> -> memref<128x128xf32, #tpu.memory_space<vmem_shared>>
      tpu.wait_dma2 semaphore(%run_scoped3A : memref<!tpu.dma_semaphore, #tpu.memory_space<semaphore_mem>>) src(%arg8 : memref<128x128xf32, #tpu.memory_space<vmem>>) dst(%dma_wait3A_156 : memref<128x128xf32, #tpu.memory_space<vmem_shared>>)
      tpu.yield
    }) : () -> ()
    %add3A_20 = arith.constant 128 : i32
    %add3A_21 = arith.addi %mul3A_17, %add3A_20 : i32
    "tpu.region"() ({
      %run_scoped3A = tpu.sem_alloc : memref<!tpu.dma_semaphore, #tpu.memory_space<semaphore_mem>>
      %dma_start3A_149 = arith.constant 0 : i32
      %dma_start3A_150 = arith.constant 0 : i32
      %dma_start3A_151 = tpu.memref_slice %arg8[%dma_start3A_149, %dma_start3A_150] : memref<128x128xf32, #tpu.memory_space<vmem>> -> memref<64x128xf32, #tpu.memory_space<vmem>>
      %dma_start3A_152 = arith.constant 0 : i32
      %dma_start3A_153 = tpu.memref_slice %arg12[%add3A_21, %dma_start3A_152] : memref<3072x128xf32, #tpu.memory_space<vmem_shared>> -> memref<64x128xf32, #tpu.memory_space<vmem_shared>>
      %dma_start3A_154 = arith.constant 0 : i32
      %dma_start3A_155 = tpu.memref_slice %arg12[%add3A_21, %dma_start3A_154] : memref<3072x128xf32, #tpu.memory_space<vmem_shared>> -> memref<64x128xf32, #tpu.memory_space<vmem_shared>>
      %dma_start3A_156 = arith.constant 0 : i32
      %dma_start3A_157 = arith.constant 0 : i32
      %dma_start3A_158 = tpu.memref_slice %arg8[%dma_start3A_156, %dma_start3A_157] : memref<128x128xf32, #tpu.memory_space<vmem>> -> memref<64x128xf32, #tpu.memory_space<vmem>>
      tpu.enqueue_dma source(%dma_start3A_158 : memref<64x128xf32, #tpu.memory_space<vmem>>) target(%dma_start3A_155 : memref<64x128xf32, #tpu.memory_space<vmem_shared>>) target_semaphore(%run_scoped3A : memref<!tpu.dma_semaphore, #tpu.memory_space<semaphore_mem>>)
      %dma_wait3A_159 = arith.constant 0 : i32
      %dma_wait3A_160 = arith.constant 0 : i32
      %dma_wait3A_161 = tpu.memref_slice %arg8[%dma_wait3A_159, %dma_wait3A_160] : memref<128x128xf32, #tpu.memory_space<vmem>> -> memref<64x128xf32, #tpu.memory_space<vmem>>
      %dma_wait3A_162 = arith.constant 0 : i32
      %dma_wait3A_163 = tpu.memref_slice %arg12[%add3A_21, %dma_wait3A_162] : memref<3072x128xf32, #tpu.memory_space<vmem_shared>> -> memref<64x128xf32, #tpu.memory_space<vmem_shared>>
      %dma_wait3A_164 = arith.constant 0 : i32
      %dma_wait3A_165 = tpu.memref_slice %arg12[%add3A_21, %dma_wait3A_164] : memref<3072x128xf32, #tpu.memory_space<vmem_shared>> -> memref<64x128xf32, #tpu.memory_space<vmem_shared>>
      %dma_wait3A_166 = arith.constant 0 : i32
      %dma_wait3A_167 = arith.constant 0 : i32
      %dma_wait3A_168 = tpu.memref_slice %arg8[%dma_wait3A_166, %dma_wait3A_167] : memref<128x128xf32, #tpu.memory_space<vmem>> -> memref<64x128xf32, #tpu.memory_space<vmem>>
      tpu.wait_dma2 semaphore(%run_scoped3A : memref<!tpu.dma_semaphore, #tpu.memory_space<semaphore_mem>>) src(%dma_wait3A_168 : memref<64x128xf32, #tpu.memory_space<vmem>>) dst(%dma_wait3A_165 : memref<64x128xf32, #tpu.memory_space<vmem_shared>>)
      tpu.yield
    }) : () -> ()
    %barrier3A = arith.constant 0 : index
    tpu.barrier barrier_id(%barrier3A)
    %dma_start3A = arith.constant 0 : i32
    %dma_start3A_22 = arith.constant 0 : i32
    %dma_start3A_23 = tpu.memref_slice %arg6[%dma_start3A, %dma_start3A_22] : memref<160x128xi32, #tpu.memory_space<vmem>> -> memref<1x128xi32, #tpu.memory_space<vmem>>
    %dma_start3A_24 = tpu.memref_squeeze %dma_start3A_23 : memref<1x128xi32, #tpu.memory_space<vmem>> -> memref<128xi32, #tpu.memory_space<vmem>>
    %dma_start3A_25 = arith.constant 0 : i32
    %dma_start3A_26 = arith.constant 0 : i32
    %dma_start3A_27 = tpu.memref_slice %arg2[%dma_start3A_25, %dma_start3A_26] : memref<10000x128xf32, #tpu.memory_space<hbm>> -> memref<10000x128xf32, #tpu.memory_space<hbm>>
    tpu.enqueue_indirect_dma source(%dma_start3A_27 : memref<10000x128xf32, #tpu.memory_space<hbm>>) target(%arg8 : memref<128x128xf32, #tpu.memory_space<vmem>>) offsets(%dma_start3A_24 : memref<128xi32, #tpu.memory_space<vmem>>) semaphore(%arg13 : memref<!tpu.dma_semaphore, #tpu.memory_space<semaphore_mem>>)
    %dma_start3A_28 = arith.constant 1 : i32
    %dma_start3A_29 = arith.constant 0 : i32
    %dma_start3A_30 = tpu.memref_slice %arg6[%dma_start3A_28, %dma_start3A_29] : memref<160x128xi32, #tpu.memory_space<vmem>> -> memref<1x128xi32, #tpu.memory_space<vmem>>
    %dma_start3A_31 = tpu.memref_squeeze %dma_start3A_30 : memref<1x128xi32, #tpu.memory_space<vmem>> -> memref<128xi32, #tpu.memory_space<vmem>>
    %dma_start3A_32 = arith.constant 0 : i32
    %dma_start3A_33 = arith.constant 0 : i32
    %dma_start3A_34 = tpu.memref_slice %arg2[%dma_start3A_32, %dma_start3A_33] : memref<10000x128xf32, #tpu.memory_space<hbm>> -> memref<10000x128xf32, #tpu.memory_space<hbm>>
    tpu.enqueue_indirect_dma source(%dma_start3A_34 : memref<10000x128xf32, #tpu.memory_space<hbm>>) target(%arg9 : memref<128x128xf32, #tpu.memory_space<vmem>>) offsets(%dma_start3A_31 : memref<128xi32, #tpu.memory_space<vmem>>) semaphore(%arg14 : memref<!tpu.dma_semaphore, #tpu.memory_space<semaphore_mem>>)
    %dma_start3A_35 = arith.constant 2 : i32
    %dma_start3A_36 = arith.constant 0 : i32
    %dma_start3A_37 = tpu.memref_slice %arg6[%dma_start3A_35, %dma_start3A_36] : memref<160x128xi32, #tpu.memory_space<vmem>> -> memref<1x128xi32, #tpu.memory_space<vmem>>
    %dma_start3A_38 = tpu.memref_squeeze %dma_start3A_37 : memref<1x128xi32, #tpu.memory_space<vmem>> -> memref<128xi32, #tpu.memory_space<vmem>>
    %dma_start3A_39 = arith.constant 0 : i32
    %dma_start3A_40 = arith.constant 0 : i32
    %dma_start3A_41 = tpu.memref_slice %arg2[%dma_start3A_39, %dma_start3A_40] : memref<10000x128xf32, #tpu.memory_space<hbm>> -> memref<10000x128xf32, #tpu.memory_space<hbm>>
    tpu.enqueue_indirect_dma source(%dma_start3A_41 : memref<10000x128xf32, #tpu.memory_space<hbm>>) target(%arg10 : memref<128x128xf32, #tpu.memory_space<vmem>>) offsets(%dma_start3A_38 : memref<128xi32, #tpu.memory_space<vmem>>) semaphore(%arg15 : memref<!tpu.dma_semaphore, #tpu.memory_space<semaphore_mem>>)
    %dma_start3A_42 = arith.constant 3 : i32
    %dma_start3A_43 = arith.constant 0 : i32
    %dma_start3A_44 = tpu.memref_slice %arg6[%dma_start3A_42, %dma_start3A_43] : memref<160x128xi32, #tpu.memory_space<vmem>> -> memref<1x128xi32, #tpu.memory_space<vmem>>
    %dma_start3A_45 = tpu.memref_squeeze %dma_start3A_44 : memref<1x128xi32, #tpu.memory_space<vmem>> -> memref<128xi32, #tpu.memory_space<vmem>>
    %dma_start3A_46 = arith.constant 0 : i32
    %dma_start3A_47 = arith.constant 0 : i32
    %dma_start3A_48 = tpu.memref_slice %arg2[%dma_start3A_46, %dma_start3A_47] : memref<10000x128xf32, #tpu.memory_space<hbm>> -> memref<10000x128xf32, #tpu.memory_space<hbm>>
    tpu.enqueue_indirect_dma source(%dma_start3A_48 : memref<10000x128xf32, #tpu.memory_space<hbm>>) target(%arg11 : memref<128x128xf32, #tpu.memory_space<vmem>>) offsets(%dma_start3A_45 : memref<128xi32, #tpu.memory_space<vmem>>) semaphore(%arg16 : memref<!tpu.dma_semaphore, #tpu.memory_space<semaphore_mem>>)
    %scan3A_49 = arith.constant 0 : i32
    %scan3A_50 = arith.constant 39 : i32
    %scan3A_51 = arith.addi %scan3A_49, %scan3A_50 : i32
    %scan3A_52 = arith.constant 1 : i32
    scf.for %scan3A_149 = %scan3A_49 to %scan3A_51 step %scan3A_52  : i32 {
      %mul3A_150 = arith.constant 4 : i32
      %mul3A_151 = arith.muli %scan3A_149, %mul3A_150 : i32
      %add3A_152 = arith.constant 0 : i32
      %add3A_153 = arith.addi %add3A_152, %mul3A_151 : i32
      %add3A_154 = arith.constant 0 : i32
      %add3A_155 = arith.addi %add3A_153, %add3A_154 : i32
      %dma_wait3A_156 = arith.constant 0 : i32
      %dma_wait3A_157 = tpu.memref_slice %arg6[%add3A_155, %dma_wait3A_156] : memref<160x128xi32, #tpu.memory_space<vmem>> -> memref<1x128xi32, #tpu.memory_space<vmem>>
      %dma_wait3A_158 = tpu.memref_squeeze %dma_wait3A_157 : memref<1x128xi32, #tpu.memory_space<vmem>> -> memref<128xi32, #tpu.memory_space<vmem>>
      %dma_wait3A_159 = arith.constant 0 : i32
      %dma_wait3A_160 = arith.constant 0 : i32
      %dma_wait3A_161 = tpu.memref_slice %arg2[%dma_wait3A_159, %dma_wait3A_160] : memref<10000x128xf32, #tpu.memory_space<hbm>> -> memref<10000x128xf32, #tpu.memory_space<hbm>>
      tpu.wait_indirect_dma semaphore(%arg13 : memref<!tpu.dma_semaphore, #tpu.memory_space<semaphore_mem>>) src(%dma_wait3A_161 : memref<10000x128xf32, #tpu.memory_space<hbm>>) dst(%arg8 : memref<128x128xf32, #tpu.memory_space<vmem>>)
      %add3A_162 = arith.constant 0 : i32
      %add3A_163 = arith.addi %add3A_153, %add3A_162 : i32
      %dma_start3A_164 = arith.constant 0 : i32
      %dma_start3A_165 = tpu.memref_slice %arg7[%add3A_163, %dma_start3A_164] : memref<160x128xi32, #tpu.memory_space<vmem>> -> memref<1x128xi32, #tpu.memory_space<vmem>>
      %dma_start3A_166 = tpu.memref_squeeze %dma_start3A_165 : memref<1x128xi32, #tpu.memory_space<vmem>> -> memref<128xi32, #tpu.memory_space<vmem>>
      %dma_start3A_167 = arith.constant 0 : i32
      %dma_start3A_168 = arith.constant 0 : i32
      %dma_start3A_169 = tpu.memref_slice %arg12[%dma_start3A_167, %dma_start3A_168] : memref<3072x128xf32, #tpu.memory_space<vmem_shared>> -> memref<3072x128xf32, #tpu.memory_space<vmem_shared>>
      tpu.enqueue_indirect_dma source(%arg8 : memref<128x128xf32, #tpu.memory_space<vmem>>) target(%dma_start3A_169 : memref<3072x128xf32, #tpu.memory_space<vmem_shared>>) offsets(%dma_start3A_166 : memref<128xi32, #tpu.memory_space<vmem>>) semaphore(%arg17 : memref<!tpu.dma_semaphore, #tpu.memory_space<semaphore_mem>>) {add = true}
      %add3A_170 = arith.constant 1 : i32
      %add3A_171 = arith.addi %add3A_153, %add3A_170 : i32
      %dma_wait3A_172 = arith.constant 0 : i32
      %dma_wait3A_173 = tpu.memref_slice %arg6[%add3A_171, %dma_wait3A_172] : memref<160x128xi32, #tpu.memory_space<vmem>> -> memref<1x128xi32, #tpu.memory_space<vmem>>
      %dma_wait3A_174 = tpu.memref_squeeze %dma_wait3A_173 : memref<1x128xi32, #tpu.memory_space<vmem>> -> memref<128xi32, #tpu.memory_space<vmem>>
      %dma_wait3A_175 = arith.constant 0 : i32
      %dma_wait3A_176 = arith.constant 0 : i32
      %dma_wait3A_177 = tpu.memref_slice %arg2[%dma_wait3A_175, %dma_wait3A_176] : memref<10000x128xf32, #tpu.memory_space<hbm>> -> memref<10000x128xf32, #tpu.memory_space<hbm>>
      tpu.wait_indirect_dma semaphore(%arg14 : memref<!tpu.dma_semaphore, #tpu.memory_space<semaphore_mem>>) src(%dma_wait3A_177 : memref<10000x128xf32, #tpu.memory_space<hbm>>) dst(%arg9 : memref<128x128xf32, #tpu.memory_space<vmem>>)
      %add3A_178 = arith.constant 1 : i32
      %add3A_179 = arith.addi %add3A_153, %add3A_178 : i32
      %dma_start3A_180 = arith.constant 0 : i32
      %dma_start3A_181 = tpu.memref_slice %arg7[%add3A_179, %dma_start3A_180] : memref<160x128xi32, #tpu.memory_space<vmem>> -> memref<1x128xi32, #tpu.memory_space<vmem>>
      %dma_start3A_182 = tpu.memref_squeeze %dma_start3A_181 : memref<1x128xi32, #tpu.memory_space<vmem>> -> memref<128xi32, #tpu.memory_space<vmem>>
      %dma_start3A_183 = arith.constant 0 : i32
      %dma_start3A_184 = arith.constant 0 : i32
      %dma_start3A_185 = tpu.memref_slice %arg12[%dma_start3A_183, %dma_start3A_184] : memref<3072x128xf32, #tpu.memory_space<vmem_shared>> -> memref<3072x128xf32, #tpu.memory_space<vmem_shared>>
      tpu.enqueue_indirect_dma source(%arg9 : memref<128x128xf32, #tpu.memory_space<vmem>>) target(%dma_start3A_185 : memref<3072x128xf32, #tpu.memory_space<vmem_shared>>) offsets(%dma_start3A_182 : memref<128xi32, #tpu.memory_space<vmem>>) semaphore(%arg17 : memref<!tpu.dma_semaphore, #tpu.memory_space<semaphore_mem>>) {add = true}
      %add3A_186 = arith.constant 2 : i32
      %add3A_187 = arith.addi %add3A_153, %add3A_186 : i32
      %dma_wait3A_188 = arith.constant 0 : i32
      %dma_wait3A_189 = tpu.memref_slice %arg6[%add3A_187, %dma_wait3A_188] : memref<160x128xi32, #tpu.memory_space<vmem>> -> memref<1x128xi32, #tpu.memory_space<vmem>>
      %dma_wait3A_190 = tpu.memref_squeeze %dma_wait3A_189 : memref<1x128xi32, #tpu.memory_space<vmem>> -> memref<128xi32, #tpu.memory_space<vmem>>
      %dma_wait3A_191 = arith.constant 0 : i32
      %dma_wait3A_192 = arith.constant 0 : i32
      %dma_wait3A_193 = tpu.memref_slice %arg2[%dma_wait3A_191, %dma_wait3A_192] : memref<10000x128xf32, #tpu.memory_space<hbm>> -> memref<10000x128xf32, #tpu.memory_space<hbm>>
      tpu.wait_indirect_dma semaphore(%arg15 : memref<!tpu.dma_semaphore, #tpu.memory_space<semaphore_mem>>) src(%dma_wait3A_193 : memref<10000x128xf32, #tpu.memory_space<hbm>>) dst(%arg10 : memref<128x128xf32, #tpu.memory_space<vmem>>)
      %add3A_194 = arith.constant 2 : i32
      %add3A_195 = arith.addi %add3A_153, %add3A_194 : i32
      %dma_start3A_196 = arith.constant 0 : i32
      %dma_start3A_197 = tpu.memref_slice %arg7[%add3A_195, %dma_start3A_196] : memref<160x128xi32, #tpu.memory_space<vmem>> -> memref<1x128xi32, #tpu.memory_space<vmem>>
      %dma_start3A_198 = tpu.memref_squeeze %dma_start3A_197 : memref<1x128xi32, #tpu.memory_space<vmem>> -> memref<128xi32, #tpu.memory_space<vmem>>
      %dma_start3A_199 = arith.constant 0 : i32
      %dma_start3A_200 = arith.constant 0 : i32
      %dma_start3A_201 = tpu.memref_slice %arg12[%dma_start3A_199, %dma_start3A_200] : memref<3072x128xf32, #tpu.memory_space<vmem_shared>> -> memref<3072x128xf32, #tpu.memory_space<vmem_shared>>
      tpu.enqueue_indirect_dma source(%arg10 : memref<128x128xf32, #tpu.memory_space<vmem>>) target(%dma_start3A_201 : memref<3072x128xf32, #tpu.memory_space<vmem_shared>>) offsets(%dma_start3A_198 : memref<128xi32, #tpu.memory_space<vmem>>) semaphore(%arg17 : memref<!tpu.dma_semaphore, #tpu.memory_space<semaphore_mem>>) {add = true}
      %add3A_202 = arith.constant 3 : i32
      %add3A_203 = arith.addi %add3A_153, %add3A_202 : i32
      %dma_wait3A_204 = arith.constant 0 : i32
      %dma_wait3A_205 = tpu.memref_slice %arg6[%add3A_203, %dma_wait3A_204] : memref<160x128xi32, #tpu.memory_space<vmem>> -> memref<1x128xi32, #tpu.memory_space<vmem>>
      %dma_wait3A_206 = tpu.memref_squeeze %dma_wait3A_205 : memref<1x128xi32, #tpu.memory_space<vmem>> -> memref<128xi32, #tpu.memory_space<vmem>>
      %dma_wait3A_207 = arith.constant 0 : i32
      %dma_wait3A_208 = arith.constant 0 : i32
      %dma_wait3A_209 = tpu.memref_slice %arg2[%dma_wait3A_207, %dma_wait3A_208] : memref<10000x128xf32, #tpu.memory_space<hbm>> -> memref<10000x128xf32, #tpu.memory_space<hbm>>
      tpu.wait_indirect_dma semaphore(%arg16 : memref<!tpu.dma_semaphore, #tpu.memory_space<semaphore_mem>>) src(%dma_wait3A_209 : memref<10000x128xf32, #tpu.memory_space<hbm>>) dst(%arg11 : memref<128x128xf32, #tpu.memory_space<vmem>>)
      %add3A_210 = arith.constant 3 : i32
      %add3A_211 = arith.addi %add3A_153, %add3A_210 : i32
      %dma_start3A_212 = arith.constant 0 : i32
      %dma_start3A_213 = tpu.memref_slice %arg7[%add3A_211, %dma_start3A_212] : memref<160x128xi32, #tpu.memory_space<vmem>> -> memref<1x128xi32, #tpu.memory_space<vmem>>
      %dma_start3A_214 = tpu.memref_squeeze %dma_start3A_213 : memref<1x128xi32, #tpu.memory_space<vmem>> -> memref<128xi32, #tpu.memory_space<vmem>>
      %dma_start3A_215 = arith.constant 0 : i32
      %dma_start3A_216 = arith.constant 0 : i32
      %dma_start3A_217 = tpu.memref_slice %arg12[%dma_start3A_215, %dma_start3A_216] : memref<3072x128xf32, #tpu.memory_space<vmem_shared>> -> memref<3072x128xf32, #tpu.memory_space<vmem_shared>>
      tpu.enqueue_indirect_dma source(%arg11 : memref<128x128xf32, #tpu.memory_space<vmem>>) target(%dma_start3A_217 : memref<3072x128xf32, #tpu.memory_space<vmem_shared>>) offsets(%dma_start3A_214 : memref<128xi32, #tpu.memory_space<vmem>>) semaphore(%arg17 : memref<!tpu.dma_semaphore, #tpu.memory_space<semaphore_mem>>) {add = true}
      %add3A_218 = arith.constant 0 : i32
      %add3A_219 = arith.addi %add3A_153, %add3A_218 : i32
      %dma_wait3A_220 = arith.constant 0 : i32
      %dma_wait3A_221 = tpu.memref_slice %arg7[%add3A_219, %dma_wait3A_220] : memref<160x128xi32, #tpu.memory_space<vmem>> -> memref<1x128xi32, #tpu.memory_space<vmem>>
      %dma_wait3A_222 = tpu.memref_squeeze %dma_wait3A_221 : memref<1x128xi32, #tpu.memory_space<vmem>> -> memref<128xi32, #tpu.memory_space<vmem>>
      %dma_wait3A_223 = arith.constant 0 : i32
      %dma_wait3A_224 = arith.constant 0 : i32
      %dma_wait3A_225 = tpu.memref_slice %arg12[%dma_wait3A_223, %dma_wait3A_224] : memref<3072x128xf32, #tpu.memory_space<vmem_shared>> -> memref<3072x128xf32, #tpu.memory_space<vmem_shared>>
      tpu.wait_indirect_dma semaphore(%arg17 : memref<!tpu.dma_semaphore, #tpu.memory_space<semaphore_mem>>) src(%arg8 : memref<128x128xf32, #tpu.memory_space<vmem>>) dst(%dma_wait3A_225 : memref<3072x128xf32, #tpu.memory_space<vmem_shared>>)
      %add3A_226 = arith.constant 4 : i32
      %add3A_227 = arith.addi %add3A_153, %add3A_226 : i32
      %add3A_228 = arith.constant 0 : i32
      %add3A_229 = arith.addi %add3A_227, %add3A_228 : i32
      %dma_start3A_230 = arith.constant 0 : i32
      %dma_start3A_231 = tpu.memref_slice %arg6[%add3A_229, %dma_start3A_230] : memref<160x128xi32, #tpu.memory_space<vmem>> -> memref<1x128xi32, #tpu.memory_space<vmem>>
      %dma_start3A_232 = tpu.memref_squeeze %dma_start3A_231 : memref<1x128xi32, #tpu.memory_space<vmem>> -> memref<128xi32, #tpu.memory_space<vmem>>
      %dma_start3A_233 = arith.constant 0 : i32
      %dma_start3A_234 = arith.constant 0 : i32
      %dma_start3A_235 = tpu.memref_slice %arg2[%dma_start3A_233, %dma_start3A_234] : memref<10000x128xf32, #tpu.memory_space<hbm>> -> memref<10000x128xf32, #tpu.memory_space<hbm>>
      tpu.enqueue_indirect_dma source(%dma_start3A_235 : memref<10000x128xf32, #tpu.memory_space<hbm>>) target(%arg8 : memref<128x128xf32, #tpu.memory_space<vmem>>) offsets(%dma_start3A_232 : memref<128xi32, #tpu.memory_space<vmem>>) semaphore(%arg13 : memref<!tpu.dma_semaphore, #tpu.memory_space<semaphore_mem>>)
      %add3A_236 = arith.constant 1 : i32
      %add3A_237 = arith.addi %add3A_153, %add3A_236 : i32
      %dma_wait3A_238 = arith.constant 0 : i32
      %dma_wait3A_239 = tpu.memref_slice %arg7[%add3A_237, %dma_wait3A_238] : memref<160x128xi32, #tpu.memory_space<vmem>> -> memref<1x128xi32, #tpu.memory_space<vmem>>
      %dma_wait3A_240 = tpu.memref_squeeze %dma_wait3A_239 : memref<1x128xi32, #tpu.memory_space<vmem>> -> memref<128xi32, #tpu.memory_space<vmem>>
      %dma_wait3A_241 = arith.constant 0 : i32
      %dma_wait3A_242 = arith.constant 0 : i32
      %dma_wait3A_243 = tpu.memref_slice %arg12[%dma_wait3A_241, %dma_wait3A_242] : memref<3072x128xf32, #tpu.memory_space<vmem_shared>> -> memref<3072x128xf32, #tpu.memory_space<vmem_shared>>
      tpu.wait_indirect_dma semaphore(%arg17 : memref<!tpu.dma_semaphore, #tpu.memory_space<semaphore_mem>>) src(%arg9 : memref<128x128xf32, #tpu.memory_space<vmem>>) dst(%dma_wait3A_243 : memref<3072x128xf32, #tpu.memory_space<vmem_shared>>)
      %add3A_244 = arith.constant 4 : i32
      %add3A_245 = arith.addi %add3A_153, %add3A_244 : i32
      %add3A_246 = arith.constant 1 : i32
      %add3A_247 = arith.addi %add3A_245, %add3A_246 : i32
      %dma_start3A_248 = arith.constant 0 : i32
      %dma_start3A_249 = tpu.memref_slice %arg6[%add3A_247, %dma_start3A_248] : memref<160x128xi32, #tpu.memory_space<vmem>> -> memref<1x128xi32, #tpu.memory_space<vmem>>
      %dma_start3A_250 = tpu.memref_squeeze %dma_start3A_249 : memref<1x128xi32, #tpu.memory_space<vmem>> -> memref<128xi32, #tpu.memory_space<vmem>>
      %dma_start3A_251 = arith.constant 0 : i32
      %dma_start3A_252 = arith.constant 0 : i32
      %dma_start3A_253 = tpu.memref_slice %arg2[%dma_start3A_251, %dma_start3A_252] : memref<10000x128xf32, #tpu.memory_space<hbm>> -> memref<10000x128xf32, #tpu.memory_space<hbm>>
      tpu.enqueue_indirect_dma source(%dma_start3A_253 : memref<10000x128xf32, #tpu.memory_space<hbm>>) target(%arg9 : memref<128x128xf32, #tpu.memory_space<vmem>>) offsets(%dma_start3A_250 : memref<128xi32, #tpu.memory_space<vmem>>) semaphore(%arg14 : memref<!tpu.dma_semaphore, #tpu.memory_space<semaphore_mem>>)
      %add3A_254 = arith.constant 2 : i32
      %add3A_255 = arith.addi %add3A_153, %add3A_254 : i32
      %dma_wait3A_256 = arith.constant 0 : i32
      %dma_wait3A_257 = tpu.memref_slice %arg7[%add3A_255, %dma_wait3A_256] : memref<160x128xi32, #tpu.memory_space<vmem>> -> memref<1x128xi32, #tpu.memory_space<vmem>>
      %dma_wait3A_258 = tpu.memref_squeeze %dma_wait3A_257 : memref<1x128xi32, #tpu.memory_space<vmem>> -> memref<128xi32, #tpu.memory_space<vmem>>
      %dma_wait3A_259 = arith.constant 0 : i32
      %dma_wait3A_260 = arith.constant 0 : i32
      %dma_wait3A_261 = tpu.memref_slice %arg12[%dma_wait3A_259, %dma_wait3A_260] : memref<3072x128xf32, #tpu.memory_space<vmem_shared>> -> memref<3072x128xf32, #tpu.memory_space<vmem_shared>>
      tpu.wait_indirect_dma semaphore(%arg17 : memref<!tpu.dma_semaphore, #tpu.memory_space<semaphore_mem>>) src(%arg10 : memref<128x128xf32, #tpu.memory_space<vmem>>) dst(%dma_wait3A_261 : memref<3072x128xf32, #tpu.memory_space<vmem_shared>>)
      %add3A_262 = arith.constant 4 : i32
      %add3A_263 = arith.addi %add3A_153, %add3A_262 : i32
      %add3A_264 = arith.constant 2 : i32
      %add3A_265 = arith.addi %add3A_263, %add3A_264 : i32
      %dma_start3A_266 = arith.constant 0 : i32
      %dma_start3A_267 = tpu.memref_slice %arg6[%add3A_265, %dma_start3A_266] : memref<160x128xi32, #tpu.memory_space<vmem>> -> memref<1x128xi32, #tpu.memory_space<vmem>>
      %dma_start3A_268 = tpu.memref_squeeze %dma_start3A_267 : memref<1x128xi32, #tpu.memory_space<vmem>> -> memref<128xi32, #tpu.memory_space<vmem>>
      %dma_start3A_269 = arith.constant 0 : i32
      %dma_start3A_270 = arith.constant 0 : i32
      %dma_start3A_271 = tpu.memref_slice %arg2[%dma_start3A_269, %dma_start3A_270] : memref<10000x128xf32, #tpu.memory_space<hbm>> -> memref<10000x128xf32, #tpu.memory_space<hbm>>
      tpu.enqueue_indirect_dma source(%dma_start3A_271 : memref<10000x128xf32, #tpu.memory_space<hbm>>) target(%arg10 : memref<128x128xf32, #tpu.memory_space<vmem>>) offsets(%dma_start3A_268 : memref<128xi32, #tpu.memory_space<vmem>>) semaphore(%arg15 : memref<!tpu.dma_semaphore, #tpu.memory_space<semaphore_mem>>)
      %add3A_272 = arith.constant 3 : i32
      %add3A_273 = arith.addi %add3A_153, %add3A_272 : i32
      %dma_wait3A_274 = arith.constant 0 : i32
      %dma_wait3A_275 = tpu.memref_slice %arg7[%add3A_273, %dma_wait3A_274] : memref<160x128xi32, #tpu.memory_space<vmem>> -> memref<1x128xi32, #tpu.memory_space<vmem>>
      %dma_wait3A_276 = tpu.memref_squeeze %dma_wait3A_275 : memref<1x128xi32, #tpu.memory_space<vmem>> -> memref<128xi32, #tpu.memory_space<vmem>>
      %dma_wait3A_277 = arith.constant 0 : i32
      %dma_wait3A_278 = arith.constant 0 : i32
      %dma_wait3A_279 = tpu.memref_slice %arg12[%dma_wait3A_277, %dma_wait3A_278] : memref<3072x128xf32, #tpu.memory_space<vmem_shared>> -> memref<3072x128xf32, #tpu.memory_space<vmem_shared>>
      tpu.wait_indirect_dma semaphore(%arg17 : memref<!tpu.dma_semaphore, #tpu.memory_space<semaphore_mem>>) src(%arg11 : memref<128x128xf32, #tpu.memory_space<vmem>>) dst(%dma_wait3A_279 : memref<3072x128xf32, #tpu.memory_space<vmem_shared>>)
      %add3A_280 = arith.constant 4 : i32
      %add3A_281 = arith.addi %add3A_153, %add3A_280 : i32
      %add3A_282 = arith.constant 3 : i32
      %add3A_283 = arith.addi %add3A_281, %add3A_282 : i32
      %dma_start3A_284 = arith.constant 0 : i32
      %dma_start3A_285 = tpu.memref_slice %arg6[%add3A_283, %dma_start3A_284] : memref<160x128xi32, #tpu.memory_space<vmem>> -> memref<1x128xi32, #tpu.memory_space<vmem>>
      %dma_start3A_286 = tpu.memref_squeeze %dma_start3A_285 : memref<1x128xi32, #tpu.memory_space<vmem>> -> memref<128xi32, #tpu.memory_space<vmem>>
      %dma_start3A_287 = arith.constant 0 : i32
      %dma_start3A_288 = arith.constant 0 : i32
      %dma_start3A_289 = tpu.memref_slice %arg2[%dma_start3A_287, %dma_start3A_288] : memref<10000x128xf32, #tpu.memory_space<hbm>> -> memref<10000x128xf32, #tpu.memory_space<hbm>>
      tpu.enqueue_indirect_dma source(%dma_start3A_289 : memref<10000x128xf32, #tpu.memory_space<hbm>>) target(%arg11 : memref<128x128xf32, #tpu.memory_space<vmem>>) offsets(%dma_start3A_286 : memref<128xi32, #tpu.memory_space<vmem>>) semaphore(%arg16 : memref<!tpu.dma_semaphore, #tpu.memory_space<semaphore_mem>>)
    }
    %scan3A_53 = arith.constant 39 : i32
    %dma_wait3A = arith.constant 156 : i32
    %dma_wait3A_54 = arith.constant 0 : i32
    %dma_wait3A_55 = tpu.memref_slice %arg6[%dma_wait3A, %dma_wait3A_54] : memref<160x128xi32, #tpu.memory_space<vmem>> -> memref<1x128xi32, #tpu.memory_space<vmem>>
    %dma_wait3A_56 = tpu.memref_squeeze %dma_wait3A_55 : memref<1x128xi32, #tpu.memory_space<vmem>> -> memref<128xi32, #tpu.memory_space<vmem>>
    %dma_wait3A_57 = arith.constant 0 : i32
    %dma_wait3A_58 = arith.constant 0 : i32
    %dma_wait3A_59 = tpu.memref_slice %arg2[%dma_wait3A_57, %dma_wait3A_58] : memref<10000x128xf32, #tpu.memory_space<hbm>> -> memref<10000x128xf32, #tpu.memory_space<hbm>>
    tpu.wait_indirect_dma semaphore(%arg13 : memref<!tpu.dma_semaphore, #tpu.memory_space<semaphore_mem>>) src(%dma_wait3A_59 : memref<10000x128xf32, #tpu.memory_space<hbm>>) dst(%arg8 : memref<128x128xf32, #tpu.memory_space<vmem>>)
    %dma_start3A_60 = arith.constant 156 : i32
    %dma_start3A_61 = arith.constant 0 : i32
    %dma_start3A_62 = tpu.memref_slice %arg7[%dma_start3A_60, %dma_start3A_61] : memref<160x128xi32, #tpu.memory_space<vmem>> -> memref<1x128xi32, #tpu.memory_space<vmem>>
    %dma_start3A_63 = tpu.memref_squeeze %dma_start3A_62 : memref<1x128xi32, #tpu.memory_space<vmem>> -> memref<128xi32, #tpu.memory_space<vmem>>
    %dma_start3A_64 = arith.constant 0 : i32
    %dma_start3A_65 = arith.constant 0 : i32
    %dma_start3A_66 = tpu.memref_slice %arg12[%dma_start3A_64, %dma_start3A_65] : memref<3072x128xf32, #tpu.memory_space<vmem_shared>> -> memref<3072x128xf32, #tpu.memory_space<vmem_shared>>
    tpu.enqueue_indirect_dma source(%arg8 : memref<128x128xf32, #tpu.memory_space<vmem>>) target(%dma_start3A_66 : memref<3072x128xf32, #tpu.memory_space<vmem_shared>>) offsets(%dma_start3A_63 : memref<128xi32, #tpu.memory_space<vmem>>) semaphore(%arg17 : memref<!tpu.dma_semaphore, #tpu.memory_space<semaphore_mem>>) {add = true}
    %dma_wait3A_67 = arith.constant 157 : i32
    %dma_wait3A_68 = arith.constant 0 : i32
    %dma_wait3A_69 = tpu.memref_slice %arg6[%dma_wait3A_67, %dma_wait3A_68] : memref<160x128xi32, #tpu.memory_space<vmem>> -> memref<1x128xi32, #tpu.memory_space<vmem>>
    %dma_wait3A_70 = tpu.memref_squeeze %dma_wait3A_69 : memref<1x128xi32, #tpu.memory_space<vmem>> -> memref<128xi32, #tpu.memory_space<vmem>>
    %dma_wait3A_71 = arith.constant 0 : i32
    %dma_wait3A_72 = arith.constant 0 : i32
    %dma_wait3A_73 = tpu.memref_slice %arg2[%dma_wait3A_71, %dma_wait3A_72] : memref<10000x128xf32, #tpu.memory_space<hbm>> -> memref<10000x128xf32, #tpu.memory_space<hbm>>
    tpu.wait_indirect_dma semaphore(%arg14 : memref<!tpu.dma_semaphore, #tpu.memory_space<semaphore_mem>>) src(%dma_wait3A_73 : memref<10000x128xf32, #tpu.memory_space<hbm>>) dst(%arg9 : memref<128x128xf32, #tpu.memory_space<vmem>>)
    %dma_start3A_74 = arith.constant 157 : i32
    %dma_start3A_75 = arith.constant 0 : i32
    %dma_start3A_76 = tpu.memref_slice %arg7[%dma_start3A_74, %dma_start3A_75] : memref<160x128xi32, #tpu.memory_space<vmem>> -> memref<1x128xi32, #tpu.memory_space<vmem>>
    %dma_start3A_77 = tpu.memref_squeeze %dma_start3A_76 : memref<1x128xi32, #tpu.memory_space<vmem>> -> memref<128xi32, #tpu.memory_space<vmem>>
    %dma_start3A_78 = arith.constant 0 : i32
    %dma_start3A_79 = arith.constant 0 : i32
    %dma_start3A_80 = tpu.memref_slice %arg12[%dma_start3A_78, %dma_start3A_79] : memref<3072x128xf32, #tpu.memory_space<vmem_shared>> -> memref<3072x128xf32, #tpu.memory_space<vmem_shared>>
    tpu.enqueue_indirect_dma source(%arg9 : memref<128x128xf32, #tpu.memory_space<vmem>>) target(%dma_start3A_80 : memref<3072x128xf32, #tpu.memory_space<vmem_shared>>) offsets(%dma_start3A_77 : memref<128xi32, #tpu.memory_space<vmem>>) semaphore(%arg17 : memref<!tpu.dma_semaphore, #tpu.memory_space<semaphore_mem>>) {add = true}
    %dma_wait3A_81 = arith.constant 158 : i32
    %dma_wait3A_82 = arith.constant 0 : i32
    %dma_wait3A_83 = tpu.memref_slice %arg6[%dma_wait3A_81, %dma_wait3A_82] : memref<160x128xi32, #tpu.memory_space<vmem>> -> memref<1x128xi32, #tpu.memory_space<vmem>>
    %dma_wait3A_84 = tpu.memref_squeeze %dma_wait3A_83 : memref<1x128xi32, #tpu.memory_space<vmem>> -> memref<128xi32, #tpu.memory_space<vmem>>
    %dma_wait3A_85 = arith.constant 0 : i32
    %dma_wait3A_86 = arith.constant 0 : i32
    %dma_wait3A_87 = tpu.memref_slice %arg2[%dma_wait3A_85, %dma_wait3A_86] : memref<10000x128xf32, #tpu.memory_space<hbm>> -> memref<10000x128xf32, #tpu.memory_space<hbm>>
    tpu.wait_indirect_dma semaphore(%arg15 : memref<!tpu.dma_semaphore, #tpu.memory_space<semaphore_mem>>) src(%dma_wait3A_87 : memref<10000x128xf32, #tpu.memory_space<hbm>>) dst(%arg10 : memref<128x128xf32, #tpu.memory_space<vmem>>)
    %dma_start3A_88 = arith.constant 158 : i32
    %dma_start3A_89 = arith.constant 0 : i32
    %dma_start3A_90 = tpu.memref_slice %arg7[%dma_start3A_88, %dma_start3A_89] : memref<160x128xi32, #tpu.memory_space<vmem>> -> memref<1x128xi32, #tpu.memory_space<vmem>>
    %dma_start3A_91 = tpu.memref_squeeze %dma_start3A_90 : memref<1x128xi32, #tpu.memory_space<vmem>> -> memref<128xi32, #tpu.memory_space<vmem>>
    %dma_start3A_92 = arith.constant 0 : i32
    %dma_start3A_93 = arith.constant 0 : i32
    %dma_start3A_94 = tpu.memref_slice %arg12[%dma_start3A_92, %dma_start3A_93] : memref<3072x128xf32, #tpu.memory_space<vmem_shared>> -> memref<3072x128xf32, #tpu.memory_space<vmem_shared>>
    tpu.enqueue_indirect_dma source(%arg10 : memref<128x128xf32, #tpu.memory_space<vmem>>) target(%dma_start3A_94 : memref<3072x128xf32, #tpu.memory_space<vmem_shared>>) offsets(%dma_start3A_91 : memref<128xi32, #tpu.memory_space<vmem>>) semaphore(%arg17 : memref<!tpu.dma_semaphore, #tpu.memory_space<semaphore_mem>>) {add = true}
    %dma_wait3A_95 = arith.constant 159 : i32
    %dma_wait3A_96 = arith.constant 0 : i32
    %dma_wait3A_97 = tpu.memref_slice %arg6[%dma_wait3A_95, %dma_wait3A_96] : memref<160x128xi32, #tpu.memory_space<vmem>> -> memref<1x128xi32, #tpu.memory_space<vmem>>
    %dma_wait3A_98 = tpu.memref_squeeze %dma_wait3A_97 : memref<1x128xi32, #tpu.memory_space<vmem>> -> memref<128xi32, #tpu.memory_space<vmem>>
    %dma_wait3A_99 = arith.constant 0 : i32
    %dma_wait3A_100 = arith.constant 0 : i32
    %dma_wait3A_101 = tpu.memref_slice %arg2[%dma_wait3A_99, %dma_wait3A_100] : memref<10000x128xf32, #tpu.memory_space<hbm>> -> memref<10000x128xf32, #tpu.memory_space<hbm>>
    tpu.wait_indirect_dma semaphore(%arg16 : memref<!tpu.dma_semaphore, #tpu.memory_space<semaphore_mem>>) src(%dma_wait3A_101 : memref<10000x128xf32, #tpu.memory_space<hbm>>) dst(%arg11 : memref<128x128xf32, #tpu.memory_space<vmem>>)
    %dma_start3A_102 = arith.constant 159 : i32
    %dma_start3A_103 = arith.constant 0 : i32
    %dma_start3A_104 = tpu.memref_slice %arg7[%dma_start3A_102, %dma_start3A_103] : memref<160x128xi32, #tpu.memory_space<vmem>> -> memref<1x128xi32, #tpu.memory_space<vmem>>
    %dma_start3A_105 = tpu.memref_squeeze %dma_start3A_104 : memref<1x128xi32, #tpu.memory_space<vmem>> -> memref<128xi32, #tpu.memory_space<vmem>>
    %dma_start3A_106 = arith.constant 0 : i32
    %dma_start3A_107 = arith.constant 0 : i32
    %dma_start3A_108 = tpu.memref_slice %arg12[%dma_start3A_106, %dma_start3A_107] : memref<3072x128xf32, #tpu.memory_space<vmem_shared>> -> memref<3072x128xf32, #tpu.memory_space<vmem_shared>>
    tpu.enqueue_indirect_dma source(%arg11 : memref<128x128xf32, #tpu.memory_space<vmem>>) target(%dma_start3A_108 : memref<3072x128xf32, #tpu.memory_space<vmem_shared>>) offsets(%dma_start3A_105 : memref<128xi32, #tpu.memory_space<vmem>>) semaphore(%arg17 : memref<!tpu.dma_semaphore, #tpu.memory_space<semaphore_mem>>) {add = true}
    %dma_wait3A_109 = arith.constant 156 : i32
    %dma_wait3A_110 = arith.constant 0 : i32
    %dma_wait3A_111 = tpu.memref_slice %arg7[%dma_wait3A_109, %dma_wait3A_110] : memref<160x128xi32, #tpu.memory_space<vmem>> -> memref<1x128xi32, #tpu.memory_space<vmem>>
    %dma_wait3A_112 = tpu.memref_squeeze %dma_wait3A_111 : memref<1x128xi32, #tpu.memory_space<vmem>> -> memref<128xi32, #tpu.memory_space<vmem>>
    %dma_wait3A_113 = arith.constant 0 : i32
    %dma_wait3A_114 = arith.constant 0 : i32
    %dma_wait3A_115 = tpu.memref_slice %arg12[%dma_wait3A_113, %dma_wait3A_114] : memref<3072x128xf32, #tpu.memory_space<vmem_shared>> -> memref<3072x128xf32, #tpu.memory_space<vmem_shared>>
    tpu.wait_indirect_dma semaphore(%arg17 : memref<!tpu.dma_semaphore, #tpu.memory_space<semaphore_mem>>) src(%arg8 : memref<128x128xf32, #tpu.memory_space<vmem>>) dst(%dma_wait3A_115 : memref<3072x128xf32, #tpu.memory_space<vmem_shared>>)
    %dma_wait3A_116 = arith.constant 157 : i32
    %dma_wait3A_117 = arith.constant 0 : i32
    %dma_wait3A_118 = tpu.memref_slice %arg7[%dma_wait3A_116, %dma_wait3A_117] : memref<160x128xi32, #tpu.memory_space<vmem>> -> memref<1x128xi32, #tpu.memory_space<vmem>>
    %dma_wait3A_119 = tpu.memref_squeeze %dma_wait3A_118 : memref<1x128xi32, #tpu.memory_space<vmem>> -> memref<128xi32, #tpu.memory_space<vmem>>
    %dma_wait3A_120 = arith.constant 0 : i32
    %dma_wait3A_121 = arith.constant 0 : i32
    %dma_wait3A_122 = tpu.memref_slice %arg12[%dma_wait3A_120, %dma_wait3A_121] : memref<3072x128xf32, #tpu.memory_space<vmem_shared>> -> memref<3072x128xf32, #tpu.memory_space<vmem_shared>>
    tpu.wait_indirect_dma semaphore(%arg17 : memref<!tpu.dma_semaphore, #tpu.memory_space<semaphore_mem>>) src(%arg9 : memref<128x128xf32, #tpu.memory_space<vmem>>) dst(%dma_wait3A_122 : memref<3072x128xf32, #tpu.memory_space<vmem_shared>>)
    %dma_wait3A_123 = arith.constant 158 : i32
    %dma_wait3A_124 = arith.constant 0 : i32
    %dma_wait3A_125 = tpu.memref_slice %arg7[%dma_wait3A_123, %dma_wait3A_124] : memref<160x128xi32, #tpu.memory_space<vmem>> -> memref<1x128xi32, #tpu.memory_space<vmem>>
    %dma_wait3A_126 = tpu.memref_squeeze %dma_wait3A_125 : memref<1x128xi32, #tpu.memory_space<vmem>> -> memref<128xi32, #tpu.memory_space<vmem>>
    %dma_wait3A_127 = arith.constant 0 : i32
    %dma_wait3A_128 = arith.constant 0 : i32
    %dma_wait3A_129 = tpu.memref_slice %arg12[%dma_wait3A_127, %dma_wait3A_128] : memref<3072x128xf32, #tpu.memory_space<vmem_shared>> -> memref<3072x128xf32, #tpu.memory_space<vmem_shared>>
    tpu.wait_indirect_dma semaphore(%arg17 : memref<!tpu.dma_semaphore, #tpu.memory_space<semaphore_mem>>) src(%arg10 : memref<128x128xf32, #tpu.memory_space<vmem>>) dst(%dma_wait3A_129 : memref<3072x128xf32, #tpu.memory_space<vmem_shared>>)
    %dma_wait3A_130 = arith.constant 159 : i32
    %dma_wait3A_131 = arith.constant 0 : i32
    %dma_wait3A_132 = tpu.memref_slice %arg7[%dma_wait3A_130, %dma_wait3A_131] : memref<160x128xi32, #tpu.memory_space<vmem>> -> memref<1x128xi32, #tpu.memory_space<vmem>>
    %dma_wait3A_133 = tpu.memref_squeeze %dma_wait3A_132 : memref<1x128xi32, #tpu.memory_space<vmem>> -> memref<128xi32, #tpu.memory_space<vmem>>
    %dma_wait3A_134 = arith.constant 0 : i32
    %dma_wait3A_135 = arith.constant 0 : i32
    %dma_wait3A_136 = tpu.memref_slice %arg12[%dma_wait3A_134, %dma_wait3A_135] : memref<3072x128xf32, #tpu.memory_space<vmem_shared>> -> memref<3072x128xf32, #tpu.memory_space<vmem_shared>>
    tpu.wait_indirect_dma semaphore(%arg17 : memref<!tpu.dma_semaphore, #tpu.memory_space<semaphore_mem>>) src(%arg11 : memref<128x128xf32, #tpu.memory_space<vmem>>) dst(%dma_wait3A_136 : memref<3072x128xf32, #tpu.memory_space<vmem_shared>>)
    %barrier3A_137 = arith.constant 0 : index
    tpu.barrier barrier_id(%barrier3A_137)
    %mul3A_138 = arith.constant 3072 : i32
    %mul3A_139 = arith.muli %arg0, %mul3A_138 : i32
    %add3A_140 = arith.addi %mul3A_139, %mul3A_17 : i32
    %add3A_141 = arith.constant 0 : i32
    %add3A_142 = arith.addi %mul3A_17, %add3A_141 : i32
    %add3A_143 = arith.constant 0 : i32
    %add3A_144 = arith.addi %add3A_140, %add3A_143 : i32
    "tpu.region"() ({
      %run_scoped3A = tpu.sem_alloc : memref<!tpu.dma_semaphore, #tpu.memory_space<semaphore_mem>>
      %dma_start3A_149 = arith.constant 0 : i32
      %dma_start3A_150 = tpu.memref_slice %arg5[%add3A_144, %dma_start3A_149] : memref<6144x128xf32, #tpu.memory_space<hbm>> -> memref<128x128xf32, #tpu.memory_space<hbm>>
      %dma_start3A_151 = arith.constant 0 : i32
      %dma_start3A_152 = tpu.memref_slice %arg12[%add3A_142, %dma_start3A_151] : memref<3072x128xf32, #tpu.memory_space<vmem_shared>> -> memref<128x128xf32, #tpu.memory_space<vmem_shared>>
      tpu.enqueue_dma source(%dma_start3A_152 : memref<128x128xf32, #tpu.memory_space<vmem_shared>>) target(%dma_start3A_150 : memref<128x128xf32, #tpu.memory_space<hbm>>) target_semaphore(%run_scoped3A : memref<!tpu.dma_semaphore, #tpu.memory_space<semaphore_mem>>)
      %dma_wait3A_153 = arith.constant 0 : i32
      %dma_wait3A_154 = tpu.memref_slice %arg5[%add3A_144, %dma_wait3A_153] : memref<6144x128xf32, #tpu.memory_space<hbm>> -> memref<128x128xf32, #tpu.memory_space<hbm>>
      %dma_wait3A_155 = arith.constant 0 : i32
      %dma_wait3A_156 = tpu.memref_slice %arg12[%add3A_142, %dma_wait3A_155] : memref<3072x128xf32, #tpu.memory_space<vmem_shared>> -> memref<128x128xf32, #tpu.memory_space<vmem_shared>>
      tpu.wait_dma2 semaphore(%run_scoped3A : memref<!tpu.dma_semaphore, #tpu.memory_space<semaphore_mem>>) src(%dma_wait3A_156 : memref<128x128xf32, #tpu.memory_space<vmem_shared>>) dst(%dma_wait3A_154 : memref<128x128xf32, #tpu.memory_space<hbm>>)
      tpu.yield
    }) : () -> ()
    %add3A_145 = arith.constant 128 : i32
    %add3A_146 = arith.addi %mul3A_17, %add3A_145 : i32
    %add3A_147 = arith.constant 128 : i32
    %add3A_148 = arith.addi %add3A_140, %add3A_147 : i32
    "tpu.region"() ({
      %run_scoped3A = tpu.sem_alloc : memref<!tpu.dma_semaphore, #tpu.memory_space<semaphore_mem>>
      %dma_start3A_149 = arith.constant 0 : i32
      %dma_start3A_150 = tpu.memref_slice %arg5[%add3A_148, %dma_start3A_149] : memref<6144x128xf32, #tpu.memory_space<hbm>> -> memref<64x128xf32, #tpu.memory_space<hbm>>
      %dma_start3A_151 = arith.constant 0 : i32
      %dma_start3A_152 = tpu.memref_slice %arg12[%add3A_146, %dma_start3A_151] : memref<3072x128xf32, #tpu.memory_space<vmem_shared>> -> memref<64x128xf32, #tpu.memory_space<vmem_shared>>
      tpu.enqueue_dma source(%dma_start3A_152 : memref<64x128xf32, #tpu.memory_space<vmem_shared>>) target(%dma_start3A_150 : memref<64x128xf32, #tpu.memory_space<hbm>>) target_semaphore(%run_scoped3A : memref<!tpu.dma_semaphore, #tpu.memory_space<semaphore_mem>>)
      %dma_wait3A_153 = arith.constant 0 : i32
      %dma_wait3A_154 = tpu.memref_slice %arg5[%add3A_148, %dma_wait3A_153] : memref<6144x128xf32, #tpu.memory_space<hbm>> -> memref<64x128xf32, #tpu.memory_space<hbm>>
      %dma_wait3A_155 = arith.constant 0 : i32
      %dma_wait3A_156 = tpu.memref_slice %arg12[%add3A_146, %dma_wait3A_155] : memref<3072x128xf32, #tpu.memory_space<vmem_shared>> -> memref<64x128xf32, #tpu.memory_space<vmem_shared>>
      tpu.wait_dma2 semaphore(%run_scoped3A : memref<!tpu.dma_semaphore, #tpu.memory_space<semaphore_mem>>) src(%dma_wait3A_156 : memref<64x128xf32, #tpu.memory_space<vmem_shared>>) dst(%dma_wait3A_154 : memref<64x128xf32, #tpu.memory_space<hbm>>)
      tpu.yield
    }) : () -> ()
    return
  }
}

module attributes {stable_mosaic.version = 14 : i64} {
  func.func @body(%arg0: memref<10000x128xf32, #tpu.memory_space<vmem>>, %arg1: memref<128x128xf32, #tpu.memory_space<vmem>>, %arg2: memref<128x128xf32, #tpu.memory_space<vmem>>, %arg3: memref<10000x128xf32, #tpu.memory_space<vmem>>, %arg4: memref<10000x128xf32, #tpu.memory_space<vmem>>) attributes {dimension_semantics = [], scalar_prefetch = 0 : i64, scratch_operands = 0 : i64, tpu.core_type = #tpu.core_type<tc>} {
    %get3A = arith.constant 0 : index
    %get3A_0 = arith.constant 0 : index
    %get3A_1 = vector.load %arg0[%get3A, %get3A_0] : memref<10000x128xf32, #tpu.memory_space<vmem>>, vector<10000x128xf32>
    %get3A_2 = arith.constant 0 : index
    %get3A_3 = arith.constant 0 : index
    %get3A_4 = vector.load %arg1[%get3A_2, %get3A_3] : memref<128x128xf32, #tpu.memory_space<vmem>>, vector<128x128xf32>
    %dot_general3A = arith.constant dense<0.000000e+00> : vector<10000x128xf32>
    %dot_general3A_5 = tpu.matmul %get3A_1, %get3A_4, %dot_general3A {dimension_numbers = #tpu.dot_dimension_numbers<[1], [1], [0], [0], [0, 0, 1, 0], [], []>, precision = #tpu.contract_precision<fp32>, transpose_lhs_hint = false} : vector<10000x128xf32>, vector<128x128xf32>, vector<10000x128xf32> -> vector<10000x128xf32>
    %swap3A = arith.constant 0 : index
    %swap3A_6 = arith.constant 0 : index
    %swap3A_7 = vector.load %arg3[%swap3A, %swap3A_6] : memref<10000x128xf32, #tpu.memory_space<vmem>>, vector<10000x128xf32>
    tpu.vector_store %arg3[%swap3A, %swap3A_6], %dot_general3A_5 {strides = array<i32>} : memref<10000x128xf32, #tpu.memory_space<vmem>>, vector<10000x128xf32>,
    %get3A_8 = arith.constant 0 : index
    %get3A_9 = arith.constant 0 : index
    %get3A_10 = vector.load %arg2[%get3A_8, %get3A_9] : memref<128x128xf32, #tpu.memory_space<vmem>>, vector<128x128xf32>
    %dot_general3A_11 = arith.constant dense<0.000000e+00> : vector<10000x128xf32>
    %dot_general3A_12 = tpu.matmul %get3A_1, %get3A_10, %dot_general3A_11 {dimension_numbers = #tpu.dot_dimension_numbers<[1], [1], [0], [0], [0, 0, 1, 0], [], []>, precision = #tpu.contract_precision<fp32>, transpose_lhs_hint = false} : vector<10000x128xf32>, vector<128x128xf32>, vector<10000x128xf32> -> vector<10000x128xf32>
    %swap3A_13 = arith.constant 0 : index
    %swap3A_14 = arith.constant 0 : index
    %swap3A_15 = vector.load %arg4[%swap3A_13, %swap3A_14] : memref<10000x128xf32, #tpu.memory_space<vmem>>, vector<10000x128xf32>
    tpu.vector_store %arg4[%swap3A_13, %swap3A_14], %dot_general3A_12 {strides = array<i32>} : memref<10000x128xf32, #tpu.memory_space<vmem>>, vector<10000x128xf32>,
    return
  }
}

module attributes {stable_mosaic.version = 14 : i64} {
  func.func @body(%arg0: memref<6144x128xf32, #tpu.memory_space<vmem>>, %arg1: memref<6144x128xf32, #tpu.memory_space<vmem>>, %arg2: memref<32x10112xf32, #tpu.memory_space<vmem>>, %arg3: memref<10000x128xf32, #tpu.memory_space<vmem>>, %arg4: memref<1x128xf32, #tpu.memory_space<vmem>>, %arg5: memref<128x128xf32, #tpu.memory_space<vmem>>, %arg6: memref<128x128xf32, #tpu.memory_space<vmem>>, %arg7: memref<10000x128xf32, #tpu.memory_space<vmem>>, %arg8: memref<10000x128xf32, #tpu.memory_space<vmem>>) attributes {dimension_semantics = [], scalar_prefetch = 0 : i64, scratch_operands = 0 : i64, tpu.core_type = #tpu.core_type<tc>} {
    %get3A = arith.constant 0 : index
    %get3A_0 = arith.constant 0 : index
    %get3A_1 = vector.load %arg0[%get3A, %get3A_0] : memref<6144x128xf32, #tpu.memory_space<vmem>>, vector<2560x128xf32>
    %get3A_2 = arith.constant 3072 : index
    %get3A_3 = arith.constant 0 : index
    %get3A_4 = vector.load %arg0[%get3A_2, %get3A_3] : memref<6144x128xf32, #tpu.memory_space<vmem>>, vector<2560x128xf32>
    %get3A_5 = arith.constant 0 : index
    %get3A_6 = arith.constant 0 : index
    %get3A_7 = vector.load %arg1[%get3A_5, %get3A_6] : memref<6144x128xf32, #tpu.memory_space<vmem>>, vector<2560x128xf32>
    %get3A_8 = arith.constant 3072 : index
    %get3A_9 = arith.constant 0 : index
    %get3A_10 = vector.load %arg1[%get3A_8, %get3A_9] : memref<6144x128xf32, #tpu.memory_space<vmem>>, vector<2320x128xf32>
    %concatenate3A = tpu.concatenate %get3A_1, %get3A_4, %get3A_7, %get3A_10 in 0 : vector<2560x128xf32>, vector<2560x128xf32>, vector<2560x128xf32>, vector<2320x128xf32> -> vector<10000x128xf32>
    %broadcast_in_dim3A = arith.constant 1.000000e+00 : f32
    %broadcast_in_dim3A_11 = vector.broadcast %broadcast_in_dim3A : f32 to vector<32x128xf32>
    %get3A_12 = arith.constant 0 : index
    %get3A_13 = arith.constant 0 : index
    %get3A_14 = vector.load %arg2[%get3A_12, %get3A_13] : memref<32x10112xf32, #tpu.memory_space<vmem>>, vector<32x10112xf32>
    %dot_general3A = arith.constant dense<0.000000e+00> : vector<10112x128xf32>
    %dot_general3A_15 = tpu.matmul %get3A_14, %broadcast_in_dim3A_11, %dot_general3A {dimension_numbers = #tpu.dot_dimension_numbers<[0], [0], [1], [1], [0, 1, 1, 1], [], []>, precision = #tpu.contract_precision<fp32>, transpose_lhs_hint = false} : vector<32x10112xf32>, vector<32x128xf32>, vector<10112x128xf32> -> vector<10112x128xf32>
    %slice3A = vector.extract_strided_slice %dot_general3A_15 {offsets = [0, 0], sizes = [10000, 128], strides = [1, 1]} : vector<10112x128xf32> to vector<10000x128xf32>
    %max3A = arith.constant 1.000000e+00 : f32
    %max3A_16 = vector.broadcast %max3A : f32 to vector<10000x128xf32>
    %max3A_17 = arith.maximumf %slice3A, %max3A_16 : vector<10000x128xf32>
    %div3A = arith.divf %concatenate3A, %max3A_17 : vector<10000x128xf32>
    %get3A_18 = arith.constant 0 : index
    %get3A_19 = arith.constant 0 : index
    %get3A_20 = vector.load %arg3[%get3A_18, %get3A_19] : memref<10000x128xf32, #tpu.memory_space<vmem>>, vector<10000x128xf32>
    %add3A = arith.addf %div3A, %get3A_20 : vector<10000x128xf32>
    %get3A_21 = arith.constant 0 : index
    %get3A_22 = arith.constant 0 : index
    %get3A_23 = vector.load %arg4[%get3A_21, %get3A_22] : memref<1x128xf32, #tpu.memory_space<vmem>>, vector<1x128xf32>
    %add3A_24 = vector.broadcast %get3A_23 : vector<1x128xf32> to vector<10000x128xf32>
    %add3A_25 = arith.addf %add3A, %add3A_24 : vector<10000x128xf32>
    %max3A_26 = arith.constant 0.000000e+00 : f32
    %max3A_27 = vector.broadcast %max3A_26 : f32 to vector<10000x128xf32>
    %max3A_28 = arith.maximumf %add3A_25, %max3A_27 : vector<10000x128xf32>
    %get3A_29 = arith.constant 0 : index
    %get3A_30 = arith.constant 0 : index
    %get3A_31 = vector.load %arg5[%get3A_29, %get3A_30] : memref<128x128xf32, #tpu.memory_space<vmem>>, vector<128x128xf32>
    %dot_general3A_32 = arith.constant dense<0.000000e+00> : vector<10000x128xf32>
    %dot_general3A_33 = tpu.matmul %max3A_28, %get3A_31, %dot_general3A_32 {dimension_numbers = #tpu.dot_dimension_numbers<[1], [1], [0], [0], [0, 0, 1, 0], [], []>, precision = #tpu.contract_precision<fp32>, transpose_lhs_hint = false} : vector<10000x128xf32>, vector<128x128xf32>, vector<10000x128xf32> -> vector<10000x128xf32>
    %swap3A = arith.constant 0 : index
    %swap3A_34 = arith.constant 0 : index
    %swap3A_35 = vector.load %arg7[%swap3A, %swap3A_34] : memref<10000x128xf32, #tpu.memory_space<vmem>>, vector<10000x128xf32>
    tpu.vector_store %arg7[%swap3A, %swap3A_34], %dot_general3A_33 {strides = array<i32>} : memref<10000x128xf32, #tpu.memory_space<vmem>>, vector<10000x128xf32>,
    %get3A_36 = arith.constant 0 : index
    %get3A_37 = arith.constant 0 : index
    %get3A_38 = vector.load %arg6[%get3A_36, %get3A_37] : memref<128x128xf32, #tpu.memory_space<vmem>>, vector<128x128xf32>
    %dot_general3A_39 = arith.constant dense<0.000000e+00> : vector<10000x128xf32>
    %dot_general3A_40 = tpu.matmul %max3A_28, %get3A_38, %dot_general3A_39 {dimension_numbers = #tpu.dot_dimension_numbers<[1], [1], [0], [0], [0, 0, 1, 0], [], []>, precision = #tpu.contract_precision<fp32>, transpose_lhs_hint = false} : vector<10000x128xf32>, vector<128x128xf32>, vector<10000x128xf32> -> vector<10000x128xf32>
    %swap3A_41 = arith.constant 0 : index
    %swap3A_42 = arith.constant 0 : index
    %swap3A_43 = vector.load %arg8[%swap3A_41, %swap3A_42] : memref<10000x128xf32, #tpu.memory_space<vmem>>, vector<10000x128xf32>
    tpu.vector_store %arg8[%swap3A_41, %swap3A_42], %dot_general3A_40 {strides = array<i32>} : memref<10000x128xf32, #tpu.memory_space<vmem>>, vector<10000x128xf32>,
    return
  }
}

module attributes {stable_mosaic.version = 14 : i64} {
  func.func @body(%arg0: memref<6144x128xf32, #tpu.memory_space<vmem>>, %arg1: memref<6144x128xf32, #tpu.memory_space<vmem>>, %arg2: memref<32x10112xf32, #tpu.memory_space<vmem>>, %arg3: memref<10000x128xf32, #tpu.memory_space<vmem>>, %arg4: memref<1x128xf32, #tpu.memory_space<vmem>>, %arg5: memref<9784x216xf32, #tpu.memory_space<vmem>>) attributes {dimension_semantics = [], scalar_prefetch = 0 : i64, scratch_operands = 0 : i64, tpu.core_type = #tpu.core_type<tc>} {
    %get3A = arith.constant 0 : index
    %get3A_0 = arith.constant 0 : index
    %get3A_1 = vector.load %arg0[%get3A, %get3A_0] : memref<6144x128xf32, #tpu.memory_space<vmem>>, vector<2560x128xf32>
    %get3A_2 = arith.constant 3072 : index
    %get3A_3 = arith.constant 0 : index
    %get3A_4 = vector.load %arg0[%get3A_2, %get3A_3] : memref<6144x128xf32, #tpu.memory_space<vmem>>, vector<2560x128xf32>
    %get3A_5 = arith.constant 0 : index
    %get3A_6 = arith.constant 0 : index
    %get3A_7 = vector.load %arg1[%get3A_5, %get3A_6] : memref<6144x128xf32, #tpu.memory_space<vmem>>, vector<2560x128xf32>
    %get3A_8 = arith.constant 3072 : index
    %get3A_9 = arith.constant 0 : index
    %get3A_10 = vector.load %arg1[%get3A_8, %get3A_9] : memref<6144x128xf32, #tpu.memory_space<vmem>>, vector<2320x128xf32>
    %concatenate3A = tpu.concatenate %get3A_1, %get3A_4, %get3A_7, %get3A_10 in 0 : vector<2560x128xf32>, vector<2560x128xf32>, vector<2560x128xf32>, vector<2320x128xf32> -> vector<10000x128xf32>
    %broadcast_in_dim3A = arith.constant 1.000000e+00 : f32
    %broadcast_in_dim3A_11 = vector.broadcast %broadcast_in_dim3A : f32 to vector<32x128xf32>
    %get3A_12 = arith.constant 0 : index
    %get3A_13 = arith.constant 0 : index
    %get3A_14 = vector.load %arg2[%get3A_12, %get3A_13] : memref<32x10112xf32, #tpu.memory_space<vmem>>, vector<32x10112xf32>
    %dot_general3A = arith.constant dense<0.000000e+00> : vector<10112x128xf32>
    %dot_general3A_15 = tpu.matmul %get3A_14, %broadcast_in_dim3A_11, %dot_general3A {dimension_numbers = #tpu.dot_dimension_numbers<[0], [0], [1], [1], [0, 1, 1, 1], [], []>, precision = #tpu.contract_precision<fp32>, transpose_lhs_hint = false} : vector<32x10112xf32>, vector<32x128xf32>, vector<10112x128xf32> -> vector<10112x128xf32>
    %slice3A = vector.extract_strided_slice %dot_general3A_15 {offsets = [0, 0], sizes = [10000, 128], strides = [1, 1]} : vector<10112x128xf32> to vector<10000x128xf32>
    %max3A = arith.constant 1.000000e+00 : f32
    %max3A_16 = vector.broadcast %max3A : f32 to vector<10000x128xf32>
    %max3A_17 = arith.maximumf %slice3A, %max3A_16 : vector<10000x128xf32>
    %div3A = arith.divf %concatenate3A, %max3A_17 : vector<10000x128xf32>
    %get3A_18 = arith.constant 0 : index
    %get3A_19 = arith.constant 0 : index
    %get3A_20 = vector.load %arg3[%get3A_18, %get3A_19] : memref<10000x128xf32, #tpu.memory_space<vmem>>, vector<10000x128xf32>
    %add3A = arith.addf %div3A, %get3A_20 : vector<10000x128xf32>
    %get3A_21 = arith.constant 0 : index
    %get3A_22 = arith.constant 0 : index
    %get3A_23 = vector.load %arg4[%get3A_21, %get3A_22] : memref<1x128xf32, #tpu.memory_space<vmem>>, vector<1x128xf32>
    %add3A_24 = vector.broadcast %get3A_23 : vector<1x128xf32> to vector<10000x128xf32>
    %add3A_25 = arith.addf %add3A, %add3A_24 : vector<10000x128xf32>
    %slice3A_26 = vector.extract_strided_slice %add3A_25 {offsets = [0, 0], sizes = [9784, 128], strides = [1, 1]} : vector<10000x128xf32> to vector<9784x128xf32>
    %slice3A_27 = vector.extract_strided_slice %add3A_25 {offsets = [9784, 0], sizes = [216, 128], strides = [1, 1]} : vector<10000x128xf32> to vector<216x128xf32>
    %dot_general3A_28 = arith.constant dense<0.000000e+00> : vector<9784x216xf32>
    %dot_general3A_29 = tpu.matmul %slice3A_26, %slice3A_27, %dot_general3A_28 {dimension_numbers = #tpu.dot_dimension_numbers<[1], [1], [0], [0], [0, 0, 1, 0], [], []>, precision = #tpu.contract_precision<fp32>, transpose_lhs_hint = false} : vector<9784x128xf32>, vector<216x128xf32>, vector<9784x216xf32> -> vector<9784x216xf32>
    %swap3A = arith.constant 0 : index
    %swap3A_30 = arith.constant 0 : index
    %swap3A_31 = vector.load %arg5[%swap3A, %swap3A_30] : memref<9784x216xf32, #tpu.memory_space<vmem>>, vector<9784x216xf32>
    tpu.vector_store %arg5[%swap3A, %swap3A_30], %dot_general3A_29 {strides = array<i32>} : memref<9784x216xf32, #tpu.memory_space<vmem>>, vector<9784x216xf32>,
    return
  }
}

</mosaic_0001>

<sc_bundles>
// kernel: kernel.10.cloned.1.call-start
scs
__scs_entry_jumppad:
0x0: {  	(pc) =	sbr.rel $0x88, $3  }
0x1: {  	(tag) =	ssettag $0x0;
	lr =	simm.s32 $0x1  }
0x2: {  	[smem:$0x3F99] =	sst lr;
	_ =	strace $0xD0000000  }
0x3: {  	_ = 	snop  }
0x4: {  	_ = 	snop  }
0x5: {  	_ = 	snop  }
0x6: {  	_ = 	snop  }
0x7: {  	_ = 	snop  }
__scs_overlays_trampoline_lowered:
0x8: {  	[smem:$0x3FA8] =	sst s0  }
0x9: {  	[smem:$0x3FA9] =	sst s1  }
0xa: {  	[smem:$0x3FAA] =	sst s2  }
0xb: {  	[smem:$0x3FAB] =	sst s3  }
0xc: {  	[smem:$0x3FAC] =	sst s4  }
0xd: {  	[smem:$0x3FAD] =	sst s5  }
0xe: {  	[smem:$0x3FAE] =	sst s6  }
0xf: {  	[smem:$0x3FAF] =	sst s7  }
0x10: {  	[smem:$0x3FB0] =	sst s8  }
0x11: {  	[smem:$0x3FB1] =	sst s9;
	s0 =	simm.s32 @!p0 $0x0  }
0x12: {  	s1 =	sld [smem:$0x3F97];
	s0 =	simm.s32 @p0 $0x1  }
0x13: {  	[smem:$0x3FB2] =	sst s0;
	s0 =	simm.s32 @!p1 $0x0  }
0x14: {  	s2 =	sld [smem:$0x3F96];
	s0 =	simm.s32 @p1 $0x1  }
0x15: {  	[smem:$0x3FB3] =	sst s0;
	s0 =	simm.s32 @!p2 $0x0  }
0x16: {  	s3 =	sld [smem:$0x3FDB];
	s0 =	simm.s32 @p2 $0x1  }
0x17: {  	s4 =	simm.s32 $0x1BF5;
	[smem:$0x3FB5] =	sst s0  }
0x18: {  	s0 =	sld [smem:$0x3F98];
	_ =	swait.ge [sflag:s4], $0x0  }
0x19: {  	s7 =	sld [smem:$0x3F99]  }
0x1a: {  	s8 =	sadd.s32 $0xFFFFE003, lr  }
0x1b: {  	s9 =	sadd.s32 $0xFFFFFEF7, lr;
	s5 =	simm.s32 $0xFFFFFFFF;
	p2 =	slt.u32 s8, $0xFFFFF086  }
0x1c: {  	p1 =	slt.u32 s9, $0xF7A;
	s5 =	simm.s32 @!p2 $0x0  }
0x1d: {  	s5 =	simm.s32 @p1 $0x1;
	p0 =	seq.s32 s7, s2  }
0x1e: {  	s7 =	smul.u32 @!p0 $0xF7A, s2;
	p2 =	seq.s32 @!p0 s5, $0x0  }
0x1f: {  	s9 =	smul.u32 $0xF7A, s1;
	s8 =	simm.s32 @!p0 $0x1BF5;
	p2 =	por !p2, p0  }
0x20: {  	[sflag:s8] =	ssyncset.s32 @!p0 $0xFFFFF086;
	s6 =	sadd.s32 @!p0 s3, s7;
	s7 =	simm.s32 @!p0 $0x108  }
0x21: {  	s3 =	sadd.s32 s3, s9;
	s6 =	sadd.s32 @!p0 $0x88, s6;
	s7 =	simm.s32 @p2 $0x1082  }
0x22: {  	[simem:s7], [sflag:s8] =	dma.local @!p0 [hbm:s6], $0xF7A  }
0x23: {  	s9 =	sor.u32 $0xD0000000, s2;
	s6 =	simm.s32 $0x108;
	_ =	swait.ge @!p0 [sflag:s8], $0x0  }
0x24: {  	s3 =	sadd.s32 $0x88, s3;
	s6 =	simm.s32 @!p1 $0x1082;
	[sflag:s4] =	ssyncset.s32 $0xFFFFF086  }
0x25: {  	[simem:s6], [sflag:s4] =	dma.local [hbm:s3], $0xF7A  }
0x26: {  	[smem:$0x3F99] =	sst s1;
	(tag) =	ssettag s2;
	_ =	strace s9  }
0x27: {  	s1 =	sld [smem:$0x3FA9]  }
0x28: {  	s2 =	sld [smem:$0x3FAA]  }
0x29: {  	s4 =	sld [smem:$0x3FAC]  }
0x2a: {  	p0 =	seq.s32 s5, $0x0;
	s5 =	sld [smem:$0x3FAD]  }
0x2b: {  	s6 =	sld [smem:$0x3FAE]  }
0x2c: {  	s7 =	sld [smem:$0x3FAF]  }
0x2d: {  	s3 =	simm.s32 $0x108;
	s8 =	sld [smem:$0x3FB0]  }
0x2e: {  	s3 =	simm.s32 @!p0 $0x1082;
	s9 =	sld [smem:$0x3FB1]  }
0x2f: {  	lr =	sadd.s32 s0, s3;
	s0 =	sld [smem:$0x3FA8]  }
0x30: {  	s3 =	sld [smem:$0x3FAB]  }
0x31: {  	[smem:$0x3FB4] =	sst s10  }
0x32: {  	s10 =	sld [smem:$0x3FB2];
	_ =	sdelay $0x3  }
0x33: {  	p0 =	seq.s32 s10, $0x1;
	s10 =	sld [smem:$0x3FB4];
	_ =	sdelay $0x3  }
0x34: {  	[smem:$0x3FB4] =	sst s10  }
0x35: {  	s10 =	sld [smem:$0x3FB3];
	_ =	sdelay $0x3  }
0x36: {  	p1 =	seq.s32 s10, $0x1;
	s10 =	sld [smem:$0x3FB4];
	_ =	sdelay $0x3  }
0x37: {  	[smem:$0x3FB4] =	sst s10  }
0x38: {  	s10 =	sld [smem:$0x3FB5]  }
0x39: {  	_ = 	snop;
	(pc) =	sbr.ind lr, $3  }
0x3a: {  	_ = 	snop  }
0x3b: {  	_ = 	snop  }
0x3c: {  	p2 =	seq.s32 s10, $0x1;
	s10 =	sld [smem:$0x3FB4]  }
0x3d: {  	_ =	shalt  }
0x3e: {  	_ =	shalt  }
0x3f: {  	_ =	shalt  }
0x40: {  	_ =	shalt  }
0x41: {  	_ =	shalt  }
0x42: {  	_ =	shalt  }
0x43: {  	_ =	shalt  }
0x44: {  	_ =	shalt  }
0x45: {  	_ =	shalt  }
0x46: {  	_ =	shalt  }
0x47: {  	_ =	shalt  }
0x48: {  	_ =	shalt  }
0x49: {  	_ =	shalt  }
0x4a: {  	_ =	shalt  }
0x4b: {  	_ =	shalt  }
0x4c: {  	_ =	shalt  }
0x4d: {  	_ =	shalt  }
0x4e: {  	_ =	shalt  }
0x4f: {  	_ =	shalt  }
0x50: {  	_ =	shalt  }
0x51: {  	_ =	shalt  }
0x52: {  	_ =	shalt  }
0x53: {  	_ =	shalt  }
0x54: {  	_ =	shalt  }
0x55: {  	_ =	shalt  }
0x56: {  	_ =	shalt  }
0x57: {  	_ =	shalt  }
0x58: {  	_ =	shalt  }
0x59: {  	_ =	shalt  }
0x5a: {  	_ =	shalt  }
0x5b: {  	_ =	shalt  }
0x5c: {  	_ =	shalt  }
0x5d: {  	_ =	shalt  }
0x5e: {  	_ =	shalt  }
0x5f: {  	_ =	shalt  }
0x60: {  	_ =	shalt  }
0x61: {  	_ =	shalt  }
0x62: {  	_ =	shalt  }
0x63: {  	_ =	shalt  }
0x64: {  	_ =	shalt  }
0x65: {  	_ =	shalt  }
0x66: {  	_ =	shalt  }
0x67: {  	_ =	shalt  }
0x68: {  	_ =	shalt  }
0x69: {  	_ =	shalt  }
0x6a: {  	_ =	shalt  }
0x6b: {  	_ =	shalt  }
0x6c: {  	_ =	shalt  }
0x6d: {  	_ =	shalt  }
0x6e: {  	_ =	shalt  }
0x6f: {  	_ =	shalt  }
0x70: {  	_ =	shalt  }
0x71: {  	_ =	shalt  }
0x72: {  	_ =	shalt  }
0x73: {  	_ =	shalt  }
0x74: {  	_ =	shalt  }
0x75: {  	_ =	shalt  }
0x76: {  	_ =	shalt  }
0x77: {  	_ =	shalt  }
0x78: {  	_ =	shalt  }
0x79: {  	_ =	shalt  }
0x7a: {  	_ =	shalt  }
0x7b: {  	_ =	shalt  }
0x7c: {  	_ =	shalt  }
0x7d: {  	_ =	shalt  }
0x7e: {  	_ =	shalt  }
0x7f: {  	_ =	shalt  }
0x80: {  	_ =	shalt  }
0x81: {  	_ =	shalt  }
0x82: {  	_ =	shalt  }
0x83: {  	_ =	shalt  }
0x84: {  	_ =	shalt  }
0x85: {  	_ =	shalt  }
0x86: {  	_ =	shalt  }
0x87: {  	_ =	shalt  }
.Lfunc_end0:
.L_simem_size_0:
called_computation_lowered:
.L_overlay_start_0:
0x88: {  	s2 =	sld [smem:$0x3FD9]  }
0x89: {  	s3 =	sld [smem:$0x3FFE];
	_ =	sdelay $0x1  }
0x8a: {  	s1 =	srdreg.scid  }
0x8b: {  	s0 =	sand.u32 $0x1, s1  }
0x8c: {  	s16 =	sshll.u32 s0, $0xA;
	s2 =	sadd.s32 s3, s2  }
0x8d: {  	s2 =	sadd.s32 s2, s16  }
0x8e: {  	[smem:$0x3FC0] =	sst s2  }
0x8f: {  	_ = 	snop  }
0x90: {  	(tm) =	ssettm $0x1  }
0x91: {  	s17 =	sld [smem:$0x3FFB];
	_ =	sdelay $0x3  }
0x92: {  	_ =	strace s17  }
0x93: {  	s2 =	sld [smem:$0x3FFC];
	_ =	sdelay $0x3  }
0x94: {  	_ =	strace s2  }
0x95: {  	s2 =	sld [smem:$0x3FFD];
	_ =	sdelay $0x3  }
0x96: {  	_ =	strace s2  }
0x97: {  	_ =	strace $0x8FFFFFFF  }
0x98: {  	s18 =	sld [smem:$0x3FDB];
	_ =	sdelay $0x1  }
0x99: {  	s19 =	simm.s32 $_scs_section_size  }
0x9a: {  	s4 =	simm.s32 $_size__tile_overlayer_lowered;
	s5 =	simm.s32 $_tile_overlayer_lowered  }
0x9b: {  	s22 =	simm.s32 $0x1BFF;
	s21 =	sshll.u32 s5, $0x1;
	s2 =	sadd.s32 s19, s18  }
0x9c: {  	s6 =	simm.s32 $0x0;
	s20 =	sshll.u32 s4, $0x1;
	s4 =	sadd.s32 s21, s2  }
0x9d: {  	[timem:s6], [sflag:s22] =	dma.local [hbm:s4], s20  }
0x9e: {  	_ =	swait.ge [sflag:s22], s20  }
0x9f: {  	s3 =	ssub.s32 $0x0, s20;
	[sflag:s22] =	ssyncset.done $0x0  }
0xa0: {  	[sflag:s22] =	ssyncadd.s32 s3;
	_ =	sdelay $0x1  }
0xa1: {  	s23 =	simm.s32 $0x1B8B  }
0xa2: {  	_ =	swait.ge [sflag:s23], $0x1  }
0xa3: {  	[sflag:s23] =	ssyncset.done $0x0  }
0xa4: {  	s25 =	simm.s32 $0x1B8E;
	s24 =	sld [smem:$0x3FFE];
	[sflag:s23] =	ssyncadd.s32 $0xFFFFFFFF  }
0xa5: {  	s26 =	simm.s32 $execute0_lowered;
	[smem:$0x3FD2] =	sst s25  }
0xa6: {  	s4 =	sshll.u32 s26, $0x1;
	_ =	strace $0x80000046;
	[dreg:$0x1] =	wrdreg $0xFFFFFFFF  }
0xa7: {  	s28 =	simm.s32 $_size_execute0_lowered;
	s2 =	sadd.s32 s2, s4;
	[dreg:$0x0] =	wrdreg $0x0  }
0xa8: {  	s4 =	sshll.u32 s28, $0x1;
	[dreg:$0x2] =	wrdreg s2  }
0xa9: {  	[dreg:$0x3] =	wrdreg s4  }
0xaa: {  	[dreg:$0x4] =	wrdreg $0xC0  }
0xab: {  	_ =	task [dreg:s6], $0x5FFFF  }
0xac: {  	[dreg:$0x1] =	wrdreg $0xFFFFFFFF  }
0xad: {  	[dreg:$0x0] =	wrdreg $0x60  }
0xae: {  	[dreg:$0x2] =	wrdreg s24  }
0xaf: {  	[dreg:$0x3] =	wrdreg $0x9  }
0xb0: {  	_ =	task.clear_ibuf [dreg:s6], $0x4FFFF;
	_ =	strace $0x90000046  }
0xb1: {  	s29 =	simm.s32 $0x9;
	_ =	strace $0x80000048  }
0xb2: {  	_ =	swait.ge [sflag:s29], $0x1  }
0xb3: {  	[sflag:s29] =	ssyncadd.s32 $0xFFFFFFFF  }
0xb4: {  	_ =	strace $0x90000048  }
0xb5: {  	_ =	sfence  }
0xb6: {  	s30 =	sld [smem:$0x0];
	_ =	sdelay $0x2  }
0xb7: {  	s31 =	sshll.u32 s1, $0xD;
	s1 =	sshrl.u32 s1, $0x2  }
0xb8: {  	s3 =	sand.u32 $0x4000, s31;
	s1 =	sadd.s32 s1, s30  }
0xb9: {  	s0 =	sor.u32 s3, s0;
	s1 =	sshll.u32 s1, $0x11  }
0xba: {  	s0 =	sor.u32 s1, s0  }
0xbb: {  	s0 =	sadd.s32 $0x8F2B, s0  }
0xbc: {  	[sflag:s0] =	ssyncadd.remote.s32 $0x1  }
0xbd: {  	_ =	sfence.sel $0xFFFF  }
0xbe: {  	[dreg:$0x0] =	wrdreg $0xFFFFFFFF;
	(pc) =	sbr.abs _section_cstart, $3  }
0xbf: {  	[dreg:$0x1] =	wrdreg $0xFFFFFFFF  }
0xc0: {  	_ =	task.clear_ibuf [dreg:s6], $0x2FFFF;
	_ =	strace $0x9FFFFFFF  }
0xc1: {  	(tm) =	ssettm $0x7FFFFFFF  }
tec
execute0_lowered:
.L_overlay_start_1:
0x0: {  	(tag) =	ssettag $0x1  }
0x1: {  	s1 =	srdreg.scid  }
0x2: {  	s0 =	stileid.u32;
	s5 =	rddreg [dreg:$0x0]  }
0x3: {  	s2 =	simm.s32 $0x0;
	s8 =	simm.s32 $0x80;
	s9 =	simm.s32 $0x400  }
0x4: {  	s10 =	simm.s32 $0x0;
	s3 =	sand.u32 $0x1, s1;
	s29 =	sshll.u32 s0, $0x1  }
0x5: {  	s30 =	sshrl.u32 s0, $0x2;
	s1 =	rddreg [dreg:$0x1];
	s4 =	sor.u32 s3, s29  }
0x6: {  	[smem:$0x7FF] =	sst s2;
	s6 =	smul.u32 $0x13C00, s30;
	s7 =	sshll.u32 s4, $0x7  }
0x7: {  	s3 =	ssub.s32 $0x2, s3;
	s4 =	smul.u32 $0x500, s4;
	s7 =	sand.u32 $0x380, s7  }
0x8: {  	_ =	strace $0x80000047;
	s31 =	sshrl.u32 s3, $0x1;
	s6 =	sor.u32 s6, s7  }
0x9: {  	s4 =	sadd.s32 s4, s5;
	s7 =	simm.s32 $0x2800;
	s6 =	sshrl.u32 s6, $0x3  }
0xa: {  	s5 =	sadd.s32 s6, s5;
	s6 =	ssub.s32 s3, s31;
	s3 =	sadd.s32 $0x1200, s4  }
0xb: {  	v0 =	vimm.f32 $0.0e+00;
	v1 =	vimm.f32 $1.000000000e+00;
	s4 =	sadd.s32 $0x15200, s5;
	s5 =	smax.u32 s6, $0x1;
	s6 =	simm.s32 $0x1  }
.LBB2_1:
0xc: {  	[tilespmem:s2], [sflag:$0x1] =	stream.linear.gather [hbm4b:s3+s2], $0x2800, $0x38;
	[tilespmem:$0x4F80] =	vst v63  }
0xd: {  	_ =	swait.ge [sflag:s6], $0x2800  }
0xe: {  	[sflag:s6] =	ssyncset.done $0x0  }
0xf: {  	s11 =	simm.s32 $0x0;
	[sflag:s6] =	ssyncadd.s32 $0xFFFFD800  }
.LBB2_2:
0x10: {  	p0 =	sne.s32 s11, $0x9DC0  }
.Ltmp0:
0x11: {  	_ = 	snop;
	(pc) =	sbr.rel @p0 .LBB2_2-.Ltmp0, $3  }
0x12: {  	_ =	sdelay $0x1  }
0x13: {  	s12 =	sshra.s32 s11, $0x2  }
0x14: {  	s11 =	sadd.s32 $0x40, s11;
	[tilespmem:s12+$0x2800] =	vst v0  }
0x15: {  	s11 =	simm.s32 $0x0  }
.LBB2_4:
0x16: {  	s12 =	sshra.s32 s11, $0x2  }
0x17: {  	v2 =	vld [tilespmem:s12+$0x0];
	_ =	sdelay $0x7  }
0x18: {  	[tilespmem:v2+s7+$0x0] =	vst.idx.add.f32.msk $0xffff, v1  }
0x19: {  	v2 =	vld [tilespmem:s12+$0x10];
	_ =	sdelay $0x7  }
0x1a: {  	[tilespmem:v2+s7+$0x0] =	vst.idx.add.f32.msk $0xffff, v1  }
0x1b: {  	v2 =	vld [tilespmem:s12+$0x20];
	_ =	sdelay $0x7  }
0x1c: {  	[tilespmem:v2+s7+$0x0] =	vst.idx.add.f32.msk $0xffff, v1  }
0x1d: {  	v2 =	vld [tilespmem:s12+$0x30];
	_ =	sdelay $0x7  }
0x1e: {  	[tilespmem:v2+s7+$0x0] =	vst.idx.add.f32.msk $0xffff, v1  }
0x1f: {  	v2 =	vld [tilespmem:s12+$0x40];
	_ =	sdelay $0x7  }
0x20: {  	[tilespmem:v2+s7+$0x0] =	vst.idx.add.f32.msk $0xffff, v1  }
0x21: {  	v2 =	vld [tilespmem:s12+$0x50];
	_ =	sdelay $0x7  }
0x22: {  	[tilespmem:v2+s7+$0x0] =	vst.idx.add.f32.msk $0xffff, v1  }
0x23: {  	v2 =	vld [tilespmem:s12+$0x60];
	_ =	sdelay $0x7  }
0x24: {  	[tilespmem:v2+s7+$0x0] =	vst.idx.add.f32.msk $0xffff, v1  }
0x25: {  	v2 =	vld [tilespmem:s12+$0x70];
	_ =	sdelay $0x2  }
0x26: {  	p0 =	sne.s32 s11, $0x9E00  }
.Ltmp1:
0x27: {  	_ = 	snop;
	(pc) =	sbr.rel @p0 .LBB2_4-.Ltmp1, $2  }
0x28: {  	_ =	sdelay $0x2  }
0x29: {  	s11 =	sadd.s32 $0x200, s11;
	[tilespmem:v2+s7+$0x0] =	vst.idx.add.f32.msk $0xffff, v1  }
0x2a: {  	s10 =	sadd.s32 $0x1, s10  }
0x2b: {  	p0 =	sne.s32 s10, s5  }
.Ltmp2:
0x2c: {  	_ = 	snop;
	(pc) =	sbr.rel @p0 .LBB2_1-.Ltmp2, $4  }
0x2d: {  	[hbm4b:s4+s8] =	stream.strided.scatter [tilespmem:s7], [sflag:$0x1], $0x2780, s9, s8, $0x38;
	[tilespmem:$0x4F80] =	vst v63  }
0x2e: {  	_ =	swait.ge [sflag:s6], $0x2780  }
0x2f: {  	[sflag:s6] =	ssyncset.done $0x0  }
0x30: {  	[sflag:s6] =	ssyncadd.s32 $0xFFFFD880  }
0x31: {  	_ =	sfence.sel $0x180000  }
0x32: {  	[bflag:$0x0] =	sbarrier.arrive $0xFFFF  }
0x33: {  	p0 =	sne.s32 s0, $0x0;
	_ =	strace $0x90000047  }
0x34: {  	s0 =	sadd.s32 @!p0 $0x100000, s1;
	[bflag:$0x2] =	sbarrier.arrive $0xFFFF  }
0x35: {  	[sflag:s0] =	ssyncadd.tile.s32 @!p0 $0x1;
	_ =	shalt  }
.Lfunc_end2:
_tile_overlayer_lowered:
.L_overlay_start_2:
0x36: {  	(tag) =	ssettag $0x2  }
0x37: {  	s0 =	rddreg [dreg:$0x0];
	s2 =	stileid.u32  }
0x38: {  	s1 =	rddreg [dreg:$0x1];
	p0 =	sne.s32 s2, $0x0  }
0x39: {  	s3 =	rddreg [dreg:$0x2];
	[bflag:$0x3] =	sbarrier.arrive $0xFFFF;
	s2 =	simm.s32 @!p0 $0x1C01  }
0x3a: {  	[timem:s3], [sflag:s2] =	dma.local @!p0 [hbm:s0], s1  }
0x3b: {  	s0 =	simm.s32 @!p0 $0x1  }
0x3c: {  	_ =	swait.ge @!p0 [sflag:s0], s1  }
0x3d: {  	s1 =	ssub.s32 @!p0 $0x0, s1;
	[sflag:s0] =	ssyncset.done @!p0 $0x0  }
0x3e: {  	[sflag:s0] =	ssyncadd.s32 @!p0 s1  }
0x3f: {  	[bflag:$0x3] =	sbarrier.arrive $0xFFFF  }
0x40: {  	_ =	shalt  }

// kernel: kernel.13.cloned.1.call-start
scs
__scs_entry_jumppad:
0x0: {  	(pc) =	sbr.rel $0x88, $3  }
0x1: {  	(tag) =	ssettag $0x0;
	lr =	simm.s32 $0x1  }
0x2: {  	[smem:$0x3F99] =	sst lr;
	_ =	strace $0xD0000000  }
0x3: {  	_ = 	snop  }
0x4: {  	_ = 	snop  }
0x5: {  	_ = 	snop  }
0x6: {  	_ = 	snop  }
0x7: {  	_ = 	snop  }
__scs_overlays_trampoline_lowered:
0x8: {  	[smem:$0x3FA8] =	sst s0  }
0x9: {  	[smem:$0x3FA9] =	sst s1  }
0xa: {  	[smem:$0x3FAA] =	sst s2  }
0xb: {  	[smem:$0x3FAB] =	sst s3  }
0xc: {  	[smem:$0x3FAC] =	sst s4  }
0xd: {  	[smem:$0x3FAD] =	sst s5  }
0xe: {  	[smem:$0x3FAE] =	sst s6  }
0xf: {  	[smem:$0x3FAF] =	sst s7  }
0x10: {  	[smem:$0x3FB0] =	sst s8  }
0x11: {  	[smem:$0x3FB1] =	sst s9;
	s0 =	simm.s32 @!p0 $0x0  }
0x12: {  	s1 =	sld [smem:$0x3F97];
	s0 =	simm.s32 @p0 $0x1  }
0x13: {  	[smem:$0x3FB2] =	sst s0;
	s0 =	simm.s32 @!p1 $0x0  }
0x14: {  	s2 =	sld [smem:$0x3F96];
	s0 =	simm.s32 @p1 $0x1  }
0x15: {  	[smem:$0x3FB3] =	sst s0;
	s0 =	simm.s32 @!p2 $0x0  }
0x16: {  	s3 =	sld [smem:$0x3FDB];
	s0 =	simm.s32 @p2 $0x1  }
0x17: {  	s4 =	simm.s32 $0x1BF5;
	[smem:$0x3FB5] =	sst s0  }
0x18: {  	s0 =	sld [smem:$0x3F98];
	_ =	swait.ge [sflag:s4], $0x0  }
0x19: {  	s7 =	sld [smem:$0x3F99]  }
0x1a: {  	s8 =	sadd.s32 $0xFFFFE003, lr  }
0x1b: {  	s9 =	sadd.s32 $0xFFFFFEF7, lr;
	s5 =	simm.s32 $0xFFFFFFFF;
	p2 =	slt.u32 s8, $0xFFFFF086  }
0x1c: {  	p1 =	slt.u32 s9, $0xF7A;
	s5 =	simm.s32 @!p2 $0x0  }
0x1d: {  	s5 =	simm.s32 @p1 $0x1;
	p0 =	seq.s32 s7, s2  }
0x1e: {  	s7 =	smul.u32 @!p0 $0xF7A, s2;
	p2 =	seq.s32 @!p0 s5, $0x0  }
0x1f: {  	s9 =	smul.u32 $0xF7A, s1;
	s8 =	simm.s32 @!p0 $0x1BF5;
	p2 =	por !p2, p0  }
0x20: {  	[sflag:s8] =	ssyncset.s32 @!p0 $0xFFFFF086;
	s6 =	sadd.s32 @!p0 s3, s7;
	s7 =	simm.s32 @!p0 $0x108  }
0x21: {  	s3 =	sadd.s32 s3, s9;
	s6 =	sadd.s32 @!p0 $0x88, s6;
	s7 =	simm.s32 @p2 $0x1082  }
0x22: {  	[simem:s7], [sflag:s8] =	dma.local @!p0 [hbm:s6], $0xF7A  }
0x23: {  	s9 =	sor.u32 $0xD0000000, s2;
	s6 =	simm.s32 $0x108;
	_ =	swait.ge @!p0 [sflag:s8], $0x0  }
0x24: {  	s3 =	sadd.s32 $0x88, s3;
	s6 =	simm.s32 @!p1 $0x1082;
	[sflag:s4] =	ssyncset.s32 $0xFFFFF086  }
0x25: {  	[simem:s6], [sflag:s4] =	dma.local [hbm:s3], $0xF7A  }
0x26: {  	[smem:$0x3F99] =	sst s1;
	(tag) =	ssettag s2;
	_ =	strace s9  }
0x27: {  	s1 =	sld [smem:$0x3FA9]  }
0x28: {  	s2 =	sld [smem:$0x3FAA]  }
0x29: {  	s4 =	sld [smem:$0x3FAC]  }
0x2a: {  	p0 =	seq.s32 s5, $0x0;
	s5 =	sld [smem:$0x3FAD]  }
0x2b: {  	s6 =	sld [smem:$0x3FAE]  }
0x2c: {  	s7 =	sld [smem:$0x3FAF]  }
0x2d: {  	s3 =	simm.s32 $0x108;
	s8 =	sld [smem:$0x3FB0]  }
0x2e: {  	s3 =	simm.s32 @!p0 $0x1082;
	s9 =	sld [smem:$0x3FB1]  }
0x2f: {  	lr =	sadd.s32 s0, s3;
	s0 =	sld [smem:$0x3FA8]  }
0x30: {  	s3 =	sld [smem:$0x3FAB]  }
0x31: {  	[smem:$0x3FB4] =	sst s10  }
0x32: {  	s10 =	sld [smem:$0x3FB2];
	_ =	sdelay $0x3  }
0x33: {  	p0 =	seq.s32 s10, $0x1;
	s10 =	sld [smem:$0x3FB4];
	_ =	sdelay $0x3  }
0x34: {  	[smem:$0x3FB4] =	sst s10  }
0x35: {  	s10 =	sld [smem:$0x3FB3];
	_ =	sdelay $0x3  }
0x36: {  	p1 =	seq.s32 s10, $0x1;
	s10 =	sld [smem:$0x3FB4];
	_ =	sdelay $0x3  }
0x37: {  	[smem:$0x3FB4] =	sst s10  }
0x38: {  	s10 =	sld [smem:$0x3FB5]  }
0x39: {  	_ = 	snop;
	(pc) =	sbr.ind lr, $3  }
0x3a: {  	_ = 	snop  }
0x3b: {  	_ = 	snop  }
0x3c: {  	p2 =	seq.s32 s10, $0x1;
	s10 =	sld [smem:$0x3FB4]  }
0x3d: {  	_ =	shalt  }
0x3e: {  	_ =	shalt  }
0x3f: {  	_ =	shalt  }
0x40: {  	_ =	shalt  }
0x41: {  	_ =	shalt  }
0x42: {  	_ =	shalt  }
0x43: {  	_ =	shalt  }
0x44: {  	_ =	shalt  }
0x45: {  	_ =	shalt  }
0x46: {  	_ =	shalt  }
0x47: {  	_ =	shalt  }
0x48: {  	_ =	shalt  }
0x49: {  	_ =	shalt  }
0x4a: {  	_ =	shalt  }
0x4b: {  	_ =	shalt  }
0x4c: {  	_ =	shalt  }
0x4d: {  	_ =	shalt  }
0x4e: {  	_ =	shalt  }
0x4f: {  	_ =	shalt  }
0x50: {  	_ =	shalt  }
0x51: {  	_ =	shalt  }
0x52: {  	_ =	shalt  }
0x53: {  	_ =	shalt  }
0x54: {  	_ =	shalt  }
0x55: {  	_ =	shalt  }
0x56: {  	_ =	shalt  }
0x57: {  	_ =	shalt  }
0x58: {  	_ =	shalt  }
0x59: {  	_ =	shalt  }
0x5a: {  	_ =	shalt  }
0x5b: {  	_ =	shalt  }
0x5c: {  	_ =	shalt  }
0x5d: {  	_ =	shalt  }
0x5e: {  	_ =	shalt  }
0x5f: {  	_ =	shalt  }
0x60: {  	_ =	shalt  }
0x61: {  	_ =	shalt  }
0x62: {  	_ =	shalt  }
0x63: {  	_ =	shalt  }
0x64: {  	_ =	shalt  }
0x65: {  	_ =	shalt  }
0x66: {  	_ =	shalt  }
0x67: {  	_ =	shalt  }
0x68: {  	_ =	shalt  }
0x69: {  	_ =	shalt  }
0x6a: {  	_ =	shalt  }
0x6b: {  	_ =	shalt  }
0x6c: {  	_ =	shalt  }
0x6d: {  	_ =	shalt  }
0x6e: {  	_ =	shalt  }
0x6f: {  	_ =	shalt  }
0x70: {  	_ =	shalt  }
0x71: {  	_ =	shalt  }
0x72: {  	_ =	shalt  }
0x73: {  	_ =	shalt  }
0x74: {  	_ =	shalt  }
0x75: {  	_ =	shalt  }
0x76: {  	_ =	shalt  }
0x77: {  	_ =	shalt  }
0x78: {  	_ =	shalt  }
0x79: {  	_ =	shalt  }
0x7a: {  	_ =	shalt  }
0x7b: {  	_ =	shalt  }
0x7c: {  	_ =	shalt  }
0x7d: {  	_ =	shalt  }
0x7e: {  	_ =	shalt  }
0x7f: {  	_ =	shalt  }
0x80: {  	_ =	shalt  }
0x81: {  	_ =	shalt  }
0x82: {  	_ =	shalt  }
0x83: {  	_ =	shalt  }
0x84: {  	_ =	shalt  }
0x85: {  	_ =	shalt  }
0x86: {  	_ =	shalt  }
0x87: {  	_ =	shalt  }
.Lfunc_end0:
.L_simem_size_0:
called_computation.1_lowered:
.L_overlay_start_0:
0x88: {  	s2 =	sld [smem:$0x3FD9]  }
0x89: {  	s3 =	sld [smem:$0x3FFE];
	_ =	sdelay $0x1  }
0x8a: {  	s1 =	srdreg.scid  }
0x8b: {  	s0 =	sand.u32 $0x1, s1  }
0x8c: {  	s17 =	sshll.u32 s0, $0xA;
	s2 =	sadd.s32 s3, s2  }
0x8d: {  	s2 =	sadd.s32 s2, s17  }
0x8e: {  	[smem:$0x3FC0] =	sst s2  }
0x8f: {  	_ = 	snop  }
0x90: {  	s18 =	sld [smem:$0x3FD0];
	(tm) =	ssettm $0x1  }
0x91: {  	s19 =	sld [smem:$0x3FFB];
	_ =	sdelay $0x3  }
0x92: {  	_ =	strace s19  }
0x93: {  	s2 =	sld [smem:$0x3FFC];
	_ =	sdelay $0x3  }
0x94: {  	_ =	strace s2  }
0x95: {  	s2 =	sld [smem:$0x3FFD];
	_ =	sdelay $0x3  }
0x96: {  	_ =	strace s2  }
0x97: {  	_ =	strace $0x8FFFFFFF  }
0x98: {  	s20 =	sld [smem:$0x3FDB];
	_ =	sdelay $0x1  }
0x99: {  	s4 =	simm.s32 $_scs_section_size  }
0x9a: {  	s5 =	simm.s32 $_size__tile_overlayer_lowered;
	s6 =	simm.s32 $_tile_overlayer_lowered  }
0x9b: {  	s7 =	simm.s32 $0x1BFF;
	s21 =	sshll.u32 s6, $0x1;
	s4 =	sadd.s32 s4, s20  }
0x9c: {  	s22 =	simm.s32 $0x0;
	s5 =	sshll.u32 s5, $0x1;
	s6 =	sadd.s32 s21, s4  }
0x9d: {  	[timem:s22], [sflag:s7] =	dma.local [hbm:s6], s5  }
0x9e: {  	_ =	swait.ge [sflag:s7], s5  }
0x9f: {  	s5 =	ssub.s32 $0x0, s5;
	[sflag:s7] =	ssyncset.done $0x0  }
0xa0: {  	[sflag:s7] =	ssyncadd.s32 s5;
	_ =	sdelay $0x1  }
0xa1: {  	s23 =	simm.s32 $0x1B8B  }
0xa2: {  	_ =	swait.ge [sflag:s23], $0x1  }
0xa3: {  	[sflag:s23] =	ssyncset.done $0x0  }
0xa4: {  	[sflag:s23] =	ssyncadd.s32 $0xFFFFFFFF  }
0xa5: {  	s5 =	sld [smem:$0x0]  }
0xa6: {  	s6 =	sand.u32 $0xFFFFFFFE, s1  }
0xa7: {  	p0 =	sne.s32 s1, s6  }
0xa8: {  	s6 =	sshll.u32 @p0 s6, $0xE  }
0xa9: {  	s6 =	sadd.s32 @p0 $0x11B8D, s6;
	s7 =	sshll.u32 @p0 s5, $0x11  }
0xaa: {  	s6 =	sor.u32 @p0 s7, s6  }
0xab: {  	[sflag:s6] =	ssyncadd.remote.s32 @p0 $0x1;
	_ =	sdelay $0x1  }
0xac: {  	s6 =	simm.s32 @p0 $0x1B8D  }
0xad: {  	_ =	swait.eq @p0 [sflag:s6], $0x1  }
0xae: {  	[sflag:s6] =	ssyncadd.s32 @p0 $0xFFFFFFFF  }
0xaf: {  	s7 =	sshll.u32 @!p0 s1, $0xE  }
0xb0: {  	s7 =	sor.u32 @!p0 $0x4000, s7;
	s6 =	simm.s32 @!p0 $0x1B8D  }
0xb1: {  	s5 =	sshll.u32 @!p0 s5, $0x11;
	s7 =	sadd.s32 @!p0 $0x11B8D, s7;
	_ =	swait.eq @!p0 [sflag:s6], $0x1  }
0xb2: {  	s5 =	sor.u32 @!p0 s5, s7;
	[sflag:s6] =	ssyncadd.s32 @!p0 $0xFFFFFFFF  }
0xb3: {  	s25 =	simm.s32 $0x1B8E;
	s24 =	sld [smem:$0x3FFE];
	[sflag:s5] =	ssyncadd.remote.s32 @!p0 $0x1  }
0xb4: {  	s26 =	simm.s32 $execute0_lowered;
	[smem:$0x3FD2] =	sst s25  }
0xb5: {  	s6 =	sshll.u32 s26, $0x1;
	_ =	strace $0x8000004C;
	[dreg:$0x1] =	wrdreg $0xFFFFFFFF  }
0xb6: {  	s28 =	simm.s32 $_size_execute0_lowered;
	s4 =	sadd.s32 s4, s6;
	[dreg:$0x0] =	wrdreg $0x0  }
0xb7: {  	s6 =	sshll.u32 s28, $0x1;
	[dreg:$0x2] =	wrdreg s4  }
0xb8: {  	[dreg:$0x3] =	wrdreg s6  }
0xb9: {  	[dreg:$0x4] =	wrdreg $0xC0  }
0xba: {  	_ =	task [dreg:s22], $0x5FFFF  }
0xbb: {  	[dreg:$0x1] =	wrdreg $0xFFFFFFFF  }
0xbc: {  	[dreg:$0x0] =	wrdreg $0x60  }
0xbd: {  	[dreg:$0x2] =	wrdreg s18  }
0xbe: {  	[dreg:$0x3] =	wrdreg s24  }
0xbf: {  	[dreg:$0x4] =	wrdreg $0x1A0000  }
0xc0: {  	[dreg:$0x5] =	wrdreg $0xA  }
0xc1: {  	_ =	task.clear_ibuf [dreg:s22], $0x6FFFF;
	_ =	strace $0x9000004C  }
0xc2: {  	s29 =	simm.s32 $0xA;
	_ =	strace $0x8000004E  }
0xc3: {  	_ =	swait.ge [sflag:s29], $0x1  }
0xc4: {  	[sflag:s29] =	ssyncadd.s32 $0xFFFFFFFF  }
0xc5: {  	_ =	strace $0x9000004E  }
0xc6: {  	_ =	sfence  }
0xc7: {  	s30 =	sld [smem:$0x0];
	_ =	sdelay $0x2  }
0xc8: {  	s31 =	sshll.u32 s1, $0xD;
	s1 =	sshrl.u32 s1, $0x2  }
0xc9: {  	s4 =	sand.u32 $0x4000, s31;
	s1 =	sadd.s32 s1, s30  }
0xca: {  	s0 =	sor.u32 s4, s0;
	s1 =	sshll.u32 s1, $0x11  }
0xcb: {  	s0 =	sor.u32 s1, s0  }
0xcc: {  	s0 =	sadd.s32 $0x8F2B, s0  }
0xcd: {  	[sflag:s0] =	ssyncadd.remote.s32 $0x1  }
0xce: {  	_ =	sfence.sel $0xFFFF  }
0xcf: {  	[dreg:$0x0] =	wrdreg $0xFFFFFFFF;
	(pc) =	sbr.abs _section_cstart, $3  }
0xd0: {  	[dreg:$0x1] =	wrdreg $0xFFFFFFFF  }
0xd1: {  	_ =	task.clear_ibuf [dreg:s22], $0x2FFFF;
	_ =	strace $0x9FFFFFFF  }
0xd2: {  	(tm) =	ssettm $0x7FFFFFFF  }
0xd3: {  	_ =	shalt  }
tec
execute0_lowered:
.L_overlay_start_1:
0x0: {  	(tag) =	ssettag $0x1  }
0x1: {  	s2 =	rddreg [dreg:$0x0]  }
0x2: {  	s0 =	rddreg [dreg:$0x1]  }
0x3: {  	s3 =	rddreg [dreg:$0x2];
	s1 =	stileid.u32  }
0x4: {  	s5 =	srdreg.scid;
	s4 =	simm.s32 $0x0;
	s12 =	simm.s32 $0x6  }
0x5: {  	s14 =	simm.s32 $0xA000;
	s15 =	simm.s32 $0x80;
	s16 =	simm.s32 $0xE000  }
0x6: {  	s18 =	simm.s32 $0x12000;
	s19 =	simm.s32 $0x180;
	s20 =	simm.s32 $0x16000  }
0x7: {  	s21 =	simm.s32 $0x1;
	s22 =	simm.s32 $0x2;
	s23 =	simm.s32 $0x3  }
0x8: {  	s24 =	simm.s32 $0x4;
	s28 =	simm.s32 $0x9E80;
	s25 =	smul.u32 $0xC0, s1  }
0x9: {  	s29 =	simm.s32 $0x9F00;
	s30 =	simm.s32 $0x9F80;
	s7 =	smul.u32 $0xA00, s1  }
0xa: {  	s8 =	sand.u32 $0x1, s5;
	[smem:$0x7FF] =	sst s4;
	s9 =	smul.u32 $0x18000, s1  }
0xb: {  	s31 =	simm.s32 $0x0;
	s6 =	smul.u32 $0xC00, s8;
	_ =	strace $0x8000004D  }
0xc: {  	s26 =	ssub.s32 $0x2, s8;
	s13 =	smul.u32 $0xA00, s8;
	s7 =	sadd.s32 s7, s0  }
0xd: {  	s10 =	sshrl.u32 s26, $0x1;
	s9 =	sshrl.u32 s9, $0x2;
	s5 =	sadd.s32 s25, s6  }
0xe: {  	s11 =	ssub.s32 s26, s10;
	s6 =	sadd.s32 $0x1200, s7;
	s25 =	simm.s32 $0x5  }
0xf: {  	s26 =	simm.s32 $0x9E00;
	s5 =	sshll.u32 s5, $0x4;
	s11 =	smax.u32 s11, $0x1  }
0x10: {  	s0 =	sadd.s32 s5, s0;
	s5 =	sadd.s32 $0xB200, s7;
	s7 =	sadd.s32 s9, s3  }
0x11: {  	v1 =	vimm.f32 $0.0e+00;
	v0 =	vmov s13;
	s8 =	sadd.s32 $0x4000, s7;
	s9 =	sadd.s32 $0x5E200, s0;
	s10 =	sadd.s32 $0x5EA00, s0  }
.LBB2_1:
0x12: {  	[tilespmem:s4], [sflag:$0x6] =	stream.linear.gather [hbm4b:s5+s4], $0x5000, $0x38;
	v63 =	vld [tilespmem:$0x0]  }
0x13: {  	_ =	swait.ge [sflag:s12], $0x5000  }
0x14: {  	[sflag:s12] =	ssyncset.done $0x0  }
0x15: {  	s0 =	simm.s32 $0x5000;
	[sflag:s12] =	ssyncadd.s32 $0xFFFFB000  }
0x16: {  	[tilespmem:s0], [sflag:$0x6] =	stream.linear.gather [hbm4b:s6+s4], $0x5000, $0x38;
	v63 =	vld [tilespmem:$0x0]  }
0x17: {  	_ =	swait.ge [sflag:s12], $0x5000  }
0x18: {  	[sflag:s12] =	ssyncset.done $0x0  }
0x19: {  	s0 =	simm.s32 $0x0;
	[sflag:s12] =	ssyncadd.s32 $0xFFFFB000  }
0x1a: {  	v2 =	vld [tilespmem:s0+$0x5000]  }
0x1b: {  	v3 =	vld [tilespmem:s0+$0x5010];
	_ =	sdelay $0x2  }
0x1c: {  	v4 =	vld [tilespmem:s0+$0x5020]  }
0x1d: {  	v9 =	vld [tilespmem:s0+$0x5030]  }
0x1e: {  	v5 =	vsub.s32 v2, v0;
	v2 =	vand.u32 $0x1FF, v2;
	v7 =	vsub.s32 v3, v0  }
0x1f: {  	v6 =	vld [tilespmem:s0+$0x5040];
	v3 =	vand.u32 $0x1FF, v3;
	vm0 =	vlt.u32 v5, $0xA00;
	v2 =	vor.u32 $0xA00, v2  }
0x20: {  	v5 =	vsel vm0, v5, v2;
	vm0 =	vlt.u32 v7, $0xA00;
	v2 =	vor.u32 $0xA00, v3  }
0x21: {  	v3 =	vsel vm0, v7, v2;
	v7 =	vsub.s32 v4, v0;
	v2 =	vand.u32 $0x1FF, v4;
	v4 =	vld [tilespmem:s0+$0x5050]  }
0x22: {  	v8 =	vsub.s32 v9, v0;
	vm0 =	vlt.u32 v7, $0xA00;
	v10 =	vor.u32 $0xA00, v2;
	v2 =	vld [tilespmem:s0+$0x5060]  }
0x23: {  	s13 =	simm.s32 $0x200;
	v9 =	vand.u32 $0x1FF, v9;
	v7 =	vsel vm0, v7, v10;
	vm0 =	vlt.u32 v8, $0xA00  }
.LBB2_2:
0x24: {  	p0 =	sne.s32 s13, $0x13E00;
	v9 =	vor.u32 $0xA00, v9;
	v10 =	vsub.s32 v6, v0;
	v6 =	vand.u32 $0x1FF, v6;
	v11 =	vld [tilespmem:s0+$0x5070]  }
0x25: {  	s17 =	sshra.s32 s13, $0x2;
	[tilespmem:s0+$0x5000] =	vst v5;
	v5 =	vsel vm0, v8, v9;
	vm0 =	vlt.u32 v10, $0xA00;
	v6 =	vor.u32 $0xA00, v6  }
0x26: {  	v8 =	vld [tilespmem:s17+$0x5000];
	[tilespmem:s0+$0x5010] =	vst v3;
	v3 =	vsel vm0, v10, v6;
	v6 =	vsub.s32 v4, v0;
	v4 =	vand.u32 $0x1FF, v4  }
0x27: {  	[tilespmem:s0+$0x5020] =	vst v7;
	vm0 =	vlt.u32 v6, $0xA00;
	v4 =	vor.u32 $0xA00, v4;
	v7 =	vsub.s32 v2, v0  }
0x28: {  	v2 =	vand.u32 $0x1FF, v2;
	v9 =	vld [tilespmem:s17+$0x5010];
	[tilespmem:s0+$0x5030] =	vst v5;
	v4 =	vsel vm0, v6, v4;
	vm0 =	vlt.u32 v7, $0xA00  }
0x29: {  	v2 =	vor.u32 $0xA00, v2;
	[tilespmem:s0+$0x5040] =	vst v3;
	v3 =	vsub.s32 v11, v0;
	v5 =	vand.u32 $0x1FF, v11  }
0x2a: {  	v2 =	vsel vm0, v7, v2;
	v10 =	vld [tilespmem:s17+$0x5020];
	[tilespmem:s0+$0x5050] =	vst v4;
	vm0 =	vlt.u32 v3, $0xA00;
	v4 =	vor.u32 $0xA00, v5  }
0x2b: {  	v5 =	vsub.s32 v8, v0;
	v11 =	vld [tilespmem:s17+$0x5030];
	[tilespmem:s0+$0x5060] =	vst v2;
	v2 =	vsel vm0, v3, v4  }
0x2c: {  	v3 =	vand.u32 $0x1FF, v8;
	vm0 =	vlt.u32 v5, $0xA00;
	[tilespmem:s0+$0x5070] =	vst v2;
	s0 =	smov.u32 s17  }
.Ltmp0:
0x2d: {  	v2 =	vor.u32 $0xA00, v3;
	v3 =	vsub.s32 v9, v0;
	v4 =	vand.u32 $0x1FF, v9;
	v6 =	vld [tilespmem:s0+$0x5040];
	(pc) =	sbr.rel @p0 .LBB2_2-.Ltmp0, $4  }
0x2e: {  	v5 =	vsel vm0, v5, v2;
	vm0 =	vlt.u32 v3, $0xA00;
	v2 =	vor.u32 $0xA00, v4  }
0x2f: {  	v3 =	vsel vm0, v3, v2;
	v7 =	vsub.s32 v10, v0;
	v2 =	vand.u32 $0x1FF, v10;
	v4 =	vld [tilespmem:s0+$0x5050]  }
0x30: {  	vm0 =	vlt.u32 v7, $0xA00;
	v9 =	vor.u32 $0xA00, v2;
	v8 =	vsub.s32 v11, v0;
	v2 =	vld [tilespmem:s0+$0x5060]  }
0x31: {  	s13 =	sadd.s32 $0x200, s13;
	v7 =	vsel vm0, v7, v9;
	vm0 =	vlt.u32 v8, $0xA00;
	v9 =	vand.u32 $0x1FF, v11  }
0x32: {  	v9 =	vor.u32 $0xA00, v9;
	v10 =	vsub.s32 v6, v0;
	v56 =	vand.u32 $0x1FF, v6;
	v11 =	vld [tilespmem:s0+$0x5070]  }
0x33: {  	[tilespmem:s0+$0x5000] =	vst v5;
	v57 =	vsel vm0, v8, v9;
	vm12 =	vlt.u32 v10, $0xA00;
	v6 =	vor.u32 $0xA00, v56  }
0x34: {  	[tilespmem:s0+$0x5010] =	vst v3;
	v3 =	vsel vm12, v10, v6;
	v58 =	vsub.s32 v4, v0;
	v59 =	vand.u32 $0x1FF, v4  }
0x35: {  	[tilespmem:s0+$0x5020] =	vst v7;
	vm13 =	vlt.u32 v58, $0xA00;
	v4 =	vor.u32 $0xA00, v59;
	v60 =	vsub.s32 v2, v0  }
0x36: {  	[tilespmem:s0+$0x5030] =	vst v57;
	v2 =	vand.u32 $0x1FF, v2;
	v4 =	vsel vm13, v58, v4;
	vm14 =	vlt.u32 v60, $0xA00  }
0x37: {  	[tilespmem:s0+$0x5040] =	vst v3;
	v2 =	vor.u32 $0xA00, v2;
	v3 =	vsub.s32 v11, v0;
	v61 =	vand.u32 $0x1FF, v11  }
0x38: {  	[tilespmem:s0+$0x5050] =	vst v4;
	v2 =	vsel vm14, v60, v2;
	vm15 =	vlt.u32 v3, $0xA00;
	v62 =	vor.u32 $0xA00, v61  }
0x39: {  	[tilespmem:s0+$0x5060] =	vst v2;
	v2 =	vsel vm15, v3, v62  }
0x3a: {  	s13 =	simm.s32 $0x200;
	[tilespmem:s0+$0x5070] =	vst v2;
	s0 =	simm.s32 $0x0  }
.LBB2_4:
0x3b: {  	p0 =	sne.s32 s13, $0xFE00;
	[tilespmem:s0+$0xA070] =	vst v1  }
0x3c: {  	[tilespmem:s0+$0xA000] =	vst v1  }
0x3d: {  	[tilespmem:s0+$0xA010] =	vst v1  }
.Ltmp1:
0x3e: {  	[tilespmem:s0+$0xA020] =	vst v1;
	(pc) =	sbr.rel @p0 .LBB2_4-.Ltmp1, $4  }
0x3f: {  	[tilespmem:s0+$0xA030] =	vst v1  }
0x40: {  	[tilespmem:s0+$0xA040] =	vst v1  }
0x41: {  	[tilespmem:s0+$0xA050] =	vst v1  }
0x42: {  	[tilespmem:s0+$0xA060] =	vst v1;
	s0 =	sshra.s32 s13, $0x2;
	s13 =	sadd.s32 $0x200, s13  }
0x43: {  	[tilespmem:s0+$0xA070] =	vst v1  }
0x44: {  	[tilespmem:s0+$0xA000] =	vst v1  }
0x45: {  	[tilespmem:s0+$0xA010] =	vst v1  }
0x46: {  	[tilespmem:s0+$0xA020] =	vst v1  }
0x47: {  	[tilespmem:s0+$0xA030] =	vst v1  }
0x48: {  	[tilespmem:s0+$0xA040] =	vst v1  }
0x49: {  	[tilespmem:s0+$0xA050] =	vst v1  }
0x4a: {  	[tilespmem:s0+$0xA060] =	vst v1  }
0x4b: {  	[spmem:s7] =	stream.linear.scatter [tilespmem:s14], [sflag:$0x6], $0x4000, $0x38;
	v63 =	vld [tilespmem:$0x0]  }
0x4c: {  	_ =	swait.ge [sflag:s12], $0x4000  }
0x4d: {  	[sflag:s12] =	ssyncset.done $0x0  }
0x4e: {  	[sflag:s12] =	ssyncadd.s32 $0xFFFFC000  }
0x4f: {  	[spmem:s8] =	stream.linear.scatter [tilespmem:s14], [sflag:$0x6], $0x2000, $0x38;
	v63 =	vld [tilespmem:$0x0]  }
0x50: {  	_ =	swait.ge [sflag:s12], $0x2000  }
0x51: {  	[sflag:s12] =	ssyncset.done $0x0  }
0x52: {  	[sflag:s12] =	ssyncadd.s32 $0xFFFFE000  }
0x53: {  	s17 =	simm.s32 $0x0;
	[bflag:$0x0] =	sbarrier.arrive $0xFFFF  }
0x54: {  	[tilespmem:s14], [sflag:$0x1] =	stream.indirect.gather [hbm4b:s2+s15], $0x80, s17, s15, $0xb8;
	v63 =	vld [tilespmem:$0x0]  }
0x55: {  	_ = 	snop  }
0x56: {  	[tilespmem:s16], [sflag:$0x2] =	stream.indirect.gather [hbm4b:s2+s15], $0x80, s15, s15, $0xb8;
	v63 =	vld [tilespmem:$0x0]  }
0x57: {  	s13 =	simm.s32 $0x100  }
0x58: {  	[tilespmem:s18], [sflag:$0x3] =	stream.indirect.gather [hbm4b:s2+s15], $0x80, s13, s15, $0xb8;
	v63 =	vld [tilespmem:$0x0]  }
0x59: {  	_ = 	snop  }
0x5a: {  	[tilespmem:s20], [sflag:$0x4] =	stream.indirect.gather [hbm4b:s2+s15], $0x80, s19, s15, $0xb8;
	v63 =	vld [tilespmem:$0x0]  }
0x5b: {  	_ =	swait.ge [sflag:s21], $0x4000  }
0x5c: {  	[sflag:s21] =	ssyncset.done $0x0  }
0x5d: {  	s17 =	simm.s32 $0x5000;
	[sflag:s21] =	ssyncadd.s32 $0xFFFFC000  }
0x5e: {  	[spmem:s3] =	stream.indirect.scatter.add.f32 [tilespmem:s14], [sflag:$0x5], $0x80, s17, s15, $0xb8;
	v63 =	vld [tilespmem:$0x0]  }
0x5f: {  	_ =	swait.ge [sflag:s22], $0x4000  }
0x60: {  	[sflag:s22] =	ssyncset.done $0x0  }
0x61: {  	s13 =	simm.s32 $0x5080;
	[sflag:s22] =	ssyncadd.s32 $0xFFFFC000  }
0x62: {  	[spmem:s3] =	stream.indirect.scatter.add.f32 [tilespmem:s16], [sflag:$0x5], $0x80, s13, s15, $0xb8;
	v63 =	vld [tilespmem:$0x0]  }
0x63: {  	_ =	swait.ge [sflag:s23], $0x4000  }
0x64: {  	[sflag:s23] =	ssyncset.done $0x0  }
0x65: {  	s17 =	simm.s32 $0x5100;
	[sflag:s23] =	ssyncadd.s32 $0xFFFFC000  }
0x66: {  	[spmem:s3] =	stream.indirect.scatter.add.f32 [tilespmem:s18], [sflag:$0x5], $0x80, s17, s15, $0xb8;
	v63 =	vld [tilespmem:$0x0]  }
0x67: {  	_ =	swait.ge [sflag:s24], $0x4000  }
0x68: {  	[sflag:s24] =	ssyncset.done $0x0  }
0x69: {  	s13 =	simm.s32 $0x5180;
	[sflag:s24] =	ssyncadd.s32 $0xFFFFC000  }
0x6a: {  	[spmem:s3] =	stream.indirect.scatter.add.f32 [tilespmem:s20], [sflag:$0x5], $0x80, s13, s15, $0xb8;
	v63 =	vld [tilespmem:$0x0]  }
0x6b: {  	_ =	swait.ge [sflag:s25], $0x4000  }
0x6c: {  	[sflag:s25] =	ssyncset.done $0x0  }
0x6d: {  	s17 =	simm.s32 $0x200;
	[sflag:s25] =	ssyncadd.s32 $0xFFFFC000  }
0x6e: {  	[tilespmem:s14], [sflag:$0x1] =	stream.indirect.gather [hbm4b:s2+s15], $0x80, s17, s15, $0xb8;
	v63 =	vld [tilespmem:$0x0]  }
0x6f: {  	_ =	swait.ge [sflag:s25], $0x4000  }
0x70: {  	[sflag:s25] =	ssyncset.done $0x0  }
0x71: {  	s13 =	simm.s32 $0x280;
	[sflag:s25] =	ssyncadd.s32 $0xFFFFC000  }
0x72: {  	[tilespmem:s16], [sflag:$0x2] =	stream.indirect.gather [hbm4b:s2+s15], $0x80, s13, s15, $0xb8;
	v63 =	vld [tilespmem:$0x0]  }
0x73: {  	_ =	swait.ge [sflag:s25], $0x4000  }
0x74: {  	[sflag:s25] =	ssyncset.done $0x0  }
0x75: {  	s17 =	simm.s32 $0x300;
	[sflag:s25] =	ssyncadd.s32 $0xFFFFC000  }
0x76: {  	[tilespmem:s18], [sflag:$0x3] =	stream.indirect.gather [hbm4b:s2+s15], $0x80, s17, s15, $0xb8;
	v63 =	vld [tilespmem:$0x0]  }
0x77: {  	_ =	swait.ge [sflag:s25], $0x4000  }
0x78: {  	[sflag:s25] =	ssyncset.done $0x0  }
0x79: {  	s0 =	simm.s32 $0x800;
	s13 =	simm.s32 $0x380;
	[sflag:s25] =	ssyncadd.s32 $0xFFFFC000  }
.LBB2_6:
0x7a: {  	[tilespmem:s20], [sflag:$0x4] =	stream.indirect.gather [hbm4b:s2+s15], $0x80, s13, s15, $0xb8;
	v63 =	vld [tilespmem:$0x0]  }
0x7b: {  	s13 =	smov.u32 s0  }
0x7c: {  	p0 =	sne.s32 s0, $0x13000;
	s0 =	sadd.s32 $0x800, s0;
	_ =	swait.ge [sflag:s21], $0x4000  }
0x7d: {  	s13 =	sshra.s32 s13, $0x2;
	[sflag:s21] =	ssyncset.done $0x0  }
0x7e: {  	s17 =	sadd.s32 $0x5000, s13;
	[sflag:s21] =	ssyncadd.s32 $0xFFFFC000  }
0x7f: {  	[spmem:s3] =	stream.indirect.scatter.add.f32 [tilespmem:s14], [sflag:$0x5], $0x80, s17, s15, $0xb8;
	v63 =	vld [tilespmem:$0x0]  }
0x80: {  	_ =	swait.ge [sflag:s22], $0x4000  }
0x81: {  	[sflag:s22] =	ssyncset.done $0x0  }
0x82: {  	s17 =	sadd.s32 $0x5080, s13;
	[sflag:s22] =	ssyncadd.s32 $0xFFFFC000  }
0x83: {  	[spmem:s3] =	stream.indirect.scatter.add.f32 [tilespmem:s16], [sflag:$0x5], $0x80, s17, s15, $0xb8;
	v63 =	vld [tilespmem:$0x0]  }
0x84: {  	_ =	swait.ge [sflag:s23], $0x4000  }
0x85: {  	[sflag:s23] =	ssyncset.done $0x0  }
0x86: {  	s17 =	sadd.s32 $0x5100, s13;
	[sflag:s23] =	ssyncadd.s32 $0xFFFFC000  }
0x87: {  	[spmem:s3] =	stream.indirect.scatter.add.f32 [tilespmem:s18], [sflag:$0x5], $0x80, s17, s15, $0xb8;
	v63 =	vld [tilespmem:$0x0]  }
0x88: {  	_ =	swait.ge [sflag:s24], $0x4000  }
0x89: {  	[sflag:s24] =	ssyncset.done $0x0  }
0x8a: {  	s17 =	sadd.s32 $0x5180, s13;
	[sflag:s24] =	ssyncadd.s32 $0xFFFFC000  }
0x8b: {  	[spmem:s3] =	stream.indirect.scatter.add.f32 [tilespmem:s20], [sflag:$0x5], $0x80, s17, s15, $0xb8;
	v63 =	vld [tilespmem:$0x0]  }
0x8c: {  	_ =	swait.ge [sflag:s25], $0x4000  }
0x8d: {  	[sflag:s25] =	ssyncset.done $0x0  }
0x8e: {  	s17 =	sadd.s32 $0x200, s13;
	[sflag:s25] =	ssyncadd.s32 $0xFFFFC000  }
0x8f: {  	[tilespmem:s14], [sflag:$0x1] =	stream.indirect.gather [hbm4b:s2+s15], $0x80, s17, s15, $0xb8;
	v63 =	vld [tilespmem:$0x0]  }
0x90: {  	_ =	swait.ge [sflag:s25], $0x4000  }
0x91: {  	[sflag:s25] =	ssyncset.done $0x0  }
0x92: {  	s17 =	sadd.s32 $0x280, s13;
	[sflag:s25] =	ssyncadd.s32 $0xFFFFC000  }
0x93: {  	[tilespmem:s16], [sflag:$0x2] =	stream.indirect.gather [hbm4b:s2+s15], $0x80, s17, s15, $0xb8;
	v63 =	vld [tilespmem:$0x0]  }
0x94: {  	_ =	swait.ge [sflag:s25], $0x4000  }
0x95: {  	[sflag:s25] =	ssyncset.done $0x0  }
.Ltmp2:
0x96: {  	s17 =	sadd.s32 $0x300, s13;
	[sflag:s25] =	ssyncadd.s32 $0xFFFFC000;
	(pc) =	sbr.rel @p0 .LBB2_6-.Ltmp2, $4  }
0x97: {  	[tilespmem:s18], [sflag:$0x3] =	stream.indirect.gather [hbm4b:s2+s15], $0x80, s17, s15, $0xb8;
	v63 =	vld [tilespmem:$0x0]  }
0x98: {  	_ =	swait.ge [sflag:s25], $0x4000  }
0x99: {  	[sflag:s25] =	ssyncset.done $0x0  }
0x9a: {  	s13 =	sadd.s32 $0x380, s13;
	[sflag:s25] =	ssyncadd.s32 $0xFFFFC000  }
0x9b: {  	[tilespmem:s20], [sflag:$0x4] =	stream.indirect.gather [hbm4b:s2+s15], $0x80, s13, s15, $0xb8;
	v63 =	vld [tilespmem:$0x0]  }
0x9c: {  	_ =	swait.ge [sflag:s21], $0x4000  }
0x9d: {  	[sflag:s21] =	ssyncset.done $0x0  }
0x9e: {  	[sflag:s21] =	ssyncadd.s32 $0xFFFFC000  }
0x9f: {  	[spmem:s3] =	stream.indirect.scatter.add.f32 [tilespmem:s14], [sflag:$0x5], $0x80, s26, s15, $0xb8;
	v63 =	vld [tilespmem:$0x0]  }
0xa0: {  	_ =	swait.ge [sflag:s22], $0x4000  }
0xa1: {  	[sflag:s22] =	ssyncset.done $0x0  }
0xa2: {  	[sflag:s22] =	ssyncadd.s32 $0xFFFFC000  }
0xa3: {  	[spmem:s3] =	stream.indirect.scatter.add.f32 [tilespmem:s16], [sflag:$0x5], $0x80, s28, s15, $0xb8;
	v63 =	vld [tilespmem:$0x0]  }
0xa4: {  	_ =	swait.ge [sflag:s23], $0x4000  }
0xa5: {  	[sflag:s23] =	ssyncset.done $0x0  }
0xa6: {  	[sflag:s23] =	ssyncadd.s32 $0xFFFFC000  }
0xa7: {  	[spmem:s3] =	stream.indirect.scatter.add.f32 [tilespmem:s18], [sflag:$0x5], $0x80, s29, s15, $0xb8;
	v63 =	vld [tilespmem:$0x0]  }
0xa8: {  	_ =	swait.ge [sflag:s24], $0x4000  }
0xa9: {  	[sflag:s24] =	ssyncset.done $0x0  }
0xaa: {  	[sflag:s24] =	ssyncadd.s32 $0xFFFFC000  }
0xab: {  	[spmem:s3] =	stream.indirect.scatter.add.f32 [tilespmem:s20], [sflag:$0x5], $0x80, s30, s15, $0xb8;
	v63 =	vld [tilespmem:$0x0]  }
0xac: {  	_ =	swait.ge [sflag:s25], $0x4000  }
0xad: {  	[sflag:s25] =	ssyncset.done $0x0  }
0xae: {  	[sflag:s25] =	ssyncadd.s32 $0xFFFFC000  }
0xaf: {  	_ =	swait.ge [sflag:s25], $0x4000  }
0xb0: {  	[sflag:s25] =	ssyncset.done $0x0  }
0xb1: {  	[sflag:s25] =	ssyncadd.s32 $0xFFFFC000  }
0xb2: {  	_ =	swait.ge [sflag:s25], $0x4000  }
0xb3: {  	[sflag:s25] =	ssyncset.done $0x0  }
0xb4: {  	[sflag:s25] =	ssyncadd.s32 $0xFFFFC000  }
0xb5: {  	_ =	swait.ge [sflag:s25], $0x4000  }
0xb6: {  	[sflag:s25] =	ssyncset.done $0x0  }
0xb7: {  	s0 =	sshll.u32 s1, $0x6;
	[sflag:s25] =	ssyncadd.s32 $0xFFFFC000  }
0xb8: {  	s17 =	sshrl.u32 s7, $0x3;
	s0 =	sor.u32 $0x1C06, s0;
	[bflag:$0x0] =	sbarrier.arrive $0xFFFF  }
0xb9: {  	[hbm:s9], [sflag:s0] =	dma.local [spmem:s17], $0x800  }
0xba: {  	s31 =	sadd.s32 $0x1, s31;
	_ =	swait.ge [sflag:s12], $0x800  }
0xbb: {  	p0 =	sne.s32 s31, s11;
	[sflag:s12] =	ssyncset.done $0x0  }
.Ltmp3:
0xbc: {  	s17 =	sshrl.u32 s8, $0x3;
	[sflag:s12] =	ssyncadd.s32 $0xFFFFF800;
	(pc) =	sbr.rel @p0 .LBB2_1-.Ltmp3, $4  }
0xbd: {  	[hbm:s10], [sflag:s0] =	dma.local [spmem:s17], $0x400  }
0xbe: {  	_ =	swait.ge [sflag:s12], $0x400  }
0xbf: {  	[sflag:s12] =	ssyncset.done $0x0  }
0xc0: {  	[sflag:s12] =	ssyncadd.s32 $0xFFFFFC00  }
0xc1: {  	_ =	sfence.sel $0x180000  }
0xc2: {  	[bflag:$0x0] =	sbarrier.arrive $0xFFFF  }
0xc3: {  	_ =	strace $0x9000004D  }
0xc4: {  	[bflag:$0x2] =	sbarrier.arrive $0xFFFF  }
0xc5: {  	p0 =	sne.s32 s1, $0x0;
	s0 =	rddreg [dreg:$0x3]  }
0xc6: {  	s0 =	sadd.s32 @!p0 $0x100000, s0  }
0xc7: {  	[sflag:s0] =	ssyncadd.tile.s32 @!p0 $0x1;
	_ =	shalt  }
.Lfunc_end2:
_tile_overlayer_lowered:
.L_overlay_start_2:
0xc8: {  	(tag) =	ssettag $0x2  }
0xc9: {  	s0 =	rddreg [dreg:$0x0];
	s2 =	stileid.u32  }
0xca: {  	s1 =	rddreg [dreg:$0x1];
	p0 =	sne.s32 s2, $0x0  }
0xcb: {  	s3 =	rddreg [dreg:$0x2];
	[bflag:$0x3] =	sbarrier.arrive $0xFFFF;
	s2 =	simm.s32 @!p0 $0x1C06  }
0xcc: {  	[timem:s3], [sflag:s2] =	dma.local @!p0 [hbm:s0], s1  }
0xcd: {  	s0 =	simm.s32 @!p0 $0x6  }
0xce: {  	_ =	swait.ge @!p0 [sflag:s0], s1  }
0xcf: {  	s1 =	ssub.s32 @!p0 $0x0, s1;
	[sflag:s0] =	ssyncset.done @!p0 $0x0  }
0xd0: {  	[sflag:s0] =	ssyncadd.s32 @!p0 s1  }
0xd1: {  	[bflag:$0x3] =	sbarrier.arrive $0xFFFF  }
0xd2: {  	_ =	shalt  }

// kernel: kernel.16.cloned.1.call-start
scs
__scs_entry_jumppad:
0x0: {  	(pc) =	sbr.rel $0x88, $3  }
0x1: {  	(tag) =	ssettag $0x0;
	lr =	simm.s32 $0x1  }
0x2: {  	[smem:$0x3F99] =	sst lr;
	_ =	strace $0xD0000000  }
0x3: {  	_ = 	snop  }
0x4: {  	_ = 	snop  }
0x5: {  	_ = 	snop  }
0x6: {  	_ = 	snop  }
0x7: {  	_ = 	snop  }
__scs_overlays_trampoline_lowered:
0x8: {  	[smem:$0x3FA8] =	sst s0  }
0x9: {  	[smem:$0x3FA9] =	sst s1  }
0xa: {  	[smem:$0x3FAA] =	sst s2  }
0xb: {  	[smem:$0x3FAB] =	sst s3  }
0xc: {  	[smem:$0x3FAC] =	sst s4  }
0xd: {  	[smem:$0x3FAD] =	sst s5  }
0xe: {  	[smem:$0x3FAE] =	sst s6  }
0xf: {  	[smem:$0x3FAF] =	sst s7  }
0x10: {  	[smem:$0x3FB0] =	sst s8  }
0x11: {  	[smem:$0x3FB1] =	sst s9;
	s0 =	simm.s32 @!p0 $0x0  }
0x12: {  	s1 =	sld [smem:$0x3F97];
	s0 =	simm.s32 @p0 $0x1  }
0x13: {  	[smem:$0x3FB2] =	sst s0;
	s0 =	simm.s32 @!p1 $0x0  }
0x14: {  	s2 =	sld [smem:$0x3F96];
	s0 =	simm.s32 @p1 $0x1  }
0x15: {  	[smem:$0x3FB3] =	sst s0;
	s0 =	simm.s32 @!p2 $0x0  }
0x16: {  	s3 =	sld [smem:$0x3FDB];
	s0 =	simm.s32 @p2 $0x1  }
0x17: {  	s4 =	simm.s32 $0x1BF5;
	[smem:$0x3FB5] =	sst s0  }
0x18: {  	s0 =	sld [smem:$0x3F98];
	_ =	swait.ge [sflag:s4], $0x0  }
0x19: {  	s7 =	sld [smem:$0x3F99]  }
0x1a: {  	s8 =	sadd.s32 $0xFFFFE003, lr  }
0x1b: {  	s9 =	sadd.s32 $0xFFFFFEF7, lr;
	s5 =	simm.s32 $0xFFFFFFFF;
	p2 =	slt.u32 s8, $0xFFFFF086  }
0x1c: {  	p1 =	slt.u32 s9, $0xF7A;
	s5 =	simm.s32 @!p2 $0x0  }
0x1d: {  	s5 =	simm.s32 @p1 $0x1;
	p0 =	seq.s32 s7, s2  }
0x1e: {  	s7 =	smul.u32 @!p0 $0xF7A, s2;
	p2 =	seq.s32 @!p0 s5, $0x0  }
0x1f: {  	s9 =	smul.u32 $0xF7A, s1;
	s8 =	simm.s32 @!p0 $0x1BF5;
	p2 =	por !p2, p0  }
0x20: {  	[sflag:s8] =	ssyncset.s32 @!p0 $0xFFFFF086;
	s6 =	sadd.s32 @!p0 s3, s7;
	s7 =	simm.s32 @!p0 $0x108  }
0x21: {  	s3 =	sadd.s32 s3, s9;
	s6 =	sadd.s32 @!p0 $0x88, s6;
	s7 =	simm.s32 @p2 $0x1082  }
0x22: {  	[simem:s7], [sflag:s8] =	dma.local @!p0 [hbm:s6], $0xF7A  }
0x23: {  	s9 =	sor.u32 $0xD0000000, s2;
	s6 =	simm.s32 $0x108;
	_ =	swait.ge @!p0 [sflag:s8], $0x0  }
0x24: {  	s3 =	sadd.s32 $0x88, s3;
	s6 =	simm.s32 @!p1 $0x1082;
	[sflag:s4] =	ssyncset.s32 $0xFFFFF086  }
0x25: {  	[simem:s6], [sflag:s4] =	dma.local [hbm:s3], $0xF7A  }
0x26: {  	[smem:$0x3F99] =	sst s1;
	(tag) =	ssettag s2;
	_ =	strace s9  }
0x27: {  	s1 =	sld [smem:$0x3FA9]  }
0x28: {  	s2 =	sld [smem:$0x3FAA]  }
0x29: {  	s4 =	sld [smem:$0x3FAC]  }
0x2a: {  	p0 =	seq.s32 s5, $0x0;
	s5 =	sld [smem:$0x3FAD]  }
0x2b: {  	s6 =	sld [smem:$0x3FAE]  }
0x2c: {  	s7 =	sld [smem:$0x3FAF]  }
0x2d: {  	s3 =	simm.s32 $0x108;
	s8 =	sld [smem:$0x3FB0]  }
0x2e: {  	s3 =	simm.s32 @!p0 $0x1082;
	s9 =	sld [smem:$0x3FB1]  }
0x2f: {  	lr =	sadd.s32 s0, s3;
	s0 =	sld [smem:$0x3FA8]  }
0x30: {  	s3 =	sld [smem:$0x3FAB]  }
0x31: {  	[smem:$0x3FB4] =	sst s10  }
0x32: {  	s10 =	sld [smem:$0x3FB2];
	_ =	sdelay $0x3  }
0x33: {  	p0 =	seq.s32 s10, $0x1;
	s10 =	sld [smem:$0x3FB4];
	_ =	sdelay $0x3  }
0x34: {  	[smem:$0x3FB4] =	sst s10  }
0x35: {  	s10 =	sld [smem:$0x3FB3];
	_ =	sdelay $0x3  }
0x36: {  	p1 =	seq.s32 s10, $0x1;
	s10 =	sld [smem:$0x3FB4];
	_ =	sdelay $0x3  }
0x37: {  	[smem:$0x3FB4] =	sst s10  }
0x38: {  	s10 =	sld [smem:$0x3FB5]  }
0x39: {  	_ = 	snop;
	(pc) =	sbr.ind lr, $3  }
0x3a: {  	_ = 	snop  }
0x3b: {  	_ = 	snop  }
0x3c: {  	p2 =	seq.s32 s10, $0x1;
	s10 =	sld [smem:$0x3FB4]  }
0x3d: {  	_ =	shalt  }
0x3e: {  	_ =	shalt  }
0x3f: {  	_ =	shalt  }
0x40: {  	_ =	shalt  }
0x41: {  	_ =	shalt  }
0x42: {  	_ =	shalt  }
0x43: {  	_ =	shalt  }
0x44: {  	_ =	shalt  }
0x45: {  	_ =	shalt  }
0x46: {  	_ =	shalt  }
0x47: {  	_ =	shalt  }
0x48: {  	_ =	shalt  }
0x49: {  	_ =	shalt  }
0x4a: {  	_ =	shalt  }
0x4b: {  	_ =	shalt  }
0x4c: {  	_ =	shalt  }
0x4d: {  	_ =	shalt  }
0x4e: {  	_ =	shalt  }
0x4f: {  	_ =	shalt  }
0x50: {  	_ =	shalt  }
0x51: {  	_ =	shalt  }
0x52: {  	_ =	shalt  }
0x53: {  	_ =	shalt  }
0x54: {  	_ =	shalt  }
0x55: {  	_ =	shalt  }
0x56: {  	_ =	shalt  }
0x57: {  	_ =	shalt  }
0x58: {  	_ =	shalt  }
0x59: {  	_ =	shalt  }
0x5a: {  	_ =	shalt  }
0x5b: {  	_ =	shalt  }
0x5c: {  	_ =	shalt  }
0x5d: {  	_ =	shalt  }
0x5e: {  	_ =	shalt  }
0x5f: {  	_ =	shalt  }
0x60: {  	_ =	shalt  }
0x61: {  	_ =	shalt  }
0x62: {  	_ =	shalt  }
0x63: {  	_ =	shalt  }
0x64: {  	_ =	shalt  }
0x65: {  	_ =	shalt  }
0x66: {  	_ =	shalt  }
0x67: {  	_ =	shalt  }
0x68: {  	_ =	shalt  }
0x69: {  	_ =	shalt  }
0x6a: {  	_ =	shalt  }
0x6b: {  	_ =	shalt  }
0x6c: {  	_ =	shalt  }
0x6d: {  	_ =	shalt  }
0x6e: {  	_ =	shalt  }
0x6f: {  	_ =	shalt  }
0x70: {  	_ =	shalt  }
0x71: {  	_ =	shalt  }
0x72: {  	_ =	shalt  }
0x73: {  	_ =	shalt  }
0x74: {  	_ =	shalt  }
0x75: {  	_ =	shalt  }
0x76: {  	_ =	shalt  }
0x77: {  	_ =	shalt  }
0x78: {  	_ =	shalt  }
0x79: {  	_ =	shalt  }
0x7a: {  	_ =	shalt  }
0x7b: {  	_ =	shalt  }
0x7c: {  	_ =	shalt  }
0x7d: {  	_ =	shalt  }
0x7e: {  	_ =	shalt  }
0x7f: {  	_ =	shalt  }
0x80: {  	_ =	shalt  }
0x81: {  	_ =	shalt  }
0x82: {  	_ =	shalt  }
0x83: {  	_ =	shalt  }
0x84: {  	_ =	shalt  }
0x85: {  	_ =	shalt  }
0x86: {  	_ =	shalt  }
0x87: {  	_ =	shalt  }
.Lfunc_end0:
.L_simem_size_0:
called_computation.2_lowered:
.L_overlay_start_0:
0x88: {  	s2 =	sld [smem:$0x3FD9]  }
0x89: {  	s3 =	sld [smem:$0x3FFE];
	_ =	sdelay $0x1  }
0x8a: {  	s1 =	srdreg.scid  }
0x8b: {  	s0 =	sand.u32 $0x1, s1  }
0x8c: {  	s17 =	sshll.u32 s0, $0xA;
	s2 =	sadd.s32 s3, s2  }
0x8d: {  	s2 =	sadd.s32 s2, s17  }
0x8e: {  	[smem:$0x3FC0] =	sst s2  }
0x8f: {  	_ = 	snop  }
0x90: {  	s18 =	sld [smem:$0x3FD0];
	(tm) =	ssettm $0x1  }
0x91: {  	s19 =	sld [smem:$0x3FFB];
	_ =	sdelay $0x3  }
0x92: {  	_ =	strace s19  }
0x93: {  	s2 =	sld [smem:$0x3FFC];
	_ =	sdelay $0x3  }
0x94: {  	_ =	strace s2  }
0x95: {  	s2 =	sld [smem:$0x3FFD];
	_ =	sdelay $0x3  }
0x96: {  	_ =	strace s2  }
0x97: {  	_ =	strace $0x8FFFFFFF  }
0x98: {  	s20 =	sld [smem:$0x3FDB];
	_ =	sdelay $0x1  }
0x99: {  	s4 =	simm.s32 $_scs_section_size  }
0x9a: {  	s5 =	simm.s32 $_size__tile_overlayer_lowered;
	s6 =	simm.s32 $_tile_overlayer_lowered  }
0x9b: {  	s7 =	simm.s32 $0x1BFF;
	s21 =	sshll.u32 s6, $0x1;
	s4 =	sadd.s32 s4, s20  }
0x9c: {  	s22 =	simm.s32 $0x0;
	s5 =	sshll.u32 s5, $0x1;
	s6 =	sadd.s32 s21, s4  }
0x9d: {  	[timem:s22], [sflag:s7] =	dma.local [hbm:s6], s5  }
0x9e: {  	_ =	swait.ge [sflag:s7], s5  }
0x9f: {  	s5 =	ssub.s32 $0x0, s5;
	[sflag:s7] =	ssyncset.done $0x0  }
0xa0: {  	[sflag:s7] =	ssyncadd.s32 s5;
	_ =	sdelay $0x1  }
0xa1: {  	s23 =	simm.s32 $0x1B8B  }
0xa2: {  	_ =	swait.ge [sflag:s23], $0x1  }
0xa3: {  	[sflag:s23] =	ssyncset.done $0x0  }
0xa4: {  	[sflag:s23] =	ssyncadd.s32 $0xFFFFFFFF  }
0xa5: {  	s5 =	sld [smem:$0x0]  }
0xa6: {  	s6 =	sand.u32 $0xFFFFFFFE, s1  }
0xa7: {  	p0 =	sne.s32 s1, s6  }
0xa8: {  	s6 =	sshll.u32 @p0 s6, $0xE  }
0xa9: {  	s6 =	sadd.s32 @p0 $0x11B8D, s6;
	s7 =	sshll.u32 @p0 s5, $0x11  }
0xaa: {  	s6 =	sor.u32 @p0 s7, s6  }
0xab: {  	[sflag:s6] =	ssyncadd.remote.s32 @p0 $0x1;
	_ =	sdelay $0x1  }
0xac: {  	s6 =	simm.s32 @p0 $0x1B8D  }
0xad: {  	_ =	swait.eq @p0 [sflag:s6], $0x1  }
0xae: {  	[sflag:s6] =	ssyncadd.s32 @p0 $0xFFFFFFFF  }
0xaf: {  	s7 =	sshll.u32 @!p0 s1, $0xE  }
0xb0: {  	s7 =	sor.u32 @!p0 $0x4000, s7;
	s6 =	simm.s32 @!p0 $0x1B8D  }
0xb1: {  	s5 =	sshll.u32 @!p0 s5, $0x11;
	s7 =	sadd.s32 @!p0 $0x11B8D, s7;
	_ =	swait.eq @!p0 [sflag:s6], $0x1  }
0xb2: {  	s5 =	sor.u32 @!p0 s5, s7;
	[sflag:s6] =	ssyncadd.s32 @!p0 $0xFFFFFFFF  }
0xb3: {  	s25 =	simm.s32 $0x1B8E;
	s24 =	sld [smem:$0x3FFE];
	[sflag:s5] =	ssyncadd.remote.s32 @!p0 $0x1  }
0xb4: {  	s26 =	simm.s32 $execute0_lowered;
	[smem:$0x3FD2] =	sst s25  }
0xb5: {  	s6 =	sshll.u32 s26, $0x1;
	_ =	strace $0x80000049;
	[dreg:$0x1] =	wrdreg $0xFFFFFFFF  }
0xb6: {  	s28 =	simm.s32 $_size_execute0_lowered;
	s4 =	sadd.s32 s4, s6;
	[dreg:$0x0] =	wrdreg $0x0  }
0xb7: {  	s6 =	sshll.u32 s28, $0x1;
	[dreg:$0x2] =	wrdreg s4  }
0xb8: {  	[dreg:$0x3] =	wrdreg s6  }
0xb9: {  	[dreg:$0x4] =	wrdreg $0xC0  }
0xba: {  	_ =	task [dreg:s22], $0x5FFFF  }
0xbb: {  	[dreg:$0x1] =	wrdreg $0xFFFFFFFF  }
0xbc: {  	[dreg:$0x0] =	wrdreg $0x60  }
0xbd: {  	[dreg:$0x2] =	wrdreg s18  }
0xbe: {  	[dreg:$0x3] =	wrdreg s24  }
0xbf: {  	[dreg:$0x4] =	wrdreg $0x1A0000  }
0xc0: {  	[dreg:$0x5] =	wrdreg $0xB  }
0xc1: {  	_ =	task.clear_ibuf [dreg:s22], $0x6FFFF;
	_ =	strace $0x90000049  }
0xc2: {  	s29 =	simm.s32 $0xB;
	_ =	strace $0x8000004B  }
0xc3: {  	_ =	swait.ge [sflag:s29], $0x1  }
0xc4: {  	[sflag:s29] =	ssyncadd.s32 $0xFFFFFFFF  }
0xc5: {  	_ =	strace $0x9000004B  }
0xc6: {  	_ =	sfence  }
0xc7: {  	s30 =	sld [smem:$0x0];
	_ =	sdelay $0x2  }
0xc8: {  	s31 =	sshll.u32 s1, $0xD;
	s1 =	sshrl.u32 s1, $0x2  }
0xc9: {  	s4 =	sand.u32 $0x4000, s31;
	s1 =	sadd.s32 s1, s30  }
0xca: {  	s0 =	sor.u32 s4, s0;
	s1 =	sshll.u32 s1, $0x11  }
0xcb: {  	s0 =	sor.u32 s1, s0  }
0xcc: {  	s0 =	sadd.s32 $0x8F2B, s0  }
0xcd: {  	[sflag:s0] =	ssyncadd.remote.s32 $0x1  }
0xce: {  	_ =	sfence.sel $0xFFFF  }
0xcf: {  	[dreg:$0x0] =	wrdreg $0xFFFFFFFF;
	(pc) =	sbr.abs _section_cstart, $3  }
0xd0: {  	[dreg:$0x1] =	wrdreg $0xFFFFFFFF  }
0xd1: {  	_ =	task.clear_ibuf [dreg:s22], $0x2FFFF;
	_ =	strace $0x9FFFFFFF  }
0xd2: {  	(tm) =	ssettm $0x7FFFFFFF  }
0xd3: {  	_ =	shalt  }
tec
execute0_lowered:
.L_overlay_start_1:
0x0: {  	(tag) =	ssettag $0x1  }
0x1: {  	s1 =	rddreg [dreg:$0x0]  }
0x2: {  	s2 =	rddreg [dreg:$0x1];
	s0 =	stileid.u32  }
0x3: {  	s4 =	srdreg.scid;
	s3 =	rddreg [dreg:$0x2]  }
0x4: {  	s12 =	simm.s32 $0x6;
	s14 =	simm.s32 $0xA000;
	s15 =	simm.s32 $0x80  }
0x5: {  	s16 =	simm.s32 $0xE000;
	s18 =	simm.s32 $0x12000;
	s19 =	simm.s32 $0x180  }
0x6: {  	s20 =	simm.s32 $0x16000;
	s21 =	simm.s32 $0x1;
	s22 =	simm.s32 $0x2  }
0x7: {  	s23 =	simm.s32 $0x3;
	s28 =	simm.s32 $0x9E80;
	s6 =	smul.u32 $0xC0, s0  }
0x8: {  	s29 =	simm.s32 $0x9F00;
	s30 =	simm.s32 $0x9F80;
	s8 =	smul.u32 $0xA00, s0  }
0x9: {  	s5 =	sand.u32 $0x1, s4;
	s4 =	simm.s32 $0x0;
	s9 =	smul.u32 $0x18000, s0  }
0xa: {  	s31 =	simm.s32 $0x0;
	s7 =	smul.u32 $0xC00, s5;
	[smem:$0x7FF] =	sst s4  }
0xb: {  	s24 =	ssub.s32 $0x2, s5;
	s10 =	smul.u32 $0xA00, s5;
	_ =	strace $0x8000004A  }
0xc: {  	s8 =	sadd.s32 s8, s2;
	s25 =	sshrl.u32 s24, $0x1;
	s26 =	sshrl.u32 s9, $0x2  }
0xd: {  	s6 =	sadd.s32 s6, s7;
	s11 =	ssub.s32 s24, s25;
	s5 =	sadd.s32 $0xB200, s8  }
0xe: {  	s7 =	sadd.s32 s26, s3;
	s13 =	sadd.s32 $0x1400, s10;
	s24 =	simm.s32 $0x4  }
0xf: {  	s25 =	simm.s32 $0x5;
	s26 =	simm.s32 $0x9E00;
	s6 =	sshll.u32 s6, $0x4  }
0x10: {  	s11 =	smax.u32 s11, $0x1;
	s2 =	sadd.s32 s6, s2;
	s6 =	sadd.s32 $0x1200, s8  }
0x11: {  	v1 =	vimm.f32 $0.0e+00;
	v0 =	vmov s13;
	s8 =	sadd.s32 $0x4000, s7;
	s9 =	sadd.s32 $0x46200, s2;
	s10 =	sadd.s32 $0x46A00, s2  }
.LBB2_1:
0x12: {  	[tilespmem:s4], [sflag:$0x6] =	stream.linear.gather [hbm4b:s5+s4], $0x5000, $0x38;
	v63 =	vld [tilespmem:$0x0]  }
0x13: {  	_ =	swait.ge [sflag:s12], $0x5000  }
0x14: {  	[sflag:s12] =	ssyncset.done $0x0  }
0x15: {  	s2 =	simm.s32 $0x5000;
	[sflag:s12] =	ssyncadd.s32 $0xFFFFB000  }
0x16: {  	[tilespmem:s2], [sflag:$0x6] =	stream.linear.gather [hbm4b:s6+s4], $0x5000, $0x38;
	v63 =	vld [tilespmem:$0x0]  }
0x17: {  	_ =	swait.ge [sflag:s12], $0x5000  }
0x18: {  	[sflag:s12] =	ssyncset.done $0x0  }
0x19: {  	s2 =	simm.s32 $0x0;
	[sflag:s12] =	ssyncadd.s32 $0xFFFFB000  }
0x1a: {  	v2 =	vld [tilespmem:s2+$0x5000]  }
0x1b: {  	v3 =	vld [tilespmem:s2+$0x5010];
	_ =	sdelay $0x2  }
0x1c: {  	v4 =	vld [tilespmem:s2+$0x5020]  }
0x1d: {  	v9 =	vld [tilespmem:s2+$0x5030]  }
0x1e: {  	v5 =	vsub.s32 v2, v0;
	v2 =	vand.u32 $0x1FF, v2;
	v7 =	vsub.s32 v3, v0  }
0x1f: {  	v6 =	vld [tilespmem:s2+$0x5040];
	v3 =	vand.u32 $0x1FF, v3;
	vm0 =	vlt.u32 v5, $0xA00;
	v2 =	vor.u32 $0xA00, v2  }
0x20: {  	v5 =	vsel vm0, v5, v2;
	vm0 =	vlt.u32 v7, $0xA00;
	v2 =	vor.u32 $0xA00, v3  }
0x21: {  	v3 =	vsel vm0, v7, v2;
	v7 =	vsub.s32 v4, v0;
	v2 =	vand.u32 $0x1FF, v4;
	v4 =	vld [tilespmem:s2+$0x5050]  }
0x22: {  	v8 =	vsub.s32 v9, v0;
	vm0 =	vlt.u32 v7, $0xA00;
	v10 =	vor.u32 $0xA00, v2;
	v2 =	vld [tilespmem:s2+$0x5060]  }
0x23: {  	s13 =	simm.s32 $0x200;
	v9 =	vand.u32 $0x1FF, v9;
	v7 =	vsel vm0, v7, v10;
	vm0 =	vlt.u32 v8, $0xA00  }
.LBB2_2:
0x24: {  	p0 =	sne.s32 s13, $0x13E00;
	v9 =	vor.u32 $0xA00, v9;
	v10 =	vsub.s32 v6, v0;
	v6 =	vand.u32 $0x1FF, v6;
	v11 =	vld [tilespmem:s2+$0x5070]  }
0x25: {  	s17 =	sshra.s32 s13, $0x2;
	[tilespmem:s2+$0x5000] =	vst v5;
	v5 =	vsel vm0, v8, v9;
	vm0 =	vlt.u32 v10, $0xA00;
	v6 =	vor.u32 $0xA00, v6  }
0x26: {  	v8 =	vld [tilespmem:s17+$0x5000];
	[tilespmem:s2+$0x5010] =	vst v3;
	v3 =	vsel vm0, v10, v6;
	v6 =	vsub.s32 v4, v0;
	v4 =	vand.u32 $0x1FF, v4  }
0x27: {  	[tilespmem:s2+$0x5020] =	vst v7;
	vm0 =	vlt.u32 v6, $0xA00;
	v4 =	vor.u32 $0xA00, v4;
	v7 =	vsub.s32 v2, v0  }
0x28: {  	v2 =	vand.u32 $0x1FF, v2;
	v9 =	vld [tilespmem:s17+$0x5010];
	[tilespmem:s2+$0x5030] =	vst v5;
	v4 =	vsel vm0, v6, v4;
	vm0 =	vlt.u32 v7, $0xA00  }
0x29: {  	v2 =	vor.u32 $0xA00, v2;
	[tilespmem:s2+$0x5040] =	vst v3;
	v3 =	vsub.s32 v11, v0;
	v5 =	vand.u32 $0x1FF, v11  }
0x2a: {  	v2 =	vsel vm0, v7, v2;
	v10 =	vld [tilespmem:s17+$0x5020];
	[tilespmem:s2+$0x5050] =	vst v4;
	vm0 =	vlt.u32 v3, $0xA00;
	v4 =	vor.u32 $0xA00, v5  }
0x2b: {  	v5 =	vsub.s32 v8, v0;
	v11 =	vld [tilespmem:s17+$0x5030];
	[tilespmem:s2+$0x5060] =	vst v2;
	v2 =	vsel vm0, v3, v4  }
0x2c: {  	v3 =	vand.u32 $0x1FF, v8;
	vm0 =	vlt.u32 v5, $0xA00;
	[tilespmem:s2+$0x5070] =	vst v2;
	s2 =	smov.u32 s17  }
.Ltmp0:
0x2d: {  	v2 =	vor.u32 $0xA00, v3;
	v3 =	vsub.s32 v9, v0;
	v4 =	vand.u32 $0x1FF, v9;
	v6 =	vld [tilespmem:s2+$0x5040];
	(pc) =	sbr.rel @p0 .LBB2_2-.Ltmp0, $4  }
0x2e: {  	v5 =	vsel vm0, v5, v2;
	vm0 =	vlt.u32 v3, $0xA00;
	v2 =	vor.u32 $0xA00, v4  }
0x2f: {  	v3 =	vsel vm0, v3, v2;
	v7 =	vsub.s32 v10, v0;
	v2 =	vand.u32 $0x1FF, v10;
	v4 =	vld [tilespmem:s2+$0x5050]  }
0x30: {  	vm0 =	vlt.u32 v7, $0xA00;
	v9 =	vor.u32 $0xA00, v2;
	v8 =	vsub.s32 v11, v0;
	v2 =	vld [tilespmem:s2+$0x5060]  }
0x31: {  	s13 =	sadd.s32 $0x200, s13;
	v7 =	vsel vm0, v7, v9;
	vm0 =	vlt.u32 v8, $0xA00;
	v9 =	vand.u32 $0x1FF, v11  }
0x32: {  	v9 =	vor.u32 $0xA00, v9;
	v10 =	vsub.s32 v6, v0;
	v56 =	vand.u32 $0x1FF, v6;
	v11 =	vld [tilespmem:s2+$0x5070]  }
0x33: {  	[tilespmem:s2+$0x5000] =	vst v5;
	v57 =	vsel vm0, v8, v9;
	vm12 =	vlt.u32 v10, $0xA00;
	v6 =	vor.u32 $0xA00, v56  }
0x34: {  	[tilespmem:s2+$0x5010] =	vst v3;
	v3 =	vsel vm12, v10, v6;
	v58 =	vsub.s32 v4, v0;
	v59 =	vand.u32 $0x1FF, v4  }
0x35: {  	[tilespmem:s2+$0x5020] =	vst v7;
	vm13 =	vlt.u32 v58, $0xA00;
	v4 =	vor.u32 $0xA00, v59;
	v60 =	vsub.s32 v2, v0  }
0x36: {  	[tilespmem:s2+$0x5030] =	vst v57;
	v2 =	vand.u32 $0x1FF, v2;
	v4 =	vsel vm13, v58, v4;
	vm14 =	vlt.u32 v60, $0xA00  }
0x37: {  	[tilespmem:s2+$0x5040] =	vst v3;
	v2 =	vor.u32 $0xA00, v2;
	v3 =	vsub.s32 v11, v0;
	v61 =	vand.u32 $0x1FF, v11  }
0x38: {  	[tilespmem:s2+$0x5050] =	vst v4;
	v2 =	vsel vm14, v60, v2;
	vm15 =	vlt.u32 v3, $0xA00;
	v62 =	vor.u32 $0xA00, v61  }
0x39: {  	[tilespmem:s2+$0x5060] =	vst v2;
	v2 =	vsel vm15, v3, v62  }
0x3a: {  	s13 =	simm.s32 $0x200;
	[tilespmem:s2+$0x5070] =	vst v2;
	s2 =	simm.s32 $0x0  }
.LBB2_4:
0x3b: {  	p0 =	sne.s32 s13, $0xFE00;
	[tilespmem:s2+$0xA070] =	vst v1  }
0x3c: {  	[tilespmem:s2+$0xA000] =	vst v1  }
0x3d: {  	[tilespmem:s2+$0xA010] =	vst v1  }
.Ltmp1:
0x3e: {  	[tilespmem:s2+$0xA020] =	vst v1;
	(pc) =	sbr.rel @p0 .LBB2_4-.Ltmp1, $4  }
0x3f: {  	[tilespmem:s2+$0xA030] =	vst v1  }
0x40: {  	[tilespmem:s2+$0xA040] =	vst v1  }
0x41: {  	[tilespmem:s2+$0xA050] =	vst v1  }
0x42: {  	[tilespmem:s2+$0xA060] =	vst v1;
	s2 =	sshra.s32 s13, $0x2;
	s13 =	sadd.s32 $0x200, s13  }
0x43: {  	[tilespmem:s2+$0xA070] =	vst v1  }
0x44: {  	[tilespmem:s2+$0xA000] =	vst v1  }
0x45: {  	[tilespmem:s2+$0xA010] =	vst v1  }
0x46: {  	[tilespmem:s2+$0xA020] =	vst v1  }
0x47: {  	[tilespmem:s2+$0xA030] =	vst v1  }
0x48: {  	[tilespmem:s2+$0xA040] =	vst v1  }
0x49: {  	[tilespmem:s2+$0xA050] =	vst v1  }
0x4a: {  	[tilespmem:s2+$0xA060] =	vst v1  }
0x4b: {  	[spmem:s7] =	stream.linear.scatter [tilespmem:s14], [sflag:$0x6], $0x4000, $0x38;
	v63 =	vld [tilespmem:$0x0]  }
0x4c: {  	_ =	swait.ge [sflag:s12], $0x4000  }
0x4d: {  	[sflag:s12] =	ssyncset.done $0x0  }
0x4e: {  	[sflag:s12] =	ssyncadd.s32 $0xFFFFC000  }
0x4f: {  	[spmem:s8] =	stream.linear.scatter [tilespmem:s14], [sflag:$0x6], $0x2000, $0x38;
	v63 =	vld [tilespmem:$0x0]  }
0x50: {  	_ =	swait.ge [sflag:s12], $0x2000  }
0x51: {  	[sflag:s12] =	ssyncset.done $0x0  }
0x52: {  	[sflag:s12] =	ssyncadd.s32 $0xFFFFE000  }
0x53: {  	s17 =	simm.s32 $0x0;
	[bflag:$0x0] =	sbarrier.arrive $0xFFFF  }
0x54: {  	[tilespmem:s14], [sflag:$0x1] =	stream.indirect.gather [hbm4b:s1+s15], $0x80, s17, s15, $0xb8;
	v63 =	vld [tilespmem:$0x0]  }
0x55: {  	_ = 	snop  }
0x56: {  	[tilespmem:s16], [sflag:$0x2] =	stream.indirect.gather [hbm4b:s1+s15], $0x80, s15, s15, $0xb8;
	v63 =	vld [tilespmem:$0x0]  }
0x57: {  	s13 =	simm.s32 $0x100  }
0x58: {  	[tilespmem:s18], [sflag:$0x3] =	stream.indirect.gather [hbm4b:s1+s15], $0x80, s13, s15, $0xb8;
	v63 =	vld [tilespmem:$0x0]  }
0x59: {  	_ = 	snop  }
0x5a: {  	[tilespmem:s20], [sflag:$0x4] =	stream.indirect.gather [hbm4b:s1+s15], $0x80, s19, s15, $0xb8;
	v63 =	vld [tilespmem:$0x0]  }
0x5b: {  	_ =	swait.ge [sflag:s21], $0x4000  }
0x5c: {  	[sflag:s21] =	ssyncset.done $0x0  }
0x5d: {  	s17 =	simm.s32 $0x5000;
	[sflag:s21] =	ssyncadd.s32 $0xFFFFC000  }
0x5e: {  	[spmem:s3] =	stream.indirect.scatter.add.f32 [tilespmem:s14], [sflag:$0x5], $0x80, s17, s15, $0xb8;
	v63 =	vld [tilespmem:$0x0]  }
0x5f: {  	_ =	swait.ge [sflag:s22], $0x4000  }
0x60: {  	[sflag:s22] =	ssyncset.done $0x0  }
0x61: {  	s13 =	simm.s32 $0x5080;
	[sflag:s22] =	ssyncadd.s32 $0xFFFFC000  }
0x62: {  	[spmem:s3] =	stream.indirect.scatter.add.f32 [tilespmem:s16], [sflag:$0x5], $0x80, s13, s15, $0xb8;
	v63 =	vld [tilespmem:$0x0]  }
0x63: {  	_ =	swait.ge [sflag:s23], $0x4000  }
0x64: {  	[sflag:s23] =	ssyncset.done $0x0  }
0x65: {  	s17 =	simm.s32 $0x5100;
	[sflag:s23] =	ssyncadd.s32 $0xFFFFC000  }
0x66: {  	[spmem:s3] =	stream.indirect.scatter.add.f32 [tilespmem:s18], [sflag:$0x5], $0x80, s17, s15, $0xb8;
	v63 =	vld [tilespmem:$0x0]  }
0x67: {  	_ =	swait.ge [sflag:s24], $0x4000  }
0x68: {  	[sflag:s24] =	ssyncset.done $0x0  }
0x69: {  	s13 =	simm.s32 $0x5180;
	[sflag:s24] =	ssyncadd.s32 $0xFFFFC000  }
0x6a: {  	[spmem:s3] =	stream.indirect.scatter.add.f32 [tilespmem:s20], [sflag:$0x5], $0x80, s13, s15, $0xb8;
	v63 =	vld [tilespmem:$0x0]  }
0x6b: {  	_ =	swait.ge [sflag:s25], $0x4000  }
0x6c: {  	[sflag:s25] =	ssyncset.done $0x0  }
0x6d: {  	s17 =	simm.s32 $0x200;
	[sflag:s25] =	ssyncadd.s32 $0xFFFFC000  }
0x6e: {  	[tilespmem:s14], [sflag:$0x1] =	stream.indirect.gather [hbm4b:s1+s15], $0x80, s17, s15, $0xb8;
	v63 =	vld [tilespmem:$0x0]  }
0x6f: {  	_ =	swait.ge [sflag:s25], $0x4000  }
0x70: {  	[sflag:s25] =	ssyncset.done $0x0  }
0x71: {  	s13 =	simm.s32 $0x280;
	[sflag:s25] =	ssyncadd.s32 $0xFFFFC000  }
0x72: {  	[tilespmem:s16], [sflag:$0x2] =	stream.indirect.gather [hbm4b:s1+s15], $0x80, s13, s15, $0xb8;
	v63 =	vld [tilespmem:$0x0]  }
0x73: {  	_ =	swait.ge [sflag:s25], $0x4000  }
0x74: {  	[sflag:s25] =	ssyncset.done $0x0  }
0x75: {  	s17 =	simm.s32 $0x300;
	[sflag:s25] =	ssyncadd.s32 $0xFFFFC000  }
0x76: {  	[tilespmem:s18], [sflag:$0x3] =	stream.indirect.gather [hbm4b:s1+s15], $0x80, s17, s15, $0xb8;
	v63 =	vld [tilespmem:$0x0]  }
0x77: {  	_ =	swait.ge [sflag:s25], $0x4000  }
0x78: {  	[sflag:s25] =	ssyncset.done $0x0  }
0x79: {  	s2 =	simm.s32 $0x800;
	s13 =	simm.s32 $0x380;
	[sflag:s25] =	ssyncadd.s32 $0xFFFFC000  }
.LBB2_6:
0x7a: {  	[tilespmem:s20], [sflag:$0x4] =	stream.indirect.gather [hbm4b:s1+s15], $0x80, s13, s15, $0xb8;
	v63 =	vld [tilespmem:$0x0]  }
0x7b: {  	s13 =	smov.u32 s2  }
0x7c: {  	p0 =	sne.s32 s2, $0x13000;
	s2 =	sadd.s32 $0x800, s2;
	_ =	swait.ge [sflag:s21], $0x4000  }
0x7d: {  	s13 =	sshra.s32 s13, $0x2;
	[sflag:s21] =	ssyncset.done $0x0  }
0x7e: {  	s17 =	sadd.s32 $0x5000, s13;
	[sflag:s21] =	ssyncadd.s32 $0xFFFFC000  }
0x7f: {  	[spmem:s3] =	stream.indirect.scatter.add.f32 [tilespmem:s14], [sflag:$0x5], $0x80, s17, s15, $0xb8;
	v63 =	vld [tilespmem:$0x0]  }
0x80: {  	_ =	swait.ge [sflag:s22], $0x4000  }
0x81: {  	[sflag:s22] =	ssyncset.done $0x0  }
0x82: {  	s17 =	sadd.s32 $0x5080, s13;
	[sflag:s22] =	ssyncadd.s32 $0xFFFFC000  }
0x83: {  	[spmem:s3] =	stream.indirect.scatter.add.f32 [tilespmem:s16], [sflag:$0x5], $0x80, s17, s15, $0xb8;
	v63 =	vld [tilespmem:$0x0]  }
0x84: {  	_ =	swait.ge [sflag:s23], $0x4000  }
0x85: {  	[sflag:s23] =	ssyncset.done $0x0  }
0x86: {  	s17 =	sadd.s32 $0x5100, s13;
	[sflag:s23] =	ssyncadd.s32 $0xFFFFC000  }
0x87: {  	[spmem:s3] =	stream.indirect.scatter.add.f32 [tilespmem:s18], [sflag:$0x5], $0x80, s17, s15, $0xb8;
	v63 =	vld [tilespmem:$0x0]  }
0x88: {  	_ =	swait.ge [sflag:s24], $0x4000  }
0x89: {  	[sflag:s24] =	ssyncset.done $0x0  }
0x8a: {  	s17 =	sadd.s32 $0x5180, s13;
	[sflag:s24] =	ssyncadd.s32 $0xFFFFC000  }
0x8b: {  	[spmem:s3] =	stream.indirect.scatter.add.f32 [tilespmem:s20], [sflag:$0x5], $0x80, s17, s15, $0xb8;
	v63 =	vld [tilespmem:$0x0]  }
0x8c: {  	_ =	swait.ge [sflag:s25], $0x4000  }
0x8d: {  	[sflag:s25] =	ssyncset.done $0x0  }
0x8e: {  	s17 =	sadd.s32 $0x200, s13;
	[sflag:s25] =	ssyncadd.s32 $0xFFFFC000  }
0x8f: {  	[tilespmem:s14], [sflag:$0x1] =	stream.indirect.gather [hbm4b:s1+s15], $0x80, s17, s15, $0xb8;
	v63 =	vld [tilespmem:$0x0]  }
0x90: {  	_ =	swait.ge [sflag:s25], $0x4000  }
0x91: {  	[sflag:s25] =	ssyncset.done $0x0  }
0x92: {  	s17 =	sadd.s32 $0x280, s13;
	[sflag:s25] =	ssyncadd.s32 $0xFFFFC000  }
0x93: {  	[tilespmem:s16], [sflag:$0x2] =	stream.indirect.gather [hbm4b:s1+s15], $0x80, s17, s15, $0xb8;
	v63 =	vld [tilespmem:$0x0]  }
0x94: {  	_ =	swait.ge [sflag:s25], $0x4000  }
0x95: {  	[sflag:s25] =	ssyncset.done $0x0  }
.Ltmp2:
0x96: {  	s17 =	sadd.s32 $0x300, s13;
	[sflag:s25] =	ssyncadd.s32 $0xFFFFC000;
	(pc) =	sbr.rel @p0 .LBB2_6-.Ltmp2, $4  }
0x97: {  	[tilespmem:s18], [sflag:$0x3] =	stream.indirect.gather [hbm4b:s1+s15], $0x80, s17, s15, $0xb8;
	v63 =	vld [tilespmem:$0x0]  }
0x98: {  	_ =	swait.ge [sflag:s25], $0x4000  }
0x99: {  	[sflag:s25] =	ssyncset.done $0x0  }
0x9a: {  	s13 =	sadd.s32 $0x380, s13;
	[sflag:s25] =	ssyncadd.s32 $0xFFFFC000  }
0x9b: {  	[tilespmem:s20], [sflag:$0x4] =	stream.indirect.gather [hbm4b:s1+s15], $0x80, s13, s15, $0xb8;
	v63 =	vld [tilespmem:$0x0]  }
0x9c: {  	_ =	swait.ge [sflag:s21], $0x4000  }
0x9d: {  	[sflag:s21] =	ssyncset.done $0x0  }
0x9e: {  	[sflag:s21] =	ssyncadd.s32 $0xFFFFC000  }
0x9f: {  	[spmem:s3] =	stream.indirect.scatter.add.f32 [tilespmem:s14], [sflag:$0x5], $0x80, s26, s15, $0xb8;
	v63 =	vld [tilespmem:$0x0]  }
0xa0: {  	_ =	swait.ge [sflag:s22], $0x4000  }
0xa1: {  	[sflag:s22] =	ssyncset.done $0x0  }
0xa2: {  	[sflag:s22] =	ssyncadd.s32 $0xFFFFC000  }
0xa3: {  	[spmem:s3] =	stream.indirect.scatter.add.f32 [tilespmem:s16], [sflag:$0x5], $0x80, s28, s15, $0xb8;
	v63 =	vld [tilespmem:$0x0]  }
0xa4: {  	_ =	swait.ge [sflag:s23], $0x4000  }
0xa5: {  	[sflag:s23] =	ssyncset.done $0x0  }
0xa6: {  	[sflag:s23] =	ssyncadd.s32 $0xFFFFC000  }
0xa7: {  	[spmem:s3] =	stream.indirect.scatter.add.f32 [tilespmem:s18], [sflag:$0x5], $0x80, s29, s15, $0xb8;
	v63 =	vld [tilespmem:$0x0]  }
0xa8: {  	_ =	swait.ge [sflag:s24], $0x4000  }
0xa9: {  	[sflag:s24] =	ssyncset.done $0x0  }
0xaa: {  	[sflag:s24] =	ssyncadd.s32 $0xFFFFC000  }
0xab: {  	[spmem:s3] =	stream.indirect.scatter.add.f32 [tilespmem:s20], [sflag:$0x5], $0x80, s30, s15, $0xb8;
	v63 =	vld [tilespmem:$0x0]  }
0xac: {  	_ =	swait.ge [sflag:s25], $0x4000  }
0xad: {  	[sflag:s25] =	ssyncset.done $0x0  }
0xae: {  	[sflag:s25] =	ssyncadd.s32 $0xFFFFC000  }
0xaf: {  	_ =	swait.ge [sflag:s25], $0x4000  }
0xb0: {  	[sflag:s25] =	ssyncset.done $0x0  }
0xb1: {  	[sflag:s25] =	ssyncadd.s32 $0xFFFFC000  }
0xb2: {  	_ =	swait.ge [sflag:s25], $0x4000  }
0xb3: {  	[sflag:s25] =	ssyncset.done $0x0  }
0xb4: {  	[sflag:s25] =	ssyncadd.s32 $0xFFFFC000  }
0xb5: {  	_ =	swait.ge [sflag:s25], $0x4000  }
0xb6: {  	[sflag:s25] =	ssyncset.done $0x0  }
0xb7: {  	s2 =	sshll.u32 s0, $0x6;
	[sflag:s25] =	ssyncadd.s32 $0xFFFFC000  }
0xb8: {  	s17 =	sshrl.u32 s7, $0x3;
	s2 =	sor.u32 $0x1C06, s2;
	[bflag:$0x0] =	sbarrier.arrive $0xFFFF  }
0xb9: {  	[hbm:s9], [sflag:s2] =	dma.local [spmem:s17], $0x800  }
0xba: {  	s31 =	sadd.s32 $0x1, s31;
	_ =	swait.ge [sflag:s12], $0x800  }
0xbb: {  	p0 =	sne.s32 s31, s11;
	[sflag:s12] =	ssyncset.done $0x0  }
.Ltmp3:
0xbc: {  	s17 =	sshrl.u32 s8, $0x3;
	[sflag:s12] =	ssyncadd.s32 $0xFFFFF800;
	(pc) =	sbr.rel @p0 .LBB2_1-.Ltmp3, $4  }
0xbd: {  	[hbm:s10], [sflag:s2] =	dma.local [spmem:s17], $0x400  }
0xbe: {  	_ =	swait.ge [sflag:s12], $0x400  }
0xbf: {  	[sflag:s12] =	ssyncset.done $0x0  }
0xc0: {  	[sflag:s12] =	ssyncadd.s32 $0xFFFFFC00  }
0xc1: {  	_ =	sfence.sel $0x180000  }
0xc2: {  	[bflag:$0x0] =	sbarrier.arrive $0xFFFF  }
0xc3: {  	_ =	strace $0x9000004A  }
0xc4: {  	[bflag:$0x2] =	sbarrier.arrive $0xFFFF  }
0xc5: {  	p0 =	sne.s32 s0, $0x0;
	s0 =	rddreg [dreg:$0x3]  }
0xc6: {  	s0 =	sadd.s32 @!p0 $0x100000, s0  }
0xc7: {  	[sflag:s0] =	ssyncadd.tile.s32 @!p0 $0x1;
	_ =	shalt  }
.Lfunc_end2:
_tile_overlayer_lowered:
.L_overlay_start_2:
0xc8: {  	(tag) =	ssettag $0x2  }
0xc9: {  	s0 =	rddreg [dreg:$0x0];
	s2 =	stileid.u32  }
0xca: {  	s1 =	rddreg [dreg:$0x1];
	p0 =	sne.s32 s2, $0x0  }
0xcb: {  	s3 =	rddreg [dreg:$0x2];
	[bflag:$0x3] =	sbarrier.arrive $0xFFFF;
	s2 =	simm.s32 @!p0 $0x1C06  }
0xcc: {  	[timem:s3], [sflag:s2] =	dma.local @!p0 [hbm:s0], s1  }
0xcd: {  	s0 =	simm.s32 @!p0 $0x6  }
0xce: {  	_ =	swait.ge @!p0 [sflag:s0], s1  }
0xcf: {  	s1 =	ssub.s32 @!p0 $0x0, s1;
	[sflag:s0] =	ssyncset.done @!p0 $0x0  }
0xd0: {  	[sflag:s0] =	ssyncadd.s32 @!p0 s1  }
0xd1: {  	[bflag:$0x3] =	sbarrier.arrive $0xFFFF  }
0xd2: {  	_ =	shalt  }

// kernel: kernel.19.cloned.1.call-start
scs
__scs_entry_jumppad:
0x0: {  	(pc) =	sbr.rel $0x88, $3  }
0x1: {  	(tag) =	ssettag $0x0;
	lr =	simm.s32 $0x1  }
0x2: {  	[smem:$0x3F99] =	sst lr;
	_ =	strace $0xD0000000  }
0x3: {  	_ = 	snop  }
0x4: {  	_ = 	snop  }
0x5: {  	_ = 	snop  }
0x6: {  	_ = 	snop  }
0x7: {  	_ = 	snop  }
__scs_overlays_trampoline_lowered:
0x8: {  	[smem:$0x3FA8] =	sst s0  }
0x9: {  	[smem:$0x3FA9] =	sst s1  }
0xa: {  	[smem:$0x3FAA] =	sst s2  }
0xb: {  	[smem:$0x3FAB] =	sst s3  }
0xc: {  	[smem:$0x3FAC] =	sst s4  }
0xd: {  	[smem:$0x3FAD] =	sst s5  }
0xe: {  	[smem:$0x3FAE] =	sst s6  }
0xf: {  	[smem:$0x3FAF] =	sst s7  }
0x10: {  	[smem:$0x3FB0] =	sst s8  }
0x11: {  	[smem:$0x3FB1] =	sst s9;
	s0 =	simm.s32 @!p0 $0x0  }
0x12: {  	s1 =	sld [smem:$0x3F97];
	s0 =	simm.s32 @p0 $0x1  }
0x13: {  	[smem:$0x3FB2] =	sst s0;
	s0 =	simm.s32 @!p1 $0x0  }
0x14: {  	s2 =	sld [smem:$0x3F96];
	s0 =	simm.s32 @p1 $0x1  }
0x15: {  	[smem:$0x3FB3] =	sst s0;
	s0 =	simm.s32 @!p2 $0x0  }
0x16: {  	s3 =	sld [smem:$0x3FDB];
	s0 =	simm.s32 @p2 $0x1  }
0x17: {  	s4 =	simm.s32 $0x1BF5;
	[smem:$0x3FB5] =	sst s0  }
0x18: {  	s0 =	sld [smem:$0x3F98];
	_ =	swait.ge [sflag:s4], $0x0  }
0x19: {  	s7 =	sld [smem:$0x3F99]  }
0x1a: {  	s8 =	sadd.s32 $0xFFFFE003, lr  }
0x1b: {  	s9 =	sadd.s32 $0xFFFFFEF7, lr;
	s5 =	simm.s32 $0xFFFFFFFF;
	p2 =	slt.u32 s8, $0xFFFFF086  }
0x1c: {  	p1 =	slt.u32 s9, $0xF7A;
	s5 =	simm.s32 @!p2 $0x0  }
0x1d: {  	s5 =	simm.s32 @p1 $0x1;
	p0 =	seq.s32 s7, s2  }
0x1e: {  	s7 =	smul.u32 @!p0 $0xF7A, s2;
	p2 =	seq.s32 @!p0 s5, $0x0  }
0x1f: {  	s9 =	smul.u32 $0xF7A, s1;
	s8 =	simm.s32 @!p0 $0x1BF5;
	p2 =	por !p2, p0  }
0x20: {  	[sflag:s8] =	ssyncset.s32 @!p0 $0xFFFFF086;
	s6 =	sadd.s32 @!p0 s3, s7;
	s7 =	simm.s32 @!p0 $0x108  }
0x21: {  	s3 =	sadd.s32 s3, s9;
	s6 =	sadd.s32 @!p0 $0x88, s6;
	s7 =	simm.s32 @p2 $0x1082  }
0x22: {  	[simem:s7], [sflag:s8] =	dma.local @!p0 [hbm:s6], $0xF7A  }
0x23: {  	s9 =	sor.u32 $0xD0000000, s2;
	s6 =	simm.s32 $0x108;
	_ =	swait.ge @!p0 [sflag:s8], $0x0  }
0x24: {  	s3 =	sadd.s32 $0x88, s3;
	s6 =	simm.s32 @!p1 $0x1082;
	[sflag:s4] =	ssyncset.s32 $0xFFFFF086  }
0x25: {  	[simem:s6], [sflag:s4] =	dma.local [hbm:s3], $0xF7A  }
0x26: {  	[smem:$0x3F99] =	sst s1;
	(tag) =	ssettag s2;
	_ =	strace s9  }
0x27: {  	s1 =	sld [smem:$0x3FA9]  }
0x28: {  	s2 =	sld [smem:$0x3FAA]  }
0x29: {  	s4 =	sld [smem:$0x3FAC]  }
0x2a: {  	p0 =	seq.s32 s5, $0x0;
	s5 =	sld [smem:$0x3FAD]  }
0x2b: {  	s6 =	sld [smem:$0x3FAE]  }
0x2c: {  	s7 =	sld [smem:$0x3FAF]  }
0x2d: {  	s3 =	simm.s32 $0x108;
	s8 =	sld [smem:$0x3FB0]  }
0x2e: {  	s3 =	simm.s32 @!p0 $0x1082;
	s9 =	sld [smem:$0x3FB1]  }
0x2f: {  	lr =	sadd.s32 s0, s3;
	s0 =	sld [smem:$0x3FA8]  }
0x30: {  	s3 =	sld [smem:$0x3FAB]  }
0x31: {  	[smem:$0x3FB4] =	sst s10  }
0x32: {  	s10 =	sld [smem:$0x3FB2];
	_ =	sdelay $0x3  }
0x33: {  	p0 =	seq.s32 s10, $0x1;
	s10 =	sld [smem:$0x3FB4];
	_ =	sdelay $0x3  }
0x34: {  	[smem:$0x3FB4] =	sst s10  }
0x35: {  	s10 =	sld [smem:$0x3FB3];
	_ =	sdelay $0x3  }
0x36: {  	p1 =	seq.s32 s10, $0x1;
	s10 =	sld [smem:$0x3FB4];
	_ =	sdelay $0x3  }
0x37: {  	[smem:$0x3FB4] =	sst s10  }
0x38: {  	s10 =	sld [smem:$0x3FB5]  }
0x39: {  	_ = 	snop;
	(pc) =	sbr.ind lr, $3  }
0x3a: {  	_ = 	snop  }
0x3b: {  	_ = 	snop  }
0x3c: {  	p2 =	seq.s32 s10, $0x1;
	s10 =	sld [smem:$0x3FB4]  }
0x3d: {  	_ =	shalt  }
0x3e: {  	_ =	shalt  }
0x3f: {  	_ =	shalt  }
0x40: {  	_ =	shalt  }
0x41: {  	_ =	shalt  }
0x42: {  	_ =	shalt  }
0x43: {  	_ =	shalt  }
0x44: {  	_ =	shalt  }
0x45: {  	_ =	shalt  }
0x46: {  	_ =	shalt  }
0x47: {  	_ =	shalt  }
0x48: {  	_ =	shalt  }
0x49: {  	_ =	shalt  }
0x4a: {  	_ =	shalt  }
0x4b: {  	_ =	shalt  }
0x4c: {  	_ =	shalt  }
0x4d: {  	_ =	shalt  }
0x4e: {  	_ =	shalt  }
0x4f: {  	_ =	shalt  }
0x50: {  	_ =	shalt  }
0x51: {  	_ =	shalt  }
0x52: {  	_ =	shalt  }
0x53: {  	_ =	shalt  }
0x54: {  	_ =	shalt  }
0x55: {  	_ =	shalt  }
0x56: {  	_ =	shalt  }
0x57: {  	_ =	shalt  }
0x58: {  	_ =	shalt  }
0x59: {  	_ =	shalt  }
0x5a: {  	_ =	shalt  }
0x5b: {  	_ =	shalt  }
0x5c: {  	_ =	shalt  }
0x5d: {  	_ =	shalt  }
0x5e: {  	_ =	shalt  }
0x5f: {  	_ =	shalt  }
0x60: {  	_ =	shalt  }
0x61: {  	_ =	shalt  }
0x62: {  	_ =	shalt  }
0x63: {  	_ =	shalt  }
0x64: {  	_ =	shalt  }
0x65: {  	_ =	shalt  }
0x66: {  	_ =	shalt  }
0x67: {  	_ =	shalt  }
0x68: {  	_ =	shalt  }
0x69: {  	_ =	shalt  }
0x6a: {  	_ =	shalt  }
0x6b: {  	_ =	shalt  }
0x6c: {  	_ =	shalt  }
0x6d: {  	_ =	shalt  }
0x6e: {  	_ =	shalt  }
0x6f: {  	_ =	shalt  }
0x70: {  	_ =	shalt  }
0x71: {  	_ =	shalt  }
0x72: {  	_ =	shalt  }
0x73: {  	_ =	shalt  }
0x74: {  	_ =	shalt  }
0x75: {  	_ =	shalt  }
0x76: {  	_ =	shalt  }
0x77: {  	_ =	shalt  }
0x78: {  	_ =	shalt  }
0x79: {  	_ =	shalt  }
0x7a: {  	_ =	shalt  }
0x7b: {  	_ =	shalt  }
0x7c: {  	_ =	shalt  }
0x7d: {  	_ =	shalt  }
0x7e: {  	_ =	shalt  }
0x7f: {  	_ =	shalt  }
0x80: {  	_ =	shalt  }
0x81: {  	_ =	shalt  }
0x82: {  	_ =	shalt  }
0x83: {  	_ =	shalt  }
0x84: {  	_ =	shalt  }
0x85: {  	_ =	shalt  }
0x86: {  	_ =	shalt  }
0x87: {  	_ =	shalt  }
.Lfunc_end0:
.L_simem_size_0:
called_computation.3_lowered:
.L_overlay_start_0:
0x88: {  	s2 =	sld [smem:$0x3FD9]  }
0x89: {  	s3 =	sld [smem:$0x3FFE];
	_ =	sdelay $0x1  }
0x8a: {  	s1 =	srdreg.scid  }
0x8b: {  	s0 =	sand.u32 $0x1, s1  }
0x8c: {  	s17 =	sshll.u32 s0, $0xA;
	s2 =	sadd.s32 s3, s2  }
0x8d: {  	s2 =	sadd.s32 s2, s17  }
0x8e: {  	[smem:$0x3FC0] =	sst s2  }
0x8f: {  	_ = 	snop  }
0x90: {  	s18 =	sld [smem:$0x3FD0];
	(tm) =	ssettm $0x1  }
0x91: {  	s19 =	sld [smem:$0x3FFB];
	_ =	sdelay $0x3  }
0x92: {  	_ =	strace s19  }
0x93: {  	s2 =	sld [smem:$0x3FFC];
	_ =	sdelay $0x3  }
0x94: {  	_ =	strace s2  }
0x95: {  	s2 =	sld [smem:$0x3FFD];
	_ =	sdelay $0x3  }
0x96: {  	_ =	strace s2  }
0x97: {  	_ =	strace $0x8FFFFFFF  }
0x98: {  	s20 =	sld [smem:$0x3FDB];
	_ =	sdelay $0x1  }
0x99: {  	s4 =	simm.s32 $_scs_section_size  }
0x9a: {  	s5 =	simm.s32 $_size__tile_overlayer_lowered;
	s6 =	simm.s32 $_tile_overlayer_lowered  }
0x9b: {  	s7 =	simm.s32 $0x1BFF;
	s21 =	sshll.u32 s6, $0x1;
	s4 =	sadd.s32 s4, s20  }
0x9c: {  	s22 =	simm.s32 $0x0;
	s5 =	sshll.u32 s5, $0x1;
	s6 =	sadd.s32 s21, s4  }
0x9d: {  	[timem:s22], [sflag:s7] =	dma.local [hbm:s6], s5  }
0x9e: {  	_ =	swait.ge [sflag:s7], s5  }
0x9f: {  	s5 =	ssub.s32 $0x0, s5;
	[sflag:s7] =	ssyncset.done $0x0  }
0xa0: {  	[sflag:s7] =	ssyncadd.s32 s5;
	_ =	sdelay $0x1  }
0xa1: {  	s23 =	simm.s32 $0x1B8B  }
0xa2: {  	_ =	swait.ge [sflag:s23], $0x1  }
0xa3: {  	[sflag:s23] =	ssyncset.done $0x0  }
0xa4: {  	[sflag:s23] =	ssyncadd.s32 $0xFFFFFFFF  }
0xa5: {  	s5 =	sld [smem:$0x0]  }
0xa6: {  	s6 =	sand.u32 $0xFFFFFFFE, s1  }
0xa7: {  	p0 =	sne.s32 s1, s6  }
0xa8: {  	s6 =	sshll.u32 @p0 s6, $0xE  }
0xa9: {  	s6 =	sadd.s32 @p0 $0x11B8D, s6;
	s7 =	sshll.u32 @p0 s5, $0x11  }
0xaa: {  	s6 =	sor.u32 @p0 s7, s6  }
0xab: {  	[sflag:s6] =	ssyncadd.remote.s32 @p0 $0x1;
	_ =	sdelay $0x1  }
0xac: {  	s6 =	simm.s32 @p0 $0x1B8D  }
0xad: {  	_ =	swait.eq @p0 [sflag:s6], $0x1  }
0xae: {  	[sflag:s6] =	ssyncadd.s32 @p0 $0xFFFFFFFF  }
0xaf: {  	s7 =	sshll.u32 @!p0 s1, $0xE  }
0xb0: {  	s7 =	sor.u32 @!p0 $0x4000, s7;
	s6 =	simm.s32 @!p0 $0x1B8D  }
0xb1: {  	s5 =	sshll.u32 @!p0 s5, $0x11;
	s7 =	sadd.s32 @!p0 $0x11B8D, s7;
	_ =	swait.eq @!p0 [sflag:s6], $0x1  }
0xb2: {  	s5 =	sor.u32 @!p0 s5, s7;
	[sflag:s6] =	ssyncadd.s32 @!p0 $0xFFFFFFFF  }
0xb3: {  	s25 =	simm.s32 $0x1B8E;
	s24 =	sld [smem:$0x3FFE];
	[sflag:s5] =	ssyncadd.remote.s32 @!p0 $0x1  }
0xb4: {  	s26 =	simm.s32 $execute0_lowered;
	[smem:$0x3FD2] =	sst s25  }
0xb5: {  	s6 =	sshll.u32 s26, $0x1;
	_ =	strace $0x80000052;
	[dreg:$0x1] =	wrdreg $0xFFFFFFFF  }
0xb6: {  	s28 =	simm.s32 $_size_execute0_lowered;
	s4 =	sadd.s32 s4, s6;
	[dreg:$0x0] =	wrdreg $0x0  }
0xb7: {  	s6 =	sshll.u32 s28, $0x1;
	[dreg:$0x2] =	wrdreg s4  }
0xb8: {  	[dreg:$0x3] =	wrdreg s6  }
0xb9: {  	[dreg:$0x4] =	wrdreg $0xC0  }
0xba: {  	_ =	task [dreg:s22], $0x5FFFF  }
0xbb: {  	[dreg:$0x1] =	wrdreg $0xFFFFFFFF  }
0xbc: {  	[dreg:$0x0] =	wrdreg $0x60  }
0xbd: {  	[dreg:$0x2] =	wrdreg s18  }
0xbe: {  	[dreg:$0x3] =	wrdreg s24  }
0xbf: {  	[dreg:$0x4] =	wrdreg $0x1A0000  }
0xc0: {  	[dreg:$0x5] =	wrdreg $0x9  }
0xc1: {  	_ =	task.clear_ibuf [dreg:s22], $0x6FFFF;
	_ =	strace $0x90000052  }
0xc2: {  	s29 =	simm.s32 $0x9;
	_ =	strace $0x80000054  }
0xc3: {  	_ =	swait.ge [sflag:s29], $0x1  }
0xc4: {  	[sflag:s29] =	ssyncadd.s32 $0xFFFFFFFF  }
0xc5: {  	_ =	strace $0x90000054  }
0xc6: {  	_ =	sfence  }
0xc7: {  	s30 =	sld [smem:$0x0];
	_ =	sdelay $0x2  }
0xc8: {  	s31 =	sshll.u32 s1, $0xD;
	s1 =	sshrl.u32 s1, $0x2  }
0xc9: {  	s4 =	sand.u32 $0x4000, s31;
	s1 =	sadd.s32 s1, s30  }
0xca: {  	s0 =	sor.u32 s4, s0;
	s1 =	sshll.u32 s1, $0x11  }
0xcb: {  	s0 =	sor.u32 s1, s0  }
0xcc: {  	s0 =	sadd.s32 $0x8F2B, s0  }
0xcd: {  	[sflag:s0] =	ssyncadd.remote.s32 $0x1  }
0xce: {  	_ =	sfence.sel $0xFFFF  }
0xcf: {  	[dreg:$0x0] =	wrdreg $0xFFFFFFFF;
	(pc) =	sbr.abs _section_cstart, $3  }
0xd0: {  	[dreg:$0x1] =	wrdreg $0xFFFFFFFF  }
0xd1: {  	_ =	task.clear_ibuf [dreg:s22], $0x2FFFF;
	_ =	strace $0x9FFFFFFF  }
0xd2: {  	(tm) =	ssettm $0x7FFFFFFF  }
0xd3: {  	_ =	shalt  }
tec
execute0_lowered:
.L_overlay_start_1:
0x0: {  	(tag) =	ssettag $0x1  }
0x1: {  	s2 =	rddreg [dreg:$0x0]  }
0x2: {  	s0 =	rddreg [dreg:$0x1]  }
0x3: {  	s3 =	rddreg [dreg:$0x2];
	s1 =	stileid.u32  }
0x4: {  	s5 =	srdreg.scid;
	s4 =	simm.s32 $0x0;
	s12 =	simm.s32 $0x6  }
0x5: {  	s14 =	simm.s32 $0xA000;
	s15 =	simm.s32 $0x80;
	s16 =	simm.s32 $0xE000  }
0x6: {  	s18 =	simm.s32 $0x12000;
	s19 =	simm.s32 $0x180;
	s20 =	simm.s32 $0x16000  }
0x7: {  	s21 =	simm.s32 $0x1;
	s22 =	simm.s32 $0x2;
	s23 =	simm.s32 $0x3  }
0x8: {  	s24 =	simm.s32 $0x4;
	s28 =	simm.s32 $0x9E80;
	s25 =	smul.u32 $0xC0, s1  }
0x9: {  	s29 =	simm.s32 $0x9F00;
	s30 =	simm.s32 $0x9F80;
	s7 =	smul.u32 $0xA00, s1  }
0xa: {  	s8 =	sand.u32 $0x1, s5;
	[smem:$0x7FF] =	sst s4;
	s9 =	smul.u32 $0x18000, s1  }
0xb: {  	s31 =	simm.s32 $0x0;
	s6 =	smul.u32 $0xC00, s8;
	_ =	strace $0x80000053  }
0xc: {  	s26 =	ssub.s32 $0x2, s8;
	s13 =	smul.u32 $0xA00, s8;
	s7 =	sadd.s32 s7, s0  }
0xd: {  	s10 =	sshrl.u32 s26, $0x1;
	s9 =	sshrl.u32 s9, $0x2;
	s5 =	sadd.s32 s25, s6  }
0xe: {  	s11 =	ssub.s32 s26, s10;
	s6 =	sadd.s32 $0x1200, s7;
	s25 =	simm.s32 $0x5  }
0xf: {  	s26 =	simm.s32 $0x9E00;
	s5 =	sshll.u32 s5, $0x4;
	s11 =	smax.u32 s11, $0x1  }
0x10: {  	s0 =	sadd.s32 s5, s0;
	s5 =	sadd.s32 $0xB200, s7;
	s7 =	sadd.s32 s9, s3  }
0x11: {  	v1 =	vimm.f32 $0.0e+00;
	v0 =	vmov s13;
	s8 =	sadd.s32 $0x4000, s7;
	s9 =	sadd.s32 $0x37000, s0;
	s10 =	sadd.s32 $0x37800, s0  }
.LBB2_1:
0x12: {  	[tilespmem:s4], [sflag:$0x6] =	stream.linear.gather [hbm4b:s5+s4], $0x5000, $0x38;
	v63 =	vld [tilespmem:$0x0]  }
0x13: {  	_ =	swait.ge [sflag:s12], $0x5000  }
0x14: {  	[sflag:s12] =	ssyncset.done $0x0  }
0x15: {  	s0 =	simm.s32 $0x5000;
	[sflag:s12] =	ssyncadd.s32 $0xFFFFB000  }
0x16: {  	[tilespmem:s0], [sflag:$0x6] =	stream.linear.gather [hbm4b:s6+s4], $0x5000, $0x38;
	v63 =	vld [tilespmem:$0x0]  }
0x17: {  	_ =	swait.ge [sflag:s12], $0x5000  }
0x18: {  	[sflag:s12] =	ssyncset.done $0x0  }
0x19: {  	s0 =	simm.s32 $0x0;
	[sflag:s12] =	ssyncadd.s32 $0xFFFFB000  }
0x1a: {  	v2 =	vld [tilespmem:s0+$0x5000]  }
0x1b: {  	v3 =	vld [tilespmem:s0+$0x5010];
	_ =	sdelay $0x2  }
0x1c: {  	v4 =	vld [tilespmem:s0+$0x5020]  }
0x1d: {  	v9 =	vld [tilespmem:s0+$0x5030]  }
0x1e: {  	v5 =	vsub.s32 v2, v0;
	v2 =	vand.u32 $0x1FF, v2;
	v7 =	vsub.s32 v3, v0  }
0x1f: {  	v6 =	vld [tilespmem:s0+$0x5040];
	v3 =	vand.u32 $0x1FF, v3;
	vm0 =	vlt.u32 v5, $0xA00;
	v2 =	vor.u32 $0xA00, v2  }
0x20: {  	v5 =	vsel vm0, v5, v2;
	vm0 =	vlt.u32 v7, $0xA00;
	v2 =	vor.u32 $0xA00, v3  }
0x21: {  	v3 =	vsel vm0, v7, v2;
	v7 =	vsub.s32 v4, v0;
	v2 =	vand.u32 $0x1FF, v4;
	v4 =	vld [tilespmem:s0+$0x5050]  }
0x22: {  	v8 =	vsub.s32 v9, v0;
	vm0 =	vlt.u32 v7, $0xA00;
	v10 =	vor.u32 $0xA00, v2;
	v2 =	vld [tilespmem:s0+$0x5060]  }
0x23: {  	s13 =	simm.s32 $0x200;
	v9 =	vand.u32 $0x1FF, v9;
	v7 =	vsel vm0, v7, v10;
	vm0 =	vlt.u32 v8, $0xA00  }
.LBB2_2:
0x24: {  	p0 =	sne.s32 s13, $0x13E00;
	v9 =	vor.u32 $0xA00, v9;
	v10 =	vsub.s32 v6, v0;
	v6 =	vand.u32 $0x1FF, v6;
	v11 =	vld [tilespmem:s0+$0x5070]  }
0x25: {  	s17 =	sshra.s32 s13, $0x2;
	[tilespmem:s0+$0x5000] =	vst v5;
	v5 =	vsel vm0, v8, v9;
	vm0 =	vlt.u32 v10, $0xA00;
	v6 =	vor.u32 $0xA00, v6  }
0x26: {  	v8 =	vld [tilespmem:s17+$0x5000];
	[tilespmem:s0+$0x5010] =	vst v3;
	v3 =	vsel vm0, v10, v6;
	v6 =	vsub.s32 v4, v0;
	v4 =	vand.u32 $0x1FF, v4  }
0x27: {  	[tilespmem:s0+$0x5020] =	vst v7;
	vm0 =	vlt.u32 v6, $0xA00;
	v4 =	vor.u32 $0xA00, v4;
	v7 =	vsub.s32 v2, v0  }
0x28: {  	v2 =	vand.u32 $0x1FF, v2;
	v9 =	vld [tilespmem:s17+$0x5010];
	[tilespmem:s0+$0x5030] =	vst v5;
	v4 =	vsel vm0, v6, v4;
	vm0 =	vlt.u32 v7, $0xA00  }
0x29: {  	v2 =	vor.u32 $0xA00, v2;
	[tilespmem:s0+$0x5040] =	vst v3;
	v3 =	vsub.s32 v11, v0;
	v5 =	vand.u32 $0x1FF, v11  }
0x2a: {  	v2 =	vsel vm0, v7, v2;
	v10 =	vld [tilespmem:s17+$0x5020];
	[tilespmem:s0+$0x5050] =	vst v4;
	vm0 =	vlt.u32 v3, $0xA00;
	v4 =	vor.u32 $0xA00, v5  }
0x2b: {  	v5 =	vsub.s32 v8, v0;
	v11 =	vld [tilespmem:s17+$0x5030];
	[tilespmem:s0+$0x5060] =	vst v2;
	v2 =	vsel vm0, v3, v4  }
0x2c: {  	v3 =	vand.u32 $0x1FF, v8;
	vm0 =	vlt.u32 v5, $0xA00;
	[tilespmem:s0+$0x5070] =	vst v2;
	s0 =	smov.u32 s17  }
.Ltmp0:
0x2d: {  	v2 =	vor.u32 $0xA00, v3;
	v3 =	vsub.s32 v9, v0;
	v4 =	vand.u32 $0x1FF, v9;
	v6 =	vld [tilespmem:s0+$0x5040];
	(pc) =	sbr.rel @p0 .LBB2_2-.Ltmp0, $4  }
0x2e: {  	v5 =	vsel vm0, v5, v2;
	vm0 =	vlt.u32 v3, $0xA00;
	v2 =	vor.u32 $0xA00, v4  }
0x2f: {  	v3 =	vsel vm0, v3, v2;
	v7 =	vsub.s32 v10, v0;
	v2 =	vand.u32 $0x1FF, v10;
	v4 =	vld [tilespmem:s0+$0x5050]  }
0x30: {  	vm0 =	vlt.u32 v7, $0xA00;
	v9 =	vor.u32 $0xA00, v2;
	v8 =	vsub.s32 v11, v0;
	v2 =	vld [tilespmem:s0+$0x5060]  }
0x31: {  	s13 =	sadd.s32 $0x200, s13;
	v7 =	vsel vm0, v7, v9;
	vm0 =	vlt.u32 v8, $0xA00;
	v9 =	vand.u32 $0x1FF, v11  }
0x32: {  	v9 =	vor.u32 $0xA00, v9;
	v10 =	vsub.s32 v6, v0;
	v56 =	vand.u32 $0x1FF, v6;
	v11 =	vld [tilespmem:s0+$0x5070]  }
0x33: {  	[tilespmem:s0+$0x5000] =	vst v5;
	v57 =	vsel vm0, v8, v9;
	vm12 =	vlt.u32 v10, $0xA00;
	v6 =	vor.u32 $0xA00, v56  }
0x34: {  	[tilespmem:s0+$0x5010] =	vst v3;
	v3 =	vsel vm12, v10, v6;
	v58 =	vsub.s32 v4, v0;
	v59 =	vand.u32 $0x1FF, v4  }
0x35: {  	[tilespmem:s0+$0x5020] =	vst v7;
	vm13 =	vlt.u32 v58, $0xA00;
	v4 =	vor.u32 $0xA00, v59;
	v60 =	vsub.s32 v2, v0  }
0x36: {  	[tilespmem:s0+$0x5030] =	vst v57;
	v2 =	vand.u32 $0x1FF, v2;
	v4 =	vsel vm13, v58, v4;
	vm14 =	vlt.u32 v60, $0xA00  }
0x37: {  	[tilespmem:s0+$0x5040] =	vst v3;
	v2 =	vor.u32 $0xA00, v2;
	v3 =	vsub.s32 v11, v0;
	v61 =	vand.u32 $0x1FF, v11  }
0x38: {  	[tilespmem:s0+$0x5050] =	vst v4;
	v2 =	vsel vm14, v60, v2;
	vm15 =	vlt.u32 v3, $0xA00;
	v62 =	vor.u32 $0xA00, v61  }
0x39: {  	[tilespmem:s0+$0x5060] =	vst v2;
	v2 =	vsel vm15, v3, v62  }
0x3a: {  	s13 =	simm.s32 $0x200;
	[tilespmem:s0+$0x5070] =	vst v2;
	s0 =	simm.s32 $0x0  }
.LBB2_4:
0x3b: {  	p0 =	sne.s32 s13, $0xFE00;
	[tilespmem:s0+$0xA070] =	vst v1  }
0x3c: {  	[tilespmem:s0+$0xA000] =	vst v1  }
0x3d: {  	[tilespmem:s0+$0xA010] =	vst v1  }
.Ltmp1:
0x3e: {  	[tilespmem:s0+$0xA020] =	vst v1;
	(pc) =	sbr.rel @p0 .LBB2_4-.Ltmp1, $4  }
0x3f: {  	[tilespmem:s0+$0xA030] =	vst v1  }
0x40: {  	[tilespmem:s0+$0xA040] =	vst v1  }
0x41: {  	[tilespmem:s0+$0xA050] =	vst v1  }
0x42: {  	[tilespmem:s0+$0xA060] =	vst v1;
	s0 =	sshra.s32 s13, $0x2;
	s13 =	sadd.s32 $0x200, s13  }
0x43: {  	[tilespmem:s0+$0xA070] =	vst v1  }
0x44: {  	[tilespmem:s0+$0xA000] =	vst v1  }
0x45: {  	[tilespmem:s0+$0xA010] =	vst v1  }
0x46: {  	[tilespmem:s0+$0xA020] =	vst v1  }
0x47: {  	[tilespmem:s0+$0xA030] =	vst v1  }
0x48: {  	[tilespmem:s0+$0xA040] =	vst v1  }
0x49: {  	[tilespmem:s0+$0xA050] =	vst v1  }
0x4a: {  	[tilespmem:s0+$0xA060] =	vst v1  }
0x4b: {  	[spmem:s7] =	stream.linear.scatter [tilespmem:s14], [sflag:$0x6], $0x4000, $0x38;
	v63 =	vld [tilespmem:$0x0]  }
0x4c: {  	_ =	swait.ge [sflag:s12], $0x4000  }
0x4d: {  	[sflag:s12] =	ssyncset.done $0x0  }
0x4e: {  	[sflag:s12] =	ssyncadd.s32 $0xFFFFC000  }
0x4f: {  	[spmem:s8] =	stream.linear.scatter [tilespmem:s14], [sflag:$0x6], $0x2000, $0x38;
	v63 =	vld [tilespmem:$0x0]  }
0x50: {  	_ =	swait.ge [sflag:s12], $0x2000  }
0x51: {  	[sflag:s12] =	ssyncset.done $0x0  }
0x52: {  	[sflag:s12] =	ssyncadd.s32 $0xFFFFE000  }
0x53: {  	s17 =	simm.s32 $0x0;
	[bflag:$0x0] =	sbarrier.arrive $0xFFFF  }
0x54: {  	[tilespmem:s14], [sflag:$0x1] =	stream.indirect.gather [hbm4b:s2+s15], $0x80, s17, s15, $0xb8;
	v63 =	vld [tilespmem:$0x0]  }
0x55: {  	_ = 	snop  }
0x56: {  	[tilespmem:s16], [sflag:$0x2] =	stream.indirect.gather [hbm4b:s2+s15], $0x80, s15, s15, $0xb8;
	v63 =	vld [tilespmem:$0x0]  }
0x57: {  	s13 =	simm.s32 $0x100  }
0x58: {  	[tilespmem:s18], [sflag:$0x3] =	stream.indirect.gather [hbm4b:s2+s15], $0x80, s13, s15, $0xb8;
	v63 =	vld [tilespmem:$0x0]  }
0x59: {  	_ = 	snop  }
0x5a: {  	[tilespmem:s20], [sflag:$0x4] =	stream.indirect.gather [hbm4b:s2+s15], $0x80, s19, s15, $0xb8;
	v63 =	vld [tilespmem:$0x0]  }
0x5b: {  	_ =	swait.ge [sflag:s21], $0x4000  }
0x5c: {  	[sflag:s21] =	ssyncset.done $0x0  }
0x5d: {  	s17 =	simm.s32 $0x5000;
	[sflag:s21] =	ssyncadd.s32 $0xFFFFC000  }
0x5e: {  	[spmem:s3] =	stream.indirect.scatter.add.f32 [tilespmem:s14], [sflag:$0x5], $0x80, s17, s15, $0xb8;
	v63 =	vld [tilespmem:$0x0]  }
0x5f: {  	_ =	swait.ge [sflag:s22], $0x4000  }
0x60: {  	[sflag:s22] =	ssyncset.done $0x0  }
0x61: {  	s13 =	simm.s32 $0x5080;
	[sflag:s22] =	ssyncadd.s32 $0xFFFFC000  }
0x62: {  	[spmem:s3] =	stream.indirect.scatter.add.f32 [tilespmem:s16], [sflag:$0x5], $0x80, s13, s15, $0xb8;
	v63 =	vld [tilespmem:$0x0]  }
0x63: {  	_ =	swait.ge [sflag:s23], $0x4000  }
0x64: {  	[sflag:s23] =	ssyncset.done $0x0  }
0x65: {  	s17 =	simm.s32 $0x5100;
	[sflag:s23] =	ssyncadd.s32 $0xFFFFC000  }
0x66: {  	[spmem:s3] =	stream.indirect.scatter.add.f32 [tilespmem:s18], [sflag:$0x5], $0x80, s17, s15, $0xb8;
	v63 =	vld [tilespmem:$0x0]  }
0x67: {  	_ =	swait.ge [sflag:s24], $0x4000  }
0x68: {  	[sflag:s24] =	ssyncset.done $0x0  }
0x69: {  	s13 =	simm.s32 $0x5180;
	[sflag:s24] =	ssyncadd.s32 $0xFFFFC000  }
0x6a: {  	[spmem:s3] =	stream.indirect.scatter.add.f32 [tilespmem:s20], [sflag:$0x5], $0x80, s13, s15, $0xb8;
	v63 =	vld [tilespmem:$0x0]  }
0x6b: {  	_ =	swait.ge [sflag:s25], $0x4000  }
0x6c: {  	[sflag:s25] =	ssyncset.done $0x0  }
0x6d: {  	s17 =	simm.s32 $0x200;
	[sflag:s25] =	ssyncadd.s32 $0xFFFFC000  }
0x6e: {  	[tilespmem:s14], [sflag:$0x1] =	stream.indirect.gather [hbm4b:s2+s15], $0x80, s17, s15, $0xb8;
	v63 =	vld [tilespmem:$0x0]  }
0x6f: {  	_ =	swait.ge [sflag:s25], $0x4000  }
0x70: {  	[sflag:s25] =	ssyncset.done $0x0  }
0x71: {  	s13 =	simm.s32 $0x280;
	[sflag:s25] =	ssyncadd.s32 $0xFFFFC000  }
0x72: {  	[tilespmem:s16], [sflag:$0x2] =	stream.indirect.gather [hbm4b:s2+s15], $0x80, s13, s15, $0xb8;
	v63 =	vld [tilespmem:$0x0]  }
0x73: {  	_ =	swait.ge [sflag:s25], $0x4000  }
0x74: {  	[sflag:s25] =	ssyncset.done $0x0  }
0x75: {  	s17 =	simm.s32 $0x300;
	[sflag:s25] =	ssyncadd.s32 $0xFFFFC000  }
0x76: {  	[tilespmem:s18], [sflag:$0x3] =	stream.indirect.gather [hbm4b:s2+s15], $0x80, s17, s15, $0xb8;
	v63 =	vld [tilespmem:$0x0]  }
0x77: {  	_ =	swait.ge [sflag:s25], $0x4000  }
0x78: {  	[sflag:s25] =	ssyncset.done $0x0  }
0x79: {  	s0 =	simm.s32 $0x800;
	s13 =	simm.s32 $0x380;
	[sflag:s25] =	ssyncadd.s32 $0xFFFFC000  }
.LBB2_6:
0x7a: {  	[tilespmem:s20], [sflag:$0x4] =	stream.indirect.gather [hbm4b:s2+s15], $0x80, s13, s15, $0xb8;
	v63 =	vld [tilespmem:$0x0]  }
0x7b: {  	s13 =	smov.u32 s0  }
0x7c: {  	p0 =	sne.s32 s0, $0x13000;
	s0 =	sadd.s32 $0x800, s0;
	_ =	swait.ge [sflag:s21], $0x4000  }
0x7d: {  	s13 =	sshra.s32 s13, $0x2;
	[sflag:s21] =	ssyncset.done $0x0  }
0x7e: {  	s17 =	sadd.s32 $0x5000, s13;
	[sflag:s21] =	ssyncadd.s32 $0xFFFFC000  }
0x7f: {  	[spmem:s3] =	stream.indirect.scatter.add.f32 [tilespmem:s14], [sflag:$0x5], $0x80, s17, s15, $0xb8;
	v63 =	vld [tilespmem:$0x0]  }
0x80: {  	_ =	swait.ge [sflag:s22], $0x4000  }
0x81: {  	[sflag:s22] =	ssyncset.done $0x0  }
0x82: {  	s17 =	sadd.s32 $0x5080, s13;
	[sflag:s22] =	ssyncadd.s32 $0xFFFFC000  }
0x83: {  	[spmem:s3] =	stream.indirect.scatter.add.f32 [tilespmem:s16], [sflag:$0x5], $0x80, s17, s15, $0xb8;
	v63 =	vld [tilespmem:$0x0]  }
0x84: {  	_ =	swait.ge [sflag:s23], $0x4000  }
0x85: {  	[sflag:s23] =	ssyncset.done $0x0  }
0x86: {  	s17 =	sadd.s32 $0x5100, s13;
	[sflag:s23] =	ssyncadd.s32 $0xFFFFC000  }
0x87: {  	[spmem:s3] =	stream.indirect.scatter.add.f32 [tilespmem:s18], [sflag:$0x5], $0x80, s17, s15, $0xb8;
	v63 =	vld [tilespmem:$0x0]  }
0x88: {  	_ =	swait.ge [sflag:s24], $0x4000  }
0x89: {  	[sflag:s24] =	ssyncset.done $0x0  }
0x8a: {  	s17 =	sadd.s32 $0x5180, s13;
	[sflag:s24] =	ssyncadd.s32 $0xFFFFC000  }
0x8b: {  	[spmem:s3] =	stream.indirect.scatter.add.f32 [tilespmem:s20], [sflag:$0x5], $0x80, s17, s15, $0xb8;
	v63 =	vld [tilespmem:$0x0]  }
0x8c: {  	_ =	swait.ge [sflag:s25], $0x4000  }
0x8d: {  	[sflag:s25] =	ssyncset.done $0x0  }
0x8e: {  	s17 =	sadd.s32 $0x200, s13;
	[sflag:s25] =	ssyncadd.s32 $0xFFFFC000  }
0x8f: {  	[tilespmem:s14], [sflag:$0x1] =	stream.indirect.gather [hbm4b:s2+s15], $0x80, s17, s15, $0xb8;
	v63 =	vld [tilespmem:$0x0]  }
0x90: {  	_ =	swait.ge [sflag:s25], $0x4000  }
0x91: {  	[sflag:s25] =	ssyncset.done $0x0  }
0x92: {  	s17 =	sadd.s32 $0x280, s13;
	[sflag:s25] =	ssyncadd.s32 $0xFFFFC000  }
0x93: {  	[tilespmem:s16], [sflag:$0x2] =	stream.indirect.gather [hbm4b:s2+s15], $0x80, s17, s15, $0xb8;
	v63 =	vld [tilespmem:$0x0]  }
0x94: {  	_ =	swait.ge [sflag:s25], $0x4000  }
0x95: {  	[sflag:s25] =	ssyncset.done $0x0  }
.Ltmp2:
0x96: {  	s17 =	sadd.s32 $0x300, s13;
	[sflag:s25] =	ssyncadd.s32 $0xFFFFC000;
	(pc) =	sbr.rel @p0 .LBB2_6-.Ltmp2, $4  }
0x97: {  	[tilespmem:s18], [sflag:$0x3] =	stream.indirect.gather [hbm4b:s2+s15], $0x80, s17, s15, $0xb8;
	v63 =	vld [tilespmem:$0x0]  }
0x98: {  	_ =	swait.ge [sflag:s25], $0x4000  }
0x99: {  	[sflag:s25] =	ssyncset.done $0x0  }
0x9a: {  	s13 =	sadd.s32 $0x380, s13;
	[sflag:s25] =	ssyncadd.s32 $0xFFFFC000  }
0x9b: {  	[tilespmem:s20], [sflag:$0x4] =	stream.indirect.gather [hbm4b:s2+s15], $0x80, s13, s15, $0xb8;
	v63 =	vld [tilespmem:$0x0]  }
0x9c: {  	_ =	swait.ge [sflag:s21], $0x4000  }
0x9d: {  	[sflag:s21] =	ssyncset.done $0x0  }
0x9e: {  	[sflag:s21] =	ssyncadd.s32 $0xFFFFC000  }
0x9f: {  	[spmem:s3] =	stream.indirect.scatter.add.f32 [tilespmem:s14], [sflag:$0x5], $0x80, s26, s15, $0xb8;
	v63 =	vld [tilespmem:$0x0]  }
0xa0: {  	_ =	swait.ge [sflag:s22], $0x4000  }
0xa1: {  	[sflag:s22] =	ssyncset.done $0x0  }
0xa2: {  	[sflag:s22] =	ssyncadd.s32 $0xFFFFC000  }
0xa3: {  	[spmem:s3] =	stream.indirect.scatter.add.f32 [tilespmem:s16], [sflag:$0x5], $0x80, s28, s15, $0xb8;
	v63 =	vld [tilespmem:$0x0]  }
0xa4: {  	_ =	swait.ge [sflag:s23], $0x4000  }
0xa5: {  	[sflag:s23] =	ssyncset.done $0x0  }
0xa6: {  	[sflag:s23] =	ssyncadd.s32 $0xFFFFC000  }
0xa7: {  	[spmem:s3] =	stream.indirect.scatter.add.f32 [tilespmem:s18], [sflag:$0x5], $0x80, s29, s15, $0xb8;
	v63 =	vld [tilespmem:$0x0]  }
0xa8: {  	_ =	swait.ge [sflag:s24], $0x4000  }
0xa9: {  	[sflag:s24] =	ssyncset.done $0x0  }
0xaa: {  	[sflag:s24] =	ssyncadd.s32 $0xFFFFC000  }
0xab: {  	[spmem:s3] =	stream.indirect.scatter.add.f32 [tilespmem:s20], [sflag:$0x5], $0x80, s30, s15, $0xb8;
	v63 =	vld [tilespmem:$0x0]  }
0xac: {  	_ =	swait.ge [sflag:s25], $0x4000  }
0xad: {  	[sflag:s25] =	ssyncset.done $0x0  }
0xae: {  	[sflag:s25] =	ssyncadd.s32 $0xFFFFC000  }
0xaf: {  	_ =	swait.ge [sflag:s25], $0x4000  }
0xb0: {  	[sflag:s25] =	ssyncset.done $0x0  }
0xb1: {  	[sflag:s25] =	ssyncadd.s32 $0xFFFFC000  }
0xb2: {  	_ =	swait.ge [sflag:s25], $0x4000  }
0xb3: {  	[sflag:s25] =	ssyncset.done $0x0  }
0xb4: {  	[sflag:s25] =	ssyncadd.s32 $0xFFFFC000  }
0xb5: {  	_ =	swait.ge [sflag:s25], $0x4000  }
0xb6: {  	[sflag:s25] =	ssyncset.done $0x0  }
0xb7: {  	s0 =	sshll.u32 s1, $0x6;
	[sflag:s25] =	ssyncadd.s32 $0xFFFFC000  }
0xb8: {  	s17 =	sshrl.u32 s7, $0x3;
	s0 =	sor.u32 $0x1C06, s0;
	[bflag:$0x0] =	sbarrier.arrive $0xFFFF  }
0xb9: {  	[hbm:s9], [sflag:s0] =	dma.local [spmem:s17], $0x800  }
0xba: {  	s31 =	sadd.s32 $0x1, s31;
	_ =	swait.ge [sflag:s12], $0x800  }
0xbb: {  	p0 =	sne.s32 s31, s11;
	[sflag:s12] =	ssyncset.done $0x0  }
.Ltmp3:
0xbc: {  	s17 =	sshrl.u32 s8, $0x3;
	[sflag:s12] =	ssyncadd.s32 $0xFFFFF800;
	(pc) =	sbr.rel @p0 .LBB2_1-.Ltmp3, $4  }
0xbd: {  	[hbm:s10], [sflag:s0] =	dma.local [spmem:s17], $0x400  }
0xbe: {  	_ =	swait.ge [sflag:s12], $0x400  }
0xbf: {  	[sflag:s12] =	ssyncset.done $0x0  }
0xc0: {  	[sflag:s12] =	ssyncadd.s32 $0xFFFFFC00  }
0xc1: {  	_ =	sfence.sel $0x180000  }
0xc2: {  	[bflag:$0x0] =	sbarrier.arrive $0xFFFF  }
0xc3: {  	_ =	strace $0x90000053  }
0xc4: {  	[bflag:$0x2] =	sbarrier.arrive $0xFFFF  }
0xc5: {  	p0 =	sne.s32 s1, $0x0;
	s0 =	rddreg [dreg:$0x3]  }
0xc6: {  	s0 =	sadd.s32 @!p0 $0x100000, s0  }
0xc7: {  	[sflag:s0] =	ssyncadd.tile.s32 @!p0 $0x1;
	_ =	shalt  }
.Lfunc_end2:
_tile_overlayer_lowered:
.L_overlay_start_2:
0xc8: {  	(tag) =	ssettag $0x2  }
0xc9: {  	s0 =	rddreg [dreg:$0x0];
	s2 =	stileid.u32  }
0xca: {  	s1 =	rddreg [dreg:$0x1];
	p0 =	sne.s32 s2, $0x0  }
0xcb: {  	s3 =	rddreg [dreg:$0x2];
	[bflag:$0x3] =	sbarrier.arrive $0xFFFF;
	s2 =	simm.s32 @!p0 $0x1C06  }
0xcc: {  	[timem:s3], [sflag:s2] =	dma.local @!p0 [hbm:s0], s1  }
0xcd: {  	s0 =	simm.s32 @!p0 $0x6  }
0xce: {  	_ =	swait.ge @!p0 [sflag:s0], s1  }
0xcf: {  	s1 =	ssub.s32 @!p0 $0x0, s1;
	[sflag:s0] =	ssyncset.done @!p0 $0x0  }
0xd0: {  	[sflag:s0] =	ssyncadd.s32 @!p0 s1  }
0xd1: {  	[bflag:$0x3] =	sbarrier.arrive $0xFFFF  }
0xd2: {  	_ =	shalt  }

// kernel: kernel.22.cloned.1.call-start
scs
__scs_entry_jumppad:
0x0: {  	(pc) =	sbr.rel $0x88, $3  }
0x1: {  	(tag) =	ssettag $0x0;
	lr =	simm.s32 $0x1  }
0x2: {  	[smem:$0x3F99] =	sst lr;
	_ =	strace $0xD0000000  }
0x3: {  	_ = 	snop  }
0x4: {  	_ = 	snop  }
0x5: {  	_ = 	snop  }
0x6: {  	_ = 	snop  }
0x7: {  	_ = 	snop  }
__scs_overlays_trampoline_lowered:
0x8: {  	[smem:$0x3FA8] =	sst s0  }
0x9: {  	[smem:$0x3FA9] =	sst s1  }
0xa: {  	[smem:$0x3FAA] =	sst s2  }
0xb: {  	[smem:$0x3FAB] =	sst s3  }
0xc: {  	[smem:$0x3FAC] =	sst s4  }
0xd: {  	[smem:$0x3FAD] =	sst s5  }
0xe: {  	[smem:$0x3FAE] =	sst s6  }
0xf: {  	[smem:$0x3FAF] =	sst s7  }
0x10: {  	[smem:$0x3FB0] =	sst s8  }
0x11: {  	[smem:$0x3FB1] =	sst s9;
	s0 =	simm.s32 @!p0 $0x0  }
0x12: {  	s1 =	sld [smem:$0x3F97];
	s0 =	simm.s32 @p0 $0x1  }
0x13: {  	[smem:$0x3FB2] =	sst s0;
	s0 =	simm.s32 @!p1 $0x0  }
0x14: {  	s2 =	sld [smem:$0x3F96];
	s0 =	simm.s32 @p1 $0x1  }
0x15: {  	[smem:$0x3FB3] =	sst s0;
	s0 =	simm.s32 @!p2 $0x0  }
0x16: {  	s3 =	sld [smem:$0x3FDB];
	s0 =	simm.s32 @p2 $0x1  }
0x17: {  	s4 =	simm.s32 $0x1BF5;
	[smem:$0x3FB5] =	sst s0  }
0x18: {  	s0 =	sld [smem:$0x3F98];
	_ =	swait.ge [sflag:s4], $0x0  }
0x19: {  	s7 =	sld [smem:$0x3F99]  }
0x1a: {  	s8 =	sadd.s32 $0xFFFFE003, lr  }
0x1b: {  	s9 =	sadd.s32 $0xFFFFFEF7, lr;
	s5 =	simm.s32 $0xFFFFFFFF;
	p2 =	slt.u32 s8, $0xFFFFF086  }
0x1c: {  	p1 =	slt.u32 s9, $0xF7A;
	s5 =	simm.s32 @!p2 $0x0  }
0x1d: {  	s5 =	simm.s32 @p1 $0x1;
	p0 =	seq.s32 s7, s2  }
0x1e: {  	s7 =	smul.u32 @!p0 $0xF7A, s2;
	p2 =	seq.s32 @!p0 s5, $0x0  }
0x1f: {  	s9 =	smul.u32 $0xF7A, s1;
	s8 =	simm.s32 @!p0 $0x1BF5;
	p2 =	por !p2, p0  }
0x20: {  	[sflag:s8] =	ssyncset.s32 @!p0 $0xFFFFF086;
	s6 =	sadd.s32 @!p0 s3, s7;
	s7 =	simm.s32 @!p0 $0x108  }
0x21: {  	s3 =	sadd.s32 s3, s9;
	s6 =	sadd.s32 @!p0 $0x88, s6;
	s7 =	simm.s32 @p2 $0x1082  }
0x22: {  	[simem:s7], [sflag:s8] =	dma.local @!p0 [hbm:s6], $0xF7A  }
0x23: {  	s9 =	sor.u32 $0xD0000000, s2;
	s6 =	simm.s32 $0x108;
	_ =	swait.ge @!p0 [sflag:s8], $0x0  }
0x24: {  	s3 =	sadd.s32 $0x88, s3;
	s6 =	simm.s32 @!p1 $0x1082;
	[sflag:s4] =	ssyncset.s32 $0xFFFFF086  }
0x25: {  	[simem:s6], [sflag:s4] =	dma.local [hbm:s3], $0xF7A  }
0x26: {  	[smem:$0x3F99] =	sst s1;
	(tag) =	ssettag s2;
	_ =	strace s9  }
0x27: {  	s1 =	sld [smem:$0x3FA9]  }
0x28: {  	s2 =	sld [smem:$0x3FAA]  }
0x29: {  	s4 =	sld [smem:$0x3FAC]  }
0x2a: {  	p0 =	seq.s32 s5, $0x0;
	s5 =	sld [smem:$0x3FAD]  }
0x2b: {  	s6 =	sld [smem:$0x3FAE]  }
0x2c: {  	s7 =	sld [smem:$0x3FAF]  }
0x2d: {  	s3 =	simm.s32 $0x108;
	s8 =	sld [smem:$0x3FB0]  }
0x2e: {  	s3 =	simm.s32 @!p0 $0x1082;
	s9 =	sld [smem:$0x3FB1]  }
0x2f: {  	lr =	sadd.s32 s0, s3;
	s0 =	sld [smem:$0x3FA8]  }
0x30: {  	s3 =	sld [smem:$0x3FAB]  }
0x31: {  	[smem:$0x3FB4] =	sst s10  }
0x32: {  	s10 =	sld [smem:$0x3FB2];
	_ =	sdelay $0x3  }
0x33: {  	p0 =	seq.s32 s10, $0x1;
	s10 =	sld [smem:$0x3FB4];
	_ =	sdelay $0x3  }
0x34: {  	[smem:$0x3FB4] =	sst s10  }
0x35: {  	s10 =	sld [smem:$0x3FB3];
	_ =	sdelay $0x3  }
0x36: {  	p1 =	seq.s32 s10, $0x1;
	s10 =	sld [smem:$0x3FB4];
	_ =	sdelay $0x3  }
0x37: {  	[smem:$0x3FB4] =	sst s10  }
0x38: {  	s10 =	sld [smem:$0x3FB5]  }
0x39: {  	_ = 	snop;
	(pc) =	sbr.ind lr, $3  }
0x3a: {  	_ = 	snop  }
0x3b: {  	_ = 	snop  }
0x3c: {  	p2 =	seq.s32 s10, $0x1;
	s10 =	sld [smem:$0x3FB4]  }
0x3d: {  	_ =	shalt  }
0x3e: {  	_ =	shalt  }
0x3f: {  	_ =	shalt  }
0x40: {  	_ =	shalt  }
0x41: {  	_ =	shalt  }
0x42: {  	_ =	shalt  }
0x43: {  	_ =	shalt  }
0x44: {  	_ =	shalt  }
0x45: {  	_ =	shalt  }
0x46: {  	_ =	shalt  }
0x47: {  	_ =	shalt  }
0x48: {  	_ =	shalt  }
0x49: {  	_ =	shalt  }
0x4a: {  	_ =	shalt  }
0x4b: {  	_ =	shalt  }
0x4c: {  	_ =	shalt  }
0x4d: {  	_ =	shalt  }
0x4e: {  	_ =	shalt  }
0x4f: {  	_ =	shalt  }
0x50: {  	_ =	shalt  }
0x51: {  	_ =	shalt  }
0x52: {  	_ =	shalt  }
0x53: {  	_ =	shalt  }
0x54: {  	_ =	shalt  }
0x55: {  	_ =	shalt  }
0x56: {  	_ =	shalt  }
0x57: {  	_ =	shalt  }
0x58: {  	_ =	shalt  }
0x59: {  	_ =	shalt  }
0x5a: {  	_ =	shalt  }
0x5b: {  	_ =	shalt  }
0x5c: {  	_ =	shalt  }
0x5d: {  	_ =	shalt  }
0x5e: {  	_ =	shalt  }
0x5f: {  	_ =	shalt  }
0x60: {  	_ =	shalt  }
0x61: {  	_ =	shalt  }
0x62: {  	_ =	shalt  }
0x63: {  	_ =	shalt  }
0x64: {  	_ =	shalt  }
0x65: {  	_ =	shalt  }
0x66: {  	_ =	shalt  }
0x67: {  	_ =	shalt  }
0x68: {  	_ =	shalt  }
0x69: {  	_ =	shalt  }
0x6a: {  	_ =	shalt  }
0x6b: {  	_ =	shalt  }
0x6c: {  	_ =	shalt  }
0x6d: {  	_ =	shalt  }
0x6e: {  	_ =	shalt  }
0x6f: {  	_ =	shalt  }
0x70: {  	_ =	shalt  }
0x71: {  	_ =	shalt  }
0x72: {  	_ =	shalt  }
0x73: {  	_ =	shalt  }
0x74: {  	_ =	shalt  }
0x75: {  	_ =	shalt  }
0x76: {  	_ =	shalt  }
0x77: {  	_ =	shalt  }
0x78: {  	_ =	shalt  }
0x79: {  	_ =	shalt  }
0x7a: {  	_ =	shalt  }
0x7b: {  	_ =	shalt  }
0x7c: {  	_ =	shalt  }
0x7d: {  	_ =	shalt  }
0x7e: {  	_ =	shalt  }
0x7f: {  	_ =	shalt  }
0x80: {  	_ =	shalt  }
0x81: {  	_ =	shalt  }
0x82: {  	_ =	shalt  }
0x83: {  	_ =	shalt  }
0x84: {  	_ =	shalt  }
0x85: {  	_ =	shalt  }
0x86: {  	_ =	shalt  }
0x87: {  	_ =	shalt  }
.Lfunc_end0:
.L_simem_size_0:
called_computation.4_lowered:
.L_overlay_start_0:
0x88: {  	s2 =	sld [smem:$0x3FD9]  }
0x89: {  	s3 =	sld [smem:$0x3FFE];
	_ =	sdelay $0x1  }
0x8a: {  	s1 =	srdreg.scid  }
0x8b: {  	s0 =	sand.u32 $0x1, s1  }
0x8c: {  	s17 =	sshll.u32 s0, $0xA;
	s2 =	sadd.s32 s3, s2  }
0x8d: {  	s2 =	sadd.s32 s2, s17  }
0x8e: {  	[smem:$0x3FC0] =	sst s2  }
0x8f: {  	_ = 	snop  }
0x90: {  	s2 =	sld [smem:$0x3FD0];
	(tm) =	ssettm $0x1  }
0x91: {  	s18 =	sld [smem:$0x3FFB];
	_ =	sdelay $0x3  }
0x92: {  	_ =	strace s18  }
0x93: {  	s3 =	sld [smem:$0x3FFC];
	_ =	sdelay $0x3  }
0x94: {  	_ =	strace s3  }
0x95: {  	s3 =	sld [smem:$0x3FFD];
	_ =	sdelay $0x3  }
0x96: {  	_ =	strace s3  }
0x97: {  	_ =	strace $0x8FFFFFFF  }
0x98: {  	s19 =	sld [smem:$0x3FDB];
	_ =	sdelay $0x1  }
0x99: {  	s4 =	simm.s32 $_scs_section_size  }
0x9a: {  	s5 =	simm.s32 $_size__tile_overlayer_lowered;
	s6 =	simm.s32 $_tile_overlayer_lowered  }
0x9b: {  	s22 =	simm.s32 $0x1BFF;
	s21 =	sshll.u32 s6, $0x1;
	s3 =	sadd.s32 s4, s19  }
0x9c: {  	s7 =	simm.s32 $0x0;
	s20 =	sshll.u32 s5, $0x1;
	s5 =	sadd.s32 s21, s3  }
0x9d: {  	[timem:s7], [sflag:s22] =	dma.local [hbm:s5], s20  }
0x9e: {  	_ =	swait.ge [sflag:s22], s20  }
0x9f: {  	s4 =	ssub.s32 $0x0, s20;
	[sflag:s22] =	ssyncset.done $0x0  }
0xa0: {  	[sflag:s22] =	ssyncadd.s32 s4;
	_ =	sdelay $0x1  }
0xa1: {  	s23 =	simm.s32 $0x1B8B  }
0xa2: {  	_ =	swait.ge [sflag:s23], $0x1  }
0xa3: {  	[sflag:s23] =	ssyncset.done $0x0  }
0xa4: {  	s25 =	simm.s32 $0x1B8E;
	s24 =	sld [smem:$0x3FFE];
	[sflag:s23] =	ssyncadd.s32 $0xFFFFFFFF  }
0xa5: {  	s26 =	simm.s32 $execute0_lowered;
	[smem:$0x3FD2] =	sst s25  }
0xa6: {  	s5 =	sshll.u32 s26, $0x1;
	_ =	strace $0x8000004F;
	[dreg:$0x1] =	wrdreg $0xFFFFFFFF  }
0xa7: {  	s28 =	simm.s32 $_size_execute0_lowered;
	s3 =	sadd.s32 s3, s5;
	[dreg:$0x0] =	wrdreg $0x0  }
0xa8: {  	s5 =	sshll.u32 s28, $0x1;
	[dreg:$0x2] =	wrdreg s3  }
0xa9: {  	[dreg:$0x3] =	wrdreg s5  }
0xaa: {  	[dreg:$0x4] =	wrdreg $0xC0  }
0xab: {  	_ =	task [dreg:s7], $0x5FFFF  }
0xac: {  	[dreg:$0x1] =	wrdreg $0xFFFFFFFF  }
0xad: {  	[dreg:$0x0] =	wrdreg $0x60  }
0xae: {  	[dreg:$0x2] =	wrdreg s2  }
0xaf: {  	[dreg:$0x3] =	wrdreg s24  }
0xb0: {  	[dreg:$0x4] =	wrdreg $0x1A0000  }
0xb1: {  	[dreg:$0x5] =	wrdreg $0xA  }
0xb2: {  	_ =	task.clear_ibuf [dreg:s7], $0x6FFFF;
	_ =	strace $0x9000004F  }
0xb3: {  	s29 =	simm.s32 $0xA;
	_ =	strace $0x80000051  }
0xb4: {  	_ =	swait.ge [sflag:s29], $0x1  }
0xb5: {  	[sflag:s29] =	ssyncadd.s32 $0xFFFFFFFF  }
0xb6: {  	_ =	strace $0x90000051  }
0xb7: {  	_ =	sfence  }
0xb8: {  	s30 =	sld [smem:$0x0];
	_ =	sdelay $0x2  }
0xb9: {  	s31 =	sshll.u32 s1, $0xD;
	s1 =	sshrl.u32 s1, $0x2  }
0xba: {  	s3 =	sand.u32 $0x4000, s31;
	s1 =	sadd.s32 s1, s30  }
0xbb: {  	s0 =	sor.u32 s3, s0;
	s1 =	sshll.u32 s1, $0x11  }
0xbc: {  	s0 =	sor.u32 s1, s0  }
0xbd: {  	s0 =	sadd.s32 $0x8F2B, s0  }
0xbe: {  	[sflag:s0] =	ssyncadd.remote.s32 $0x1  }
0xbf: {  	_ =	sfence.sel $0xFFFF  }
0xc0: {  	[dreg:$0x0] =	wrdreg $0xFFFFFFFF;
	(pc) =	sbr.abs _section_cstart, $3  }
0xc1: {  	[dreg:$0x1] =	wrdreg $0xFFFFFFFF  }
0xc2: {  	_ =	task.clear_ibuf [dreg:s7], $0x2FFFF;
	_ =	strace $0x9FFFFFFF  }
0xc3: {  	(tm) =	ssettm $0x7FFFFFFF  }
tec
execute0_lowered:
.L_overlay_start_1:
0x0: {  	(tag) =	ssettag $0x1  }
0x1: {  	s1 =	rddreg [dreg:$0x0]  }
0x2: {  	s2 =	rddreg [dreg:$0x1];
	s0 =	stileid.u32  }
0x3: {  	s4 =	srdreg.scid;
	s3 =	rddreg [dreg:$0x2]  }
0x4: {  	s12 =	simm.s32 $0x6;
	s14 =	simm.s32 $0xA000;
	s15 =	simm.s32 $0x80  }
0x5: {  	s16 =	simm.s32 $0xE000;
	s18 =	simm.s32 $0x12000;
	s19 =	simm.s32 $0x180  }
0x6: {  	s20 =	simm.s32 $0x16000;
	s21 =	simm.s32 $0x1;
	s22 =	simm.s32 $0x2  }
0x7: {  	s23 =	simm.s32 $0x3;
	s28 =	simm.s32 $0x9E80;
	s6 =	smul.u32 $0xC0, s0  }
0x8: {  	s29 =	simm.s32 $0x9F00;
	s30 =	simm.s32 $0x9F80;
	s8 =	smul.u32 $0xA00, s0  }
0x9: {  	s5 =	sand.u32 $0x1, s4;
	s4 =	simm.s32 $0x0;
	s9 =	smul.u32 $0x18000, s0  }
0xa: {  	s31 =	simm.s32 $0x0;
	s7 =	smul.u32 $0xC00, s5;
	[smem:$0x7FF] =	sst s4  }
0xb: {  	s24 =	ssub.s32 $0x2, s5;
	s10 =	smul.u32 $0xA00, s5;
	_ =	strace $0x80000050  }
0xc: {  	s8 =	sadd.s32 s8, s2;
	s25 =	sshrl.u32 s24, $0x1;
	s26 =	sshrl.u32 s9, $0x2  }
0xd: {  	s6 =	sadd.s32 s6, s7;
	s11 =	ssub.s32 s24, s25;
	s5 =	sadd.s32 $0xB200, s8  }
0xe: {  	s7 =	sadd.s32 s26, s3;
	s13 =	sadd.s32 $0x1400, s10;
	s24 =	simm.s32 $0x4  }
0xf: {  	s25 =	simm.s32 $0x5;
	s26 =	simm.s32 $0x9E00;
	s6 =	sshll.u32 s6, $0x4  }
0x10: {  	s11 =	smax.u32 s11, $0x1;
	s2 =	sadd.s32 s6, s2;
	s6 =	sadd.s32 $0x1200, s8  }
0x11: {  	v1 =	vimm.f32 $0.0e+00;
	v0 =	vmov s13;
	s8 =	sadd.s32 $0x4000, s7;
	s9 =	sadd.s32 $0x1F000, s2;
	s10 =	sadd.s32 $0x1F800, s2  }
.LBB2_1:
0x12: {  	[tilespmem:s4], [sflag:$0x6] =	stream.linear.gather [hbm4b:s5+s4], $0x5000, $0x38;
	v63 =	vld [tilespmem:$0x0]  }
0x13: {  	_ =	swait.ge [sflag:s12], $0x5000  }
0x14: {  	[sflag:s12] =	ssyncset.done $0x0  }
0x15: {  	s2 =	simm.s32 $0x5000;
	[sflag:s12] =	ssyncadd.s32 $0xFFFFB000  }
0x16: {  	[tilespmem:s2], [sflag:$0x6] =	stream.linear.gather [hbm4b:s6+s4], $0x5000, $0x38;
	v63 =	vld [tilespmem:$0x0]  }
0x17: {  	_ =	swait.ge [sflag:s12], $0x5000  }
0x18: {  	[sflag:s12] =	ssyncset.done $0x0  }
0x19: {  	s2 =	simm.s32 $0x0;
	[sflag:s12] =	ssyncadd.s32 $0xFFFFB000  }
0x1a: {  	v2 =	vld [tilespmem:s2+$0x5000]  }
0x1b: {  	v3 =	vld [tilespmem:s2+$0x5010];
	_ =	sdelay $0x2  }
0x1c: {  	v4 =	vld [tilespmem:s2+$0x5020]  }
0x1d: {  	v9 =	vld [tilespmem:s2+$0x5030]  }
0x1e: {  	v5 =	vsub.s32 v2, v0;
	v2 =	vand.u32 $0x1FF, v2;
	v7 =	vsub.s32 v3, v0  }
0x1f: {  	v6 =	vld [tilespmem:s2+$0x5040];
	v3 =	vand.u32 $0x1FF, v3;
	vm0 =	vlt.u32 v5, $0xA00;
	v2 =	vor.u32 $0xA00, v2  }
0x20: {  	v5 =	vsel vm0, v5, v2;
	vm0 =	vlt.u32 v7, $0xA00;
	v2 =	vor.u32 $0xA00, v3  }
0x21: {  	v3 =	vsel vm0, v7, v2;
	v7 =	vsub.s32 v4, v0;
	v2 =	vand.u32 $0x1FF, v4;
	v4 =	vld [tilespmem:s2+$0x5050]  }
0x22: {  	v8 =	vsub.s32 v9, v0;
	vm0 =	vlt.u32 v7, $0xA00;
	v10 =	vor.u32 $0xA00, v2;
	v2 =	vld [tilespmem:s2+$0x5060]  }
0x23: {  	s13 =	simm.s32 $0x200;
	v9 =	vand.u32 $0x1FF, v9;
	v7 =	vsel vm0, v7, v10;
	vm0 =	vlt.u32 v8, $0xA00  }
.LBB2_2:
0x24: {  	p0 =	sne.s32 s13, $0x13E00;
	v9 =	vor.u32 $0xA00, v9;
	v10 =	vsub.s32 v6, v0;
	v6 =	vand.u32 $0x1FF, v6;
	v11 =	vld [tilespmem:s2+$0x5070]  }
0x25: {  	s17 =	sshra.s32 s13, $0x2;
	[tilespmem:s2+$0x5000] =	vst v5;
	v5 =	vsel vm0, v8, v9;
	vm0 =	vlt.u32 v10, $0xA00;
	v6 =	vor.u32 $0xA00, v6  }
0x26: {  	v8 =	vld [tilespmem:s17+$0x5000];
	[tilespmem:s2+$0x5010] =	vst v3;
	v3 =	vsel vm0, v10, v6;
	v6 =	vsub.s32 v4, v0;
	v4 =	vand.u32 $0x1FF, v4  }
0x27: {  	[tilespmem:s2+$0x5020] =	vst v7;
	vm0 =	vlt.u32 v6, $0xA00;
	v4 =	vor.u32 $0xA00, v4;
	v7 =	vsub.s32 v2, v0  }
0x28: {  	v2 =	vand.u32 $0x1FF, v2;
	v9 =	vld [tilespmem:s17+$0x5010];
	[tilespmem:s2+$0x5030] =	vst v5;
	v4 =	vsel vm0, v6, v4;
	vm0 =	vlt.u32 v7, $0xA00  }
0x29: {  	v2 =	vor.u32 $0xA00, v2;
	[tilespmem:s2+$0x5040] =	vst v3;
	v3 =	vsub.s32 v11, v0;
	v5 =	vand.u32 $0x1FF, v11  }
0x2a: {  	v2 =	vsel vm0, v7, v2;
	v10 =	vld [tilespmem:s17+$0x5020];
	[tilespmem:s2+$0x5050] =	vst v4;
	vm0 =	vlt.u32 v3, $0xA00;
	v4 =	vor.u32 $0xA00, v5  }
0x2b: {  	v5 =	vsub.s32 v8, v0;
	v11 =	vld [tilespmem:s17+$0x5030];
	[tilespmem:s2+$0x5060] =	vst v2;
	v2 =	vsel vm0, v3, v4  }
0x2c: {  	v3 =	vand.u32 $0x1FF, v8;
	vm0 =	vlt.u32 v5, $0xA00;
	[tilespmem:s2+$0x5070] =	vst v2;
	s2 =	smov.u32 s17  }
.Ltmp0:
0x2d: {  	v2 =	vor.u32 $0xA00, v3;
	v3 =	vsub.s32 v9, v0;
	v4 =	vand.u32 $0x1FF, v9;
	v6 =	vld [tilespmem:s2+$0x5040];
	(pc) =	sbr.rel @p0 .LBB2_2-.Ltmp0, $4  }
0x2e: {  	v5 =	vsel vm0, v5, v2;
	vm0 =	vlt.u32 v3, $0xA00;
	v2 =	vor.u32 $0xA00, v4  }
0x2f: {  	v3 =	vsel vm0, v3, v2;
	v7 =	vsub.s32 v10, v0;
	v2 =	vand.u32 $0x1FF, v10;
	v4 =	vld [tilespmem:s2+$0x5050]  }
0x30: {  	vm0 =	vlt.u32 v7, $0xA00;
	v9 =	vor.u32 $0xA00, v2;
	v8 =	vsub.s32 v11, v0;
	v2 =	vld [tilespmem:s2+$0x5060]  }
0x31: {  	s13 =	sadd.s32 $0x200, s13;
	v7 =	vsel vm0, v7, v9;
	vm0 =	vlt.u32 v8, $0xA00;
	v9 =	vand.u32 $0x1FF, v11  }
0x32: {  	v9 =	vor.u32 $0xA00, v9;
	v10 =	vsub.s32 v6, v0;
	v56 =	vand.u32 $0x1FF, v6;
	v11 =	vld [tilespmem:s2+$0x5070]  }
0x33: {  	[tilespmem:s2+$0x5000] =	vst v5;
	v57 =	vsel vm0, v8, v9;
	vm12 =	vlt.u32 v10, $0xA00;
	v6 =	vor.u32 $0xA00, v56  }
0x34: {  	[tilespmem:s2+$0x5010] =	vst v3;
	v3 =	vsel vm12, v10, v6;
	v58 =	vsub.s32 v4, v0;
	v59 =	vand.u32 $0x1FF, v4  }
0x35: {  	[tilespmem:s2+$0x5020] =	vst v7;
	vm13 =	vlt.u32 v58, $0xA00;
	v4 =	vor.u32 $0xA00, v59;
	v60 =	vsub.s32 v2, v0  }
0x36: {  	[tilespmem:s2+$0x5030] =	vst v57;
	v2 =	vand.u32 $0x1FF, v2;
	v4 =	vsel vm13, v58, v4;
	vm14 =	vlt.u32 v60, $0xA00  }
0x37: {  	[tilespmem:s2+$0x5040] =	vst v3;
	v2 =	vor.u32 $0xA00, v2;
	v3 =	vsub.s32 v11, v0;
	v61 =	vand.u32 $0x1FF, v11  }
0x38: {  	[tilespmem:s2+$0x5050] =	vst v4;
	v2 =	vsel vm14, v60, v2;
	vm15 =	vlt.u32 v3, $0xA00;
	v62 =	vor.u32 $0xA00, v61  }
0x39: {  	[tilespmem:s2+$0x5060] =	vst v2;
	v2 =	vsel vm15, v3, v62  }
0x3a: {  	s13 =	simm.s32 $0x200;
	[tilespmem:s2+$0x5070] =	vst v2;
	s2 =	simm.s32 $0x0  }
.LBB2_4:
0x3b: {  	p0 =	sne.s32 s13, $0xFE00;
	[tilespmem:s2+$0xA070] =	vst v1  }
0x3c: {  	[tilespmem:s2+$0xA000] =	vst v1  }
0x3d: {  	[tilespmem:s2+$0xA010] =	vst v1  }
.Ltmp1:
0x3e: {  	[tilespmem:s2+$0xA020] =	vst v1;
	(pc) =	sbr.rel @p0 .LBB2_4-.Ltmp1, $4  }
0x3f: {  	[tilespmem:s2+$0xA030] =	vst v1  }
0x40: {  	[tilespmem:s2+$0xA040] =	vst v1  }
0x41: {  	[tilespmem:s2+$0xA050] =	vst v1  }
0x42: {  	[tilespmem:s2+$0xA060] =	vst v1;
	s2 =	sshra.s32 s13, $0x2;
	s13 =	sadd.s32 $0x200, s13  }
0x43: {  	[tilespmem:s2+$0xA070] =	vst v1  }
0x44: {  	[tilespmem:s2+$0xA000] =	vst v1  }
0x45: {  	[tilespmem:s2+$0xA010] =	vst v1  }
0x46: {  	[tilespmem:s2+$0xA020] =	vst v1  }
0x47: {  	[tilespmem:s2+$0xA030] =	vst v1  }
0x48: {  	[tilespmem:s2+$0xA040] =	vst v1  }
0x49: {  	[tilespmem:s2+$0xA050] =	vst v1  }
0x4a: {  	[tilespmem:s2+$0xA060] =	vst v1  }
0x4b: {  	[spmem:s7] =	stream.linear.scatter [tilespmem:s14], [sflag:$0x6], $0x4000, $0x38;
	v63 =	vld [tilespmem:$0x0]  }
0x4c: {  	_ =	swait.ge [sflag:s12], $0x4000  }
0x4d: {  	[sflag:s12] =	ssyncset.done $0x0  }
0x4e: {  	[sflag:s12] =	ssyncadd.s32 $0xFFFFC000  }
0x4f: {  	[spmem:s8] =	stream.linear.scatter [tilespmem:s14], [sflag:$0x6], $0x2000, $0x38;
	v63 =	vld [tilespmem:$0x0]  }
0x50: {  	_ =	swait.ge [sflag:s12], $0x2000  }
0x51: {  	[sflag:s12] =	ssyncset.done $0x0  }
0x52: {  	[sflag:s12] =	ssyncadd.s32 $0xFFFFE000  }
0x53: {  	s17 =	simm.s32 $0x0;
	[bflag:$0x0] =	sbarrier.arrive $0xFFFF  }
0x54: {  	[tilespmem:s14], [sflag:$0x1] =	stream.indirect.gather [hbm4b:s1+s15], $0x80, s17, s15, $0xb8;
	v63 =	vld [tilespmem:$0x0]  }
0x55: {  	_ = 	snop  }
0x56: {  	[tilespmem:s16], [sflag:$0x2] =	stream.indirect.gather [hbm4b:s1+s15], $0x80, s15, s15, $0xb8;
	v63 =	vld [tilespmem:$0x0]  }
0x57: {  	s13 =	simm.s32 $0x100  }
0x58: {  	[tilespmem:s18], [sflag:$0x3] =	stream.indirect.gather [hbm4b:s1+s15], $0x80, s13, s15, $0xb8;
	v63 =	vld [tilespmem:$0x0]  }
0x59: {  	_ = 	snop  }
0x5a: {  	[tilespmem:s20], [sflag:$0x4] =	stream.indirect.gather [hbm4b:s1+s15], $0x80, s19, s15, $0xb8;
	v63 =	vld [tilespmem:$0x0]  }
0x5b: {  	_ =	swait.ge [sflag:s21], $0x4000  }
0x5c: {  	[sflag:s21] =	ssyncset.done $0x0  }
0x5d: {  	s17 =	simm.s32 $0x5000;
	[sflag:s21] =	ssyncadd.s32 $0xFFFFC000  }
0x5e: {  	[spmem:s3] =	stream.indirect.scatter.add.f32 [tilespmem:s14], [sflag:$0x5], $0x80, s17, s15, $0xb8;
	v63 =	vld [tilespmem:$0x0]  }
0x5f: {  	_ =	swait.ge [sflag:s22], $0x4000  }
0x60: {  	[sflag:s22] =	ssyncset.done $0x0  }
0x61: {  	s13 =	simm.s32 $0x5080;
	[sflag:s22] =	ssyncadd.s32 $0xFFFFC000  }
0x62: {  	[spmem:s3] =	stream.indirect.scatter.add.f32 [tilespmem:s16], [sflag:$0x5], $0x80, s13, s15, $0xb8;
	v63 =	vld [tilespmem:$0x0]  }
0x63: {  	_ =	swait.ge [sflag:s23], $0x4000  }
0x64: {  	[sflag:s23] =	ssyncset.done $0x0  }
0x65: {  	s17 =	simm.s32 $0x5100;
	[sflag:s23] =	ssyncadd.s32 $0xFFFFC000  }
0x66: {  	[spmem:s3] =	stream.indirect.scatter.add.f32 [tilespmem:s18], [sflag:$0x5], $0x80, s17, s15, $0xb8;
	v63 =	vld [tilespmem:$0x0]  }
0x67: {  	_ =	swait.ge [sflag:s24], $0x4000  }
0x68: {  	[sflag:s24] =	ssyncset.done $0x0  }
0x69: {  	s13 =	simm.s32 $0x5180;
	[sflag:s24] =	ssyncadd.s32 $0xFFFFC000  }
0x6a: {  	[spmem:s3] =	stream.indirect.scatter.add.f32 [tilespmem:s20], [sflag:$0x5], $0x80, s13, s15, $0xb8;
	v63 =	vld [tilespmem:$0x0]  }
0x6b: {  	_ =	swait.ge [sflag:s25], $0x4000  }
0x6c: {  	[sflag:s25] =	ssyncset.done $0x0  }
0x6d: {  	s17 =	simm.s32 $0x200;
	[sflag:s25] =	ssyncadd.s32 $0xFFFFC000  }
0x6e: {  	[tilespmem:s14], [sflag:$0x1] =	stream.indirect.gather [hbm4b:s1+s15], $0x80, s17, s15, $0xb8;
	v63 =	vld [tilespmem:$0x0]  }
0x6f: {  	_ =	swait.ge [sflag:s25], $0x4000  }
0x70: {  	[sflag:s25] =	ssyncset.done $0x0  }
0x71: {  	s13 =	simm.s32 $0x280;
	[sflag:s25] =	ssyncadd.s32 $0xFFFFC000  }
0x72: {  	[tilespmem:s16], [sflag:$0x2] =	stream.indirect.gather [hbm4b:s1+s15], $0x80, s13, s15, $0xb8;
	v63 =	vld [tilespmem:$0x0]  }
0x73: {  	_ =	swait.ge [sflag:s25], $0x4000  }
0x74: {  	[sflag:s25] =	ssyncset.done $0x0  }
0x75: {  	s17 =	simm.s32 $0x300;
	[sflag:s25] =	ssyncadd.s32 $0xFFFFC000  }
0x76: {  	[tilespmem:s18], [sflag:$0x3] =	stream.indirect.gather [hbm4b:s1+s15], $0x80, s17, s15, $0xb8;
	v63 =	vld [tilespmem:$0x0]  }
0x77: {  	_ =	swait.ge [sflag:s25], $0x4000  }
0x78: {  	[sflag:s25] =	ssyncset.done $0x0  }
0x79: {  	s2 =	simm.s32 $0x800;
	s13 =	simm.s32 $0x380;
	[sflag:s25] =	ssyncadd.s32 $0xFFFFC000  }
.LBB2_6:
0x7a: {  	[tilespmem:s20], [sflag:$0x4] =	stream.indirect.gather [hbm4b:s1+s15], $0x80, s13, s15, $0xb8;
	v63 =	vld [tilespmem:$0x0]  }
0x7b: {  	s13 =	smov.u32 s2  }
0x7c: {  	p0 =	sne.s32 s2, $0x13000;
	s2 =	sadd.s32 $0x800, s2;
	_ =	swait.ge [sflag:s21], $0x4000  }
0x7d: {  	s13 =	sshra.s32 s13, $0x2;
	[sflag:s21] =	ssyncset.done $0x0  }
0x7e: {  	s17 =	sadd.s32 $0x5000, s13;
	[sflag:s21] =	ssyncadd.s32 $0xFFFFC000  }
0x7f: {  	[spmem:s3] =	stream.indirect.scatter.add.f32 [tilespmem:s14], [sflag:$0x5], $0x80, s17, s15, $0xb8;
	v63 =	vld [tilespmem:$0x0]  }
0x80: {  	_ =	swait.ge [sflag:s22], $0x4000  }
0x81: {  	[sflag:s22] =	ssyncset.done $0x0  }
0x82: {  	s17 =	sadd.s32 $0x5080, s13;
	[sflag:s22] =	ssyncadd.s32 $0xFFFFC000  }
0x83: {  	[spmem:s3] =	stream.indirect.scatter.add.f32 [tilespmem:s16], [sflag:$0x5], $0x80, s17, s15, $0xb8;
	v63 =	vld [tilespmem:$0x0]  }
0x84: {  	_ =	swait.ge [sflag:s23], $0x4000  }
0x85: {  	[sflag:s23] =	ssyncset.done $0x0  }
0x86: {  	s17 =	sadd.s32 $0x5100, s13;
	[sflag:s23] =	ssyncadd.s32 $0xFFFFC000  }
0x87: {  	[spmem:s3] =	stream.indirect.scatter.add.f32 [tilespmem:s18], [sflag:$0x5], $0x80, s17, s15, $0xb8;
	v63 =	vld [tilespmem:$0x0]  }
0x88: {  	_ =	swait.ge [sflag:s24], $0x4000  }
0x89: {  	[sflag:s24] =	ssyncset.done $0x0  }
0x8a: {  	s17 =	sadd.s32 $0x5180, s13;
	[sflag:s24] =	ssyncadd.s32 $0xFFFFC000  }
0x8b: {  	[spmem:s3] =	stream.indirect.scatter.add.f32 [tilespmem:s20], [sflag:$0x5], $0x80, s17, s15, $0xb8;
	v63 =	vld [tilespmem:$0x0]  }
0x8c: {  	_ =	swait.ge [sflag:s25], $0x4000  }
0x8d: {  	[sflag:s25] =	ssyncset.done $0x0  }
0x8e: {  	s17 =	sadd.s32 $0x200, s13;
	[sflag:s25] =	ssyncadd.s32 $0xFFFFC000  }
0x8f: {  	[tilespmem:s14], [sflag:$0x1] =	stream.indirect.gather [hbm4b:s1+s15], $0x80, s17, s15, $0xb8;
	v63 =	vld [tilespmem:$0x0]  }
0x90: {  	_ =	swait.ge [sflag:s25], $0x4000  }
0x91: {  	[sflag:s25] =	ssyncset.done $0x0  }
0x92: {  	s17 =	sadd.s32 $0x280, s13;
	[sflag:s25] =	ssyncadd.s32 $0xFFFFC000  }
0x93: {  	[tilespmem:s16], [sflag:$0x2] =	stream.indirect.gather [hbm4b:s1+s15], $0x80, s17, s15, $0xb8;
	v63 =	vld [tilespmem:$0x0]  }
0x94: {  	_ =	swait.ge [sflag:s25], $0x4000  }
0x95: {  	[sflag:s25] =	ssyncset.done $0x0  }
.Ltmp2:
0x96: {  	s17 =	sadd.s32 $0x300, s13;
	[sflag:s25] =	ssyncadd.s32 $0xFFFFC000;
	(pc) =	sbr.rel @p0 .LBB2_6-.Ltmp2, $4  }
0x97: {  	[tilespmem:s18], [sflag:$0x3] =	stream.indirect.gather [hbm4b:s1+s15], $0x80, s17, s15, $0xb8;
	v63 =	vld [tilespmem:$0x0]  }
0x98: {  	_ =	swait.ge [sflag:s25], $0x4000  }
0x99: {  	[sflag:s25] =	ssyncset.done $0x0  }
0x9a: {  	s13 =	sadd.s32 $0x380, s13;
	[sflag:s25] =	ssyncadd.s32 $0xFFFFC000  }
0x9b: {  	[tilespmem:s20], [sflag:$0x4] =	stream.indirect.gather [hbm4b:s1+s15], $0x80, s13, s15, $0xb8;
	v63 =	vld [tilespmem:$0x0]  }
0x9c: {  	_ =	swait.ge [sflag:s21], $0x4000  }
0x9d: {  	[sflag:s21] =	ssyncset.done $0x0  }
0x9e: {  	[sflag:s21] =	ssyncadd.s32 $0xFFFFC000  }
0x9f: {  	[spmem:s3] =	stream.indirect.scatter.add.f32 [tilespmem:s14], [sflag:$0x5], $0x80, s26, s15, $0xb8;
	v63 =	vld [tilespmem:$0x0]  }
0xa0: {  	_ =	swait.ge [sflag:s22], $0x4000  }
0xa1: {  	[sflag:s22] =	ssyncset.done $0x0  }
0xa2: {  	[sflag:s22] =	ssyncadd.s32 $0xFFFFC000  }
0xa3: {  	[spmem:s3] =	stream.indirect.scatter.add.f32 [tilespmem:s16], [sflag:$0x5], $0x80, s28, s15, $0xb8;
	v63 =	vld [tilespmem:$0x0]  }
0xa4: {  	_ =	swait.ge [sflag:s23], $0x4000  }
0xa5: {  	[sflag:s23] =	ssyncset.done $0x0  }
0xa6: {  	[sflag:s23] =	ssyncadd.s32 $0xFFFFC000  }
0xa7: {  	[spmem:s3] =	stream.indirect.scatter.add.f32 [tilespmem:s18], [sflag:$0x5], $0x80, s29, s15, $0xb8;
	v63 =	vld [tilespmem:$0x0]  }
0xa8: {  	_ =	swait.ge [sflag:s24], $0x4000  }
0xa9: {  	[sflag:s24] =	ssyncset.done $0x0  }
0xaa: {  	[sflag:s24] =	ssyncadd.s32 $0xFFFFC000  }
0xab: {  	[spmem:s3] =	stream.indirect.scatter.add.f32 [tilespmem:s20], [sflag:$0x5], $0x80, s30, s15, $0xb8;
	v63 =	vld [tilespmem:$0x0]  }
0xac: {  	_ =	swait.ge [sflag:s25], $0x4000  }
0xad: {  	[sflag:s25] =	ssyncset.done $0x0  }
0xae: {  	[sflag:s25] =	ssyncadd.s32 $0xFFFFC000  }
0xaf: {  	_ =	swait.ge [sflag:s25], $0x4000  }
0xb0: {  	[sflag:s25] =	ssyncset.done $0x0  }
0xb1: {  	[sflag:s25] =	ssyncadd.s32 $0xFFFFC000  }
0xb2: {  	_ =	swait.ge [sflag:s25], $0x4000  }
0xb3: {  	[sflag:s25] =	ssyncset.done $0x0  }
0xb4: {  	[sflag:s25] =	ssyncadd.s32 $0xFFFFC000  }
0xb5: {  	_ =	swait.ge [sflag:s25], $0x4000  }
0xb6: {  	[sflag:s25] =	ssyncset.done $0x0  }
0xb7: {  	s2 =	sshll.u32 s0, $0x6;
	[sflag:s25] =	ssyncadd.s32 $0xFFFFC000  }
0xb8: {  	s17 =	sshrl.u32 s7, $0x3;
	s2 =	sor.u32 $0x1C06, s2;
	[bflag:$0x0] =	sbarrier.arrive $0xFFFF  }
0xb9: {  	[hbm:s9], [sflag:s2] =	dma.local [spmem:s17], $0x800  }
0xba: {  	s31 =	sadd.s32 $0x1, s31;
	_ =	swait.ge [sflag:s12], $0x800  }
0xbb: {  	p0 =	sne.s32 s31, s11;
	[sflag:s12] =	ssyncset.done $0x0  }
.Ltmp3:
0xbc: {  	s17 =	sshrl.u32 s8, $0x3;
	[sflag:s12] =	ssyncadd.s32 $0xFFFFF800;
	(pc) =	sbr.rel @p0 .LBB2_1-.Ltmp3, $4  }
0xbd: {  	[hbm:s10], [sflag:s2] =	dma.local [spmem:s17], $0x400  }
0xbe: {  	_ =	swait.ge [sflag:s12], $0x400  }
0xbf: {  	[sflag:s12] =	ssyncset.done $0x0  }
0xc0: {  	[sflag:s12] =	ssyncadd.s32 $0xFFFFFC00  }
0xc1: {  	_ =	sfence.sel $0x180000  }
0xc2: {  	[bflag:$0x0] =	sbarrier.arrive $0xFFFF  }
0xc3: {  	_ =	strace $0x90000050  }
0xc4: {  	[bflag:$0x2] =	sbarrier.arrive $0xFFFF  }
0xc5: {  	p0 =	sne.s32 s0, $0x0;
	s0 =	rddreg [dreg:$0x3]  }
0xc6: {  	s0 =	sadd.s32 @!p0 $0x100000, s0  }
0xc7: {  	[sflag:s0] =	ssyncadd.tile.s32 @!p0 $0x1;
	_ =	shalt  }
.Lfunc_end2:
_tile_overlayer_lowered:
.L_overlay_start_2:
0xc8: {  	(tag) =	ssettag $0x2  }
0xc9: {  	s0 =	rddreg [dreg:$0x0];
	s2 =	stileid.u32  }
0xca: {  	s1 =	rddreg [dreg:$0x1];
	p0 =	sne.s32 s2, $0x0  }
0xcb: {  	s3 =	rddreg [dreg:$0x2];
	[bflag:$0x3] =	sbarrier.arrive $0xFFFF;
	s2 =	simm.s32 @!p0 $0x1C06  }
0xcc: {  	[timem:s3], [sflag:s2] =	dma.local @!p0 [hbm:s0], s1  }
0xcd: {  	s0 =	simm.s32 @!p0 $0x6  }
0xce: {  	_ =	swait.ge @!p0 [sflag:s0], s1  }
0xcf: {  	s1 =	ssub.s32 @!p0 $0x0, s1;
	[sflag:s0] =	ssyncset.done @!p0 $0x0  }
0xd0: {  	[sflag:s0] =	ssyncadd.s32 @!p0 s1  }
0xd1: {  	[bflag:$0x3] =	sbarrier.arrive $0xFFFF  }
0xd2: {  	_ =	shalt  }

</sc_bundles>
